<compile_context>
chip_gen: v7x
topology: tpu7x:2x2x1
jax: 0.10.2.dev20260603
libtpu: 0.0.44.dev20260713+nightly
codegen_flags: <defaults>
</compile_context>

<pallas_src>
import jax
import jax.numpy as jnp
from jax import lax
from jax.experimental import pallas as pl
from jax.experimental.pallas import tpu as pltpu
from jax.experimental.pallas import tpu_sc as plsc

B = 16384
CAT = 26
DN = 13
VOC = 100001
DT = 32
NTOK = DN + CAT

NC = 2
NS = 16
NW = NC * NS
BPW = B // NW
C = 32
NCHUNK = BPW // C
GROUP = 13
NG = (CAT + GROUP - 1) // GROUP


def _tok_body(xcat_hbm, xnum_hbm, w_hbm, bias_hbm, *rest):
    tabs = rest[:NG]
    (out_hbm, xidx_v, rows_v, all_v, xnum_v, w_v, bias_v, sem) = rest[NG:]
    wid = lax.axis_index("s") * NC + lax.axis_index("c")

    pltpu.sync_copy(w_hbm, w_v)
    pltpu.sync_copy(bias_hbm, bias_v)

    def chunk_body(ci, carry):
        gb = (wid * NCHUNK + ci) * C

        pltpu.sync_copy(xcat_hbm.at[:, pl.ds(gb, C)], xidx_v)

        for f in range(CAT):
            fo = f % GROUP
            if fo:
                for k in range(C // 16):
                    s = pl.ds(k * 16, 16)
                    xidx_v[f, s] = xidx_v[f, s] + jnp.int32(fo * VOC)

        cps = []
        for f in range(CAT):
            cp = pltpu.make_async_copy(
                tabs[f // GROUP].at[xidx_v.at[f]],
                rows_v.at[pl.ds(f * C, C)], sem)
            cp.start()
            cps.append(cp)

        pltpu.sync_copy(xnum_hbm.at[pl.ds(gb * 16, C * 16)], xnum_v)

        for cp in cps:
            cp.wait()

        def b_body(b, carry2):
            base = b * (NTOK * DT)
            xrow = xnum_v[pl.ds(b * 16, 16)]
            for d in range(DN):
                xi = xrow[d]
                for h in range(DT // 16):
                    s = pl.ds(base + d * DT + h * 16, 16)
                    sw = pl.ds(d * DT + h * 16, 16)
                    all_v[s] = xi * w_v[sw] + bias_v[sw]
            for f in range(CAT):
                for h in range(DT // 16):
                    s = pl.ds(base + (DN + f) * DT + h * 16, 16)
                    sb = pl.ds((DN + f) * DT + h * 16, 16)
                    all_v[s] = rows_v[f * C + b, pl.ds(h * 16, 16)] + bias_v[sb]
            return carry2

        lax.fori_loop(0, C, b_body, 0)

        pltpu.sync_copy(all_v, out_hbm.at[pl.ds(gb * (NTOK * DT), C * NTOK * DT)])
        return carry

    lax.fori_loop(0, NCHUNK, chunk_body, 0)


def kernel(x_cat, x_num, weight, bias, tables):
    xcat_t = x_cat.astype(jnp.int32).T
    x_num16 = jnp.pad(x_num, ((0, 0), (0, 16 - DN))).reshape(B * 16)
    tabs = [tables[g * GROUP:(g + 1) * GROUP].reshape(-1, DT) for g in range(NG)]

    tok = pl.kernel(
        _tok_body,
        out_type=jax.ShapeDtypeStruct((B * NTOK * DT,), jnp.float32),
        mesh=plsc.VectorSubcoreMesh(core_axis_name="c", subcore_axis_name="s"),
        compiler_params=pltpu.CompilerParams(use_tc_tiling_on_sc=False),
        scratch_types=[
            pltpu.VMEM((CAT, C), jnp.int32),
            pltpu.VMEM((CAT * C, DT), jnp.float32),
            pltpu.VMEM((C * NTOK * DT,), jnp.float32),
            pltpu.VMEM((C * 16,), jnp.float32),
            pltpu.VMEM((DN * DT,), jnp.float32),
            pltpu.VMEM((NTOK * DT,), jnp.float32),
            pltpu.SemaphoreType.DMA,
        ],
    )
    out = tok(xcat_t, x_num16, weight.reshape(DN * DT), bias.reshape(NTOK * DT),
              *tabs)
    return out.reshape(B, NTOK, DT)

# --- scband reference (transcript-rebuilt; emitter-appended) ---
"""Pipeline reference for scband-feature-tokenizer-29489245454969 (READ-ONLY COPY).

The authoritative reference and input builder live on the scoring server;
editing this copy changes nothing except your own understanding.
"""

import jax, jax.numpy as jnp
import numpy as np

B = 16384
CAT_NUM = 26
D_NUM = 13
VOCAB = 100000
D_TOKEN = 32


def setup_inputs(seed: int = 0) -> dict:
    key = jax.random.key(seed)
    k1, k2, k3, k4, k5 = jax.random.split(key, 5)
    x_cat = jax.random.randint(k1, (B, CAT_NUM), 0, VOCAB, dtype=jnp.int64)
    x_num = jax.random.normal(k2, (B, D_NUM), dtype=jnp.float32)
    # learned params (xavier-ish scale)
    weight = jax.random.normal(k3, (D_NUM, D_TOKEN), dtype=jnp.float32) * 0.05
    bias = jax.random.normal(k4, (D_NUM + CAT_NUM, D_TOKEN), dtype=jnp.float32) * 0.05
    # 26 embedding tables, each (VOCAB+1, D_TOKEN), stacked
    tables = jax.random.normal(k5, (CAT_NUM, VOCAB + 1, D_TOKEN), dtype=jnp.float32) * 0.05
    return {"x_cat": x_cat, "x_num": x_num, "weight": weight, "bias": bias, "tables": tables}


def reference(x_cat, x_num, weight, bias, tables):
    # wo_cls_forward path (cls_token=False, tokenize_num=True, bias=True)
    x = weight[None, :, :] * x_num[:, :, None]  # [B, D_NUM, D_TOKEN]
    # per-field embedding lookup: tables[i][x_cat[:, i]] -> [B, CAT_NUM, D_TOKEN]
    f_idx = jnp.arange(CAT_NUM)
    embedded_x_cat = tables[f_idx[None, :], x_cat]  # [B, CAT_NUM, D_TOKEN]
    x = jnp.concatenate([x, embedded_x_cat], axis=1)  # [B, D_NUM+CAT_NUM, D_TOKEN]
    x = x + bias[None, :, :]
    return x

if __name__ == "__main__":
    import jax
    _d = setup_inputs()
    print(jax.jit(kernel)(*tuple(_d.values())))

</pallas_src>

<mosaic_0001>
#map = affine_map<(d0, d1) -> (0, 0)>
#map1 = affine_map<(d0, d1) -> (0)>
module attributes {stable_mosaic.version = 14 : i64} {
  func.func @_tok_body(%arg0: i32, %arg1: i32, %arg2: memref<26x16384xi32, #tpu.memory_space<hbm>>, %arg3: memref<262144xf32, #tpu.memory_space<hbm>>, %arg4: memref<416xf32, #tpu.memory_space<hbm>>, %arg5: memref<1248xf32, #tpu.memory_space<hbm>>, %arg6: memref<1300013x32xf32, #tpu.memory_space<hbm>>, %arg7: memref<1300013x32xf32, #tpu.memory_space<hbm>>, %arg8: memref<20447232xf32, #tpu.memory_space<hbm>>, %arg9: memref<26x32xi32, #tpu.memory_space<vmem>>, %arg10: memref<832x32xf32, #tpu.memory_space<vmem>>, %arg11: memref<39936xf32, #tpu.memory_space<vmem>>, %arg12: memref<512xf32, #tpu.memory_space<vmem>>, %arg13: memref<416xf32, #tpu.memory_space<vmem>>, %arg14: memref<1248xf32, #tpu.memory_space<vmem>>, %arg15: memref<!tpu.dma_semaphore, #tpu.memory_space<semaphore_mem>>) attributes {dimension_semantics = [#tpu.dimension_semantics<core_parallel>, #tpu.dimension_semantics<subcore_parallel>], iteration_bounds = array<i64: 2, 16>, scalar_prefetch = 0 : i64, scratch_operands = 7 : i64, tpu.core_type = #tpu.core_type<sc_vector_subcore>, window_params = [{transform_indices = #map}, {transform_indices = #map1}, {transform_indices = #map1}, {transform_indices = #map1}, {transform_indices = #map}, {transform_indices = #map}, {transform_indices = #map1}]} {
    %mul3A = arith.constant 2 : i32
    %mul3A_0 = arith.muli %arg1, %mul3A : i32
    %add3A = arith.addi %mul3A_0, %arg0 : i32
    "tpu.region"() ({
      %run_scoped3A = tpu.sem_alloc : memref<!tpu.dma_semaphore, #tpu.memory_space<semaphore_mem>>
      tpu.enqueue_dma source(%arg4 : memref<416xf32, #tpu.memory_space<hbm>>) target(%arg13 : memref<416xf32, #tpu.memory_space<vmem>>) target_semaphore(%run_scoped3A : memref<!tpu.dma_semaphore, #tpu.memory_space<semaphore_mem>>)
      tpu.wait_dma2 semaphore(%run_scoped3A : memref<!tpu.dma_semaphore, #tpu.memory_space<semaphore_mem>>) src(%arg4 : memref<416xf32, #tpu.memory_space<hbm>>) dst(%arg13 : memref<416xf32, #tpu.memory_space<vmem>>)
      tpu.yield
    }) : () -> ()
    "tpu.region"() ({
      %run_scoped3A = tpu.sem_alloc : memref<!tpu.dma_semaphore, #tpu.memory_space<semaphore_mem>>
      tpu.enqueue_dma source(%arg5 : memref<1248xf32, #tpu.memory_space<hbm>>) target(%arg14 : memref<1248xf32, #tpu.memory_space<vmem>>) target_semaphore(%run_scoped3A : memref<!tpu.dma_semaphore, #tpu.memory_space<semaphore_mem>>)
      tpu.wait_dma2 semaphore(%run_scoped3A : memref<!tpu.dma_semaphore, #tpu.memory_space<semaphore_mem>>) src(%arg5 : memref<1248xf32, #tpu.memory_space<hbm>>) dst(%arg14 : memref<1248xf32, #tpu.memory_space<vmem>>)
      tpu.yield
    }) : () -> ()
    %scan3A = arith.constant 0 : i32
    %scan3A_1 = arith.constant 0 : i32
    %scan3A_2 = arith.constant 16 : i32
    %scan3A_3 = arith.addi %scan3A_1, %scan3A_2 : i32
    %scan3A_4 = arith.constant 1 : i32
    scf.for %scan3A_6 = %scan3A_1 to %scan3A_3 step %scan3A_4  : i32 {
      %mul3A_7 = arith.constant 16 : i32
      %mul3A_8 = arith.muli %add3A, %mul3A_7 : i32
      %add3A_9 = arith.addi %mul3A_8, %scan3A_6 : i32
      %mul3A_10 = arith.constant 32 : i32
      %mul3A_11 = arith.muli %add3A_9, %mul3A_10 : i32
      "tpu.region"() ({
        %run_scoped3A = tpu.sem_alloc : memref<!tpu.dma_semaphore, #tpu.memory_space<semaphore_mem>>
        %dma_start3A_1210 = arith.constant 0 : i32
        %dma_start3A_1211 = tpu.memref_slice %arg2[%dma_start3A_1210, %mul3A_11] : memref<26x16384xi32, #tpu.memory_space<hbm>> -> memref<26x32xi32, #tpu.memory_space<hbm>>
        %dma_start3A_1212 = arith.constant 0 : i32
        %dma_start3A_1213 = tpu.memref_slice %arg2[%dma_start3A_1212, %mul3A_11] : memref<26x16384xi32, #tpu.memory_space<hbm>> -> memref<26x32xi32, #tpu.memory_space<hbm>>
        tpu.enqueue_dma source(%dma_start3A_1213 : memref<26x32xi32, #tpu.memory_space<hbm>>) target(%arg9 : memref<26x32xi32, #tpu.memory_space<vmem>>) target_semaphore(%run_scoped3A : memref<!tpu.dma_semaphore, #tpu.memory_space<semaphore_mem>>)
        %dma_wait3A_1214 = arith.constant 0 : i32
        %dma_wait3A_1215 = tpu.memref_slice %arg2[%dma_wait3A_1214, %mul3A_11] : memref<26x16384xi32, #tpu.memory_space<hbm>> -> memref<26x32xi32, #tpu.memory_space<hbm>>
        %dma_wait3A_1216 = arith.constant 0 : i32
        %dma_wait3A_1217 = tpu.memref_slice %arg2[%dma_wait3A_1216, %mul3A_11] : memref<26x16384xi32, #tpu.memory_space<hbm>> -> memref<26x32xi32, #tpu.memory_space<hbm>>
        tpu.wait_dma2 semaphore(%run_scoped3A : memref<!tpu.dma_semaphore, #tpu.memory_space<semaphore_mem>>) src(%dma_wait3A_1217 : memref<26x32xi32, #tpu.memory_space<hbm>>) dst(%arg9 : memref<26x32xi32, #tpu.memory_space<vmem>>)
        tpu.yield
      }) : () -> ()
      %get3A = arith.constant 1 : i32
      %get3A_12 = arith.index_cast %get3A : i32 to index
      %get3A_13 = arith.constant 0 : index
      %get3A_14 = tpu.vector_load %arg9[%get3A_12, %get3A_13] {strides = array<i32>} : memref<26x32xi32, #tpu.memory_space<vmem>>, vector<1x16xi32>,
      %get3A_15 = vector.shape_cast %get3A_14 : vector<1x16xi32> to vector<16xi32>
      %add3A_16 = arith.constant 100001 : i32
      %add3A_17 = vector.broadcast %add3A_16 : i32 to vector<16xi32>
      %add3A_18 = arith.addi %get3A_15, %add3A_17 : vector<16xi32>
      %swap3A = arith.constant 1 : i32
      %swap3A_19 = arith.index_cast %swap3A : i32 to index
      %swap3A_20 = arith.constant 0 : index
      %swap3A_21 = tpu.vector_load %arg9[%swap3A_19, %swap3A_20] {strides = array<i32>} : memref<26x32xi32, #tpu.memory_space<vmem>>, vector<1x16xi32>,
      %swap3A_22 = vector.shape_cast %swap3A_21 : vector<1x16xi32> to vector<16xi32>
      %swap3A_23 = vector.shape_cast %add3A_18 : vector<16xi32> to vector<1x16xi32>
      tpu.vector_store %arg9[%swap3A_19, %swap3A_20], %swap3A_23 {strides = array<i32>} : memref<26x32xi32, #tpu.memory_space<vmem>>, vector<1x16xi32>,
      %get3A_24 = arith.constant 1 : i32
      %get3A_25 = arith.index_cast %get3A_24 : i32 to index
      %get3A_26 = arith.constant 16 : index
      %get3A_27 = tpu.vector_load %arg9[%get3A_25, %get3A_26] {strides = array<i32>} : memref<26x32xi32, #tpu.memory_space<vmem>>, vector<1x16xi32>,
      %get3A_28 = vector.shape_cast %get3A_27 : vector<1x16xi32> to vector<16xi32>
      %add3A_29 = arith.constant 100001 : i32
      %add3A_30 = vector.broadcast %add3A_29 : i32 to vector<16xi32>
      %add3A_31 = arith.addi %get3A_28, %add3A_30 : vector<16xi32>
      %swap3A_32 = arith.constant 1 : i32
      %swap3A_33 = arith.index_cast %swap3A_32 : i32 to index
      %swap3A_34 = arith.constant 16 : index
      %swap3A_35 = tpu.vector_load %arg9[%swap3A_33, %swap3A_34] {strides = array<i32>} : memref<26x32xi32, #tpu.memory_space<vmem>>, vector<1x16xi32>,
      %swap3A_36 = vector.shape_cast %swap3A_35 : vector<1x16xi32> to vector<16xi32>
      %swap3A_37 = vector.shape_cast %add3A_31 : vector<16xi32> to vector<1x16xi32>
      tpu.vector_store %arg9[%swap3A_33, %swap3A_34], %swap3A_37 {strides = array<i32>} : memref<26x32xi32, #tpu.memory_space<vmem>>, vector<1x16xi32>,
      %get3A_38 = arith.constant 2 : i32
      %get3A_39 = arith.index_cast %get3A_38 : i32 to index
      %get3A_40 = arith.constant 0 : index
      %get3A_41 = tpu.vector_load %arg9[%get3A_39, %get3A_40] {strides = array<i32>} : memref<26x32xi32, #tpu.memory_space<vmem>>, vector<1x16xi32>,
      %get3A_42 = vector.shape_cast %get3A_41 : vector<1x16xi32> to vector<16xi32>
      %add3A_43 = arith.constant 200002 : i32
      %add3A_44 = vector.broadcast %add3A_43 : i32 to vector<16xi32>
      %add3A_45 = arith.addi %get3A_42, %add3A_44 : vector<16xi32>
      %swap3A_46 = arith.constant 2 : i32
      %swap3A_47 = arith.index_cast %swap3A_46 : i32 to index
      %swap3A_48 = arith.constant 0 : index
      %swap3A_49 = tpu.vector_load %arg9[%swap3A_47, %swap3A_48] {strides = array<i32>} : memref<26x32xi32, #tpu.memory_space<vmem>>, vector<1x16xi32>,
      %swap3A_50 = vector.shape_cast %swap3A_49 : vector<1x16xi32> to vector<16xi32>
      %swap3A_51 = vector.shape_cast %add3A_45 : vector<16xi32> to vector<1x16xi32>
      tpu.vector_store %arg9[%swap3A_47, %swap3A_48], %swap3A_51 {strides = array<i32>} : memref<26x32xi32, #tpu.memory_space<vmem>>, vector<1x16xi32>,
      %get3A_52 = arith.constant 2 : i32
      %get3A_53 = arith.index_cast %get3A_52 : i32 to index
      %get3A_54 = arith.constant 16 : index
      %get3A_55 = tpu.vector_load %arg9[%get3A_53, %get3A_54] {strides = array<i32>} : memref<26x32xi32, #tpu.memory_space<vmem>>, vector<1x16xi32>,
      %get3A_56 = vector.shape_cast %get3A_55 : vector<1x16xi32> to vector<16xi32>
      %add3A_57 = arith.constant 200002 : i32
      %add3A_58 = vector.broadcast %add3A_57 : i32 to vector<16xi32>
      %add3A_59 = arith.addi %get3A_56, %add3A_58 : vector<16xi32>
      %swap3A_60 = arith.constant 2 : i32
      %swap3A_61 = arith.index_cast %swap3A_60 : i32 to index
      %swap3A_62 = arith.constant 16 : index
      %swap3A_63 = tpu.vector_load %arg9[%swap3A_61, %swap3A_62] {strides = array<i32>} : memref<26x32xi32, #tpu.memory_space<vmem>>, vector<1x16xi32>,
      %swap3A_64 = vector.shape_cast %swap3A_63 : vector<1x16xi32> to vector<16xi32>
      %swap3A_65 = vector.shape_cast %add3A_59 : vector<16xi32> to vector<1x16xi32>
      tpu.vector_store %arg9[%swap3A_61, %swap3A_62], %swap3A_65 {strides = array<i32>} : memref<26x32xi32, #tpu.memory_space<vmem>>, vector<1x16xi32>,
      %get3A_66 = arith.constant 3 : i32
      %get3A_67 = arith.index_cast %get3A_66 : i32 to index
      %get3A_68 = arith.constant 0 : index
      %get3A_69 = tpu.vector_load %arg9[%get3A_67, %get3A_68] {strides = array<i32>} : memref<26x32xi32, #tpu.memory_space<vmem>>, vector<1x16xi32>,
      %get3A_70 = vector.shape_cast %get3A_69 : vector<1x16xi32> to vector<16xi32>
      %add3A_71 = arith.constant 300003 : i32
      %add3A_72 = vector.broadcast %add3A_71 : i32 to vector<16xi32>
      %add3A_73 = arith.addi %get3A_70, %add3A_72 : vector<16xi32>
      %swap3A_74 = arith.constant 3 : i32
      %swap3A_75 = arith.index_cast %swap3A_74 : i32 to index
      %swap3A_76 = arith.constant 0 : index
      %swap3A_77 = tpu.vector_load %arg9[%swap3A_75, %swap3A_76] {strides = array<i32>} : memref<26x32xi32, #tpu.memory_space<vmem>>, vector<1x16xi32>,
      %swap3A_78 = vector.shape_cast %swap3A_77 : vector<1x16xi32> to vector<16xi32>
      %swap3A_79 = vector.shape_cast %add3A_73 : vector<16xi32> to vector<1x16xi32>
      tpu.vector_store %arg9[%swap3A_75, %swap3A_76], %swap3A_79 {strides = array<i32>} : memref<26x32xi32, #tpu.memory_space<vmem>>, vector<1x16xi32>,
      %get3A_80 = arith.constant 3 : i32
      %get3A_81 = arith.index_cast %get3A_80 : i32 to index
      %get3A_82 = arith.constant 16 : index
      %get3A_83 = tpu.vector_load %arg9[%get3A_81, %get3A_82] {strides = array<i32>} : memref<26x32xi32, #tpu.memory_space<vmem>>, vector<1x16xi32>,
      %get3A_84 = vector.shape_cast %get3A_83 : vector<1x16xi32> to vector<16xi32>
      %add3A_85 = arith.constant 300003 : i32
      %add3A_86 = vector.broadcast %add3A_85 : i32 to vector<16xi32>
      %add3A_87 = arith.addi %get3A_84, %add3A_86 : vector<16xi32>
      %swap3A_88 = arith.constant 3 : i32
      %swap3A_89 = arith.index_cast %swap3A_88 : i32 to index
      %swap3A_90 = arith.constant 16 : index
      %swap3A_91 = tpu.vector_load %arg9[%swap3A_89, %swap3A_90] {strides = array<i32>} : memref<26x32xi32, #tpu.memory_space<vmem>>, vector<1x16xi32>,
      %swap3A_92 = vector.shape_cast %swap3A_91 : vector<1x16xi32> to vector<16xi32>
      %swap3A_93 = vector.shape_cast %add3A_87 : vector<16xi32> to vector<1x16xi32>
      tpu.vector_store %arg9[%swap3A_89, %swap3A_90], %swap3A_93 {strides = array<i32>} : memref<26x32xi32, #tpu.memory_space<vmem>>, vector<1x16xi32>,
      %get3A_94 = arith.constant 4 : i32
      %get3A_95 = arith.index_cast %get3A_94 : i32 to index
      %get3A_96 = arith.constant 0 : index
      %get3A_97 = tpu.vector_load %arg9[%get3A_95, %get3A_96] {strides = array<i32>} : memref<26x32xi32, #tpu.memory_space<vmem>>, vector<1x16xi32>,
      %get3A_98 = vector.shape_cast %get3A_97 : vector<1x16xi32> to vector<16xi32>
      %add3A_99 = arith.constant 400004 : i32
      %add3A_100 = vector.broadcast %add3A_99 : i32 to vector<16xi32>
      %add3A_101 = arith.addi %get3A_98, %add3A_100 : vector<16xi32>
      %swap3A_102 = arith.constant 4 : i32
      %swap3A_103 = arith.index_cast %swap3A_102 : i32 to index
      %swap3A_104 = arith.constant 0 : index
      %swap3A_105 = tpu.vector_load %arg9[%swap3A_103, %swap3A_104] {strides = array<i32>} : memref<26x32xi32, #tpu.memory_space<vmem>>, vector<1x16xi32>,
      %swap3A_106 = vector.shape_cast %swap3A_105 : vector<1x16xi32> to vector<16xi32>
      %swap3A_107 = vector.shape_cast %add3A_101 : vector<16xi32> to vector<1x16xi32>
      tpu.vector_store %arg9[%swap3A_103, %swap3A_104], %swap3A_107 {strides = array<i32>} : memref<26x32xi32, #tpu.memory_space<vmem>>, vector<1x16xi32>,
      %get3A_108 = arith.constant 4 : i32
      %get3A_109 = arith.index_cast %get3A_108 : i32 to index
      %get3A_110 = arith.constant 16 : index
      %get3A_111 = tpu.vector_load %arg9[%get3A_109, %get3A_110] {strides = array<i32>} : memref<26x32xi32, #tpu.memory_space<vmem>>, vector<1x16xi32>,
      %get3A_112 = vector.shape_cast %get3A_111 : vector<1x16xi32> to vector<16xi32>
      %add3A_113 = arith.constant 400004 : i32
      %add3A_114 = vector.broadcast %add3A_113 : i32 to vector<16xi32>
      %add3A_115 = arith.addi %get3A_112, %add3A_114 : vector<16xi32>
      %swap3A_116 = arith.constant 4 : i32
      %swap3A_117 = arith.index_cast %swap3A_116 : i32 to index
      %swap3A_118 = arith.constant 16 : index
      %swap3A_119 = tpu.vector_load %arg9[%swap3A_117, %swap3A_118] {strides = array<i32>} : memref<26x32xi32, #tpu.memory_space<vmem>>, vector<1x16xi32>,
      %swap3A_120 = vector.shape_cast %swap3A_119 : vector<1x16xi32> to vector<16xi32>
      %swap3A_121 = vector.shape_cast %add3A_115 : vector<16xi32> to vector<1x16xi32>
      tpu.vector_store %arg9[%swap3A_117, %swap3A_118], %swap3A_121 {strides = array<i32>} : memref<26x32xi32, #tpu.memory_space<vmem>>, vector<1x16xi32>,
      %get3A_122 = arith.constant 5 : i32
      %get3A_123 = arith.index_cast %get3A_122 : i32 to index
      %get3A_124 = arith.constant 0 : index
      %get3A_125 = tpu.vector_load %arg9[%get3A_123, %get3A_124] {strides = array<i32>} : memref<26x32xi32, #tpu.memory_space<vmem>>, vector<1x16xi32>,
      %get3A_126 = vector.shape_cast %get3A_125 : vector<1x16xi32> to vector<16xi32>
      %add3A_127 = arith.constant 500005 : i32
      %add3A_128 = vector.broadcast %add3A_127 : i32 to vector<16xi32>
      %add3A_129 = arith.addi %get3A_126, %add3A_128 : vector<16xi32>
      %swap3A_130 = arith.constant 5 : i32
      %swap3A_131 = arith.index_cast %swap3A_130 : i32 to index
      %swap3A_132 = arith.constant 0 : index
      %swap3A_133 = tpu.vector_load %arg9[%swap3A_131, %swap3A_132] {strides = array<i32>} : memref<26x32xi32, #tpu.memory_space<vmem>>, vector<1x16xi32>,
      %swap3A_134 = vector.shape_cast %swap3A_133 : vector<1x16xi32> to vector<16xi32>
      %swap3A_135 = vector.shape_cast %add3A_129 : vector<16xi32> to vector<1x16xi32>
      tpu.vector_store %arg9[%swap3A_131, %swap3A_132], %swap3A_135 {strides = array<i32>} : memref<26x32xi32, #tpu.memory_space<vmem>>, vector<1x16xi32>,
      %get3A_136 = arith.constant 5 : i32
      %get3A_137 = arith.index_cast %get3A_136 : i32 to index
      %get3A_138 = arith.constant 16 : index
      %get3A_139 = tpu.vector_load %arg9[%get3A_137, %get3A_138] {strides = array<i32>} : memref<26x32xi32, #tpu.memory_space<vmem>>, vector<1x16xi32>,
      %get3A_140 = vector.shape_cast %get3A_139 : vector<1x16xi32> to vector<16xi32>
      %add3A_141 = arith.constant 500005 : i32
      %add3A_142 = vector.broadcast %add3A_141 : i32 to vector<16xi32>
      %add3A_143 = arith.addi %get3A_140, %add3A_142 : vector<16xi32>
      %swap3A_144 = arith.constant 5 : i32
      %swap3A_145 = arith.index_cast %swap3A_144 : i32 to index
      %swap3A_146 = arith.constant 16 : index
      %swap3A_147 = tpu.vector_load %arg9[%swap3A_145, %swap3A_146] {strides = array<i32>} : memref<26x32xi32, #tpu.memory_space<vmem>>, vector<1x16xi32>,
      %swap3A_148 = vector.shape_cast %swap3A_147 : vector<1x16xi32> to vector<16xi32>
      %swap3A_149 = vector.shape_cast %add3A_143 : vector<16xi32> to vector<1x16xi32>
      tpu.vector_store %arg9[%swap3A_145, %swap3A_146], %swap3A_149 {strides = array<i32>} : memref<26x32xi32, #tpu.memory_space<vmem>>, vector<1x16xi32>,
      %get3A_150 = arith.constant 6 : i32
      %get3A_151 = arith.index_cast %get3A_150 : i32 to index
      %get3A_152 = arith.constant 0 : index
      %get3A_153 = tpu.vector_load %arg9[%get3A_151, %get3A_152] {strides = array<i32>} : memref<26x32xi32, #tpu.memory_space<vmem>>, vector<1x16xi32>,
      %get3A_154 = vector.shape_cast %get3A_153 : vector<1x16xi32> to vector<16xi32>
      %add3A_155 = arith.constant 600006 : i32
      %add3A_156 = vector.broadcast %add3A_155 : i32 to vector<16xi32>
      %add3A_157 = arith.addi %get3A_154, %add3A_156 : vector<16xi32>
      %swap3A_158 = arith.constant 6 : i32
      %swap3A_159 = arith.index_cast %swap3A_158 : i32 to index
      %swap3A_160 = arith.constant 0 : index
      %swap3A_161 = tpu.vector_load %arg9[%swap3A_159, %swap3A_160] {strides = array<i32>} : memref<26x32xi32, #tpu.memory_space<vmem>>, vector<1x16xi32>,
      %swap3A_162 = vector.shape_cast %swap3A_161 : vector<1x16xi32> to vector<16xi32>
      %swap3A_163 = vector.shape_cast %add3A_157 : vector<16xi32> to vector<1x16xi32>
      tpu.vector_store %arg9[%swap3A_159, %swap3A_160], %swap3A_163 {strides = array<i32>} : memref<26x32xi32, #tpu.memory_space<vmem>>, vector<1x16xi32>,
      %get3A_164 = arith.constant 6 : i32
      %get3A_165 = arith.index_cast %get3A_164 : i32 to index
      %get3A_166 = arith.constant 16 : index
      %get3A_167 = tpu.vector_load %arg9[%get3A_165, %get3A_166] {strides = array<i32>} : memref<26x32xi32, #tpu.memory_space<vmem>>, vector<1x16xi32>,
      %get3A_168 = vector.shape_cast %get3A_167 : vector<1x16xi32> to vector<16xi32>
      %add3A_169 = arith.constant 600006 : i32
      %add3A_170 = vector.broadcast %add3A_169 : i32 to vector<16xi32>
      %add3A_171 = arith.addi %get3A_168, %add3A_170 : vector<16xi32>
      %swap3A_172 = arith.constant 6 : i32
      %swap3A_173 = arith.index_cast %swap3A_172 : i32 to index
      %swap3A_174 = arith.constant 16 : index
      %swap3A_175 = tpu.vector_load %arg9[%swap3A_173, %swap3A_174] {strides = array<i32>} : memref<26x32xi32, #tpu.memory_space<vmem>>, vector<1x16xi32>,
      %swap3A_176 = vector.shape_cast %swap3A_175 : vector<1x16xi32> to vector<16xi32>
      %swap3A_177 = vector.shape_cast %add3A_171 : vector<16xi32> to vector<1x16xi32>
      tpu.vector_store %arg9[%swap3A_173, %swap3A_174], %swap3A_177 {strides = array<i32>} : memref<26x32xi32, #tpu.memory_space<vmem>>, vector<1x16xi32>,
      %get3A_178 = arith.constant 7 : i32
      %get3A_179 = arith.index_cast %get3A_178 : i32 to index
      %get3A_180 = arith.constant 0 : index
      %get3A_181 = tpu.vector_load %arg9[%get3A_179, %get3A_180] {strides = array<i32>} : memref<26x32xi32, #tpu.memory_space<vmem>>, vector<1x16xi32>,
      %get3A_182 = vector.shape_cast %get3A_181 : vector<1x16xi32> to vector<16xi32>
      %add3A_183 = arith.constant 700007 : i32
      %add3A_184 = vector.broadcast %add3A_183 : i32 to vector<16xi32>
      %add3A_185 = arith.addi %get3A_182, %add3A_184 : vector<16xi32>
      %swap3A_186 = arith.constant 7 : i32
      %swap3A_187 = arith.index_cast %swap3A_186 : i32 to index
      %swap3A_188 = arith.constant 0 : index
      %swap3A_189 = tpu.vector_load %arg9[%swap3A_187, %swap3A_188] {strides = array<i32>} : memref<26x32xi32, #tpu.memory_space<vmem>>, vector<1x16xi32>,
      %swap3A_190 = vector.shape_cast %swap3A_189 : vector<1x16xi32> to vector<16xi32>
      %swap3A_191 = vector.shape_cast %add3A_185 : vector<16xi32> to vector<1x16xi32>
      tpu.vector_store %arg9[%swap3A_187, %swap3A_188], %swap3A_191 {strides = array<i32>} : memref<26x32xi32, #tpu.memory_space<vmem>>, vector<1x16xi32>,
      %get3A_192 = arith.constant 7 : i32
      %get3A_193 = arith.index_cast %get3A_192 : i32 to index
      %get3A_194 = arith.constant 16 : index
      %get3A_195 = tpu.vector_load %arg9[%get3A_193, %get3A_194] {strides = array<i32>} : memref<26x32xi32, #tpu.memory_space<vmem>>, vector<1x16xi32>,
      %get3A_196 = vector.shape_cast %get3A_195 : vector<1x16xi32> to vector<16xi32>
      %add3A_197 = arith.constant 700007 : i32
      %add3A_198 = vector.broadcast %add3A_197 : i32 to vector<16xi32>
      %add3A_199 = arith.addi %get3A_196, %add3A_198 : vector<16xi32>
      %swap3A_200 = arith.constant 7 : i32
      %swap3A_201 = arith.index_cast %swap3A_200 : i32 to index
      %swap3A_202 = arith.constant 16 : index
      %swap3A_203 = tpu.vector_load %arg9[%swap3A_201, %swap3A_202] {strides = array<i32>} : memref<26x32xi32, #tpu.memory_space<vmem>>, vector<1x16xi32>,
      %swap3A_204 = vector.shape_cast %swap3A_203 : vector<1x16xi32> to vector<16xi32>
      %swap3A_205 = vector.shape_cast %add3A_199 : vector<16xi32> to vector<1x16xi32>
      tpu.vector_store %arg9[%swap3A_201, %swap3A_202], %swap3A_205 {strides = array<i32>} : memref<26x32xi32, #tpu.memory_space<vmem>>, vector<1x16xi32>,
      %get3A_206 = arith.constant 8 : i32
      %get3A_207 = arith.index_cast %get3A_206 : i32 to index
      %get3A_208 = arith.constant 0 : index
      %get3A_209 = tpu.vector_load %arg9[%get3A_207, %get3A_208] {strides = array<i32>} : memref<26x32xi32, #tpu.memory_space<vmem>>, vector<1x16xi32>,
      %get3A_210 = vector.shape_cast %get3A_209 : vector<1x16xi32> to vector<16xi32>
      %add3A_211 = arith.constant 800008 : i32
      %add3A_212 = vector.broadcast %add3A_211 : i32 to vector<16xi32>
      %add3A_213 = arith.addi %get3A_210, %add3A_212 : vector<16xi32>
      %swap3A_214 = arith.constant 8 : i32
      %swap3A_215 = arith.index_cast %swap3A_214 : i32 to index
      %swap3A_216 = arith.constant 0 : index
      %swap3A_217 = tpu.vector_load %arg9[%swap3A_215, %swap3A_216] {strides = array<i32>} : memref<26x32xi32, #tpu.memory_space<vmem>>, vector<1x16xi32>,
      %swap3A_218 = vector.shape_cast %swap3A_217 : vector<1x16xi32> to vector<16xi32>
      %swap3A_219 = vector.shape_cast %add3A_213 : vector<16xi32> to vector<1x16xi32>
      tpu.vector_store %arg9[%swap3A_215, %swap3A_216], %swap3A_219 {strides = array<i32>} : memref<26x32xi32, #tpu.memory_space<vmem>>, vector<1x16xi32>,
      %get3A_220 = arith.constant 8 : i32
      %get3A_221 = arith.index_cast %get3A_220 : i32 to index
      %get3A_222 = arith.constant 16 : index
      %get3A_223 = tpu.vector_load %arg9[%get3A_221, %get3A_222] {strides = array<i32>} : memref<26x32xi32, #tpu.memory_space<vmem>>, vector<1x16xi32>,
      %get3A_224 = vector.shape_cast %get3A_223 : vector<1x16xi32> to vector<16xi32>
      %add3A_225 = arith.constant 800008 : i32
      %add3A_226 = vector.broadcast %add3A_225 : i32 to vector<16xi32>
      %add3A_227 = arith.addi %get3A_224, %add3A_226 : vector<16xi32>
      %swap3A_228 = arith.constant 8 : i32
      %swap3A_229 = arith.index_cast %swap3A_228 : i32 to index
      %swap3A_230 = arith.constant 16 : index
      %swap3A_231 = tpu.vector_load %arg9[%swap3A_229, %swap3A_230] {strides = array<i32>} : memref<26x32xi32, #tpu.memory_space<vmem>>, vector<1x16xi32>,
      %swap3A_232 = vector.shape_cast %swap3A_231 : vector<1x16xi32> to vector<16xi32>
      %swap3A_233 = vector.shape_cast %add3A_227 : vector<16xi32> to vector<1x16xi32>
      tpu.vector_store %arg9[%swap3A_229, %swap3A_230], %swap3A_233 {strides = array<i32>} : memref<26x32xi32, #tpu.memory_space<vmem>>, vector<1x16xi32>,
      %get3A_234 = arith.constant 9 : i32
      %get3A_235 = arith.index_cast %get3A_234 : i32 to index
      %get3A_236 = arith.constant 0 : index
      %get3A_237 = tpu.vector_load %arg9[%get3A_235, %get3A_236] {strides = array<i32>} : memref<26x32xi32, #tpu.memory_space<vmem>>, vector<1x16xi32>,
      %get3A_238 = vector.shape_cast %get3A_237 : vector<1x16xi32> to vector<16xi32>
      %add3A_239 = arith.constant 900009 : i32
      %add3A_240 = vector.broadcast %add3A_239 : i32 to vector<16xi32>
      %add3A_241 = arith.addi %get3A_238, %add3A_240 : vector<16xi32>
      %swap3A_242 = arith.constant 9 : i32
      %swap3A_243 = arith.index_cast %swap3A_242 : i32 to index
      %swap3A_244 = arith.constant 0 : index
      %swap3A_245 = tpu.vector_load %arg9[%swap3A_243, %swap3A_244] {strides = array<i32>} : memref<26x32xi32, #tpu.memory_space<vmem>>, vector<1x16xi32>,
      %swap3A_246 = vector.shape_cast %swap3A_245 : vector<1x16xi32> to vector<16xi32>
      %swap3A_247 = vector.shape_cast %add3A_241 : vector<16xi32> to vector<1x16xi32>
      tpu.vector_store %arg9[%swap3A_243, %swap3A_244], %swap3A_247 {strides = array<i32>} : memref<26x32xi32, #tpu.memory_space<vmem>>, vector<1x16xi32>,
      %get3A_248 = arith.constant 9 : i32
      %get3A_249 = arith.index_cast %get3A_248 : i32 to index
      %get3A_250 = arith.constant 16 : index
      %get3A_251 = tpu.vector_load %arg9[%get3A_249, %get3A_250] {strides = array<i32>} : memref<26x32xi32, #tpu.memory_space<vmem>>, vector<1x16xi32>,
      %get3A_252 = vector.shape_cast %get3A_251 : vector<1x16xi32> to vector<16xi32>
      %add3A_253 = arith.constant 900009 : i32
      %add3A_254 = vector.broadcast %add3A_253 : i32 to vector<16xi32>
      %add3A_255 = arith.addi %get3A_252, %add3A_254 : vector<16xi32>
      %swap3A_256 = arith.constant 9 : i32
      %swap3A_257 = arith.index_cast %swap3A_256 : i32 to index
      %swap3A_258 = arith.constant 16 : index
      %swap3A_259 = tpu.vector_load %arg9[%swap3A_257, %swap3A_258] {strides = array<i32>} : memref<26x32xi32, #tpu.memory_space<vmem>>, vector<1x16xi32>,
      %swap3A_260 = vector.shape_cast %swap3A_259 : vector<1x16xi32> to vector<16xi32>
      %swap3A_261 = vector.shape_cast %add3A_255 : vector<16xi32> to vector<1x16xi32>
      tpu.vector_store %arg9[%swap3A_257, %swap3A_258], %swap3A_261 {strides = array<i32>} : memref<26x32xi32, #tpu.memory_space<vmem>>, vector<1x16xi32>,
      %get3A_262 = arith.constant 10 : i32
      %get3A_263 = arith.index_cast %get3A_262 : i32 to index
      %get3A_264 = arith.constant 0 : index
      %get3A_265 = tpu.vector_load %arg9[%get3A_263, %get3A_264] {strides = array<i32>} : memref<26x32xi32, #tpu.memory_space<vmem>>, vector<1x16xi32>,
      %get3A_266 = vector.shape_cast %get3A_265 : vector<1x16xi32> to vector<16xi32>
      %add3A_267 = arith.constant 1000010 : i32
      %add3A_268 = vector.broadcast %add3A_267 : i32 to vector<16xi32>
      %add3A_269 = arith.addi %get3A_266, %add3A_268 : vector<16xi32>
      %swap3A_270 = arith.constant 10 : i32
      %swap3A_271 = arith.index_cast %swap3A_270 : i32 to index
      %swap3A_272 = arith.constant 0 : index
      %swap3A_273 = tpu.vector_load %arg9[%swap3A_271, %swap3A_272] {strides = array<i32>} : memref<26x32xi32, #tpu.memory_space<vmem>>, vector<1x16xi32>,
      %swap3A_274 = vector.shape_cast %swap3A_273 : vector<1x16xi32> to vector<16xi32>
      %swap3A_275 = vector.shape_cast %add3A_269 : vector<16xi32> to vector<1x16xi32>
      tpu.vector_store %arg9[%swap3A_271, %swap3A_272], %swap3A_275 {strides = array<i32>} : memref<26x32xi32, #tpu.memory_space<vmem>>, vector<1x16xi32>,
      %get3A_276 = arith.constant 10 : i32
      %get3A_277 = arith.index_cast %get3A_276 : i32 to index
      %get3A_278 = arith.constant 16 : index
      %get3A_279 = tpu.vector_load %arg9[%get3A_277, %get3A_278] {strides = array<i32>} : memref<26x32xi32, #tpu.memory_space<vmem>>, vector<1x16xi32>,
      %get3A_280 = vector.shape_cast %get3A_279 : vector<1x16xi32> to vector<16xi32>
      %add3A_281 = arith.constant 1000010 : i32
      %add3A_282 = vector.broadcast %add3A_281 : i32 to vector<16xi32>
      %add3A_283 = arith.addi %get3A_280, %add3A_282 : vector<16xi32>
      %swap3A_284 = arith.constant 10 : i32
      %swap3A_285 = arith.index_cast %swap3A_284 : i32 to index
      %swap3A_286 = arith.constant 16 : index
      %swap3A_287 = tpu.vector_load %arg9[%swap3A_285, %swap3A_286] {strides = array<i32>} : memref<26x32xi32, #tpu.memory_space<vmem>>, vector<1x16xi32>,
      %swap3A_288 = vector.shape_cast %swap3A_287 : vector<1x16xi32> to vector<16xi32>
      %swap3A_289 = vector.shape_cast %add3A_283 : vector<16xi32> to vector<1x16xi32>
      tpu.vector_store %arg9[%swap3A_285, %swap3A_286], %swap3A_289 {strides = array<i32>} : memref<26x32xi32, #tpu.memory_space<vmem>>, vector<1x16xi32>,
      %get3A_290 = arith.constant 11 : i32
      %get3A_291 = arith.index_cast %get3A_290 : i32 to index
      %get3A_292 = arith.constant 0 : index
      %get3A_293 = tpu.vector_load %arg9[%get3A_291, %get3A_292] {strides = array<i32>} : memref<26x32xi32, #tpu.memory_space<vmem>>, vector<1x16xi32>,
      %get3A_294 = vector.shape_cast %get3A_293 : vector<1x16xi32> to vector<16xi32>
      %add3A_295 = arith.constant 1100011 : i32
      %add3A_296 = vector.broadcast %add3A_295 : i32 to vector<16xi32>
      %add3A_297 = arith.addi %get3A_294, %add3A_296 : vector<16xi32>
      %swap3A_298 = arith.constant 11 : i32
      %swap3A_299 = arith.index_cast %swap3A_298 : i32 to index
      %swap3A_300 = arith.constant 0 : index
      %swap3A_301 = tpu.vector_load %arg9[%swap3A_299, %swap3A_300] {strides = array<i32>} : memref<26x32xi32, #tpu.memory_space<vmem>>, vector<1x16xi32>,
      %swap3A_302 = vector.shape_cast %swap3A_301 : vector<1x16xi32> to vector<16xi32>
      %swap3A_303 = vector.shape_cast %add3A_297 : vector<16xi32> to vector<1x16xi32>
      tpu.vector_store %arg9[%swap3A_299, %swap3A_300], %swap3A_303 {strides = array<i32>} : memref<26x32xi32, #tpu.memory_space<vmem>>, vector<1x16xi32>,
      %get3A_304 = arith.constant 11 : i32
      %get3A_305 = arith.index_cast %get3A_304 : i32 to index
      %get3A_306 = arith.constant 16 : index
      %get3A_307 = tpu.vector_load %arg9[%get3A_305, %get3A_306] {strides = array<i32>} : memref<26x32xi32, #tpu.memory_space<vmem>>, vector<1x16xi32>,
      %get3A_308 = vector.shape_cast %get3A_307 : vector<1x16xi32> to vector<16xi32>
      %add3A_309 = arith.constant 1100011 : i32
      %add3A_310 = vector.broadcast %add3A_309 : i32 to vector<16xi32>
      %add3A_311 = arith.addi %get3A_308, %add3A_310 : vector<16xi32>
      %swap3A_312 = arith.constant 11 : i32
      %swap3A_313 = arith.index_cast %swap3A_312 : i32 to index
      %swap3A_314 = arith.constant 16 : index
      %swap3A_315 = tpu.vector_load %arg9[%swap3A_313, %swap3A_314] {strides = array<i32>} : memref<26x32xi32, #tpu.memory_space<vmem>>, vector<1x16xi32>,
      %swap3A_316 = vector.shape_cast %swap3A_315 : vector<1x16xi32> to vector<16xi32>
      %swap3A_317 = vector.shape_cast %add3A_311 : vector<16xi32> to vector<1x16xi32>
      tpu.vector_store %arg9[%swap3A_313, %swap3A_314], %swap3A_317 {strides = array<i32>} : memref<26x32xi32, #tpu.memory_space<vmem>>, vector<1x16xi32>,
      %get3A_318 = arith.constant 12 : i32
      %get3A_319 = arith.index_cast %get3A_318 : i32 to index
      %get3A_320 = arith.constant 0 : index
      %get3A_321 = tpu.vector_load %arg9[%get3A_319, %get3A_320] {strides = array<i32>} : memref<26x32xi32, #tpu.memory_space<vmem>>, vector<1x16xi32>,
      %get3A_322 = vector.shape_cast %get3A_321 : vector<1x16xi32> to vector<16xi32>
      %add3A_323 = arith.constant 1200012 : i32
      %add3A_324 = vector.broadcast %add3A_323 : i32 to vector<16xi32>
      %add3A_325 = arith.addi %get3A_322, %add3A_324 : vector<16xi32>
      %swap3A_326 = arith.constant 12 : i32
      %swap3A_327 = arith.index_cast %swap3A_326 : i32 to index
      %swap3A_328 = arith.constant 0 : index
      %swap3A_329 = tpu.vector_load %arg9[%swap3A_327, %swap3A_328] {strides = array<i32>} : memref<26x32xi32, #tpu.memory_space<vmem>>, vector<1x16xi32>,
      %swap3A_330 = vector.shape_cast %swap3A_329 : vector<1x16xi32> to vector<16xi32>
      %swap3A_331 = vector.shape_cast %add3A_325 : vector<16xi32> to vector<1x16xi32>
      tpu.vector_store %arg9[%swap3A_327, %swap3A_328], %swap3A_331 {strides = array<i32>} : memref<26x32xi32, #tpu.memory_space<vmem>>, vector<1x16xi32>,
      %get3A_332 = arith.constant 12 : i32
      %get3A_333 = arith.index_cast %get3A_332 : i32 to index
      %get3A_334 = arith.constant 16 : index
      %get3A_335 = tpu.vector_load %arg9[%get3A_333, %get3A_334] {strides = array<i32>} : memref<26x32xi32, #tpu.memory_space<vmem>>, vector<1x16xi32>,
      %get3A_336 = vector.shape_cast %get3A_335 : vector<1x16xi32> to vector<16xi32>
      %add3A_337 = arith.constant 1200012 : i32
      %add3A_338 = vector.broadcast %add3A_337 : i32 to vector<16xi32>
      %add3A_339 = arith.addi %get3A_336, %add3A_338 : vector<16xi32>
      %swap3A_340 = arith.constant 12 : i32
      %swap3A_341 = arith.index_cast %swap3A_340 : i32 to index
      %swap3A_342 = arith.constant 16 : index
      %swap3A_343 = tpu.vector_load %arg9[%swap3A_341, %swap3A_342] {strides = array<i32>} : memref<26x32xi32, #tpu.memory_space<vmem>>, vector<1x16xi32>,
      %swap3A_344 = vector.shape_cast %swap3A_343 : vector<1x16xi32> to vector<16xi32>
      %swap3A_345 = vector.shape_cast %add3A_339 : vector<16xi32> to vector<1x16xi32>
      tpu.vector_store %arg9[%swap3A_341, %swap3A_342], %swap3A_345 {strides = array<i32>} : memref<26x32xi32, #tpu.memory_space<vmem>>, vector<1x16xi32>,
      %get3A_346 = arith.constant 14 : i32
      %get3A_347 = arith.index_cast %get3A_346 : i32 to index
      %get3A_348 = arith.constant 0 : index
      %get3A_349 = tpu.vector_load %arg9[%get3A_347, %get3A_348] {strides = array<i32>} : memref<26x32xi32, #tpu.memory_space<vmem>>, vector<1x16xi32>,
      %get3A_350 = vector.shape_cast %get3A_349 : vector<1x16xi32> to vector<16xi32>
      %add3A_351 = arith.constant 100001 : i32
      %add3A_352 = vector.broadcast %add3A_351 : i32 to vector<16xi32>
      %add3A_353 = arith.addi %get3A_350, %add3A_352 : vector<16xi32>
      %swap3A_354 = arith.constant 14 : i32
      %swap3A_355 = arith.index_cast %swap3A_354 : i32 to index
      %swap3A_356 = arith.constant 0 : index
      %swap3A_357 = tpu.vector_load %arg9[%swap3A_355, %swap3A_356] {strides = array<i32>} : memref<26x32xi32, #tpu.memory_space<vmem>>, vector<1x16xi32>,
      %swap3A_358 = vector.shape_cast %swap3A_357 : vector<1x16xi32> to vector<16xi32>
      %swap3A_359 = vector.shape_cast %add3A_353 : vector<16xi32> to vector<1x16xi32>
      tpu.vector_store %arg9[%swap3A_355, %swap3A_356], %swap3A_359 {strides = array<i32>} : memref<26x32xi32, #tpu.memory_space<vmem>>, vector<1x16xi32>,
      %get3A_360 = arith.constant 14 : i32
      %get3A_361 = arith.index_cast %get3A_360 : i32 to index
      %get3A_362 = arith.constant 16 : index
      %get3A_363 = tpu.vector_load %arg9[%get3A_361, %get3A_362] {strides = array<i32>} : memref<26x32xi32, #tpu.memory_space<vmem>>, vector<1x16xi32>,
      %get3A_364 = vector.shape_cast %get3A_363 : vector<1x16xi32> to vector<16xi32>
      %add3A_365 = arith.constant 100001 : i32
      %add3A_366 = vector.broadcast %add3A_365 : i32 to vector<16xi32>
      %add3A_367 = arith.addi %get3A_364, %add3A_366 : vector<16xi32>
      %swap3A_368 = arith.constant 14 : i32
      %swap3A_369 = arith.index_cast %swap3A_368 : i32 to index
      %swap3A_370 = arith.constant 16 : index
      %swap3A_371 = tpu.vector_load %arg9[%swap3A_369, %swap3A_370] {strides = array<i32>} : memref<26x32xi32, #tpu.memory_space<vmem>>, vector<1x16xi32>,
      %swap3A_372 = vector.shape_cast %swap3A_371 : vector<1x16xi32> to vector<16xi32>
      %swap3A_373 = vector.shape_cast %add3A_367 : vector<16xi32> to vector<1x16xi32>
      tpu.vector_store %arg9[%swap3A_369, %swap3A_370], %swap3A_373 {strides = array<i32>} : memref<26x32xi32, #tpu.memory_space<vmem>>, vector<1x16xi32>,
      %get3A_374 = arith.constant 15 : i32
      %get3A_375 = arith.index_cast %get3A_374 : i32 to index
      %get3A_376 = arith.constant 0 : index
      %get3A_377 = tpu.vector_load %arg9[%get3A_375, %get3A_376] {strides = array<i32>} : memref<26x32xi32, #tpu.memory_space<vmem>>, vector<1x16xi32>,
      %get3A_378 = vector.shape_cast %get3A_377 : vector<1x16xi32> to vector<16xi32>
      %add3A_379 = arith.constant 200002 : i32
      %add3A_380 = vector.broadcast %add3A_379 : i32 to vector<16xi32>
      %add3A_381 = arith.addi %get3A_378, %add3A_380 : vector<16xi32>
      %swap3A_382 = arith.constant 15 : i32
      %swap3A_383 = arith.index_cast %swap3A_382 : i32 to index
      %swap3A_384 = arith.constant 0 : index
      %swap3A_385 = tpu.vector_load %arg9[%swap3A_383, %swap3A_384] {strides = array<i32>} : memref<26x32xi32, #tpu.memory_space<vmem>>, vector<1x16xi32>,
      %swap3A_386 = vector.shape_cast %swap3A_385 : vector<1x16xi32> to vector<16xi32>
      %swap3A_387 = vector.shape_cast %add3A_381 : vector<16xi32> to vector<1x16xi32>
      tpu.vector_store %arg9[%swap3A_383, %swap3A_384], %swap3A_387 {strides = array<i32>} : memref<26x32xi32, #tpu.memory_space<vmem>>, vector<1x16xi32>,
      %get3A_388 = arith.constant 15 : i32
      %get3A_389 = arith.index_cast %get3A_388 : i32 to index
      %get3A_390 = arith.constant 16 : index
      %get3A_391 = tpu.vector_load %arg9[%get3A_389, %get3A_390] {strides = array<i32>} : memref<26x32xi32, #tpu.memory_space<vmem>>, vector<1x16xi32>,
      %get3A_392 = vector.shape_cast %get3A_391 : vector<1x16xi32> to vector<16xi32>
      %add3A_393 = arith.constant 200002 : i32
      %add3A_394 = vector.broadcast %add3A_393 : i32 to vector<16xi32>
      %add3A_395 = arith.addi %get3A_392, %add3A_394 : vector<16xi32>
      %swap3A_396 = arith.constant 15 : i32
      %swap3A_397 = arith.index_cast %swap3A_396 : i32 to index
      %swap3A_398 = arith.constant 16 : index
      %swap3A_399 = tpu.vector_load %arg9[%swap3A_397, %swap3A_398] {strides = array<i32>} : memref<26x32xi32, #tpu.memory_space<vmem>>, vector<1x16xi32>,
      %swap3A_400 = vector.shape_cast %swap3A_399 : vector<1x16xi32> to vector<16xi32>
      %swap3A_401 = vector.shape_cast %add3A_395 : vector<16xi32> to vector<1x16xi32>
      tpu.vector_store %arg9[%swap3A_397, %swap3A_398], %swap3A_401 {strides = array<i32>} : memref<26x32xi32, #tpu.memory_space<vmem>>, vector<1x16xi32>,
      %get3A_402 = arith.constant 16 : i32
      %get3A_403 = arith.index_cast %get3A_402 : i32 to index
      %get3A_404 = arith.constant 0 : index
      %get3A_405 = tpu.vector_load %arg9[%get3A_403, %get3A_404] {strides = array<i32>} : memref<26x32xi32, #tpu.memory_space<vmem>>, vector<1x16xi32>,
      %get3A_406 = vector.shape_cast %get3A_405 : vector<1x16xi32> to vector<16xi32>
      %add3A_407 = arith.constant 300003 : i32
      %add3A_408 = vector.broadcast %add3A_407 : i32 to vector<16xi32>
      %add3A_409 = arith.addi %get3A_406, %add3A_408 : vector<16xi32>
      %swap3A_410 = arith.constant 16 : i32
      %swap3A_411 = arith.index_cast %swap3A_410 : i32 to index
      %swap3A_412 = arith.constant 0 : index
      %swap3A_413 = tpu.vector_load %arg9[%swap3A_411, %swap3A_412] {strides = array<i32>} : memref<26x32xi32, #tpu.memory_space<vmem>>, vector<1x16xi32>,
      %swap3A_414 = vector.shape_cast %swap3A_413 : vector<1x16xi32> to vector<16xi32>
      %swap3A_415 = vector.shape_cast %add3A_409 : vector<16xi32> to vector<1x16xi32>
      tpu.vector_store %arg9[%swap3A_411, %swap3A_412], %swap3A_415 {strides = array<i32>} : memref<26x32xi32, #tpu.memory_space<vmem>>, vector<1x16xi32>,
      %get3A_416 = arith.constant 16 : i32
      %get3A_417 = arith.index_cast %get3A_416 : i32 to index
      %get3A_418 = arith.constant 16 : index
      %get3A_419 = tpu.vector_load %arg9[%get3A_417, %get3A_418] {strides = array<i32>} : memref<26x32xi32, #tpu.memory_space<vmem>>, vector<1x16xi32>,
      %get3A_420 = vector.shape_cast %get3A_419 : vector<1x16xi32> to vector<16xi32>
      %add3A_421 = arith.constant 300003 : i32
      %add3A_422 = vector.broadcast %add3A_421 : i32 to vector<16xi32>
      %add3A_423 = arith.addi %get3A_420, %add3A_422 : vector<16xi32>
      %swap3A_424 = arith.constant 16 : i32
      %swap3A_425 = arith.index_cast %swap3A_424 : i32 to index
      %swap3A_426 = arith.constant 16 : index
      %swap3A_427 = tpu.vector_load %arg9[%swap3A_425, %swap3A_426] {strides = array<i32>} : memref<26x32xi32, #tpu.memory_space<vmem>>, vector<1x16xi32>,
      %swap3A_428 = vector.shape_cast %swap3A_427 : vector<1x16xi32> to vector<16xi32>
      %swap3A_429 = vector.shape_cast %add3A_423 : vector<16xi32> to vector<1x16xi32>
      tpu.vector_store %arg9[%swap3A_425, %swap3A_426], %swap3A_429 {strides = array<i32>} : memref<26x32xi32, #tpu.memory_space<vmem>>, vector<1x16xi32>,
      %get3A_430 = arith.constant 17 : i32
      %get3A_431 = arith.index_cast %get3A_430 : i32 to index
      %get3A_432 = arith.constant 0 : index
      %get3A_433 = tpu.vector_load %arg9[%get3A_431, %get3A_432] {strides = array<i32>} : memref<26x32xi32, #tpu.memory_space<vmem>>, vector<1x16xi32>,
      %get3A_434 = vector.shape_cast %get3A_433 : vector<1x16xi32> to vector<16xi32>
      %add3A_435 = arith.constant 400004 : i32
      %add3A_436 = vector.broadcast %add3A_435 : i32 to vector<16xi32>
      %add3A_437 = arith.addi %get3A_434, %add3A_436 : vector<16xi32>
      %swap3A_438 = arith.constant 17 : i32
      %swap3A_439 = arith.index_cast %swap3A_438 : i32 to index
      %swap3A_440 = arith.constant 0 : index
      %swap3A_441 = tpu.vector_load %arg9[%swap3A_439, %swap3A_440] {strides = array<i32>} : memref<26x32xi32, #tpu.memory_space<vmem>>, vector<1x16xi32>,
      %swap3A_442 = vector.shape_cast %swap3A_441 : vector<1x16xi32> to vector<16xi32>
      %swap3A_443 = vector.shape_cast %add3A_437 : vector<16xi32> to vector<1x16xi32>
      tpu.vector_store %arg9[%swap3A_439, %swap3A_440], %swap3A_443 {strides = array<i32>} : memref<26x32xi32, #tpu.memory_space<vmem>>, vector<1x16xi32>,
      %get3A_444 = arith.constant 17 : i32
      %get3A_445 = arith.index_cast %get3A_444 : i32 to index
      %get3A_446 = arith.constant 16 : index
      %get3A_447 = tpu.vector_load %arg9[%get3A_445, %get3A_446] {strides = array<i32>} : memref<26x32xi32, #tpu.memory_space<vmem>>, vector<1x16xi32>,
      %get3A_448 = vector.shape_cast %get3A_447 : vector<1x16xi32> to vector<16xi32>
      %add3A_449 = arith.constant 400004 : i32
      %add3A_450 = vector.broadcast %add3A_449 : i32 to vector<16xi32>
      %add3A_451 = arith.addi %get3A_448, %add3A_450 : vector<16xi32>
      %swap3A_452 = arith.constant 17 : i32
      %swap3A_453 = arith.index_cast %swap3A_452 : i32 to index
      %swap3A_454 = arith.constant 16 : index
      %swap3A_455 = tpu.vector_load %arg9[%swap3A_453, %swap3A_454] {strides = array<i32>} : memref<26x32xi32, #tpu.memory_space<vmem>>, vector<1x16xi32>,
      %swap3A_456 = vector.shape_cast %swap3A_455 : vector<1x16xi32> to vector<16xi32>
      %swap3A_457 = vector.shape_cast %add3A_451 : vector<16xi32> to vector<1x16xi32>
      tpu.vector_store %arg9[%swap3A_453, %swap3A_454], %swap3A_457 {strides = array<i32>} : memref<26x32xi32, #tpu.memory_space<vmem>>, vector<1x16xi32>,
      %get3A_458 = arith.constant 18 : i32
      %get3A_459 = arith.index_cast %get3A_458 : i32 to index
      %get3A_460 = arith.constant 0 : index
      %get3A_461 = tpu.vector_load %arg9[%get3A_459, %get3A_460] {strides = array<i32>} : memref<26x32xi32, #tpu.memory_space<vmem>>, vector<1x16xi32>,
      %get3A_462 = vector.shape_cast %get3A_461 : vector<1x16xi32> to vector<16xi32>
      %add3A_463 = arith.constant 500005 : i32
      %add3A_464 = vector.broadcast %add3A_463 : i32 to vector<16xi32>
      %add3A_465 = arith.addi %get3A_462, %add3A_464 : vector<16xi32>
      %swap3A_466 = arith.constant 18 : i32
      %swap3A_467 = arith.index_cast %swap3A_466 : i32 to index
      %swap3A_468 = arith.constant 0 : index
      %swap3A_469 = tpu.vector_load %arg9[%swap3A_467, %swap3A_468] {strides = array<i32>} : memref<26x32xi32, #tpu.memory_space<vmem>>, vector<1x16xi32>,
      %swap3A_470 = vector.shape_cast %swap3A_469 : vector<1x16xi32> to vector<16xi32>
      %swap3A_471 = vector.shape_cast %add3A_465 : vector<16xi32> to vector<1x16xi32>
      tpu.vector_store %arg9[%swap3A_467, %swap3A_468], %swap3A_471 {strides = array<i32>} : memref<26x32xi32, #tpu.memory_space<vmem>>, vector<1x16xi32>,
      %get3A_472 = arith.constant 18 : i32
      %get3A_473 = arith.index_cast %get3A_472 : i32 to index
      %get3A_474 = arith.constant 16 : index
      %get3A_475 = tpu.vector_load %arg9[%get3A_473, %get3A_474] {strides = array<i32>} : memref<26x32xi32, #tpu.memory_space<vmem>>, vector<1x16xi32>,
      %get3A_476 = vector.shape_cast %get3A_475 : vector<1x16xi32> to vector<16xi32>
      %add3A_477 = arith.constant 500005 : i32
      %add3A_478 = vector.broadcast %add3A_477 : i32 to vector<16xi32>
      %add3A_479 = arith.addi %get3A_476, %add3A_478 : vector<16xi32>
      %swap3A_480 = arith.constant 18 : i32
      %swap3A_481 = arith.index_cast %swap3A_480 : i32 to index
      %swap3A_482 = arith.constant 16 : index
      %swap3A_483 = tpu.vector_load %arg9[%swap3A_481, %swap3A_482] {strides = array<i32>} : memref<26x32xi32, #tpu.memory_space<vmem>>, vector<1x16xi32>,
      %swap3A_484 = vector.shape_cast %swap3A_483 : vector<1x16xi32> to vector<16xi32>
      %swap3A_485 = vector.shape_cast %add3A_479 : vector<16xi32> to vector<1x16xi32>
      tpu.vector_store %arg9[%swap3A_481, %swap3A_482], %swap3A_485 {strides = array<i32>} : memref<26x32xi32, #tpu.memory_space<vmem>>, vector<1x16xi32>,
      %get3A_486 = arith.constant 19 : i32
      %get3A_487 = arith.index_cast %get3A_486 : i32 to index
      %get3A_488 = arith.constant 0 : index
      %get3A_489 = tpu.vector_load %arg9[%get3A_487, %get3A_488] {strides = array<i32>} : memref<26x32xi32, #tpu.memory_space<vmem>>, vector<1x16xi32>,
      %get3A_490 = vector.shape_cast %get3A_489 : vector<1x16xi32> to vector<16xi32>
      %add3A_491 = arith.constant 600006 : i32
      %add3A_492 = vector.broadcast %add3A_491 : i32 to vector<16xi32>
      %add3A_493 = arith.addi %get3A_490, %add3A_492 : vector<16xi32>
      %swap3A_494 = arith.constant 19 : i32
      %swap3A_495 = arith.index_cast %swap3A_494 : i32 to index
      %swap3A_496 = arith.constant 0 : index
      %swap3A_497 = tpu.vector_load %arg9[%swap3A_495, %swap3A_496] {strides = array<i32>} : memref<26x32xi32, #tpu.memory_space<vmem>>, vector<1x16xi32>,
      %swap3A_498 = vector.shape_cast %swap3A_497 : vector<1x16xi32> to vector<16xi32>
      %swap3A_499 = vector.shape_cast %add3A_493 : vector<16xi32> to vector<1x16xi32>
      tpu.vector_store %arg9[%swap3A_495, %swap3A_496], %swap3A_499 {strides = array<i32>} : memref<26x32xi32, #tpu.memory_space<vmem>>, vector<1x16xi32>,
      %get3A_500 = arith.constant 19 : i32
      %get3A_501 = arith.index_cast %get3A_500 : i32 to index
      %get3A_502 = arith.constant 16 : index
      %get3A_503 = tpu.vector_load %arg9[%get3A_501, %get3A_502] {strides = array<i32>} : memref<26x32xi32, #tpu.memory_space<vmem>>, vector<1x16xi32>,
      %get3A_504 = vector.shape_cast %get3A_503 : vector<1x16xi32> to vector<16xi32>
      %add3A_505 = arith.constant 600006 : i32
      %add3A_506 = vector.broadcast %add3A_505 : i32 to vector<16xi32>
      %add3A_507 = arith.addi %get3A_504, %add3A_506 : vector<16xi32>
      %swap3A_508 = arith.constant 19 : i32
      %swap3A_509 = arith.index_cast %swap3A_508 : i32 to index
      %swap3A_510 = arith.constant 16 : index
      %swap3A_511 = tpu.vector_load %arg9[%swap3A_509, %swap3A_510] {strides = array<i32>} : memref<26x32xi32, #tpu.memory_space<vmem>>, vector<1x16xi32>,
      %swap3A_512 = vector.shape_cast %swap3A_511 : vector<1x16xi32> to vector<16xi32>
      %swap3A_513 = vector.shape_cast %add3A_507 : vector<16xi32> to vector<1x16xi32>
      tpu.vector_store %arg9[%swap3A_509, %swap3A_510], %swap3A_513 {strides = array<i32>} : memref<26x32xi32, #tpu.memory_space<vmem>>, vector<1x16xi32>,
      %get3A_514 = arith.constant 20 : i32
      %get3A_515 = arith.index_cast %get3A_514 : i32 to index
      %get3A_516 = arith.constant 0 : index
      %get3A_517 = tpu.vector_load %arg9[%get3A_515, %get3A_516] {strides = array<i32>} : memref<26x32xi32, #tpu.memory_space<vmem>>, vector<1x16xi32>,
      %get3A_518 = vector.shape_cast %get3A_517 : vector<1x16xi32> to vector<16xi32>
      %add3A_519 = arith.constant 700007 : i32
      %add3A_520 = vector.broadcast %add3A_519 : i32 to vector<16xi32>
      %add3A_521 = arith.addi %get3A_518, %add3A_520 : vector<16xi32>
      %swap3A_522 = arith.constant 20 : i32
      %swap3A_523 = arith.index_cast %swap3A_522 : i32 to index
      %swap3A_524 = arith.constant 0 : index
      %swap3A_525 = tpu.vector_load %arg9[%swap3A_523, %swap3A_524] {strides = array<i32>} : memref<26x32xi32, #tpu.memory_space<vmem>>, vector<1x16xi32>,
      %swap3A_526 = vector.shape_cast %swap3A_525 : vector<1x16xi32> to vector<16xi32>
      %swap3A_527 = vector.shape_cast %add3A_521 : vector<16xi32> to vector<1x16xi32>
      tpu.vector_store %arg9[%swap3A_523, %swap3A_524], %swap3A_527 {strides = array<i32>} : memref<26x32xi32, #tpu.memory_space<vmem>>, vector<1x16xi32>,
      %get3A_528 = arith.constant 20 : i32
      %get3A_529 = arith.index_cast %get3A_528 : i32 to index
      %get3A_530 = arith.constant 16 : index
      %get3A_531 = tpu.vector_load %arg9[%get3A_529, %get3A_530] {strides = array<i32>} : memref<26x32xi32, #tpu.memory_space<vmem>>, vector<1x16xi32>,
      %get3A_532 = vector.shape_cast %get3A_531 : vector<1x16xi32> to vector<16xi32>
      %add3A_533 = arith.constant 700007 : i32
      %add3A_534 = vector.broadcast %add3A_533 : i32 to vector<16xi32>
      %add3A_535 = arith.addi %get3A_532, %add3A_534 : vector<16xi32>
      %swap3A_536 = arith.constant 20 : i32
      %swap3A_537 = arith.index_cast %swap3A_536 : i32 to index
      %swap3A_538 = arith.constant 16 : index
      %swap3A_539 = tpu.vector_load %arg9[%swap3A_537, %swap3A_538] {strides = array<i32>} : memref<26x32xi32, #tpu.memory_space<vmem>>, vector<1x16xi32>,
      %swap3A_540 = vector.shape_cast %swap3A_539 : vector<1x16xi32> to vector<16xi32>
      %swap3A_541 = vector.shape_cast %add3A_535 : vector<16xi32> to vector<1x16xi32>
      tpu.vector_store %arg9[%swap3A_537, %swap3A_538], %swap3A_541 {strides = array<i32>} : memref<26x32xi32, #tpu.memory_space<vmem>>, vector<1x16xi32>,
      %get3A_542 = arith.constant 21 : i32
      %get3A_543 = arith.index_cast %get3A_542 : i32 to index
      %get3A_544 = arith.constant 0 : index
      %get3A_545 = tpu.vector_load %arg9[%get3A_543, %get3A_544] {strides = array<i32>} : memref<26x32xi32, #tpu.memory_space<vmem>>, vector<1x16xi32>,
      %get3A_546 = vector.shape_cast %get3A_545 : vector<1x16xi32> to vector<16xi32>
      %add3A_547 = arith.constant 800008 : i32
      %add3A_548 = vector.broadcast %add3A_547 : i32 to vector<16xi32>
      %add3A_549 = arith.addi %get3A_546, %add3A_548 : vector<16xi32>
      %swap3A_550 = arith.constant 21 : i32
      %swap3A_551 = arith.index_cast %swap3A_550 : i32 to index
      %swap3A_552 = arith.constant 0 : index
      %swap3A_553 = tpu.vector_load %arg9[%swap3A_551, %swap3A_552] {strides = array<i32>} : memref<26x32xi32, #tpu.memory_space<vmem>>, vector<1x16xi32>,
      %swap3A_554 = vector.shape_cast %swap3A_553 : vector<1x16xi32> to vector<16xi32>
      %swap3A_555 = vector.shape_cast %add3A_549 : vector<16xi32> to vector<1x16xi32>
      tpu.vector_store %arg9[%swap3A_551, %swap3A_552], %swap3A_555 {strides = array<i32>} : memref<26x32xi32, #tpu.memory_space<vmem>>, vector<1x16xi32>,
      %get3A_556 = arith.constant 21 : i32
      %get3A_557 = arith.index_cast %get3A_556 : i32 to index
      %get3A_558 = arith.constant 16 : index
      %get3A_559 = tpu.vector_load %arg9[%get3A_557, %get3A_558] {strides = array<i32>} : memref<26x32xi32, #tpu.memory_space<vmem>>, vector<1x16xi32>,
      %get3A_560 = vector.shape_cast %get3A_559 : vector<1x16xi32> to vector<16xi32>
      %add3A_561 = arith.constant 800008 : i32
      %add3A_562 = vector.broadcast %add3A_561 : i32 to vector<16xi32>
      %add3A_563 = arith.addi %get3A_560, %add3A_562 : vector<16xi32>
      %swap3A_564 = arith.constant 21 : i32
      %swap3A_565 = arith.index_cast %swap3A_564 : i32 to index
      %swap3A_566 = arith.constant 16 : index
      %swap3A_567 = tpu.vector_load %arg9[%swap3A_565, %swap3A_566] {strides = array<i32>} : memref<26x32xi32, #tpu.memory_space<vmem>>, vector<1x16xi32>,
      %swap3A_568 = vector.shape_cast %swap3A_567 : vector<1x16xi32> to vector<16xi32>
      %swap3A_569 = vector.shape_cast %add3A_563 : vector<16xi32> to vector<1x16xi32>
      tpu.vector_store %arg9[%swap3A_565, %swap3A_566], %swap3A_569 {strides = array<i32>} : memref<26x32xi32, #tpu.memory_space<vmem>>, vector<1x16xi32>,
      %get3A_570 = arith.constant 22 : i32
      %get3A_571 = arith.index_cast %get3A_570 : i32 to index
      %get3A_572 = arith.constant 0 : index
      %get3A_573 = tpu.vector_load %arg9[%get3A_571, %get3A_572] {strides = array<i32>} : memref<26x32xi32, #tpu.memory_space<vmem>>, vector<1x16xi32>,
      %get3A_574 = vector.shape_cast %get3A_573 : vector<1x16xi32> to vector<16xi32>
      %add3A_575 = arith.constant 900009 : i32
      %add3A_576 = vector.broadcast %add3A_575 : i32 to vector<16xi32>
      %add3A_577 = arith.addi %get3A_574, %add3A_576 : vector<16xi32>
      %swap3A_578 = arith.constant 22 : i32
      %swap3A_579 = arith.index_cast %swap3A_578 : i32 to index
      %swap3A_580 = arith.constant 0 : index
      %swap3A_581 = tpu.vector_load %arg9[%swap3A_579, %swap3A_580] {strides = array<i32>} : memref<26x32xi32, #tpu.memory_space<vmem>>, vector<1x16xi32>,
      %swap3A_582 = vector.shape_cast %swap3A_581 : vector<1x16xi32> to vector<16xi32>
      %swap3A_583 = vector.shape_cast %add3A_577 : vector<16xi32> to vector<1x16xi32>
      tpu.vector_store %arg9[%swap3A_579, %swap3A_580], %swap3A_583 {strides = array<i32>} : memref<26x32xi32, #tpu.memory_space<vmem>>, vector<1x16xi32>,
      %get3A_584 = arith.constant 22 : i32
      %get3A_585 = arith.index_cast %get3A_584 : i32 to index
      %get3A_586 = arith.constant 16 : index
      %get3A_587 = tpu.vector_load %arg9[%get3A_585, %get3A_586] {strides = array<i32>} : memref<26x32xi32, #tpu.memory_space<vmem>>, vector<1x16xi32>,
      %get3A_588 = vector.shape_cast %get3A_587 : vector<1x16xi32> to vector<16xi32>
      %add3A_589 = arith.constant 900009 : i32
      %add3A_590 = vector.broadcast %add3A_589 : i32 to vector<16xi32>
      %add3A_591 = arith.addi %get3A_588, %add3A_590 : vector<16xi32>
      %swap3A_592 = arith.constant 22 : i32
      %swap3A_593 = arith.index_cast %swap3A_592 : i32 to index
      %swap3A_594 = arith.constant 16 : index
      %swap3A_595 = tpu.vector_load %arg9[%swap3A_593, %swap3A_594] {strides = array<i32>} : memref<26x32xi32, #tpu.memory_space<vmem>>, vector<1x16xi32>,
      %swap3A_596 = vector.shape_cast %swap3A_595 : vector<1x16xi32> to vector<16xi32>
      %swap3A_597 = vector.shape_cast %add3A_591 : vector<16xi32> to vector<1x16xi32>
      tpu.vector_store %arg9[%swap3A_593, %swap3A_594], %swap3A_597 {strides = array<i32>} : memref<26x32xi32, #tpu.memory_space<vmem>>, vector<1x16xi32>,
      %get3A_598 = arith.constant 23 : i32
      %get3A_599 = arith.index_cast %get3A_598 : i32 to index
      %get3A_600 = arith.constant 0 : index
      %get3A_601 = tpu.vector_load %arg9[%get3A_599, %get3A_600] {strides = array<i32>} : memref<26x32xi32, #tpu.memory_space<vmem>>, vector<1x16xi32>,
      %get3A_602 = vector.shape_cast %get3A_601 : vector<1x16xi32> to vector<16xi32>
      %add3A_603 = arith.constant 1000010 : i32
      %add3A_604 = vector.broadcast %add3A_603 : i32 to vector<16xi32>
      %add3A_605 = arith.addi %get3A_602, %add3A_604 : vector<16xi32>
      %swap3A_606 = arith.constant 23 : i32
      %swap3A_607 = arith.index_cast %swap3A_606 : i32 to index
      %swap3A_608 = arith.constant 0 : index
      %swap3A_609 = tpu.vector_load %arg9[%swap3A_607, %swap3A_608] {strides = array<i32>} : memref<26x32xi32, #tpu.memory_space<vmem>>, vector<1x16xi32>,
      %swap3A_610 = vector.shape_cast %swap3A_609 : vector<1x16xi32> to vector<16xi32>
      %swap3A_611 = vector.shape_cast %add3A_605 : vector<16xi32> to vector<1x16xi32>
      tpu.vector_store %arg9[%swap3A_607, %swap3A_608], %swap3A_611 {strides = array<i32>} : memref<26x32xi32, #tpu.memory_space<vmem>>, vector<1x16xi32>,
      %get3A_612 = arith.constant 23 : i32
      %get3A_613 = arith.index_cast %get3A_612 : i32 to index
      %get3A_614 = arith.constant 16 : index
      %get3A_615 = tpu.vector_load %arg9[%get3A_613, %get3A_614] {strides = array<i32>} : memref<26x32xi32, #tpu.memory_space<vmem>>, vector<1x16xi32>,
      %get3A_616 = vector.shape_cast %get3A_615 : vector<1x16xi32> to vector<16xi32>
      %add3A_617 = arith.constant 1000010 : i32
      %add3A_618 = vector.broadcast %add3A_617 : i32 to vector<16xi32>
      %add3A_619 = arith.addi %get3A_616, %add3A_618 : vector<16xi32>
      %swap3A_620 = arith.constant 23 : i32
      %swap3A_621 = arith.index_cast %swap3A_620 : i32 to index
      %swap3A_622 = arith.constant 16 : index
      %swap3A_623 = tpu.vector_load %arg9[%swap3A_621, %swap3A_622] {strides = array<i32>} : memref<26x32xi32, #tpu.memory_space<vmem>>, vector<1x16xi32>,
      %swap3A_624 = vector.shape_cast %swap3A_623 : vector<1x16xi32> to vector<16xi32>
      %swap3A_625 = vector.shape_cast %add3A_619 : vector<16xi32> to vector<1x16xi32>
      tpu.vector_store %arg9[%swap3A_621, %swap3A_622], %swap3A_625 {strides = array<i32>} : memref<26x32xi32, #tpu.memory_space<vmem>>, vector<1x16xi32>,
      %get3A_626 = arith.constant 24 : i32
      %get3A_627 = arith.index_cast %get3A_626 : i32 to index
      %get3A_628 = arith.constant 0 : index
      %get3A_629 = tpu.vector_load %arg9[%get3A_627, %get3A_628] {strides = array<i32>} : memref<26x32xi32, #tpu.memory_space<vmem>>, vector<1x16xi32>,
      %get3A_630 = vector.shape_cast %get3A_629 : vector<1x16xi32> to vector<16xi32>
      %add3A_631 = arith.constant 1100011 : i32
      %add3A_632 = vector.broadcast %add3A_631 : i32 to vector<16xi32>
      %add3A_633 = arith.addi %get3A_630, %add3A_632 : vector<16xi32>
      %swap3A_634 = arith.constant 24 : i32
      %swap3A_635 = arith.index_cast %swap3A_634 : i32 to index
      %swap3A_636 = arith.constant 0 : index
      %swap3A_637 = tpu.vector_load %arg9[%swap3A_635, %swap3A_636] {strides = array<i32>} : memref<26x32xi32, #tpu.memory_space<vmem>>, vector<1x16xi32>,
      %swap3A_638 = vector.shape_cast %swap3A_637 : vector<1x16xi32> to vector<16xi32>
      %swap3A_639 = vector.shape_cast %add3A_633 : vector<16xi32> to vector<1x16xi32>
      tpu.vector_store %arg9[%swap3A_635, %swap3A_636], %swap3A_639 {strides = array<i32>} : memref<26x32xi32, #tpu.memory_space<vmem>>, vector<1x16xi32>,
      %get3A_640 = arith.constant 24 : i32
      %get3A_641 = arith.index_cast %get3A_640 : i32 to index
      %get3A_642 = arith.constant 16 : index
      %get3A_643 = tpu.vector_load %arg9[%get3A_641, %get3A_642] {strides = array<i32>} : memref<26x32xi32, #tpu.memory_space<vmem>>, vector<1x16xi32>,
      %get3A_644 = vector.shape_cast %get3A_643 : vector<1x16xi32> to vector<16xi32>
      %add3A_645 = arith.constant 1100011 : i32
      %add3A_646 = vector.broadcast %add3A_645 : i32 to vector<16xi32>
      %add3A_647 = arith.addi %get3A_644, %add3A_646 : vector<16xi32>
      %swap3A_648 = arith.constant 24 : i32
      %swap3A_649 = arith.index_cast %swap3A_648 : i32 to index
      %swap3A_650 = arith.constant 16 : index
      %swap3A_651 = tpu.vector_load %arg9[%swap3A_649, %swap3A_650] {strides = array<i32>} : memref<26x32xi32, #tpu.memory_space<vmem>>, vector<1x16xi32>,
      %swap3A_652 = vector.shape_cast %swap3A_651 : vector<1x16xi32> to vector<16xi32>
      %swap3A_653 = vector.shape_cast %add3A_647 : vector<16xi32> to vector<1x16xi32>
      tpu.vector_store %arg9[%swap3A_649, %swap3A_650], %swap3A_653 {strides = array<i32>} : memref<26x32xi32, #tpu.memory_space<vmem>>, vector<1x16xi32>,
      %get3A_654 = arith.constant 25 : i32
      %get3A_655 = arith.index_cast %get3A_654 : i32 to index
      %get3A_656 = arith.constant 0 : index
      %get3A_657 = tpu.vector_load %arg9[%get3A_655, %get3A_656] {strides = array<i32>} : memref<26x32xi32, #tpu.memory_space<vmem>>, vector<1x16xi32>,
      %get3A_658 = vector.shape_cast %get3A_657 : vector<1x16xi32> to vector<16xi32>
      %add3A_659 = arith.constant 1200012 : i32
      %add3A_660 = vector.broadcast %add3A_659 : i32 to vector<16xi32>
      %add3A_661 = arith.addi %get3A_658, %add3A_660 : vector<16xi32>
      %swap3A_662 = arith.constant 25 : i32
      %swap3A_663 = arith.index_cast %swap3A_662 : i32 to index
      %swap3A_664 = arith.constant 0 : index
      %swap3A_665 = tpu.vector_load %arg9[%swap3A_663, %swap3A_664] {strides = array<i32>} : memref<26x32xi32, #tpu.memory_space<vmem>>, vector<1x16xi32>,
      %swap3A_666 = vector.shape_cast %swap3A_665 : vector<1x16xi32> to vector<16xi32>
      %swap3A_667 = vector.shape_cast %add3A_661 : vector<16xi32> to vector<1x16xi32>
      tpu.vector_store %arg9[%swap3A_663, %swap3A_664], %swap3A_667 {strides = array<i32>} : memref<26x32xi32, #tpu.memory_space<vmem>>, vector<1x16xi32>,
      %get3A_668 = arith.constant 25 : i32
      %get3A_669 = arith.index_cast %get3A_668 : i32 to index
      %get3A_670 = arith.constant 16 : index
      %get3A_671 = tpu.vector_load %arg9[%get3A_669, %get3A_670] {strides = array<i32>} : memref<26x32xi32, #tpu.memory_space<vmem>>, vector<1x16xi32>,
      %get3A_672 = vector.shape_cast %get3A_671 : vector<1x16xi32> to vector<16xi32>
      %add3A_673 = arith.constant 1200012 : i32
      %add3A_674 = vector.broadcast %add3A_673 : i32 to vector<16xi32>
      %add3A_675 = arith.addi %get3A_672, %add3A_674 : vector<16xi32>
      %swap3A_676 = arith.constant 25 : i32
      %swap3A_677 = arith.index_cast %swap3A_676 : i32 to index
      %swap3A_678 = arith.constant 16 : index
      %swap3A_679 = tpu.vector_load %arg9[%swap3A_677, %swap3A_678] {strides = array<i32>} : memref<26x32xi32, #tpu.memory_space<vmem>>, vector<1x16xi32>,
      %swap3A_680 = vector.shape_cast %swap3A_679 : vector<1x16xi32> to vector<16xi32>
      %swap3A_681 = vector.shape_cast %add3A_675 : vector<16xi32> to vector<1x16xi32>
      tpu.vector_store %arg9[%swap3A_677, %swap3A_678], %swap3A_681 {strides = array<i32>} : memref<26x32xi32, #tpu.memory_space<vmem>>, vector<1x16xi32>,
      %dma_start3A = arith.constant 0 : i32
      %dma_start3A_682 = arith.constant 0 : i32
      %dma_start3A_683 = arith.constant 0 : i32
      %dma_start3A_684 = tpu.memref_slice %arg10[%dma_start3A_682, %dma_start3A_683] : memref<832x32xf32, #tpu.memory_space<vmem>> -> memref<32x32xf32, #tpu.memory_space<vmem>>
      %dma_start3A_685 = arith.constant 0 : i32
      %dma_start3A_686 = tpu.memref_slice %arg9[%dma_start3A, %dma_start3A_685] : memref<26x32xi32, #tpu.memory_space<vmem>> -> memref<1x32xi32, #tpu.memory_space<vmem>>
      %dma_start3A_687 = tpu.memref_squeeze %dma_start3A_686 : memref<1x32xi32, #tpu.memory_space<vmem>> -> memref<32xi32, #tpu.memory_space<vmem>>
      %dma_start3A_688 = arith.constant 0 : i32
      %dma_start3A_689 = arith.constant 0 : i32
      %dma_start3A_690 = tpu.memref_slice %arg6[%dma_start3A_688, %dma_start3A_689] : memref<1300013x32xf32, #tpu.memory_space<hbm>> -> memref<1300013x32xf32, #tpu.memory_space<hbm>>
      tpu.enqueue_indirect_dma source(%dma_start3A_690 : memref<1300013x32xf32, #tpu.memory_space<hbm>>) target(%dma_start3A_684 : memref<32x32xf32, #tpu.memory_space<vmem>>) offsets(%dma_start3A_687 : memref<32xi32, #tpu.memory_space<vmem>>) semaphore(%arg15 : memref<!tpu.dma_semaphore, #tpu.memory_space<semaphore_mem>>)
      %dma_start3A_691 = arith.constant 1 : i32
      %dma_start3A_692 = arith.constant 32 : i32
      %dma_start3A_693 = arith.constant 0 : i32
      %dma_start3A_694 = tpu.memref_slice %arg10[%dma_start3A_692, %dma_start3A_693] : memref<832x32xf32, #tpu.memory_space<vmem>> -> memref<32x32xf32, #tpu.memory_space<vmem>>
      %dma_start3A_695 = arith.constant 0 : i32
      %dma_start3A_696 = tpu.memref_slice %arg9[%dma_start3A_691, %dma_start3A_695] : memref<26x32xi32, #tpu.memory_space<vmem>> -> memref<1x32xi32, #tpu.memory_space<vmem>>
      %dma_start3A_697 = tpu.memref_squeeze %dma_start3A_696 : memref<1x32xi32, #tpu.memory_space<vmem>> -> memref<32xi32, #tpu.memory_space<vmem>>
      %dma_start3A_698 = arith.constant 0 : i32
      %dma_start3A_699 = arith.constant 0 : i32
      %dma_start3A_700 = tpu.memref_slice %arg6[%dma_start3A_698, %dma_start3A_699] : memref<1300013x32xf32, #tpu.memory_space<hbm>> -> memref<1300013x32xf32, #tpu.memory_space<hbm>>
      tpu.enqueue_indirect_dma source(%dma_start3A_700 : memref<1300013x32xf32, #tpu.memory_space<hbm>>) target(%dma_start3A_694 : memref<32x32xf32, #tpu.memory_space<vmem>>) offsets(%dma_start3A_697 : memref<32xi32, #tpu.memory_space<vmem>>) semaphore(%arg15 : memref<!tpu.dma_semaphore, #tpu.memory_space<semaphore_mem>>)
      %dma_start3A_701 = arith.constant 2 : i32
      %dma_start3A_702 = arith.constant 64 : i32
      %dma_start3A_703 = arith.constant 0 : i32
      %dma_start3A_704 = tpu.memref_slice %arg10[%dma_start3A_702, %dma_start3A_703] : memref<832x32xf32, #tpu.memory_space<vmem>> -> memref<32x32xf32, #tpu.memory_space<vmem>>
      %dma_start3A_705 = arith.constant 0 : i32
      %dma_start3A_706 = tpu.memref_slice %arg9[%dma_start3A_701, %dma_start3A_705] : memref<26x32xi32, #tpu.memory_space<vmem>> -> memref<1x32xi32, #tpu.memory_space<vmem>>
      %dma_start3A_707 = tpu.memref_squeeze %dma_start3A_706 : memref<1x32xi32, #tpu.memory_space<vmem>> -> memref<32xi32, #tpu.memory_space<vmem>>
      %dma_start3A_708 = arith.constant 0 : i32
      %dma_start3A_709 = arith.constant 0 : i32
      %dma_start3A_710 = tpu.memref_slice %arg6[%dma_start3A_708, %dma_start3A_709] : memref<1300013x32xf32, #tpu.memory_space<hbm>> -> memref<1300013x32xf32, #tpu.memory_space<hbm>>
      tpu.enqueue_indirect_dma source(%dma_start3A_710 : memref<1300013x32xf32, #tpu.memory_space<hbm>>) target(%dma_start3A_704 : memref<32x32xf32, #tpu.memory_space<vmem>>) offsets(%dma_start3A_707 : memref<32xi32, #tpu.memory_space<vmem>>) semaphore(%arg15 : memref<!tpu.dma_semaphore, #tpu.memory_space<semaphore_mem>>)
      %dma_start3A_711 = arith.constant 3 : i32
      %dma_start3A_712 = arith.constant 96 : i32
      %dma_start3A_713 = arith.constant 0 : i32
      %dma_start3A_714 = tpu.memref_slice %arg10[%dma_start3A_712, %dma_start3A_713] : memref<832x32xf32, #tpu.memory_space<vmem>> -> memref<32x32xf32, #tpu.memory_space<vmem>>
      %dma_start3A_715 = arith.constant 0 : i32
      %dma_start3A_716 = tpu.memref_slice %arg9[%dma_start3A_711, %dma_start3A_715] : memref<26x32xi32, #tpu.memory_space<vmem>> -> memref<1x32xi32, #tpu.memory_space<vmem>>
      %dma_start3A_717 = tpu.memref_squeeze %dma_start3A_716 : memref<1x32xi32, #tpu.memory_space<vmem>> -> memref<32xi32, #tpu.memory_space<vmem>>
      %dma_start3A_718 = arith.constant 0 : i32
      %dma_start3A_719 = arith.constant 0 : i32
      %dma_start3A_720 = tpu.memref_slice %arg6[%dma_start3A_718, %dma_start3A_719] : memref<1300013x32xf32, #tpu.memory_space<hbm>> -> memref<1300013x32xf32, #tpu.memory_space<hbm>>
      tpu.enqueue_indirect_dma source(%dma_start3A_720 : memref<1300013x32xf32, #tpu.memory_space<hbm>>) target(%dma_start3A_714 : memref<32x32xf32, #tpu.memory_space<vmem>>) offsets(%dma_start3A_717 : memref<32xi32, #tpu.memory_space<vmem>>) semaphore(%arg15 : memref<!tpu.dma_semaphore, #tpu.memory_space<semaphore_mem>>)
      %dma_start3A_721 = arith.constant 4 : i32
      %dma_start3A_722 = arith.constant 128 : i32
      %dma_start3A_723 = arith.constant 0 : i32
      %dma_start3A_724 = tpu.memref_slice %arg10[%dma_start3A_722, %dma_start3A_723] : memref<832x32xf32, #tpu.memory_space<vmem>> -> memref<32x32xf32, #tpu.memory_space<vmem>>
      %dma_start3A_725 = arith.constant 0 : i32
      %dma_start3A_726 = tpu.memref_slice %arg9[%dma_start3A_721, %dma_start3A_725] : memref<26x32xi32, #tpu.memory_space<vmem>> -> memref<1x32xi32, #tpu.memory_space<vmem>>
      %dma_start3A_727 = tpu.memref_squeeze %dma_start3A_726 : memref<1x32xi32, #tpu.memory_space<vmem>> -> memref<32xi32, #tpu.memory_space<vmem>>
      %dma_start3A_728 = arith.constant 0 : i32
      %dma_start3A_729 = arith.constant 0 : i32
      %dma_start3A_730 = tpu.memref_slice %arg6[%dma_start3A_728, %dma_start3A_729] : memref<1300013x32xf32, #tpu.memory_space<hbm>> -> memref<1300013x32xf32, #tpu.memory_space<hbm>>
      tpu.enqueue_indirect_dma source(%dma_start3A_730 : memref<1300013x32xf32, #tpu.memory_space<hbm>>) target(%dma_start3A_724 : memref<32x32xf32, #tpu.memory_space<vmem>>) offsets(%dma_start3A_727 : memref<32xi32, #tpu.memory_space<vmem>>) semaphore(%arg15 : memref<!tpu.dma_semaphore, #tpu.memory_space<semaphore_mem>>)
      %dma_start3A_731 = arith.constant 5 : i32
      %dma_start3A_732 = arith.constant 160 : i32
      %dma_start3A_733 = arith.constant 0 : i32
      %dma_start3A_734 = tpu.memref_slice %arg10[%dma_start3A_732, %dma_start3A_733] : memref<832x32xf32, #tpu.memory_space<vmem>> -> memref<32x32xf32, #tpu.memory_space<vmem>>
      %dma_start3A_735 = arith.constant 0 : i32
      %dma_start3A_736 = tpu.memref_slice %arg9[%dma_start3A_731, %dma_start3A_735] : memref<26x32xi32, #tpu.memory_space<vmem>> -> memref<1x32xi32, #tpu.memory_space<vmem>>
      %dma_start3A_737 = tpu.memref_squeeze %dma_start3A_736 : memref<1x32xi32, #tpu.memory_space<vmem>> -> memref<32xi32, #tpu.memory_space<vmem>>
      %dma_start3A_738 = arith.constant 0 : i32
      %dma_start3A_739 = arith.constant 0 : i32
      %dma_start3A_740 = tpu.memref_slice %arg6[%dma_start3A_738, %dma_start3A_739] : memref<1300013x32xf32, #tpu.memory_space<hbm>> -> memref<1300013x32xf32, #tpu.memory_space<hbm>>
      tpu.enqueue_indirect_dma source(%dma_start3A_740 : memref<1300013x32xf32, #tpu.memory_space<hbm>>) target(%dma_start3A_734 : memref<32x32xf32, #tpu.memory_space<vmem>>) offsets(%dma_start3A_737 : memref<32xi32, #tpu.memory_space<vmem>>) semaphore(%arg15 : memref<!tpu.dma_semaphore, #tpu.memory_space<semaphore_mem>>)
      %dma_start3A_741 = arith.constant 6 : i32
      %dma_start3A_742 = arith.constant 192 : i32
      %dma_start3A_743 = arith.constant 0 : i32
      %dma_start3A_744 = tpu.memref_slice %arg10[%dma_start3A_742, %dma_start3A_743] : memref<832x32xf32, #tpu.memory_space<vmem>> -> memref<32x32xf32, #tpu.memory_space<vmem>>
      %dma_start3A_745 = arith.constant 0 : i32
      %dma_start3A_746 = tpu.memref_slice %arg9[%dma_start3A_741, %dma_start3A_745] : memref<26x32xi32, #tpu.memory_space<vmem>> -> memref<1x32xi32, #tpu.memory_space<vmem>>
      %dma_start3A_747 = tpu.memref_squeeze %dma_start3A_746 : memref<1x32xi32, #tpu.memory_space<vmem>> -> memref<32xi32, #tpu.memory_space<vmem>>
      %dma_start3A_748 = arith.constant 0 : i32
      %dma_start3A_749 = arith.constant 0 : i32
      %dma_start3A_750 = tpu.memref_slice %arg6[%dma_start3A_748, %dma_start3A_749] : memref<1300013x32xf32, #tpu.memory_space<hbm>> -> memref<1300013x32xf32, #tpu.memory_space<hbm>>
      tpu.enqueue_indirect_dma source(%dma_start3A_750 : memref<1300013x32xf32, #tpu.memory_space<hbm>>) target(%dma_start3A_744 : memref<32x32xf32, #tpu.memory_space<vmem>>) offsets(%dma_start3A_747 : memref<32xi32, #tpu.memory_space<vmem>>) semaphore(%arg15 : memref<!tpu.dma_semaphore, #tpu.memory_space<semaphore_mem>>)
      %dma_start3A_751 = arith.constant 7 : i32
      %dma_start3A_752 = arith.constant 224 : i32
      %dma_start3A_753 = arith.constant 0 : i32
      %dma_start3A_754 = tpu.memref_slice %arg10[%dma_start3A_752, %dma_start3A_753] : memref<832x32xf32, #tpu.memory_space<vmem>> -> memref<32x32xf32, #tpu.memory_space<vmem>>
      %dma_start3A_755 = arith.constant 0 : i32
      %dma_start3A_756 = tpu.memref_slice %arg9[%dma_start3A_751, %dma_start3A_755] : memref<26x32xi32, #tpu.memory_space<vmem>> -> memref<1x32xi32, #tpu.memory_space<vmem>>
      %dma_start3A_757 = tpu.memref_squeeze %dma_start3A_756 : memref<1x32xi32, #tpu.memory_space<vmem>> -> memref<32xi32, #tpu.memory_space<vmem>>
      %dma_start3A_758 = arith.constant 0 : i32
      %dma_start3A_759 = arith.constant 0 : i32
      %dma_start3A_760 = tpu.memref_slice %arg6[%dma_start3A_758, %dma_start3A_759] : memref<1300013x32xf32, #tpu.memory_space<hbm>> -> memref<1300013x32xf32, #tpu.memory_space<hbm>>
      tpu.enqueue_indirect_dma source(%dma_start3A_760 : memref<1300013x32xf32, #tpu.memory_space<hbm>>) target(%dma_start3A_754 : memref<32x32xf32, #tpu.memory_space<vmem>>) offsets(%dma_start3A_757 : memref<32xi32, #tpu.memory_space<vmem>>) semaphore(%arg15 : memref<!tpu.dma_semaphore, #tpu.memory_space<semaphore_mem>>)
      %dma_start3A_761 = arith.constant 8 : i32
      %dma_start3A_762 = arith.constant 256 : i32
      %dma_start3A_763 = arith.constant 0 : i32
      %dma_start3A_764 = tpu.memref_slice %arg10[%dma_start3A_762, %dma_start3A_763] : memref<832x32xf32, #tpu.memory_space<vmem>> -> memref<32x32xf32, #tpu.memory_space<vmem>>
      %dma_start3A_765 = arith.constant 0 : i32
      %dma_start3A_766 = tpu.memref_slice %arg9[%dma_start3A_761, %dma_start3A_765] : memref<26x32xi32, #tpu.memory_space<vmem>> -> memref<1x32xi32, #tpu.memory_space<vmem>>
      %dma_start3A_767 = tpu.memref_squeeze %dma_start3A_766 : memref<1x32xi32, #tpu.memory_space<vmem>> -> memref<32xi32, #tpu.memory_space<vmem>>
      %dma_start3A_768 = arith.constant 0 : i32
      %dma_start3A_769 = arith.constant 0 : i32
      %dma_start3A_770 = tpu.memref_slice %arg6[%dma_start3A_768, %dma_start3A_769] : memref<1300013x32xf32, #tpu.memory_space<hbm>> -> memref<1300013x32xf32, #tpu.memory_space<hbm>>
      tpu.enqueue_indirect_dma source(%dma_start3A_770 : memref<1300013x32xf32, #tpu.memory_space<hbm>>) target(%dma_start3A_764 : memref<32x32xf32, #tpu.memory_space<vmem>>) offsets(%dma_start3A_767 : memref<32xi32, #tpu.memory_space<vmem>>) semaphore(%arg15 : memref<!tpu.dma_semaphore, #tpu.memory_space<semaphore_mem>>)
      %dma_start3A_771 = arith.constant 9 : i32
      %dma_start3A_772 = arith.constant 288 : i32
      %dma_start3A_773 = arith.constant 0 : i32
      %dma_start3A_774 = tpu.memref_slice %arg10[%dma_start3A_772, %dma_start3A_773] : memref<832x32xf32, #tpu.memory_space<vmem>> -> memref<32x32xf32, #tpu.memory_space<vmem>>
      %dma_start3A_775 = arith.constant 0 : i32
      %dma_start3A_776 = tpu.memref_slice %arg9[%dma_start3A_771, %dma_start3A_775] : memref<26x32xi32, #tpu.memory_space<vmem>> -> memref<1x32xi32, #tpu.memory_space<vmem>>
      %dma_start3A_777 = tpu.memref_squeeze %dma_start3A_776 : memref<1x32xi32, #tpu.memory_space<vmem>> -> memref<32xi32, #tpu.memory_space<vmem>>
      %dma_start3A_778 = arith.constant 0 : i32
      %dma_start3A_779 = arith.constant 0 : i32
      %dma_start3A_780 = tpu.memref_slice %arg6[%dma_start3A_778, %dma_start3A_779] : memref<1300013x32xf32, #tpu.memory_space<hbm>> -> memref<1300013x32xf32, #tpu.memory_space<hbm>>
      tpu.enqueue_indirect_dma source(%dma_start3A_780 : memref<1300013x32xf32, #tpu.memory_space<hbm>>) target(%dma_start3A_774 : memref<32x32xf32, #tpu.memory_space<vmem>>) offsets(%dma_start3A_777 : memref<32xi32, #tpu.memory_space<vmem>>) semaphore(%arg15 : memref<!tpu.dma_semaphore, #tpu.memory_space<semaphore_mem>>)
      %dma_start3A_781 = arith.constant 10 : i32
      %dma_start3A_782 = arith.constant 320 : i32
      %dma_start3A_783 = arith.constant 0 : i32
      %dma_start3A_784 = tpu.memref_slice %arg10[%dma_start3A_782, %dma_start3A_783] : memref<832x32xf32, #tpu.memory_space<vmem>> -> memref<32x32xf32, #tpu.memory_space<vmem>>
      %dma_start3A_785 = arith.constant 0 : i32
      %dma_start3A_786 = tpu.memref_slice %arg9[%dma_start3A_781, %dma_start3A_785] : memref<26x32xi32, #tpu.memory_space<vmem>> -> memref<1x32xi32, #tpu.memory_space<vmem>>
      %dma_start3A_787 = tpu.memref_squeeze %dma_start3A_786 : memref<1x32xi32, #tpu.memory_space<vmem>> -> memref<32xi32, #tpu.memory_space<vmem>>
      %dma_start3A_788 = arith.constant 0 : i32
      %dma_start3A_789 = arith.constant 0 : i32
      %dma_start3A_790 = tpu.memref_slice %arg6[%dma_start3A_788, %dma_start3A_789] : memref<1300013x32xf32, #tpu.memory_space<hbm>> -> memref<1300013x32xf32, #tpu.memory_space<hbm>>
      tpu.enqueue_indirect_dma source(%dma_start3A_790 : memref<1300013x32xf32, #tpu.memory_space<hbm>>) target(%dma_start3A_784 : memref<32x32xf32, #tpu.memory_space<vmem>>) offsets(%dma_start3A_787 : memref<32xi32, #tpu.memory_space<vmem>>) semaphore(%arg15 : memref<!tpu.dma_semaphore, #tpu.memory_space<semaphore_mem>>)
      %dma_start3A_791 = arith.constant 11 : i32
      %dma_start3A_792 = arith.constant 352 : i32
      %dma_start3A_793 = arith.constant 0 : i32
      %dma_start3A_794 = tpu.memref_slice %arg10[%dma_start3A_792, %dma_start3A_793] : memref<832x32xf32, #tpu.memory_space<vmem>> -> memref<32x32xf32, #tpu.memory_space<vmem>>
      %dma_start3A_795 = arith.constant 0 : i32
      %dma_start3A_796 = tpu.memref_slice %arg9[%dma_start3A_791, %dma_start3A_795] : memref<26x32xi32, #tpu.memory_space<vmem>> -> memref<1x32xi32, #tpu.memory_space<vmem>>
      %dma_start3A_797 = tpu.memref_squeeze %dma_start3A_796 : memref<1x32xi32, #tpu.memory_space<vmem>> -> memref<32xi32, #tpu.memory_space<vmem>>
      %dma_start3A_798 = arith.constant 0 : i32
      %dma_start3A_799 = arith.constant 0 : i32
      %dma_start3A_800 = tpu.memref_slice %arg6[%dma_start3A_798, %dma_start3A_799] : memref<1300013x32xf32, #tpu.memory_space<hbm>> -> memref<1300013x32xf32, #tpu.memory_space<hbm>>
      tpu.enqueue_indirect_dma source(%dma_start3A_800 : memref<1300013x32xf32, #tpu.memory_space<hbm>>) target(%dma_start3A_794 : memref<32x32xf32, #tpu.memory_space<vmem>>) offsets(%dma_start3A_797 : memref<32xi32, #tpu.memory_space<vmem>>) semaphore(%arg15 : memref<!tpu.dma_semaphore, #tpu.memory_space<semaphore_mem>>)
      %dma_start3A_801 = arith.constant 12 : i32
      %dma_start3A_802 = arith.constant 384 : i32
      %dma_start3A_803 = arith.constant 0 : i32
      %dma_start3A_804 = tpu.memref_slice %arg10[%dma_start3A_802, %dma_start3A_803] : memref<832x32xf32, #tpu.memory_space<vmem>> -> memref<32x32xf32, #tpu.memory_space<vmem>>
      %dma_start3A_805 = arith.constant 0 : i32
      %dma_start3A_806 = tpu.memref_slice %arg9[%dma_start3A_801, %dma_start3A_805] : memref<26x32xi32, #tpu.memory_space<vmem>> -> memref<1x32xi32, #tpu.memory_space<vmem>>
      %dma_start3A_807 = tpu.memref_squeeze %dma_start3A_806 : memref<1x32xi32, #tpu.memory_space<vmem>> -> memref<32xi32, #tpu.memory_space<vmem>>
      %dma_start3A_808 = arith.constant 0 : i32
      %dma_start3A_809 = arith.constant 0 : i32
      %dma_start3A_810 = tpu.memref_slice %arg6[%dma_start3A_808, %dma_start3A_809] : memref<1300013x32xf32, #tpu.memory_space<hbm>> -> memref<1300013x32xf32, #tpu.memory_space<hbm>>
      tpu.enqueue_indirect_dma source(%dma_start3A_810 : memref<1300013x32xf32, #tpu.memory_space<hbm>>) target(%dma_start3A_804 : memref<32x32xf32, #tpu.memory_space<vmem>>) offsets(%dma_start3A_807 : memref<32xi32, #tpu.memory_space<vmem>>) semaphore(%arg15 : memref<!tpu.dma_semaphore, #tpu.memory_space<semaphore_mem>>)
      %dma_start3A_811 = arith.constant 13 : i32
      %dma_start3A_812 = arith.constant 416 : i32
      %dma_start3A_813 = arith.constant 0 : i32
      %dma_start3A_814 = tpu.memref_slice %arg10[%dma_start3A_812, %dma_start3A_813] : memref<832x32xf32, #tpu.memory_space<vmem>> -> memref<32x32xf32, #tpu.memory_space<vmem>>
      %dma_start3A_815 = arith.constant 0 : i32
      %dma_start3A_816 = tpu.memref_slice %arg9[%dma_start3A_811, %dma_start3A_815] : memref<26x32xi32, #tpu.memory_space<vmem>> -> memref<1x32xi32, #tpu.memory_space<vmem>>
      %dma_start3A_817 = tpu.memref_squeeze %dma_start3A_816 : memref<1x32xi32, #tpu.memory_space<vmem>> -> memref<32xi32, #tpu.memory_space<vmem>>
      %dma_start3A_818 = arith.constant 0 : i32
      %dma_start3A_819 = arith.constant 0 : i32
      %dma_start3A_820 = tpu.memref_slice %arg7[%dma_start3A_818, %dma_start3A_819] : memref<1300013x32xf32, #tpu.memory_space<hbm>> -> memref<1300013x32xf32, #tpu.memory_space<hbm>>
      tpu.enqueue_indirect_dma source(%dma_start3A_820 : memref<1300013x32xf32, #tpu.memory_space<hbm>>) target(%dma_start3A_814 : memref<32x32xf32, #tpu.memory_space<vmem>>) offsets(%dma_start3A_817 : memref<32xi32, #tpu.memory_space<vmem>>) semaphore(%arg15 : memref<!tpu.dma_semaphore, #tpu.memory_space<semaphore_mem>>)
      %dma_start3A_821 = arith.constant 14 : i32
      %dma_start3A_822 = arith.constant 448 : i32
      %dma_start3A_823 = arith.constant 0 : i32
      %dma_start3A_824 = tpu.memref_slice %arg10[%dma_start3A_822, %dma_start3A_823] : memref<832x32xf32, #tpu.memory_space<vmem>> -> memref<32x32xf32, #tpu.memory_space<vmem>>
      %dma_start3A_825 = arith.constant 0 : i32
      %dma_start3A_826 = tpu.memref_slice %arg9[%dma_start3A_821, %dma_start3A_825] : memref<26x32xi32, #tpu.memory_space<vmem>> -> memref<1x32xi32, #tpu.memory_space<vmem>>
      %dma_start3A_827 = tpu.memref_squeeze %dma_start3A_826 : memref<1x32xi32, #tpu.memory_space<vmem>> -> memref<32xi32, #tpu.memory_space<vmem>>
      %dma_start3A_828 = arith.constant 0 : i32
      %dma_start3A_829 = arith.constant 0 : i32
      %dma_start3A_830 = tpu.memref_slice %arg7[%dma_start3A_828, %dma_start3A_829] : memref<1300013x32xf32, #tpu.memory_space<hbm>> -> memref<1300013x32xf32, #tpu.memory_space<hbm>>
      tpu.enqueue_indirect_dma source(%dma_start3A_830 : memref<1300013x32xf32, #tpu.memory_space<hbm>>) target(%dma_start3A_824 : memref<32x32xf32, #tpu.memory_space<vmem>>) offsets(%dma_start3A_827 : memref<32xi32, #tpu.memory_space<vmem>>) semaphore(%arg15 : memref<!tpu.dma_semaphore, #tpu.memory_space<semaphore_mem>>)
      %dma_start3A_831 = arith.constant 15 : i32
      %dma_start3A_832 = arith.constant 480 : i32
      %dma_start3A_833 = arith.constant 0 : i32
      %dma_start3A_834 = tpu.memref_slice %arg10[%dma_start3A_832, %dma_start3A_833] : memref<832x32xf32, #tpu.memory_space<vmem>> -> memref<32x32xf32, #tpu.memory_space<vmem>>
      %dma_start3A_835 = arith.constant 0 : i32
      %dma_start3A_836 = tpu.memref_slice %arg9[%dma_start3A_831, %dma_start3A_835] : memref<26x32xi32, #tpu.memory_space<vmem>> -> memref<1x32xi32, #tpu.memory_space<vmem>>
      %dma_start3A_837 = tpu.memref_squeeze %dma_start3A_836 : memref<1x32xi32, #tpu.memory_space<vmem>> -> memref<32xi32, #tpu.memory_space<vmem>>
      %dma_start3A_838 = arith.constant 0 : i32
      %dma_start3A_839 = arith.constant 0 : i32
      %dma_start3A_840 = tpu.memref_slice %arg7[%dma_start3A_838, %dma_start3A_839] : memref<1300013x32xf32, #tpu.memory_space<hbm>> -> memref<1300013x32xf32, #tpu.memory_space<hbm>>
      tpu.enqueue_indirect_dma source(%dma_start3A_840 : memref<1300013x32xf32, #tpu.memory_space<hbm>>) target(%dma_start3A_834 : memref<32x32xf32, #tpu.memory_space<vmem>>) offsets(%dma_start3A_837 : memref<32xi32, #tpu.memory_space<vmem>>) semaphore(%arg15 : memref<!tpu.dma_semaphore, #tpu.memory_space<semaphore_mem>>)
      %dma_start3A_841 = arith.constant 16 : i32
      %dma_start3A_842 = arith.constant 512 : i32
      %dma_start3A_843 = arith.constant 0 : i32
      %dma_start3A_844 = tpu.memref_slice %arg10[%dma_start3A_842, %dma_start3A_843] : memref<832x32xf32, #tpu.memory_space<vmem>> -> memref<32x32xf32, #tpu.memory_space<vmem>>
      %dma_start3A_845 = arith.constant 0 : i32
      %dma_start3A_846 = tpu.memref_slice %arg9[%dma_start3A_841, %dma_start3A_845] : memref<26x32xi32, #tpu.memory_space<vmem>> -> memref<1x32xi32, #tpu.memory_space<vmem>>
      %dma_start3A_847 = tpu.memref_squeeze %dma_start3A_846 : memref<1x32xi32, #tpu.memory_space<vmem>> -> memref<32xi32, #tpu.memory_space<vmem>>
      %dma_start3A_848 = arith.constant 0 : i32
      %dma_start3A_849 = arith.constant 0 : i32
      %dma_start3A_850 = tpu.memref_slice %arg7[%dma_start3A_848, %dma_start3A_849] : memref<1300013x32xf32, #tpu.memory_space<hbm>> -> memref<1300013x32xf32, #tpu.memory_space<hbm>>
      tpu.enqueue_indirect_dma source(%dma_start3A_850 : memref<1300013x32xf32, #tpu.memory_space<hbm>>) target(%dma_start3A_844 : memref<32x32xf32, #tpu.memory_space<vmem>>) offsets(%dma_start3A_847 : memref<32xi32, #tpu.memory_space<vmem>>) semaphore(%arg15 : memref<!tpu.dma_semaphore, #tpu.memory_space<semaphore_mem>>)
      %dma_start3A_851 = arith.constant 17 : i32
      %dma_start3A_852 = arith.constant 544 : i32
      %dma_start3A_853 = arith.constant 0 : i32
      %dma_start3A_854 = tpu.memref_slice %arg10[%dma_start3A_852, %dma_start3A_853] : memref<832x32xf32, #tpu.memory_space<vmem>> -> memref<32x32xf32, #tpu.memory_space<vmem>>
      %dma_start3A_855 = arith.constant 0 : i32
      %dma_start3A_856 = tpu.memref_slice %arg9[%dma_start3A_851, %dma_start3A_855] : memref<26x32xi32, #tpu.memory_space<vmem>> -> memref<1x32xi32, #tpu.memory_space<vmem>>
      %dma_start3A_857 = tpu.memref_squeeze %dma_start3A_856 : memref<1x32xi32, #tpu.memory_space<vmem>> -> memref<32xi32, #tpu.memory_space<vmem>>
      %dma_start3A_858 = arith.constant 0 : i32
      %dma_start3A_859 = arith.constant 0 : i32
      %dma_start3A_860 = tpu.memref_slice %arg7[%dma_start3A_858, %dma_start3A_859] : memref<1300013x32xf32, #tpu.memory_space<hbm>> -> memref<1300013x32xf32, #tpu.memory_space<hbm>>
      tpu.enqueue_indirect_dma source(%dma_start3A_860 : memref<1300013x32xf32, #tpu.memory_space<hbm>>) target(%dma_start3A_854 : memref<32x32xf32, #tpu.memory_space<vmem>>) offsets(%dma_start3A_857 : memref<32xi32, #tpu.memory_space<vmem>>) semaphore(%arg15 : memref<!tpu.dma_semaphore, #tpu.memory_space<semaphore_mem>>)
      %dma_start3A_861 = arith.constant 18 : i32
      %dma_start3A_862 = arith.constant 576 : i32
      %dma_start3A_863 = arith.constant 0 : i32
      %dma_start3A_864 = tpu.memref_slice %arg10[%dma_start3A_862, %dma_start3A_863] : memref<832x32xf32, #tpu.memory_space<vmem>> -> memref<32x32xf32, #tpu.memory_space<vmem>>
      %dma_start3A_865 = arith.constant 0 : i32
      %dma_start3A_866 = tpu.memref_slice %arg9[%dma_start3A_861, %dma_start3A_865] : memref<26x32xi32, #tpu.memory_space<vmem>> -> memref<1x32xi32, #tpu.memory_space<vmem>>
      %dma_start3A_867 = tpu.memref_squeeze %dma_start3A_866 : memref<1x32xi32, #tpu.memory_space<vmem>> -> memref<32xi32, #tpu.memory_space<vmem>>
      %dma_start3A_868 = arith.constant 0 : i32
      %dma_start3A_869 = arith.constant 0 : i32
      %dma_start3A_870 = tpu.memref_slice %arg7[%dma_start3A_868, %dma_start3A_869] : memref<1300013x32xf32, #tpu.memory_space<hbm>> -> memref<1300013x32xf32, #tpu.memory_space<hbm>>
      tpu.enqueue_indirect_dma source(%dma_start3A_870 : memref<1300013x32xf32, #tpu.memory_space<hbm>>) target(%dma_start3A_864 : memref<32x32xf32, #tpu.memory_space<vmem>>) offsets(%dma_start3A_867 : memref<32xi32, #tpu.memory_space<vmem>>) semaphore(%arg15 : memref<!tpu.dma_semaphore, #tpu.memory_space<semaphore_mem>>)
      %dma_start3A_871 = arith.constant 19 : i32
      %dma_start3A_872 = arith.constant 608 : i32
      %dma_start3A_873 = arith.constant 0 : i32
      %dma_start3A_874 = tpu.memref_slice %arg10[%dma_start3A_872, %dma_start3A_873] : memref<832x32xf32, #tpu.memory_space<vmem>> -> memref<32x32xf32, #tpu.memory_space<vmem>>
      %dma_start3A_875 = arith.constant 0 : i32
      %dma_start3A_876 = tpu.memref_slice %arg9[%dma_start3A_871, %dma_start3A_875] : memref<26x32xi32, #tpu.memory_space<vmem>> -> memref<1x32xi32, #tpu.memory_space<vmem>>
      %dma_start3A_877 = tpu.memref_squeeze %dma_start3A_876 : memref<1x32xi32, #tpu.memory_space<vmem>> -> memref<32xi32, #tpu.memory_space<vmem>>
      %dma_start3A_878 = arith.constant 0 : i32
      %dma_start3A_879 = arith.constant 0 : i32
      %dma_start3A_880 = tpu.memref_slice %arg7[%dma_start3A_878, %dma_start3A_879] : memref<1300013x32xf32, #tpu.memory_space<hbm>> -> memref<1300013x32xf32, #tpu.memory_space<hbm>>
      tpu.enqueue_indirect_dma source(%dma_start3A_880 : memref<1300013x32xf32, #tpu.memory_space<hbm>>) target(%dma_start3A_874 : memref<32x32xf32, #tpu.memory_space<vmem>>) offsets(%dma_start3A_877 : memref<32xi32, #tpu.memory_space<vmem>>) semaphore(%arg15 : memref<!tpu.dma_semaphore, #tpu.memory_space<semaphore_mem>>)
      %dma_start3A_881 = arith.constant 20 : i32
      %dma_start3A_882 = arith.constant 640 : i32
      %dma_start3A_883 = arith.constant 0 : i32
      %dma_start3A_884 = tpu.memref_slice %arg10[%dma_start3A_882, %dma_start3A_883] : memref<832x32xf32, #tpu.memory_space<vmem>> -> memref<32x32xf32, #tpu.memory_space<vmem>>
      %dma_start3A_885 = arith.constant 0 : i32
      %dma_start3A_886 = tpu.memref_slice %arg9[%dma_start3A_881, %dma_start3A_885] : memref<26x32xi32, #tpu.memory_space<vmem>> -> memref<1x32xi32, #tpu.memory_space<vmem>>
      %dma_start3A_887 = tpu.memref_squeeze %dma_start3A_886 : memref<1x32xi32, #tpu.memory_space<vmem>> -> memref<32xi32, #tpu.memory_space<vmem>>
      %dma_start3A_888 = arith.constant 0 : i32
      %dma_start3A_889 = arith.constant 0 : i32
      %dma_start3A_890 = tpu.memref_slice %arg7[%dma_start3A_888, %dma_start3A_889] : memref<1300013x32xf32, #tpu.memory_space<hbm>> -> memref<1300013x32xf32, #tpu.memory_space<hbm>>
      tpu.enqueue_indirect_dma source(%dma_start3A_890 : memref<1300013x32xf32, #tpu.memory_space<hbm>>) target(%dma_start3A_884 : memref<32x32xf32, #tpu.memory_space<vmem>>) offsets(%dma_start3A_887 : memref<32xi32, #tpu.memory_space<vmem>>) semaphore(%arg15 : memref<!tpu.dma_semaphore, #tpu.memory_space<semaphore_mem>>)
      %dma_start3A_891 = arith.constant 21 : i32
      %dma_start3A_892 = arith.constant 672 : i32
      %dma_start3A_893 = arith.constant 0 : i32
      %dma_start3A_894 = tpu.memref_slice %arg10[%dma_start3A_892, %dma_start3A_893] : memref<832x32xf32, #tpu.memory_space<vmem>> -> memref<32x32xf32, #tpu.memory_space<vmem>>
      %dma_start3A_895 = arith.constant 0 : i32
      %dma_start3A_896 = tpu.memref_slice %arg9[%dma_start3A_891, %dma_start3A_895] : memref<26x32xi32, #tpu.memory_space<vmem>> -> memref<1x32xi32, #tpu.memory_space<vmem>>
      %dma_start3A_897 = tpu.memref_squeeze %dma_start3A_896 : memref<1x32xi32, #tpu.memory_space<vmem>> -> memref<32xi32, #tpu.memory_space<vmem>>
      %dma_start3A_898 = arith.constant 0 : i32
      %dma_start3A_899 = arith.constant 0 : i32
      %dma_start3A_900 = tpu.memref_slice %arg7[%dma_start3A_898, %dma_start3A_899] : memref<1300013x32xf32, #tpu.memory_space<hbm>> -> memref<1300013x32xf32, #tpu.memory_space<hbm>>
      tpu.enqueue_indirect_dma source(%dma_start3A_900 : memref<1300013x32xf32, #tpu.memory_space<hbm>>) target(%dma_start3A_894 : memref<32x32xf32, #tpu.memory_space<vmem>>) offsets(%dma_start3A_897 : memref<32xi32, #tpu.memory_space<vmem>>) semaphore(%arg15 : memref<!tpu.dma_semaphore, #tpu.memory_space<semaphore_mem>>)
      %dma_start3A_901 = arith.constant 22 : i32
      %dma_start3A_902 = arith.constant 704 : i32
      %dma_start3A_903 = arith.constant 0 : i32
      %dma_start3A_904 = tpu.memref_slice %arg10[%dma_start3A_902, %dma_start3A_903] : memref<832x32xf32, #tpu.memory_space<vmem>> -> memref<32x32xf32, #tpu.memory_space<vmem>>
      %dma_start3A_905 = arith.constant 0 : i32
      %dma_start3A_906 = tpu.memref_slice %arg9[%dma_start3A_901, %dma_start3A_905] : memref<26x32xi32, #tpu.memory_space<vmem>> -> memref<1x32xi32, #tpu.memory_space<vmem>>
      %dma_start3A_907 = tpu.memref_squeeze %dma_start3A_906 : memref<1x32xi32, #tpu.memory_space<vmem>> -> memref<32xi32, #tpu.memory_space<vmem>>
      %dma_start3A_908 = arith.constant 0 : i32
      %dma_start3A_909 = arith.constant 0 : i32
      %dma_start3A_910 = tpu.memref_slice %arg7[%dma_start3A_908, %dma_start3A_909] : memref<1300013x32xf32, #tpu.memory_space<hbm>> -> memref<1300013x32xf32, #tpu.memory_space<hbm>>
      tpu.enqueue_indirect_dma source(%dma_start3A_910 : memref<1300013x32xf32, #tpu.memory_space<hbm>>) target(%dma_start3A_904 : memref<32x32xf32, #tpu.memory_space<vmem>>) offsets(%dma_start3A_907 : memref<32xi32, #tpu.memory_space<vmem>>) semaphore(%arg15 : memref<!tpu.dma_semaphore, #tpu.memory_space<semaphore_mem>>)
      %dma_start3A_911 = arith.constant 23 : i32
      %dma_start3A_912 = arith.constant 736 : i32
      %dma_start3A_913 = arith.constant 0 : i32
      %dma_start3A_914 = tpu.memref_slice %arg10[%dma_start3A_912, %dma_start3A_913] : memref<832x32xf32, #tpu.memory_space<vmem>> -> memref<32x32xf32, #tpu.memory_space<vmem>>
      %dma_start3A_915 = arith.constant 0 : i32
      %dma_start3A_916 = tpu.memref_slice %arg9[%dma_start3A_911, %dma_start3A_915] : memref<26x32xi32, #tpu.memory_space<vmem>> -> memref<1x32xi32, #tpu.memory_space<vmem>>
      %dma_start3A_917 = tpu.memref_squeeze %dma_start3A_916 : memref<1x32xi32, #tpu.memory_space<vmem>> -> memref<32xi32, #tpu.memory_space<vmem>>
      %dma_start3A_918 = arith.constant 0 : i32
      %dma_start3A_919 = arith.constant 0 : i32
      %dma_start3A_920 = tpu.memref_slice %arg7[%dma_start3A_918, %dma_start3A_919] : memref<1300013x32xf32, #tpu.memory_space<hbm>> -> memref<1300013x32xf32, #tpu.memory_space<hbm>>
      tpu.enqueue_indirect_dma source(%dma_start3A_920 : memref<1300013x32xf32, #tpu.memory_space<hbm>>) target(%dma_start3A_914 : memref<32x32xf32, #tpu.memory_space<vmem>>) offsets(%dma_start3A_917 : memref<32xi32, #tpu.memory_space<vmem>>) semaphore(%arg15 : memref<!tpu.dma_semaphore, #tpu.memory_space<semaphore_mem>>)
      %dma_start3A_921 = arith.constant 24 : i32
      %dma_start3A_922 = arith.constant 768 : i32
      %dma_start3A_923 = arith.constant 0 : i32
      %dma_start3A_924 = tpu.memref_slice %arg10[%dma_start3A_922, %dma_start3A_923] : memref<832x32xf32, #tpu.memory_space<vmem>> -> memref<32x32xf32, #tpu.memory_space<vmem>>
      %dma_start3A_925 = arith.constant 0 : i32
      %dma_start3A_926 = tpu.memref_slice %arg9[%dma_start3A_921, %dma_start3A_925] : memref<26x32xi32, #tpu.memory_space<vmem>> -> memref<1x32xi32, #tpu.memory_space<vmem>>
      %dma_start3A_927 = tpu.memref_squeeze %dma_start3A_926 : memref<1x32xi32, #tpu.memory_space<vmem>> -> memref<32xi32, #tpu.memory_space<vmem>>
      %dma_start3A_928 = arith.constant 0 : i32
      %dma_start3A_929 = arith.constant 0 : i32
      %dma_start3A_930 = tpu.memref_slice %arg7[%dma_start3A_928, %dma_start3A_929] : memref<1300013x32xf32, #tpu.memory_space<hbm>> -> memref<1300013x32xf32, #tpu.memory_space<hbm>>
      tpu.enqueue_indirect_dma source(%dma_start3A_930 : memref<1300013x32xf32, #tpu.memory_space<hbm>>) target(%dma_start3A_924 : memref<32x32xf32, #tpu.memory_space<vmem>>) offsets(%dma_start3A_927 : memref<32xi32, #tpu.memory_space<vmem>>) semaphore(%arg15 : memref<!tpu.dma_semaphore, #tpu.memory_space<semaphore_mem>>)
      %dma_start3A_931 = arith.constant 25 : i32
      %dma_start3A_932 = arith.constant 800 : i32
      %dma_start3A_933 = arith.constant 0 : i32
      %dma_start3A_934 = tpu.memref_slice %arg10[%dma_start3A_932, %dma_start3A_933] : memref<832x32xf32, #tpu.memory_space<vmem>> -> memref<32x32xf32, #tpu.memory_space<vmem>>
      %dma_start3A_935 = arith.constant 0 : i32
      %dma_start3A_936 = tpu.memref_slice %arg9[%dma_start3A_931, %dma_start3A_935] : memref<26x32xi32, #tpu.memory_space<vmem>> -> memref<1x32xi32, #tpu.memory_space<vmem>>
      %dma_start3A_937 = tpu.memref_squeeze %dma_start3A_936 : memref<1x32xi32, #tpu.memory_space<vmem>> -> memref<32xi32, #tpu.memory_space<vmem>>
      %dma_start3A_938 = arith.constant 0 : i32
      %dma_start3A_939 = arith.constant 0 : i32
      %dma_start3A_940 = tpu.memref_slice %arg7[%dma_start3A_938, %dma_start3A_939] : memref<1300013x32xf32, #tpu.memory_space<hbm>> -> memref<1300013x32xf32, #tpu.memory_space<hbm>>
      tpu.enqueue_indirect_dma source(%dma_start3A_940 : memref<1300013x32xf32, #tpu.memory_space<hbm>>) target(%dma_start3A_934 : memref<32x32xf32, #tpu.memory_space<vmem>>) offsets(%dma_start3A_937 : memref<32xi32, #tpu.memory_space<vmem>>) semaphore(%arg15 : memref<!tpu.dma_semaphore, #tpu.memory_space<semaphore_mem>>)
      %mul3A_941 = arith.constant 16 : i32
      %mul3A_942 = arith.muli %mul3A_11, %mul3A_941 : i32
      "tpu.region"() ({
        %run_scoped3A = tpu.sem_alloc : memref<!tpu.dma_semaphore, #tpu.memory_space<semaphore_mem>>
        %dma_start3A_1210 = tpu.memref_slice %arg3[%mul3A_942] : memref<262144xf32, #tpu.memory_space<hbm>> -> memref<512xf32, #tpu.memory_space<hbm>>
        %dma_start3A_1211 = tpu.memref_slice %arg3[%mul3A_942] : memref<262144xf32, #tpu.memory_space<hbm>> -> memref<512xf32, #tpu.memory_space<hbm>>
        tpu.enqueue_dma source(%dma_start3A_1211 : memref<512xf32, #tpu.memory_space<hbm>>) target(%arg12 : memref<512xf32, #tpu.memory_space<vmem>>) target_semaphore(%run_scoped3A : memref<!tpu.dma_semaphore, #tpu.memory_space<semaphore_mem>>)
        %dma_wait3A_1212 = tpu.memref_slice %arg3[%mul3A_942] : memref<262144xf32, #tpu.memory_space<hbm>> -> memref<512xf32, #tpu.memory_space<hbm>>
        %dma_wait3A_1213 = tpu.memref_slice %arg3[%mul3A_942] : memref<262144xf32, #tpu.memory_space<hbm>> -> memref<512xf32, #tpu.memory_space<hbm>>
        tpu.wait_dma2 semaphore(%run_scoped3A : memref<!tpu.dma_semaphore, #tpu.memory_space<semaphore_mem>>) src(%dma_wait3A_1213 : memref<512xf32, #tpu.memory_space<hbm>>) dst(%arg12 : memref<512xf32, #tpu.memory_space<vmem>>)
        tpu.yield
      }) : () -> ()
      %dma_wait3A = arith.constant 0 : i32
      %dma_wait3A_943 = arith.constant 0 : i32
      %dma_wait3A_944 = arith.constant 0 : i32
      %dma_wait3A_945 = tpu.memref_slice %arg10[%dma_wait3A_943, %dma_wait3A_944] : memref<832x32xf32, #tpu.memory_space<vmem>> -> memref<32x32xf32, #tpu.memory_space<vmem>>
      %dma_wait3A_946 = arith.constant 0 : i32
      %dma_wait3A_947 = tpu.memref_slice %arg9[%dma_wait3A, %dma_wait3A_946] : memref<26x32xi32, #tpu.memory_space<vmem>> -> memref<1x32xi32, #tpu.memory_space<vmem>>
      %dma_wait3A_948 = tpu.memref_squeeze %dma_wait3A_947 : memref<1x32xi32, #tpu.memory_space<vmem>> -> memref<32xi32, #tpu.memory_space<vmem>>
      %dma_wait3A_949 = arith.constant 0 : i32
      %dma_wait3A_950 = arith.constant 0 : i32
      %dma_wait3A_951 = tpu.memref_slice %arg6[%dma_wait3A_949, %dma_wait3A_950] : memref<1300013x32xf32, #tpu.memory_space<hbm>> -> memref<1300013x32xf32, #tpu.memory_space<hbm>>
      tpu.wait_indirect_dma semaphore(%arg15 : memref<!tpu.dma_semaphore, #tpu.memory_space<semaphore_mem>>) src(%dma_wait3A_951 : memref<1300013x32xf32, #tpu.memory_space<hbm>>) dst(%dma_wait3A_945 : memref<32x32xf32, #tpu.memory_space<vmem>>)
      %dma_wait3A_952 = arith.constant 1 : i32
      %dma_wait3A_953 = arith.constant 32 : i32
      %dma_wait3A_954 = arith.constant 0 : i32
      %dma_wait3A_955 = tpu.memref_slice %arg10[%dma_wait3A_953, %dma_wait3A_954] : memref<832x32xf32, #tpu.memory_space<vmem>> -> memref<32x32xf32, #tpu.memory_space<vmem>>
      %dma_wait3A_956 = arith.constant 0 : i32
      %dma_wait3A_957 = tpu.memref_slice %arg9[%dma_wait3A_952, %dma_wait3A_956] : memref<26x32xi32, #tpu.memory_space<vmem>> -> memref<1x32xi32, #tpu.memory_space<vmem>>
      %dma_wait3A_958 = tpu.memref_squeeze %dma_wait3A_957 : memref<1x32xi32, #tpu.memory_space<vmem>> -> memref<32xi32, #tpu.memory_space<vmem>>
      %dma_wait3A_959 = arith.constant 0 : i32
      %dma_wait3A_960 = arith.constant 0 : i32
      %dma_wait3A_961 = tpu.memref_slice %arg6[%dma_wait3A_959, %dma_wait3A_960] : memref<1300013x32xf32, #tpu.memory_space<hbm>> -> memref<1300013x32xf32, #tpu.memory_space<hbm>>
      tpu.wait_indirect_dma semaphore(%arg15 : memref<!tpu.dma_semaphore, #tpu.memory_space<semaphore_mem>>) src(%dma_wait3A_961 : memref<1300013x32xf32, #tpu.memory_space<hbm>>) dst(%dma_wait3A_955 : memref<32x32xf32, #tpu.memory_space<vmem>>)
      %dma_wait3A_962 = arith.constant 2 : i32
      %dma_wait3A_963 = arith.constant 64 : i32
      %dma_wait3A_964 = arith.constant 0 : i32
      %dma_wait3A_965 = tpu.memref_slice %arg10[%dma_wait3A_963, %dma_wait3A_964] : memref<832x32xf32, #tpu.memory_space<vmem>> -> memref<32x32xf32, #tpu.memory_space<vmem>>
      %dma_wait3A_966 = arith.constant 0 : i32
      %dma_wait3A_967 = tpu.memref_slice %arg9[%dma_wait3A_962, %dma_wait3A_966] : memref<26x32xi32, #tpu.memory_space<vmem>> -> memref<1x32xi32, #tpu.memory_space<vmem>>
      %dma_wait3A_968 = tpu.memref_squeeze %dma_wait3A_967 : memref<1x32xi32, #tpu.memory_space<vmem>> -> memref<32xi32, #tpu.memory_space<vmem>>
      %dma_wait3A_969 = arith.constant 0 : i32
      %dma_wait3A_970 = arith.constant 0 : i32
      %dma_wait3A_971 = tpu.memref_slice %arg6[%dma_wait3A_969, %dma_wait3A_970] : memref<1300013x32xf32, #tpu.memory_space<hbm>> -> memref<1300013x32xf32, #tpu.memory_space<hbm>>
      tpu.wait_indirect_dma semaphore(%arg15 : memref<!tpu.dma_semaphore, #tpu.memory_space<semaphore_mem>>) src(%dma_wait3A_971 : memref<1300013x32xf32, #tpu.memory_space<hbm>>) dst(%dma_wait3A_965 : memref<32x32xf32, #tpu.memory_space<vmem>>)
      %dma_wait3A_972 = arith.constant 3 : i32
      %dma_wait3A_973 = arith.constant 96 : i32
      %dma_wait3A_974 = arith.constant 0 : i32
      %dma_wait3A_975 = tpu.memref_slice %arg10[%dma_wait3A_973, %dma_wait3A_974] : memref<832x32xf32, #tpu.memory_space<vmem>> -> memref<32x32xf32, #tpu.memory_space<vmem>>
      %dma_wait3A_976 = arith.constant 0 : i32
      %dma_wait3A_977 = tpu.memref_slice %arg9[%dma_wait3A_972, %dma_wait3A_976] : memref<26x32xi32, #tpu.memory_space<vmem>> -> memref<1x32xi32, #tpu.memory_space<vmem>>
      %dma_wait3A_978 = tpu.memref_squeeze %dma_wait3A_977 : memref<1x32xi32, #tpu.memory_space<vmem>> -> memref<32xi32, #tpu.memory_space<vmem>>
      %dma_wait3A_979 = arith.constant 0 : i32
      %dma_wait3A_980 = arith.constant 0 : i32
      %dma_wait3A_981 = tpu.memref_slice %arg6[%dma_wait3A_979, %dma_wait3A_980] : memref<1300013x32xf32, #tpu.memory_space<hbm>> -> memref<1300013x32xf32, #tpu.memory_space<hbm>>
      tpu.wait_indirect_dma semaphore(%arg15 : memref<!tpu.dma_semaphore, #tpu.memory_space<semaphore_mem>>) src(%dma_wait3A_981 : memref<1300013x32xf32, #tpu.memory_space<hbm>>) dst(%dma_wait3A_975 : memref<32x32xf32, #tpu.memory_space<vmem>>)
      %dma_wait3A_982 = arith.constant 4 : i32
      %dma_wait3A_983 = arith.constant 128 : i32
      %dma_wait3A_984 = arith.constant 0 : i32
      %dma_wait3A_985 = tpu.memref_slice %arg10[%dma_wait3A_983, %dma_wait3A_984] : memref<832x32xf32, #tpu.memory_space<vmem>> -> memref<32x32xf32, #tpu.memory_space<vmem>>
      %dma_wait3A_986 = arith.constant 0 : i32
      %dma_wait3A_987 = tpu.memref_slice %arg9[%dma_wait3A_982, %dma_wait3A_986] : memref<26x32xi32, #tpu.memory_space<vmem>> -> memref<1x32xi32, #tpu.memory_space<vmem>>
      %dma_wait3A_988 = tpu.memref_squeeze %dma_wait3A_987 : memref<1x32xi32, #tpu.memory_space<vmem>> -> memref<32xi32, #tpu.memory_space<vmem>>
      %dma_wait3A_989 = arith.constant 0 : i32
      %dma_wait3A_990 = arith.constant 0 : i32
      %dma_wait3A_991 = tpu.memref_slice %arg6[%dma_wait3A_989, %dma_wait3A_990] : memref<1300013x32xf32, #tpu.memory_space<hbm>> -> memref<1300013x32xf32, #tpu.memory_space<hbm>>
      tpu.wait_indirect_dma semaphore(%arg15 : memref<!tpu.dma_semaphore, #tpu.memory_space<semaphore_mem>>) src(%dma_wait3A_991 : memref<1300013x32xf32, #tpu.memory_space<hbm>>) dst(%dma_wait3A_985 : memref<32x32xf32, #tpu.memory_space<vmem>>)
      %dma_wait3A_992 = arith.constant 5 : i32
      %dma_wait3A_993 = arith.constant 160 : i32
      %dma_wait3A_994 = arith.constant 0 : i32
      %dma_wait3A_995 = tpu.memref_slice %arg10[%dma_wait3A_993, %dma_wait3A_994] : memref<832x32xf32, #tpu.memory_space<vmem>> -> memref<32x32xf32, #tpu.memory_space<vmem>>
      %dma_wait3A_996 = arith.constant 0 : i32
      %dma_wait3A_997 = tpu.memref_slice %arg9[%dma_wait3A_992, %dma_wait3A_996] : memref<26x32xi32, #tpu.memory_space<vmem>> -> memref<1x32xi32, #tpu.memory_space<vmem>>
      %dma_wait3A_998 = tpu.memref_squeeze %dma_wait3A_997 : memref<1x32xi32, #tpu.memory_space<vmem>> -> memref<32xi32, #tpu.memory_space<vmem>>
      %dma_wait3A_999 = arith.constant 0 : i32
      %dma_wait3A_1000 = arith.constant 0 : i32
      %dma_wait3A_1001 = tpu.memref_slice %arg6[%dma_wait3A_999, %dma_wait3A_1000] : memref<1300013x32xf32, #tpu.memory_space<hbm>> -> memref<1300013x32xf32, #tpu.memory_space<hbm>>
      tpu.wait_indirect_dma semaphore(%arg15 : memref<!tpu.dma_semaphore, #tpu.memory_space<semaphore_mem>>) src(%dma_wait3A_1001 : memref<1300013x32xf32, #tpu.memory_space<hbm>>) dst(%dma_wait3A_995 : memref<32x32xf32, #tpu.memory_space<vmem>>)
      %dma_wait3A_1002 = arith.constant 6 : i32
      %dma_wait3A_1003 = arith.constant 192 : i32
      %dma_wait3A_1004 = arith.constant 0 : i32
      %dma_wait3A_1005 = tpu.memref_slice %arg10[%dma_wait3A_1003, %dma_wait3A_1004] : memref<832x32xf32, #tpu.memory_space<vmem>> -> memref<32x32xf32, #tpu.memory_space<vmem>>
      %dma_wait3A_1006 = arith.constant 0 : i32
      %dma_wait3A_1007 = tpu.memref_slice %arg9[%dma_wait3A_1002, %dma_wait3A_1006] : memref<26x32xi32, #tpu.memory_space<vmem>> -> memref<1x32xi32, #tpu.memory_space<vmem>>
      %dma_wait3A_1008 = tpu.memref_squeeze %dma_wait3A_1007 : memref<1x32xi32, #tpu.memory_space<vmem>> -> memref<32xi32, #tpu.memory_space<vmem>>
      %dma_wait3A_1009 = arith.constant 0 : i32
      %dma_wait3A_1010 = arith.constant 0 : i32
      %dma_wait3A_1011 = tpu.memref_slice %arg6[%dma_wait3A_1009, %dma_wait3A_1010] : memref<1300013x32xf32, #tpu.memory_space<hbm>> -> memref<1300013x32xf32, #tpu.memory_space<hbm>>
      tpu.wait_indirect_dma semaphore(%arg15 : memref<!tpu.dma_semaphore, #tpu.memory_space<semaphore_mem>>) src(%dma_wait3A_1011 : memref<1300013x32xf32, #tpu.memory_space<hbm>>) dst(%dma_wait3A_1005 : memref<32x32xf32, #tpu.memory_space<vmem>>)
      %dma_wait3A_1012 = arith.constant 7 : i32
      %dma_wait3A_1013 = arith.constant 224 : i32
      %dma_wait3A_1014 = arith.constant 0 : i32
      %dma_wait3A_1015 = tpu.memref_slice %arg10[%dma_wait3A_1013, %dma_wait3A_1014] : memref<832x32xf32, #tpu.memory_space<vmem>> -> memref<32x32xf32, #tpu.memory_space<vmem>>
      %dma_wait3A_1016 = arith.constant 0 : i32
      %dma_wait3A_1017 = tpu.memref_slice %arg9[%dma_wait3A_1012, %dma_wait3A_1016] : memref<26x32xi32, #tpu.memory_space<vmem>> -> memref<1x32xi32, #tpu.memory_space<vmem>>
      %dma_wait3A_1018 = tpu.memref_squeeze %dma_wait3A_1017 : memref<1x32xi32, #tpu.memory_space<vmem>> -> memref<32xi32, #tpu.memory_space<vmem>>
      %dma_wait3A_1019 = arith.constant 0 : i32
      %dma_wait3A_1020 = arith.constant 0 : i32
      %dma_wait3A_1021 = tpu.memref_slice %arg6[%dma_wait3A_1019, %dma_wait3A_1020] : memref<1300013x32xf32, #tpu.memory_space<hbm>> -> memref<1300013x32xf32, #tpu.memory_space<hbm>>
      tpu.wait_indirect_dma semaphore(%arg15 : memref<!tpu.dma_semaphore, #tpu.memory_space<semaphore_mem>>) src(%dma_wait3A_1021 : memref<1300013x32xf32, #tpu.memory_space<hbm>>) dst(%dma_wait3A_1015 : memref<32x32xf32, #tpu.memory_space<vmem>>)
      %dma_wait3A_1022 = arith.constant 8 : i32
      %dma_wait3A_1023 = arith.constant 256 : i32
      %dma_wait3A_1024 = arith.constant 0 : i32
      %dma_wait3A_1025 = tpu.memref_slice %arg10[%dma_wait3A_1023, %dma_wait3A_1024] : memref<832x32xf32, #tpu.memory_space<vmem>> -> memref<32x32xf32, #tpu.memory_space<vmem>>
      %dma_wait3A_1026 = arith.constant 0 : i32
      %dma_wait3A_1027 = tpu.memref_slice %arg9[%dma_wait3A_1022, %dma_wait3A_1026] : memref<26x32xi32, #tpu.memory_space<vmem>> -> memref<1x32xi32, #tpu.memory_space<vmem>>
      %dma_wait3A_1028 = tpu.memref_squeeze %dma_wait3A_1027 : memref<1x32xi32, #tpu.memory_space<vmem>> -> memref<32xi32, #tpu.memory_space<vmem>>
      %dma_wait3A_1029 = arith.constant 0 : i32
      %dma_wait3A_1030 = arith.constant 0 : i32
      %dma_wait3A_1031 = tpu.memref_slice %arg6[%dma_wait3A_1029, %dma_wait3A_1030] : memref<1300013x32xf32, #tpu.memory_space<hbm>> -> memref<1300013x32xf32, #tpu.memory_space<hbm>>
      tpu.wait_indirect_dma semaphore(%arg15 : memref<!tpu.dma_semaphore, #tpu.memory_space<semaphore_mem>>) src(%dma_wait3A_1031 : memref<1300013x32xf32, #tpu.memory_space<hbm>>) dst(%dma_wait3A_1025 : memref<32x32xf32, #tpu.memory_space<vmem>>)
      %dma_wait3A_1032 = arith.constant 9 : i32
      %dma_wait3A_1033 = arith.constant 288 : i32
      %dma_wait3A_1034 = arith.constant 0 : i32
      %dma_wait3A_1035 = tpu.memref_slice %arg10[%dma_wait3A_1033, %dma_wait3A_1034] : memref<832x32xf32, #tpu.memory_space<vmem>> -> memref<32x32xf32, #tpu.memory_space<vmem>>
      %dma_wait3A_1036 = arith.constant 0 : i32
      %dma_wait3A_1037 = tpu.memref_slice %arg9[%dma_wait3A_1032, %dma_wait3A_1036] : memref<26x32xi32, #tpu.memory_space<vmem>> -> memref<1x32xi32, #tpu.memory_space<vmem>>
      %dma_wait3A_1038 = tpu.memref_squeeze %dma_wait3A_1037 : memref<1x32xi32, #tpu.memory_space<vmem>> -> memref<32xi32, #tpu.memory_space<vmem>>
      %dma_wait3A_1039 = arith.constant 0 : i32
      %dma_wait3A_1040 = arith.constant 0 : i32
      %dma_wait3A_1041 = tpu.memref_slice %arg6[%dma_wait3A_1039, %dma_wait3A_1040] : memref<1300013x32xf32, #tpu.memory_space<hbm>> -> memref<1300013x32xf32, #tpu.memory_space<hbm>>
      tpu.wait_indirect_dma semaphore(%arg15 : memref<!tpu.dma_semaphore, #tpu.memory_space<semaphore_mem>>) src(%dma_wait3A_1041 : memref<1300013x32xf32, #tpu.memory_space<hbm>>) dst(%dma_wait3A_1035 : memref<32x32xf32, #tpu.memory_space<vmem>>)
      %dma_wait3A_1042 = arith.constant 10 : i32
      %dma_wait3A_1043 = arith.constant 320 : i32
      %dma_wait3A_1044 = arith.constant 0 : i32
      %dma_wait3A_1045 = tpu.memref_slice %arg10[%dma_wait3A_1043, %dma_wait3A_1044] : memref<832x32xf32, #tpu.memory_space<vmem>> -> memref<32x32xf32, #tpu.memory_space<vmem>>
      %dma_wait3A_1046 = arith.constant 0 : i32
      %dma_wait3A_1047 = tpu.memref_slice %arg9[%dma_wait3A_1042, %dma_wait3A_1046] : memref<26x32xi32, #tpu.memory_space<vmem>> -> memref<1x32xi32, #tpu.memory_space<vmem>>
      %dma_wait3A_1048 = tpu.memref_squeeze %dma_wait3A_1047 : memref<1x32xi32, #tpu.memory_space<vmem>> -> memref<32xi32, #tpu.memory_space<vmem>>
      %dma_wait3A_1049 = arith.constant 0 : i32
      %dma_wait3A_1050 = arith.constant 0 : i32
      %dma_wait3A_1051 = tpu.memref_slice %arg6[%dma_wait3A_1049, %dma_wait3A_1050] : memref<1300013x32xf32, #tpu.memory_space<hbm>> -> memref<1300013x32xf32, #tpu.memory_space<hbm>>
      tpu.wait_indirect_dma semaphore(%arg15 : memref<!tpu.dma_semaphore, #tpu.memory_space<semaphore_mem>>) src(%dma_wait3A_1051 : memref<1300013x32xf32, #tpu.memory_space<hbm>>) dst(%dma_wait3A_1045 : memref<32x32xf32, #tpu.memory_space<vmem>>)
      %dma_wait3A_1052 = arith.constant 11 : i32
      %dma_wait3A_1053 = arith.constant 352 : i32
      %dma_wait3A_1054 = arith.constant 0 : i32
      %dma_wait3A_1055 = tpu.memref_slice %arg10[%dma_wait3A_1053, %dma_wait3A_1054] : memref<832x32xf32, #tpu.memory_space<vmem>> -> memref<32x32xf32, #tpu.memory_space<vmem>>
      %dma_wait3A_1056 = arith.constant 0 : i32
      %dma_wait3A_1057 = tpu.memref_slice %arg9[%dma_wait3A_1052, %dma_wait3A_1056] : memref<26x32xi32, #tpu.memory_space<vmem>> -> memref<1x32xi32, #tpu.memory_space<vmem>>
      %dma_wait3A_1058 = tpu.memref_squeeze %dma_wait3A_1057 : memref<1x32xi32, #tpu.memory_space<vmem>> -> memref<32xi32, #tpu.memory_space<vmem>>
      %dma_wait3A_1059 = arith.constant 0 : i32
      %dma_wait3A_1060 = arith.constant 0 : i32
      %dma_wait3A_1061 = tpu.memref_slice %arg6[%dma_wait3A_1059, %dma_wait3A_1060] : memref<1300013x32xf32, #tpu.memory_space<hbm>> -> memref<1300013x32xf32, #tpu.memory_space<hbm>>
      tpu.wait_indirect_dma semaphore(%arg15 : memref<!tpu.dma_semaphore, #tpu.memory_space<semaphore_mem>>) src(%dma_wait3A_1061 : memref<1300013x32xf32, #tpu.memory_space<hbm>>) dst(%dma_wait3A_1055 : memref<32x32xf32, #tpu.memory_space<vmem>>)
      %dma_wait3A_1062 = arith.constant 12 : i32
      %dma_wait3A_1063 = arith.constant 384 : i32
      %dma_wait3A_1064 = arith.constant 0 : i32
      %dma_wait3A_1065 = tpu.memref_slice %arg10[%dma_wait3A_1063, %dma_wait3A_1064] : memref<832x32xf32, #tpu.memory_space<vmem>> -> memref<32x32xf32, #tpu.memory_space<vmem>>
      %dma_wait3A_1066 = arith.constant 0 : i32
      %dma_wait3A_1067 = tpu.memref_slice %arg9[%dma_wait3A_1062, %dma_wait3A_1066] : memref<26x32xi32, #tpu.memory_space<vmem>> -> memref<1x32xi32, #tpu.memory_space<vmem>>
      %dma_wait3A_1068 = tpu.memref_squeeze %dma_wait3A_1067 : memref<1x32xi32, #tpu.memory_space<vmem>> -> memref<32xi32, #tpu.memory_space<vmem>>
      %dma_wait3A_1069 = arith.constant 0 : i32
      %dma_wait3A_1070 = arith.constant 0 : i32
      %dma_wait3A_1071 = tpu.memref_slice %arg6[%dma_wait3A_1069, %dma_wait3A_1070] : memref<1300013x32xf32, #tpu.memory_space<hbm>> -> memref<1300013x32xf32, #tpu.memory_space<hbm>>
      tpu.wait_indirect_dma semaphore(%arg15 : memref<!tpu.dma_semaphore, #tpu.memory_space<semaphore_mem>>) src(%dma_wait3A_1071 : memref<1300013x32xf32, #tpu.memory_space<hbm>>) dst(%dma_wait3A_1065 : memref<32x32xf32, #tpu.memory_space<vmem>>)
      %dma_wait3A_1072 = arith.constant 13 : i32
      %dma_wait3A_1073 = arith.constant 416 : i32
      %dma_wait3A_1074 = arith.constant 0 : i32
      %dma_wait3A_1075 = tpu.memref_slice %arg10[%dma_wait3A_1073, %dma_wait3A_1074] : memref<832x32xf32, #tpu.memory_space<vmem>> -> memref<32x32xf32, #tpu.memory_space<vmem>>
      %dma_wait3A_1076 = arith.constant 0 : i32
      %dma_wait3A_1077 = tpu.memref_slice %arg9[%dma_wait3A_1072, %dma_wait3A_1076] : memref<26x32xi32, #tpu.memory_space<vmem>> -> memref<1x32xi32, #tpu.memory_space<vmem>>
      %dma_wait3A_1078 = tpu.memref_squeeze %dma_wait3A_1077 : memref<1x32xi32, #tpu.memory_space<vmem>> -> memref<32xi32, #tpu.memory_space<vmem>>
      %dma_wait3A_1079 = arith.constant 0 : i32
      %dma_wait3A_1080 = arith.constant 0 : i32
      %dma_wait3A_1081 = tpu.memref_slice %arg7[%dma_wait3A_1079, %dma_wait3A_1080] : memref<1300013x32xf32, #tpu.memory_space<hbm>> -> memref<1300013x32xf32, #tpu.memory_space<hbm>>
      tpu.wait_indirect_dma semaphore(%arg15 : memref<!tpu.dma_semaphore, #tpu.memory_space<semaphore_mem>>) src(%dma_wait3A_1081 : memref<1300013x32xf32, #tpu.memory_space<hbm>>) dst(%dma_wait3A_1075 : memref<32x32xf32, #tpu.memory_space<vmem>>)
      %dma_wait3A_1082 = arith.constant 14 : i32
      %dma_wait3A_1083 = arith.constant 448 : i32
      %dma_wait3A_1084 = arith.constant 0 : i32
      %dma_wait3A_1085 = tpu.memref_slice %arg10[%dma_wait3A_1083, %dma_wait3A_1084] : memref<832x32xf32, #tpu.memory_space<vmem>> -> memref<32x32xf32, #tpu.memory_space<vmem>>
      %dma_wait3A_1086 = arith.constant 0 : i32
      %dma_wait3A_1087 = tpu.memref_slice %arg9[%dma_wait3A_1082, %dma_wait3A_1086] : memref<26x32xi32, #tpu.memory_space<vmem>> -> memref<1x32xi32, #tpu.memory_space<vmem>>
      %dma_wait3A_1088 = tpu.memref_squeeze %dma_wait3A_1087 : memref<1x32xi32, #tpu.memory_space<vmem>> -> memref<32xi32, #tpu.memory_space<vmem>>
      %dma_wait3A_1089 = arith.constant 0 : i32
      %dma_wait3A_1090 = arith.constant 0 : i32
      %dma_wait3A_1091 = tpu.memref_slice %arg7[%dma_wait3A_1089, %dma_wait3A_1090] : memref<1300013x32xf32, #tpu.memory_space<hbm>> -> memref<1300013x32xf32, #tpu.memory_space<hbm>>
      tpu.wait_indirect_dma semaphore(%arg15 : memref<!tpu.dma_semaphore, #tpu.memory_space<semaphore_mem>>) src(%dma_wait3A_1091 : memref<1300013x32xf32, #tpu.memory_space<hbm>>) dst(%dma_wait3A_1085 : memref<32x32xf32, #tpu.memory_space<vmem>>)
      %dma_wait3A_1092 = arith.constant 15 : i32
      %dma_wait3A_1093 = arith.constant 480 : i32
      %dma_wait3A_1094 = arith.constant 0 : i32
      %dma_wait3A_1095 = tpu.memref_slice %arg10[%dma_wait3A_1093, %dma_wait3A_1094] : memref<832x32xf32, #tpu.memory_space<vmem>> -> memref<32x32xf32, #tpu.memory_space<vmem>>
      %dma_wait3A_1096 = arith.constant 0 : i32
      %dma_wait3A_1097 = tpu.memref_slice %arg9[%dma_wait3A_1092, %dma_wait3A_1096] : memref<26x32xi32, #tpu.memory_space<vmem>> -> memref<1x32xi32, #tpu.memory_space<vmem>>
      %dma_wait3A_1098 = tpu.memref_squeeze %dma_wait3A_1097 : memref<1x32xi32, #tpu.memory_space<vmem>> -> memref<32xi32, #tpu.memory_space<vmem>>
      %dma_wait3A_1099 = arith.constant 0 : i32
      %dma_wait3A_1100 = arith.constant 0 : i32
      %dma_wait3A_1101 = tpu.memref_slice %arg7[%dma_wait3A_1099, %dma_wait3A_1100] : memref<1300013x32xf32, #tpu.memory_space<hbm>> -> memref<1300013x32xf32, #tpu.memory_space<hbm>>
      tpu.wait_indirect_dma semaphore(%arg15 : memref<!tpu.dma_semaphore, #tpu.memory_space<semaphore_mem>>) src(%dma_wait3A_1101 : memref<1300013x32xf32, #tpu.memory_space<hbm>>) dst(%dma_wait3A_1095 : memref<32x32xf32, #tpu.memory_space<vmem>>)
      %dma_wait3A_1102 = arith.constant 16 : i32
      %dma_wait3A_1103 = arith.constant 512 : i32
      %dma_wait3A_1104 = arith.constant 0 : i32
      %dma_wait3A_1105 = tpu.memref_slice %arg10[%dma_wait3A_1103, %dma_wait3A_1104] : memref<832x32xf32, #tpu.memory_space<vmem>> -> memref<32x32xf32, #tpu.memory_space<vmem>>
      %dma_wait3A_1106 = arith.constant 0 : i32
      %dma_wait3A_1107 = tpu.memref_slice %arg9[%dma_wait3A_1102, %dma_wait3A_1106] : memref<26x32xi32, #tpu.memory_space<vmem>> -> memref<1x32xi32, #tpu.memory_space<vmem>>
      %dma_wait3A_1108 = tpu.memref_squeeze %dma_wait3A_1107 : memref<1x32xi32, #tpu.memory_space<vmem>> -> memref<32xi32, #tpu.memory_space<vmem>>
      %dma_wait3A_1109 = arith.constant 0 : i32
      %dma_wait3A_1110 = arith.constant 0 : i32
      %dma_wait3A_1111 = tpu.memref_slice %arg7[%dma_wait3A_1109, %dma_wait3A_1110] : memref<1300013x32xf32, #tpu.memory_space<hbm>> -> memref<1300013x32xf32, #tpu.memory_space<hbm>>
      tpu.wait_indirect_dma semaphore(%arg15 : memref<!tpu.dma_semaphore, #tpu.memory_space<semaphore_mem>>) src(%dma_wait3A_1111 : memref<1300013x32xf32, #tpu.memory_space<hbm>>) dst(%dma_wait3A_1105 : memref<32x32xf32, #tpu.memory_space<vmem>>)
      %dma_wait3A_1112 = arith.constant 17 : i32
      %dma_wait3A_1113 = arith.constant 544 : i32
      %dma_wait3A_1114 = arith.constant 0 : i32
      %dma_wait3A_1115 = tpu.memref_slice %arg10[%dma_wait3A_1113, %dma_wait3A_1114] : memref<832x32xf32, #tpu.memory_space<vmem>> -> memref<32x32xf32, #tpu.memory_space<vmem>>
      %dma_wait3A_1116 = arith.constant 0 : i32
      %dma_wait3A_1117 = tpu.memref_slice %arg9[%dma_wait3A_1112, %dma_wait3A_1116] : memref<26x32xi32, #tpu.memory_space<vmem>> -> memref<1x32xi32, #tpu.memory_space<vmem>>
      %dma_wait3A_1118 = tpu.memref_squeeze %dma_wait3A_1117 : memref<1x32xi32, #tpu.memory_space<vmem>> -> memref<32xi32, #tpu.memory_space<vmem>>
      %dma_wait3A_1119 = arith.constant 0 : i32
      %dma_wait3A_1120 = arith.constant 0 : i32
      %dma_wait3A_1121 = tpu.memref_slice %arg7[%dma_wait3A_1119, %dma_wait3A_1120] : memref<1300013x32xf32, #tpu.memory_space<hbm>> -> memref<1300013x32xf32, #tpu.memory_space<hbm>>
      tpu.wait_indirect_dma semaphore(%arg15 : memref<!tpu.dma_semaphore, #tpu.memory_space<semaphore_mem>>) src(%dma_wait3A_1121 : memref<1300013x32xf32, #tpu.memory_space<hbm>>) dst(%dma_wait3A_1115 : memref<32x32xf32, #tpu.memory_space<vmem>>)
      %dma_wait3A_1122 = arith.constant 18 : i32
      %dma_wait3A_1123 = arith.constant 576 : i32
      %dma_wait3A_1124 = arith.constant 0 : i32
      %dma_wait3A_1125 = tpu.memref_slice %arg10[%dma_wait3A_1123, %dma_wait3A_1124] : memref<832x32xf32, #tpu.memory_space<vmem>> -> memref<32x32xf32, #tpu.memory_space<vmem>>
      %dma_wait3A_1126 = arith.constant 0 : i32
      %dma_wait3A_1127 = tpu.memref_slice %arg9[%dma_wait3A_1122, %dma_wait3A_1126] : memref<26x32xi32, #tpu.memory_space<vmem>> -> memref<1x32xi32, #tpu.memory_space<vmem>>
      %dma_wait3A_1128 = tpu.memref_squeeze %dma_wait3A_1127 : memref<1x32xi32, #tpu.memory_space<vmem>> -> memref<32xi32, #tpu.memory_space<vmem>>
      %dma_wait3A_1129 = arith.constant 0 : i32
      %dma_wait3A_1130 = arith.constant 0 : i32
      %dma_wait3A_1131 = tpu.memref_slice %arg7[%dma_wait3A_1129, %dma_wait3A_1130] : memref<1300013x32xf32, #tpu.memory_space<hbm>> -> memref<1300013x32xf32, #tpu.memory_space<hbm>>
      tpu.wait_indirect_dma semaphore(%arg15 : memref<!tpu.dma_semaphore, #tpu.memory_space<semaphore_mem>>) src(%dma_wait3A_1131 : memref<1300013x32xf32, #tpu.memory_space<hbm>>) dst(%dma_wait3A_1125 : memref<32x32xf32, #tpu.memory_space<vmem>>)
      %dma_wait3A_1132 = arith.constant 19 : i32
      %dma_wait3A_1133 = arith.constant 608 : i32
      %dma_wait3A_1134 = arith.constant 0 : i32
      %dma_wait3A_1135 = tpu.memref_slice %arg10[%dma_wait3A_1133, %dma_wait3A_1134] : memref<832x32xf32, #tpu.memory_space<vmem>> -> memref<32x32xf32, #tpu.memory_space<vmem>>
      %dma_wait3A_1136 = arith.constant 0 : i32
      %dma_wait3A_1137 = tpu.memref_slice %arg9[%dma_wait3A_1132, %dma_wait3A_1136] : memref<26x32xi32, #tpu.memory_space<vmem>> -> memref<1x32xi32, #tpu.memory_space<vmem>>
      %dma_wait3A_1138 = tpu.memref_squeeze %dma_wait3A_1137 : memref<1x32xi32, #tpu.memory_space<vmem>> -> memref<32xi32, #tpu.memory_space<vmem>>
      %dma_wait3A_1139 = arith.constant 0 : i32
      %dma_wait3A_1140 = arith.constant 0 : i32
      %dma_wait3A_1141 = tpu.memref_slice %arg7[%dma_wait3A_1139, %dma_wait3A_1140] : memref<1300013x32xf32, #tpu.memory_space<hbm>> -> memref<1300013x32xf32, #tpu.memory_space<hbm>>
      tpu.wait_indirect_dma semaphore(%arg15 : memref<!tpu.dma_semaphore, #tpu.memory_space<semaphore_mem>>) src(%dma_wait3A_1141 : memref<1300013x32xf32, #tpu.memory_space<hbm>>) dst(%dma_wait3A_1135 : memref<32x32xf32, #tpu.memory_space<vmem>>)
      %dma_wait3A_1142 = arith.constant 20 : i32
      %dma_wait3A_1143 = arith.constant 640 : i32
      %dma_wait3A_1144 = arith.constant 0 : i32
      %dma_wait3A_1145 = tpu.memref_slice %arg10[%dma_wait3A_1143, %dma_wait3A_1144] : memref<832x32xf32, #tpu.memory_space<vmem>> -> memref<32x32xf32, #tpu.memory_space<vmem>>
      %dma_wait3A_1146 = arith.constant 0 : i32
      %dma_wait3A_1147 = tpu.memref_slice %arg9[%dma_wait3A_1142, %dma_wait3A_1146] : memref<26x32xi32, #tpu.memory_space<vmem>> -> memref<1x32xi32, #tpu.memory_space<vmem>>
      %dma_wait3A_1148 = tpu.memref_squeeze %dma_wait3A_1147 : memref<1x32xi32, #tpu.memory_space<vmem>> -> memref<32xi32, #tpu.memory_space<vmem>>
      %dma_wait3A_1149 = arith.constant 0 : i32
      %dma_wait3A_1150 = arith.constant 0 : i32
      %dma_wait3A_1151 = tpu.memref_slice %arg7[%dma_wait3A_1149, %dma_wait3A_1150] : memref<1300013x32xf32, #tpu.memory_space<hbm>> -> memref<1300013x32xf32, #tpu.memory_space<hbm>>
      tpu.wait_indirect_dma semaphore(%arg15 : memref<!tpu.dma_semaphore, #tpu.memory_space<semaphore_mem>>) src(%dma_wait3A_1151 : memref<1300013x32xf32, #tpu.memory_space<hbm>>) dst(%dma_wait3A_1145 : memref<32x32xf32, #tpu.memory_space<vmem>>)
      %dma_wait3A_1152 = arith.constant 21 : i32
      %dma_wait3A_1153 = arith.constant 672 : i32
      %dma_wait3A_1154 = arith.constant 0 : i32
      %dma_wait3A_1155 = tpu.memref_slice %arg10[%dma_wait3A_1153, %dma_wait3A_1154] : memref<832x32xf32, #tpu.memory_space<vmem>> -> memref<32x32xf32, #tpu.memory_space<vmem>>
      %dma_wait3A_1156 = arith.constant 0 : i32
      %dma_wait3A_1157 = tpu.memref_slice %arg9[%dma_wait3A_1152, %dma_wait3A_1156] : memref<26x32xi32, #tpu.memory_space<vmem>> -> memref<1x32xi32, #tpu.memory_space<vmem>>
      %dma_wait3A_1158 = tpu.memref_squeeze %dma_wait3A_1157 : memref<1x32xi32, #tpu.memory_space<vmem>> -> memref<32xi32, #tpu.memory_space<vmem>>
      %dma_wait3A_1159 = arith.constant 0 : i32
      %dma_wait3A_1160 = arith.constant 0 : i32
      %dma_wait3A_1161 = tpu.memref_slice %arg7[%dma_wait3A_1159, %dma_wait3A_1160] : memref<1300013x32xf32, #tpu.memory_space<hbm>> -> memref<1300013x32xf32, #tpu.memory_space<hbm>>
      tpu.wait_indirect_dma semaphore(%arg15 : memref<!tpu.dma_semaphore, #tpu.memory_space<semaphore_mem>>) src(%dma_wait3A_1161 : memref<1300013x32xf32, #tpu.memory_space<hbm>>) dst(%dma_wait3A_1155 : memref<32x32xf32, #tpu.memory_space<vmem>>)
      %dma_wait3A_1162 = arith.constant 22 : i32
      %dma_wait3A_1163 = arith.constant 704 : i32
      %dma_wait3A_1164 = arith.constant 0 : i32
      %dma_wait3A_1165 = tpu.memref_slice %arg10[%dma_wait3A_1163, %dma_wait3A_1164] : memref<832x32xf32, #tpu.memory_space<vmem>> -> memref<32x32xf32, #tpu.memory_space<vmem>>
      %dma_wait3A_1166 = arith.constant 0 : i32
      %dma_wait3A_1167 = tpu.memref_slice %arg9[%dma_wait3A_1162, %dma_wait3A_1166] : memref<26x32xi32, #tpu.memory_space<vmem>> -> memref<1x32xi32, #tpu.memory_space<vmem>>
      %dma_wait3A_1168 = tpu.memref_squeeze %dma_wait3A_1167 : memref<1x32xi32, #tpu.memory_space<vmem>> -> memref<32xi32, #tpu.memory_space<vmem>>
      %dma_wait3A_1169 = arith.constant 0 : i32
      %dma_wait3A_1170 = arith.constant 0 : i32
      %dma_wait3A_1171 = tpu.memref_slice %arg7[%dma_wait3A_1169, %dma_wait3A_1170] : memref<1300013x32xf32, #tpu.memory_space<hbm>> -> memref<1300013x32xf32, #tpu.memory_space<hbm>>
      tpu.wait_indirect_dma semaphore(%arg15 : memref<!tpu.dma_semaphore, #tpu.memory_space<semaphore_mem>>) src(%dma_wait3A_1171 : memref<1300013x32xf32, #tpu.memory_space<hbm>>) dst(%dma_wait3A_1165 : memref<32x32xf32, #tpu.memory_space<vmem>>)
      %dma_wait3A_1172 = arith.constant 23 : i32
      %dma_wait3A_1173 = arith.constant 736 : i32
      %dma_wait3A_1174 = arith.constant 0 : i32
      %dma_wait3A_1175 = tpu.memref_slice %arg10[%dma_wait3A_1173, %dma_wait3A_1174] : memref<832x32xf32, #tpu.memory_space<vmem>> -> memref<32x32xf32, #tpu.memory_space<vmem>>
      %dma_wait3A_1176 = arith.constant 0 : i32
      %dma_wait3A_1177 = tpu.memref_slice %arg9[%dma_wait3A_1172, %dma_wait3A_1176] : memref<26x32xi32, #tpu.memory_space<vmem>> -> memref<1x32xi32, #tpu.memory_space<vmem>>
      %dma_wait3A_1178 = tpu.memref_squeeze %dma_wait3A_1177 : memref<1x32xi32, #tpu.memory_space<vmem>> -> memref<32xi32, #tpu.memory_space<vmem>>
      %dma_wait3A_1179 = arith.constant 0 : i32
      %dma_wait3A_1180 = arith.constant 0 : i32
      %dma_wait3A_1181 = tpu.memref_slice %arg7[%dma_wait3A_1179, %dma_wait3A_1180] : memref<1300013x32xf32, #tpu.memory_space<hbm>> -> memref<1300013x32xf32, #tpu.memory_space<hbm>>
      tpu.wait_indirect_dma semaphore(%arg15 : memref<!tpu.dma_semaphore, #tpu.memory_space<semaphore_mem>>) src(%dma_wait3A_1181 : memref<1300013x32xf32, #tpu.memory_space<hbm>>) dst(%dma_wait3A_1175 : memref<32x32xf32, #tpu.memory_space<vmem>>)
      %dma_wait3A_1182 = arith.constant 24 : i32
      %dma_wait3A_1183 = arith.constant 768 : i32
      %dma_wait3A_1184 = arith.constant 0 : i32
      %dma_wait3A_1185 = tpu.memref_slice %arg10[%dma_wait3A_1183, %dma_wait3A_1184] : memref<832x32xf32, #tpu.memory_space<vmem>> -> memref<32x32xf32, #tpu.memory_space<vmem>>
      %dma_wait3A_1186 = arith.constant 0 : i32
      %dma_wait3A_1187 = tpu.memref_slice %arg9[%dma_wait3A_1182, %dma_wait3A_1186] : memref<26x32xi32, #tpu.memory_space<vmem>> -> memref<1x32xi32, #tpu.memory_space<vmem>>
      %dma_wait3A_1188 = tpu.memref_squeeze %dma_wait3A_1187 : memref<1x32xi32, #tpu.memory_space<vmem>> -> memref<32xi32, #tpu.memory_space<vmem>>
      %dma_wait3A_1189 = arith.constant 0 : i32
      %dma_wait3A_1190 = arith.constant 0 : i32
      %dma_wait3A_1191 = tpu.memref_slice %arg7[%dma_wait3A_1189, %dma_wait3A_1190] : memref<1300013x32xf32, #tpu.memory_space<hbm>> -> memref<1300013x32xf32, #tpu.memory_space<hbm>>
      tpu.wait_indirect_dma semaphore(%arg15 : memref<!tpu.dma_semaphore, #tpu.memory_space<semaphore_mem>>) src(%dma_wait3A_1191 : memref<1300013x32xf32, #tpu.memory_space<hbm>>) dst(%dma_wait3A_1185 : memref<32x32xf32, #tpu.memory_space<vmem>>)
      %dma_wait3A_1192 = arith.constant 25 : i32
      %dma_wait3A_1193 = arith.constant 800 : i32
      %dma_wait3A_1194 = arith.constant 0 : i32
      %dma_wait3A_1195 = tpu.memref_slice %arg10[%dma_wait3A_1193, %dma_wait3A_1194] : memref<832x32xf32, #tpu.memory_space<vmem>> -> memref<32x32xf32, #tpu.memory_space<vmem>>
      %dma_wait3A_1196 = arith.constant 0 : i32
      %dma_wait3A_1197 = tpu.memref_slice %arg9[%dma_wait3A_1192, %dma_wait3A_1196] : memref<26x32xi32, #tpu.memory_space<vmem>> -> memref<1x32xi32, #tpu.memory_space<vmem>>
      %dma_wait3A_1198 = tpu.memref_squeeze %dma_wait3A_1197 : memref<1x32xi32, #tpu.memory_space<vmem>> -> memref<32xi32, #tpu.memory_space<vmem>>
      %dma_wait3A_1199 = arith.constant 0 : i32
      %dma_wait3A_1200 = arith.constant 0 : i32
      %dma_wait3A_1201 = tpu.memref_slice %arg7[%dma_wait3A_1199, %dma_wait3A_1200] : memref<1300013x32xf32, #tpu.memory_space<hbm>> -> memref<1300013x32xf32, #tpu.memory_space<hbm>>
      tpu.wait_indirect_dma semaphore(%arg15 : memref<!tpu.dma_semaphore, #tpu.memory_space<semaphore_mem>>) src(%dma_wait3A_1201 : memref<1300013x32xf32, #tpu.memory_space<hbm>>) dst(%dma_wait3A_1195 : memref<32x32xf32, #tpu.memory_space<vmem>>)
      %scan3A_1202 = arith.constant 0 : i32
      %scan3A_1203 = arith.constant 0 : i32
      %scan3A_1204 = arith.constant 32 : i32
      %scan3A_1205 = arith.addi %scan3A_1203, %scan3A_1204 : i32
      %scan3A_1206 = arith.constant 1 : i32
      scf.for %scan3A_1210 = %scan3A_1203 to %scan3A_1205 step %scan3A_1206  : i32 {
        %mul3A_1211 = arith.constant 1248 : i32
        %mul3A_1212 = arith.muli %scan3A_1210, %mul3A_1211 : i32
        %mul3A_1213 = arith.constant 16 : i32
        %mul3A_1214 = arith.muli %scan3A_1210, %mul3A_1213 : i32
        %get3A_1215 = arith.index_cast %mul3A_1214 : i32 to index
        %get3A_1216 = tpu.vector_load %arg12[%get3A_1215] {strides = array<i32>} : memref<512xf32, #tpu.memory_space<vmem>>, vector<16xf32>,
        %get3A_1217 = vector.shape_cast %get3A_1216 : vector<16xf32> to vector<16xf32>
        %slice3A = vector.extract_strided_slice %get3A_1217 {offsets = [0], sizes = [1], strides = [1]} : vector<16xf32> to vector<1xf32>
        %squeeze3A = vector.extract %slice3A[0] : f32 from vector<1xf32>
        %add3A_1218 = arith.constant 0 : i32
        %add3A_1219 = arith.addi %mul3A_1212, %add3A_1218 : i32
        %add3A_1220 = arith.constant 0 : i32
        %add3A_1221 = arith.addi %add3A_1219, %add3A_1220 : i32
        %get3A_1222 = arith.constant 0 : index
        %get3A_1223 = tpu.vector_load %arg13[%get3A_1222] {strides = array<i32>} : memref<416xf32, #tpu.memory_space<vmem>>, vector<16xf32>,
        %get3A_1224 = vector.shape_cast %get3A_1223 : vector<16xf32> to vector<16xf32>
        %mul3A_1225 = vector.broadcast %squeeze3A : f32 to vector<16xf32>
        %mul3A_1226 = arith.mulf %mul3A_1225, %get3A_1224 : vector<16xf32>
        %get3A_1227 = arith.constant 0 : index
        %get3A_1228 = tpu.vector_load %arg14[%get3A_1227] {strides = array<i32>} : memref<1248xf32, #tpu.memory_space<vmem>>, vector<16xf32>,
        %get3A_1229 = vector.shape_cast %get3A_1228 : vector<16xf32> to vector<16xf32>
        %add3A_1230 = arith.addf %mul3A_1226, %get3A_1229 : vector<16xf32>
        %swap3A_1231 = arith.index_cast %add3A_1221 : i32 to index
        %swap3A_1232 = tpu.vector_load %arg11[%swap3A_1231] {strides = array<i32>} : memref<39936xf32, #tpu.memory_space<vmem>>, vector<16xf32>,
        %swap3A_1233 = vector.shape_cast %swap3A_1232 : vector<16xf32> to vector<16xf32>
        %swap3A_1234 = vector.shape_cast %add3A_1230 : vector<16xf32> to vector<16xf32>
        tpu.vector_store %arg11[%swap3A_1231], %swap3A_1234 {strides = array<i32>} : memref<39936xf32, #tpu.memory_space<vmem>>, vector<16xf32>,
        %add3A_1235 = arith.constant 0 : i32
        %add3A_1236 = arith.addi %mul3A_1212, %add3A_1235 : i32
        %add3A_1237 = arith.constant 16 : i32
        %add3A_1238 = arith.addi %add3A_1236, %add3A_1237 : i32
        %get3A_1239 = arith.constant 16 : index
        %get3A_1240 = tpu.vector_load %arg13[%get3A_1239] {strides = array<i32>} : memref<416xf32, #tpu.memory_space<vmem>>, vector<16xf32>,
        %get3A_1241 = vector.shape_cast %get3A_1240 : vector<16xf32> to vector<16xf32>
        %mul3A_1242 = vector.broadcast %squeeze3A : f32 to vector<16xf32>
        %mul3A_1243 = arith.mulf %mul3A_1242, %get3A_1241 : vector<16xf32>
        %get3A_1244 = arith.constant 16 : index
        %get3A_1245 = tpu.vector_load %arg14[%get3A_1244] {strides = array<i32>} : memref<1248xf32, #tpu.memory_space<vmem>>, vector<16xf32>,
        %get3A_1246 = vector.shape_cast %get3A_1245 : vector<16xf32> to vector<16xf32>
        %add3A_1247 = arith.addf %mul3A_1243, %get3A_1246 : vector<16xf32>
        %swap3A_1248 = arith.index_cast %add3A_1238 : i32 to index
        %swap3A_1249 = tpu.vector_load %arg11[%swap3A_1248] {strides = array<i32>} : memref<39936xf32, #tpu.memory_space<vmem>>, vector<16xf32>,
        %swap3A_1250 = vector.shape_cast %swap3A_1249 : vector<16xf32> to vector<16xf32>
        %swap3A_1251 = vector.shape_cast %add3A_1247 : vector<16xf32> to vector<16xf32>
        tpu.vector_store %arg11[%swap3A_1248], %swap3A_1251 {strides = array<i32>} : memref<39936xf32, #tpu.memory_space<vmem>>, vector<16xf32>,
        %slice3A_1252 = vector.extract_strided_slice %get3A_1217 {offsets = [1], sizes = [1], strides = [1]} : vector<16xf32> to vector<1xf32>
        %squeeze3A_1253 = vector.extract %slice3A_1252[0] : f32 from vector<1xf32>
        %add3A_1254 = arith.constant 32 : i32
        %add3A_1255 = arith.addi %mul3A_1212, %add3A_1254 : i32
        %add3A_1256 = arith.constant 0 : i32
        %add3A_1257 = arith.addi %add3A_1255, %add3A_1256 : i32
        %get3A_1258 = arith.constant 32 : index
        %get3A_1259 = tpu.vector_load %arg13[%get3A_1258] {strides = array<i32>} : memref<416xf32, #tpu.memory_space<vmem>>, vector<16xf32>,
        %get3A_1260 = vector.shape_cast %get3A_1259 : vector<16xf32> to vector<16xf32>
        %mul3A_1261 = vector.broadcast %squeeze3A_1253 : f32 to vector<16xf32>
        %mul3A_1262 = arith.mulf %mul3A_1261, %get3A_1260 : vector<16xf32>
        %get3A_1263 = arith.constant 32 : index
        %get3A_1264 = tpu.vector_load %arg14[%get3A_1263] {strides = array<i32>} : memref<1248xf32, #tpu.memory_space<vmem>>, vector<16xf32>,
        %get3A_1265 = vector.shape_cast %get3A_1264 : vector<16xf32> to vector<16xf32>
        %add3A_1266 = arith.addf %mul3A_1262, %get3A_1265 : vector<16xf32>
        %swap3A_1267 = arith.index_cast %add3A_1257 : i32 to index
        %swap3A_1268 = tpu.vector_load %arg11[%swap3A_1267] {strides = array<i32>} : memref<39936xf32, #tpu.memory_space<vmem>>, vector<16xf32>,
        %swap3A_1269 = vector.shape_cast %swap3A_1268 : vector<16xf32> to vector<16xf32>
        %swap3A_1270 = vector.shape_cast %add3A_1266 : vector<16xf32> to vector<16xf32>
        tpu.vector_store %arg11[%swap3A_1267], %swap3A_1270 {strides = array<i32>} : memref<39936xf32, #tpu.memory_space<vmem>>, vector<16xf32>,
        %add3A_1271 = arith.constant 32 : i32
        %add3A_1272 = arith.addi %mul3A_1212, %add3A_1271 : i32
        %add3A_1273 = arith.constant 16 : i32
        %add3A_1274 = arith.addi %add3A_1272, %add3A_1273 : i32
        %get3A_1275 = arith.constant 48 : index
        %get3A_1276 = tpu.vector_load %arg13[%get3A_1275] {strides = array<i32>} : memref<416xf32, #tpu.memory_space<vmem>>, vector<16xf32>,
        %get3A_1277 = vector.shape_cast %get3A_1276 : vector<16xf32> to vector<16xf32>
        %mul3A_1278 = vector.broadcast %squeeze3A_1253 : f32 to vector<16xf32>
        %mul3A_1279 = arith.mulf %mul3A_1278, %get3A_1277 : vector<16xf32>
        %get3A_1280 = arith.constant 48 : index
        %get3A_1281 = tpu.vector_load %arg14[%get3A_1280] {strides = array<i32>} : memref<1248xf32, #tpu.memory_space<vmem>>, vector<16xf32>,
        %get3A_1282 = vector.shape_cast %get3A_1281 : vector<16xf32> to vector<16xf32>
        %add3A_1283 = arith.addf %mul3A_1279, %get3A_1282 : vector<16xf32>
        %swap3A_1284 = arith.index_cast %add3A_1274 : i32 to index
        %swap3A_1285 = tpu.vector_load %arg11[%swap3A_1284] {strides = array<i32>} : memref<39936xf32, #tpu.memory_space<vmem>>, vector<16xf32>,
        %swap3A_1286 = vector.shape_cast %swap3A_1285 : vector<16xf32> to vector<16xf32>
        %swap3A_1287 = vector.shape_cast %add3A_1283 : vector<16xf32> to vector<16xf32>
        tpu.vector_store %arg11[%swap3A_1284], %swap3A_1287 {strides = array<i32>} : memref<39936xf32, #tpu.memory_space<vmem>>, vector<16xf32>,
        %slice3A_1288 = vector.extract_strided_slice %get3A_1217 {offsets = [2], sizes = [1], strides = [1]} : vector<16xf32> to vector<1xf32>
        %squeeze3A_1289 = vector.extract %slice3A_1288[0] : f32 from vector<1xf32>
        %add3A_1290 = arith.constant 64 : i32
        %add3A_1291 = arith.addi %mul3A_1212, %add3A_1290 : i32
        %add3A_1292 = arith.constant 0 : i32
        %add3A_1293 = arith.addi %add3A_1291, %add3A_1292 : i32
        %get3A_1294 = arith.constant 64 : index
        %get3A_1295 = tpu.vector_load %arg13[%get3A_1294] {strides = array<i32>} : memref<416xf32, #tpu.memory_space<vmem>>, vector<16xf32>,
        %get3A_1296 = vector.shape_cast %get3A_1295 : vector<16xf32> to vector<16xf32>
        %mul3A_1297 = vector.broadcast %squeeze3A_1289 : f32 to vector<16xf32>
        %mul3A_1298 = arith.mulf %mul3A_1297, %get3A_1296 : vector<16xf32>
        %get3A_1299 = arith.constant 64 : index
        %get3A_1300 = tpu.vector_load %arg14[%get3A_1299] {strides = array<i32>} : memref<1248xf32, #tpu.memory_space<vmem>>, vector<16xf32>,
        %get3A_1301 = vector.shape_cast %get3A_1300 : vector<16xf32> to vector<16xf32>
        %add3A_1302 = arith.addf %mul3A_1298, %get3A_1301 : vector<16xf32>
        %swap3A_1303 = arith.index_cast %add3A_1293 : i32 to index
        %swap3A_1304 = tpu.vector_load %arg11[%swap3A_1303] {strides = array<i32>} : memref<39936xf32, #tpu.memory_space<vmem>>, vector<16xf32>,
        %swap3A_1305 = vector.shape_cast %swap3A_1304 : vector<16xf32> to vector<16xf32>
        %swap3A_1306 = vector.shape_cast %add3A_1302 : vector<16xf32> to vector<16xf32>
        tpu.vector_store %arg11[%swap3A_1303], %swap3A_1306 {strides = array<i32>} : memref<39936xf32, #tpu.memory_space<vmem>>, vector<16xf32>,
        %add3A_1307 = arith.constant 64 : i32
        %add3A_1308 = arith.addi %mul3A_1212, %add3A_1307 : i32
        %add3A_1309 = arith.constant 16 : i32
        %add3A_1310 = arith.addi %add3A_1308, %add3A_1309 : i32
        %get3A_1311 = arith.constant 80 : index
        %get3A_1312 = tpu.vector_load %arg13[%get3A_1311] {strides = array<i32>} : memref<416xf32, #tpu.memory_space<vmem>>, vector<16xf32>,
        %get3A_1313 = vector.shape_cast %get3A_1312 : vector<16xf32> to vector<16xf32>
        %mul3A_1314 = vector.broadcast %squeeze3A_1289 : f32 to vector<16xf32>
        %mul3A_1315 = arith.mulf %mul3A_1314, %get3A_1313 : vector<16xf32>
        %get3A_1316 = arith.constant 80 : index
        %get3A_1317 = tpu.vector_load %arg14[%get3A_1316] {strides = array<i32>} : memref<1248xf32, #tpu.memory_space<vmem>>, vector<16xf32>,
        %get3A_1318 = vector.shape_cast %get3A_1317 : vector<16xf32> to vector<16xf32>
        %add3A_1319 = arith.addf %mul3A_1315, %get3A_1318 : vector<16xf32>
        %swap3A_1320 = arith.index_cast %add3A_1310 : i32 to index
        %swap3A_1321 = tpu.vector_load %arg11[%swap3A_1320] {strides = array<i32>} : memref<39936xf32, #tpu.memory_space<vmem>>, vector<16xf32>,
        %swap3A_1322 = vector.shape_cast %swap3A_1321 : vector<16xf32> to vector<16xf32>
        %swap3A_1323 = vector.shape_cast %add3A_1319 : vector<16xf32> to vector<16xf32>
        tpu.vector_store %arg11[%swap3A_1320], %swap3A_1323 {strides = array<i32>} : memref<39936xf32, #tpu.memory_space<vmem>>, vector<16xf32>,
        %slice3A_1324 = vector.extract_strided_slice %get3A_1217 {offsets = [3], sizes = [1], strides = [1]} : vector<16xf32> to vector<1xf32>
        %squeeze3A_1325 = vector.extract %slice3A_1324[0] : f32 from vector<1xf32>
        %add3A_1326 = arith.constant 96 : i32
        %add3A_1327 = arith.addi %mul3A_1212, %add3A_1326 : i32
        %add3A_1328 = arith.constant 0 : i32
        %add3A_1329 = arith.addi %add3A_1327, %add3A_1328 : i32
        %get3A_1330 = arith.constant 96 : index
        %get3A_1331 = tpu.vector_load %arg13[%get3A_1330] {strides = array<i32>} : memref<416xf32, #tpu.memory_space<vmem>>, vector<16xf32>,
        %get3A_1332 = vector.shape_cast %get3A_1331 : vector<16xf32> to vector<16xf32>
        %mul3A_1333 = vector.broadcast %squeeze3A_1325 : f32 to vector<16xf32>
        %mul3A_1334 = arith.mulf %mul3A_1333, %get3A_1332 : vector<16xf32>
        %get3A_1335 = arith.constant 96 : index
        %get3A_1336 = tpu.vector_load %arg14[%get3A_1335] {strides = array<i32>} : memref<1248xf32, #tpu.memory_space<vmem>>, vector<16xf32>,
        %get3A_1337 = vector.shape_cast %get3A_1336 : vector<16xf32> to vector<16xf32>
        %add3A_1338 = arith.addf %mul3A_1334, %get3A_1337 : vector<16xf32>
        %swap3A_1339 = arith.index_cast %add3A_1329 : i32 to index
        %swap3A_1340 = tpu.vector_load %arg11[%swap3A_1339] {strides = array<i32>} : memref<39936xf32, #tpu.memory_space<vmem>>, vector<16xf32>,
        %swap3A_1341 = vector.shape_cast %swap3A_1340 : vector<16xf32> to vector<16xf32>
        %swap3A_1342 = vector.shape_cast %add3A_1338 : vector<16xf32> to vector<16xf32>
        tpu.vector_store %arg11[%swap3A_1339], %swap3A_1342 {strides = array<i32>} : memref<39936xf32, #tpu.memory_space<vmem>>, vector<16xf32>,
        %add3A_1343 = arith.constant 96 : i32
        %add3A_1344 = arith.addi %mul3A_1212, %add3A_1343 : i32
        %add3A_1345 = arith.constant 16 : i32
        %add3A_1346 = arith.addi %add3A_1344, %add3A_1345 : i32
        %get3A_1347 = arith.constant 112 : index
        %get3A_1348 = tpu.vector_load %arg13[%get3A_1347] {strides = array<i32>} : memref<416xf32, #tpu.memory_space<vmem>>, vector<16xf32>,
        %get3A_1349 = vector.shape_cast %get3A_1348 : vector<16xf32> to vector<16xf32>
        %mul3A_1350 = vector.broadcast %squeeze3A_1325 : f32 to vector<16xf32>
        %mul3A_1351 = arith.mulf %mul3A_1350, %get3A_1349 : vector<16xf32>
        %get3A_1352 = arith.constant 112 : index
        %get3A_1353 = tpu.vector_load %arg14[%get3A_1352] {strides = array<i32>} : memref<1248xf32, #tpu.memory_space<vmem>>, vector<16xf32>,
        %get3A_1354 = vector.shape_cast %get3A_1353 : vector<16xf32> to vector<16xf32>
        %add3A_1355 = arith.addf %mul3A_1351, %get3A_1354 : vector<16xf32>
        %swap3A_1356 = arith.index_cast %add3A_1346 : i32 to index
        %swap3A_1357 = tpu.vector_load %arg11[%swap3A_1356] {strides = array<i32>} : memref<39936xf32, #tpu.memory_space<vmem>>, vector<16xf32>,
        %swap3A_1358 = vector.shape_cast %swap3A_1357 : vector<16xf32> to vector<16xf32>
        %swap3A_1359 = vector.shape_cast %add3A_1355 : vector<16xf32> to vector<16xf32>
        tpu.vector_store %arg11[%swap3A_1356], %swap3A_1359 {strides = array<i32>} : memref<39936xf32, #tpu.memory_space<vmem>>, vector<16xf32>,
        %slice3A_1360 = vector.extract_strided_slice %get3A_1217 {offsets = [4], sizes = [1], strides = [1]} : vector<16xf32> to vector<1xf32>
        %squeeze3A_1361 = vector.extract %slice3A_1360[0] : f32 from vector<1xf32>
        %add3A_1362 = arith.constant 128 : i32
        %add3A_1363 = arith.addi %mul3A_1212, %add3A_1362 : i32
        %add3A_1364 = arith.constant 0 : i32
        %add3A_1365 = arith.addi %add3A_1363, %add3A_1364 : i32
        %get3A_1366 = arith.constant 128 : index
        %get3A_1367 = tpu.vector_load %arg13[%get3A_1366] {strides = array<i32>} : memref<416xf32, #tpu.memory_space<vmem>>, vector<16xf32>,
        %get3A_1368 = vector.shape_cast %get3A_1367 : vector<16xf32> to vector<16xf32>
        %mul3A_1369 = vector.broadcast %squeeze3A_1361 : f32 to vector<16xf32>
        %mul3A_1370 = arith.mulf %mul3A_1369, %get3A_1368 : vector<16xf32>
        %get3A_1371 = arith.constant 128 : index
        %get3A_1372 = tpu.vector_load %arg14[%get3A_1371] {strides = array<i32>} : memref<1248xf32, #tpu.memory_space<vmem>>, vector<16xf32>,
        %get3A_1373 = vector.shape_cast %get3A_1372 : vector<16xf32> to vector<16xf32>
        %add3A_1374 = arith.addf %mul3A_1370, %get3A_1373 : vector<16xf32>
        %swap3A_1375 = arith.index_cast %add3A_1365 : i32 to index
        %swap3A_1376 = tpu.vector_load %arg11[%swap3A_1375] {strides = array<i32>} : memref<39936xf32, #tpu.memory_space<vmem>>, vector<16xf32>,
        %swap3A_1377 = vector.shape_cast %swap3A_1376 : vector<16xf32> to vector<16xf32>
        %swap3A_1378 = vector.shape_cast %add3A_1374 : vector<16xf32> to vector<16xf32>
        tpu.vector_store %arg11[%swap3A_1375], %swap3A_1378 {strides = array<i32>} : memref<39936xf32, #tpu.memory_space<vmem>>, vector<16xf32>,
        %add3A_1379 = arith.constant 128 : i32
        %add3A_1380 = arith.addi %mul3A_1212, %add3A_1379 : i32
        %add3A_1381 = arith.constant 16 : i32
        %add3A_1382 = arith.addi %add3A_1380, %add3A_1381 : i32
        %get3A_1383 = arith.constant 144 : index
        %get3A_1384 = tpu.vector_load %arg13[%get3A_1383] {strides = array<i32>} : memref<416xf32, #tpu.memory_space<vmem>>, vector<16xf32>,
        %get3A_1385 = vector.shape_cast %get3A_1384 : vector<16xf32> to vector<16xf32>
        %mul3A_1386 = vector.broadcast %squeeze3A_1361 : f32 to vector<16xf32>
        %mul3A_1387 = arith.mulf %mul3A_1386, %get3A_1385 : vector<16xf32>
        %get3A_1388 = arith.constant 144 : index
        %get3A_1389 = tpu.vector_load %arg14[%get3A_1388] {strides = array<i32>} : memref<1248xf32, #tpu.memory_space<vmem>>, vector<16xf32>,
        %get3A_1390 = vector.shape_cast %get3A_1389 : vector<16xf32> to vector<16xf32>
        %add3A_1391 = arith.addf %mul3A_1387, %get3A_1390 : vector<16xf32>
        %swap3A_1392 = arith.index_cast %add3A_1382 : i32 to index
        %swap3A_1393 = tpu.vector_load %arg11[%swap3A_1392] {strides = array<i32>} : memref<39936xf32, #tpu.memory_space<vmem>>, vector<16xf32>,
        %swap3A_1394 = vector.shape_cast %swap3A_1393 : vector<16xf32> to vector<16xf32>
        %swap3A_1395 = vector.shape_cast %add3A_1391 : vector<16xf32> to vector<16xf32>
        tpu.vector_store %arg11[%swap3A_1392], %swap3A_1395 {strides = array<i32>} : memref<39936xf32, #tpu.memory_space<vmem>>, vector<16xf32>,
        %slice3A_1396 = vector.extract_strided_slice %get3A_1217 {offsets = [5], sizes = [1], strides = [1]} : vector<16xf32> to vector<1xf32>
        %squeeze3A_1397 = vector.extract %slice3A_1396[0] : f32 from vector<1xf32>
        %add3A_1398 = arith.constant 160 : i32
        %add3A_1399 = arith.addi %mul3A_1212, %add3A_1398 : i32
        %add3A_1400 = arith.constant 0 : i32
        %add3A_1401 = arith.addi %add3A_1399, %add3A_1400 : i32
        %get3A_1402 = arith.constant 160 : index
        %get3A_1403 = tpu.vector_load %arg13[%get3A_1402] {strides = array<i32>} : memref<416xf32, #tpu.memory_space<vmem>>, vector<16xf32>,
        %get3A_1404 = vector.shape_cast %get3A_1403 : vector<16xf32> to vector<16xf32>
        %mul3A_1405 = vector.broadcast %squeeze3A_1397 : f32 to vector<16xf32>
        %mul3A_1406 = arith.mulf %mul3A_1405, %get3A_1404 : vector<16xf32>
        %get3A_1407 = arith.constant 160 : index
        %get3A_1408 = tpu.vector_load %arg14[%get3A_1407] {strides = array<i32>} : memref<1248xf32, #tpu.memory_space<vmem>>, vector<16xf32>,
        %get3A_1409 = vector.shape_cast %get3A_1408 : vector<16xf32> to vector<16xf32>
        %add3A_1410 = arith.addf %mul3A_1406, %get3A_1409 : vector<16xf32>
        %swap3A_1411 = arith.index_cast %add3A_1401 : i32 to index
        %swap3A_1412 = tpu.vector_load %arg11[%swap3A_1411] {strides = array<i32>} : memref<39936xf32, #tpu.memory_space<vmem>>, vector<16xf32>,
        %swap3A_1413 = vector.shape_cast %swap3A_1412 : vector<16xf32> to vector<16xf32>
        %swap3A_1414 = vector.shape_cast %add3A_1410 : vector<16xf32> to vector<16xf32>
        tpu.vector_store %arg11[%swap3A_1411], %swap3A_1414 {strides = array<i32>} : memref<39936xf32, #tpu.memory_space<vmem>>, vector<16xf32>,
        %add3A_1415 = arith.constant 160 : i32
        %add3A_1416 = arith.addi %mul3A_1212, %add3A_1415 : i32
        %add3A_1417 = arith.constant 16 : i32
        %add3A_1418 = arith.addi %add3A_1416, %add3A_1417 : i32
        %get3A_1419 = arith.constant 176 : index
        %get3A_1420 = tpu.vector_load %arg13[%get3A_1419] {strides = array<i32>} : memref<416xf32, #tpu.memory_space<vmem>>, vector<16xf32>,
        %get3A_1421 = vector.shape_cast %get3A_1420 : vector<16xf32> to vector<16xf32>
        %mul3A_1422 = vector.broadcast %squeeze3A_1397 : f32 to vector<16xf32>
        %mul3A_1423 = arith.mulf %mul3A_1422, %get3A_1421 : vector<16xf32>
        %get3A_1424 = arith.constant 176 : index
        %get3A_1425 = tpu.vector_load %arg14[%get3A_1424] {strides = array<i32>} : memref<1248xf32, #tpu.memory_space<vmem>>, vector<16xf32>,
        %get3A_1426 = vector.shape_cast %get3A_1425 : vector<16xf32> to vector<16xf32>
        %add3A_1427 = arith.addf %mul3A_1423, %get3A_1426 : vector<16xf32>
        %swap3A_1428 = arith.index_cast %add3A_1418 : i32 to index
        %swap3A_1429 = tpu.vector_load %arg11[%swap3A_1428] {strides = array<i32>} : memref<39936xf32, #tpu.memory_space<vmem>>, vector<16xf32>,
        %swap3A_1430 = vector.shape_cast %swap3A_1429 : vector<16xf32> to vector<16xf32>
        %swap3A_1431 = vector.shape_cast %add3A_1427 : vector<16xf32> to vector<16xf32>
        tpu.vector_store %arg11[%swap3A_1428], %swap3A_1431 {strides = array<i32>} : memref<39936xf32, #tpu.memory_space<vmem>>, vector<16xf32>,
        %slice3A_1432 = vector.extract_strided_slice %get3A_1217 {offsets = [6], sizes = [1], strides = [1]} : vector<16xf32> to vector<1xf32>
        %squeeze3A_1433 = vector.extract %slice3A_1432[0] : f32 from vector<1xf32>
        %add3A_1434 = arith.constant 192 : i32
        %add3A_1435 = arith.addi %mul3A_1212, %add3A_1434 : i32
        %add3A_1436 = arith.constant 0 : i32
        %add3A_1437 = arith.addi %add3A_1435, %add3A_1436 : i32
        %get3A_1438 = arith.constant 192 : index
        %get3A_1439 = tpu.vector_load %arg13[%get3A_1438] {strides = array<i32>} : memref<416xf32, #tpu.memory_space<vmem>>, vector<16xf32>,
        %get3A_1440 = vector.shape_cast %get3A_1439 : vector<16xf32> to vector<16xf32>
        %mul3A_1441 = vector.broadcast %squeeze3A_1433 : f32 to vector<16xf32>
        %mul3A_1442 = arith.mulf %mul3A_1441, %get3A_1440 : vector<16xf32>
        %get3A_1443 = arith.constant 192 : index
        %get3A_1444 = tpu.vector_load %arg14[%get3A_1443] {strides = array<i32>} : memref<1248xf32, #tpu.memory_space<vmem>>, vector<16xf32>,
        %get3A_1445 = vector.shape_cast %get3A_1444 : vector<16xf32> to vector<16xf32>
        %add3A_1446 = arith.addf %mul3A_1442, %get3A_1445 : vector<16xf32>
        %swap3A_1447 = arith.index_cast %add3A_1437 : i32 to index
        %swap3A_1448 = tpu.vector_load %arg11[%swap3A_1447] {strides = array<i32>} : memref<39936xf32, #tpu.memory_space<vmem>>, vector<16xf32>,
        %swap3A_1449 = vector.shape_cast %swap3A_1448 : vector<16xf32> to vector<16xf32>
        %swap3A_1450 = vector.shape_cast %add3A_1446 : vector<16xf32> to vector<16xf32>
        tpu.vector_store %arg11[%swap3A_1447], %swap3A_1450 {strides = array<i32>} : memref<39936xf32, #tpu.memory_space<vmem>>, vector<16xf32>,
        %add3A_1451 = arith.constant 192 : i32
        %add3A_1452 = arith.addi %mul3A_1212, %add3A_1451 : i32
        %add3A_1453 = arith.constant 16 : i32
        %add3A_1454 = arith.addi %add3A_1452, %add3A_1453 : i32
        %get3A_1455 = arith.constant 208 : index
        %get3A_1456 = tpu.vector_load %arg13[%get3A_1455] {strides = array<i32>} : memref<416xf32, #tpu.memory_space<vmem>>, vector<16xf32>,
        %get3A_1457 = vector.shape_cast %get3A_1456 : vector<16xf32> to vector<16xf32>
        %mul3A_1458 = vector.broadcast %squeeze3A_1433 : f32 to vector<16xf32>
        %mul3A_1459 = arith.mulf %mul3A_1458, %get3A_1457 : vector<16xf32>
        %get3A_1460 = arith.constant 208 : index
        %get3A_1461 = tpu.vector_load %arg14[%get3A_1460] {strides = array<i32>} : memref<1248xf32, #tpu.memory_space<vmem>>, vector<16xf32>,
        %get3A_1462 = vector.shape_cast %get3A_1461 : vector<16xf32> to vector<16xf32>
        %add3A_1463 = arith.addf %mul3A_1459, %get3A_1462 : vector<16xf32>
        %swap3A_1464 = arith.index_cast %add3A_1454 : i32 to index
        %swap3A_1465 = tpu.vector_load %arg11[%swap3A_1464] {strides = array<i32>} : memref<39936xf32, #tpu.memory_space<vmem>>, vector<16xf32>,
        %swap3A_1466 = vector.shape_cast %swap3A_1465 : vector<16xf32> to vector<16xf32>
        %swap3A_1467 = vector.shape_cast %add3A_1463 : vector<16xf32> to vector<16xf32>
        tpu.vector_store %arg11[%swap3A_1464], %swap3A_1467 {strides = array<i32>} : memref<39936xf32, #tpu.memory_space<vmem>>, vector<16xf32>,
        %slice3A_1468 = vector.extract_strided_slice %get3A_1217 {offsets = [7], sizes = [1], strides = [1]} : vector<16xf32> to vector<1xf32>
        %squeeze3A_1469 = vector.extract %slice3A_1468[0] : f32 from vector<1xf32>
        %add3A_1470 = arith.constant 224 : i32
        %add3A_1471 = arith.addi %mul3A_1212, %add3A_1470 : i32
        %add3A_1472 = arith.constant 0 : i32
        %add3A_1473 = arith.addi %add3A_1471, %add3A_1472 : i32
        %get3A_1474 = arith.constant 224 : index
        %get3A_1475 = tpu.vector_load %arg13[%get3A_1474] {strides = array<i32>} : memref<416xf32, #tpu.memory_space<vmem>>, vector<16xf32>,
        %get3A_1476 = vector.shape_cast %get3A_1475 : vector<16xf32> to vector<16xf32>
        %mul3A_1477 = vector.broadcast %squeeze3A_1469 : f32 to vector<16xf32>
        %mul3A_1478 = arith.mulf %mul3A_1477, %get3A_1476 : vector<16xf32>
        %get3A_1479 = arith.constant 224 : index
        %get3A_1480 = tpu.vector_load %arg14[%get3A_1479] {strides = array<i32>} : memref<1248xf32, #tpu.memory_space<vmem>>, vector<16xf32>,
        %get3A_1481 = vector.shape_cast %get3A_1480 : vector<16xf32> to vector<16xf32>
        %add3A_1482 = arith.addf %mul3A_1478, %get3A_1481 : vector<16xf32>
        %swap3A_1483 = arith.index_cast %add3A_1473 : i32 to index
        %swap3A_1484 = tpu.vector_load %arg11[%swap3A_1483] {strides = array<i32>} : memref<39936xf32, #tpu.memory_space<vmem>>, vector<16xf32>,
        %swap3A_1485 = vector.shape_cast %swap3A_1484 : vector<16xf32> to vector<16xf32>
        %swap3A_1486 = vector.shape_cast %add3A_1482 : vector<16xf32> to vector<16xf32>
        tpu.vector_store %arg11[%swap3A_1483], %swap3A_1486 {strides = array<i32>} : memref<39936xf32, #tpu.memory_space<vmem>>, vector<16xf32>,
        %add3A_1487 = arith.constant 224 : i32
        %add3A_1488 = arith.addi %mul3A_1212, %add3A_1487 : i32
        %add3A_1489 = arith.constant 16 : i32
        %add3A_1490 = arith.addi %add3A_1488, %add3A_1489 : i32
        %get3A_1491 = arith.constant 240 : index
        %get3A_1492 = tpu.vector_load %arg13[%get3A_1491] {strides = array<i32>} : memref<416xf32, #tpu.memory_space<vmem>>, vector<16xf32>,
        %get3A_1493 = vector.shape_cast %get3A_1492 : vector<16xf32> to vector<16xf32>
        %mul3A_1494 = vector.broadcast %squeeze3A_1469 : f32 to vector<16xf32>
        %mul3A_1495 = arith.mulf %mul3A_1494, %get3A_1493 : vector<16xf32>
        %get3A_1496 = arith.constant 240 : index
        %get3A_1497 = tpu.vector_load %arg14[%get3A_1496] {strides = array<i32>} : memref<1248xf32, #tpu.memory_space<vmem>>, vector<16xf32>,
        %get3A_1498 = vector.shape_cast %get3A_1497 : vector<16xf32> to vector<16xf32>
        %add3A_1499 = arith.addf %mul3A_1495, %get3A_1498 : vector<16xf32>
        %swap3A_1500 = arith.index_cast %add3A_1490 : i32 to index
        %swap3A_1501 = tpu.vector_load %arg11[%swap3A_1500] {strides = array<i32>} : memref<39936xf32, #tpu.memory_space<vmem>>, vector<16xf32>,
        %swap3A_1502 = vector.shape_cast %swap3A_1501 : vector<16xf32> to vector<16xf32>
        %swap3A_1503 = vector.shape_cast %add3A_1499 : vector<16xf32> to vector<16xf32>
        tpu.vector_store %arg11[%swap3A_1500], %swap3A_1503 {strides = array<i32>} : memref<39936xf32, #tpu.memory_space<vmem>>, vector<16xf32>,
        %slice3A_1504 = vector.extract_strided_slice %get3A_1217 {offsets = [8], sizes = [1], strides = [1]} : vector<16xf32> to vector<1xf32>
        %squeeze3A_1505 = vector.extract %slice3A_1504[0] : f32 from vector<1xf32>
        %add3A_1506 = arith.constant 256 : i32
        %add3A_1507 = arith.addi %mul3A_1212, %add3A_1506 : i32
        %add3A_1508 = arith.constant 0 : i32
        %add3A_1509 = arith.addi %add3A_1507, %add3A_1508 : i32
        %get3A_1510 = arith.constant 256 : index
        %get3A_1511 = tpu.vector_load %arg13[%get3A_1510] {strides = array<i32>} : memref<416xf32, #tpu.memory_space<vmem>>, vector<16xf32>,
        %get3A_1512 = vector.shape_cast %get3A_1511 : vector<16xf32> to vector<16xf32>
        %mul3A_1513 = vector.broadcast %squeeze3A_1505 : f32 to vector<16xf32>
        %mul3A_1514 = arith.mulf %mul3A_1513, %get3A_1512 : vector<16xf32>
        %get3A_1515 = arith.constant 256 : index
        %get3A_1516 = tpu.vector_load %arg14[%get3A_1515] {strides = array<i32>} : memref<1248xf32, #tpu.memory_space<vmem>>, vector<16xf32>,
        %get3A_1517 = vector.shape_cast %get3A_1516 : vector<16xf32> to vector<16xf32>
        %add3A_1518 = arith.addf %mul3A_1514, %get3A_1517 : vector<16xf32>
        %swap3A_1519 = arith.index_cast %add3A_1509 : i32 to index
        %swap3A_1520 = tpu.vector_load %arg11[%swap3A_1519] {strides = array<i32>} : memref<39936xf32, #tpu.memory_space<vmem>>, vector<16xf32>,
        %swap3A_1521 = vector.shape_cast %swap3A_1520 : vector<16xf32> to vector<16xf32>
        %swap3A_1522 = vector.shape_cast %add3A_1518 : vector<16xf32> to vector<16xf32>
        tpu.vector_store %arg11[%swap3A_1519], %swap3A_1522 {strides = array<i32>} : memref<39936xf32, #tpu.memory_space<vmem>>, vector<16xf32>,
        %add3A_1523 = arith.constant 256 : i32
        %add3A_1524 = arith.addi %mul3A_1212, %add3A_1523 : i32
        %add3A_1525 = arith.constant 16 : i32
        %add3A_1526 = arith.addi %add3A_1524, %add3A_1525 : i32
        %get3A_1527 = arith.constant 272 : index
        %get3A_1528 = tpu.vector_load %arg13[%get3A_1527] {strides = array<i32>} : memref<416xf32, #tpu.memory_space<vmem>>, vector<16xf32>,
        %get3A_1529 = vector.shape_cast %get3A_1528 : vector<16xf32> to vector<16xf32>
        %mul3A_1530 = vector.broadcast %squeeze3A_1505 : f32 to vector<16xf32>
        %mul3A_1531 = arith.mulf %mul3A_1530, %get3A_1529 : vector<16xf32>
        %get3A_1532 = arith.constant 272 : index
        %get3A_1533 = tpu.vector_load %arg14[%get3A_1532] {strides = array<i32>} : memref<1248xf32, #tpu.memory_space<vmem>>, vector<16xf32>,
        %get3A_1534 = vector.shape_cast %get3A_1533 : vector<16xf32> to vector<16xf32>
        %add3A_1535 = arith.addf %mul3A_1531, %get3A_1534 : vector<16xf32>
        %swap3A_1536 = arith.index_cast %add3A_1526 : i32 to index
        %swap3A_1537 = tpu.vector_load %arg11[%swap3A_1536] {strides = array<i32>} : memref<39936xf32, #tpu.memory_space<vmem>>, vector<16xf32>,
        %swap3A_1538 = vector.shape_cast %swap3A_1537 : vector<16xf32> to vector<16xf32>
        %swap3A_1539 = vector.shape_cast %add3A_1535 : vector<16xf32> to vector<16xf32>
        tpu.vector_store %arg11[%swap3A_1536], %swap3A_1539 {strides = array<i32>} : memref<39936xf32, #tpu.memory_space<vmem>>, vector<16xf32>,
        %slice3A_1540 = vector.extract_strided_slice %get3A_1217 {offsets = [9], sizes = [1], strides = [1]} : vector<16xf32> to vector<1xf32>
        %squeeze3A_1541 = vector.extract %slice3A_1540[0] : f32 from vector<1xf32>
        %add3A_1542 = arith.constant 288 : i32
        %add3A_1543 = arith.addi %mul3A_1212, %add3A_1542 : i32
        %add3A_1544 = arith.constant 0 : i32
        %add3A_1545 = arith.addi %add3A_1543, %add3A_1544 : i32
        %get3A_1546 = arith.constant 288 : index
        %get3A_1547 = tpu.vector_load %arg13[%get3A_1546] {strides = array<i32>} : memref<416xf32, #tpu.memory_space<vmem>>, vector<16xf32>,
        %get3A_1548 = vector.shape_cast %get3A_1547 : vector<16xf32> to vector<16xf32>
        %mul3A_1549 = vector.broadcast %squeeze3A_1541 : f32 to vector<16xf32>
        %mul3A_1550 = arith.mulf %mul3A_1549, %get3A_1548 : vector<16xf32>
        %get3A_1551 = arith.constant 288 : index
        %get3A_1552 = tpu.vector_load %arg14[%get3A_1551] {strides = array<i32>} : memref<1248xf32, #tpu.memory_space<vmem>>, vector<16xf32>,
        %get3A_1553 = vector.shape_cast %get3A_1552 : vector<16xf32> to vector<16xf32>
        %add3A_1554 = arith.addf %mul3A_1550, %get3A_1553 : vector<16xf32>
        %swap3A_1555 = arith.index_cast %add3A_1545 : i32 to index
        %swap3A_1556 = tpu.vector_load %arg11[%swap3A_1555] {strides = array<i32>} : memref<39936xf32, #tpu.memory_space<vmem>>, vector<16xf32>,
        %swap3A_1557 = vector.shape_cast %swap3A_1556 : vector<16xf32> to vector<16xf32>
        %swap3A_1558 = vector.shape_cast %add3A_1554 : vector<16xf32> to vector<16xf32>
        tpu.vector_store %arg11[%swap3A_1555], %swap3A_1558 {strides = array<i32>} : memref<39936xf32, #tpu.memory_space<vmem>>, vector<16xf32>,
        %add3A_1559 = arith.constant 288 : i32
        %add3A_1560 = arith.addi %mul3A_1212, %add3A_1559 : i32
        %add3A_1561 = arith.constant 16 : i32
        %add3A_1562 = arith.addi %add3A_1560, %add3A_1561 : i32
        %get3A_1563 = arith.constant 304 : index
        %get3A_1564 = tpu.vector_load %arg13[%get3A_1563] {strides = array<i32>} : memref<416xf32, #tpu.memory_space<vmem>>, vector<16xf32>,
        %get3A_1565 = vector.shape_cast %get3A_1564 : vector<16xf32> to vector<16xf32>
        %mul3A_1566 = vector.broadcast %squeeze3A_1541 : f32 to vector<16xf32>
        %mul3A_1567 = arith.mulf %mul3A_1566, %get3A_1565 : vector<16xf32>
        %get3A_1568 = arith.constant 304 : index
        %get3A_1569 = tpu.vector_load %arg14[%get3A_1568] {strides = array<i32>} : memref<1248xf32, #tpu.memory_space<vmem>>, vector<16xf32>,
        %get3A_1570 = vector.shape_cast %get3A_1569 : vector<16xf32> to vector<16xf32>
        %add3A_1571 = arith.addf %mul3A_1567, %get3A_1570 : vector<16xf32>
        %swap3A_1572 = arith.index_cast %add3A_1562 : i32 to index
        %swap3A_1573 = tpu.vector_load %arg11[%swap3A_1572] {strides = array<i32>} : memref<39936xf32, #tpu.memory_space<vmem>>, vector<16xf32>,
        %swap3A_1574 = vector.shape_cast %swap3A_1573 : vector<16xf32> to vector<16xf32>
        %swap3A_1575 = vector.shape_cast %add3A_1571 : vector<16xf32> to vector<16xf32>
        tpu.vector_store %arg11[%swap3A_1572], %swap3A_1575 {strides = array<i32>} : memref<39936xf32, #tpu.memory_space<vmem>>, vector<16xf32>,
        %slice3A_1576 = vector.extract_strided_slice %get3A_1217 {offsets = [10], sizes = [1], strides = [1]} : vector<16xf32> to vector<1xf32>
        %squeeze3A_1577 = vector.extract %slice3A_1576[0] : f32 from vector<1xf32>
        %add3A_1578 = arith.constant 320 : i32
        %add3A_1579 = arith.addi %mul3A_1212, %add3A_1578 : i32
        %add3A_1580 = arith.constant 0 : i32
        %add3A_1581 = arith.addi %add3A_1579, %add3A_1580 : i32
        %get3A_1582 = arith.constant 320 : index
        %get3A_1583 = tpu.vector_load %arg13[%get3A_1582] {strides = array<i32>} : memref<416xf32, #tpu.memory_space<vmem>>, vector<16xf32>,
        %get3A_1584 = vector.shape_cast %get3A_1583 : vector<16xf32> to vector<16xf32>
        %mul3A_1585 = vector.broadcast %squeeze3A_1577 : f32 to vector<16xf32>
        %mul3A_1586 = arith.mulf %mul3A_1585, %get3A_1584 : vector<16xf32>
        %get3A_1587 = arith.constant 320 : index
        %get3A_1588 = tpu.vector_load %arg14[%get3A_1587] {strides = array<i32>} : memref<1248xf32, #tpu.memory_space<vmem>>, vector<16xf32>,
        %get3A_1589 = vector.shape_cast %get3A_1588 : vector<16xf32> to vector<16xf32>
        %add3A_1590 = arith.addf %mul3A_1586, %get3A_1589 : vector<16xf32>
        %swap3A_1591 = arith.index_cast %add3A_1581 : i32 to index
        %swap3A_1592 = tpu.vector_load %arg11[%swap3A_1591] {strides = array<i32>} : memref<39936xf32, #tpu.memory_space<vmem>>, vector<16xf32>,
        %swap3A_1593 = vector.shape_cast %swap3A_1592 : vector<16xf32> to vector<16xf32>
        %swap3A_1594 = vector.shape_cast %add3A_1590 : vector<16xf32> to vector<16xf32>
        tpu.vector_store %arg11[%swap3A_1591], %swap3A_1594 {strides = array<i32>} : memref<39936xf32, #tpu.memory_space<vmem>>, vector<16xf32>,
        %add3A_1595 = arith.constant 320 : i32
        %add3A_1596 = arith.addi %mul3A_1212, %add3A_1595 : i32
        %add3A_1597 = arith.constant 16 : i32
        %add3A_1598 = arith.addi %add3A_1596, %add3A_1597 : i32
        %get3A_1599 = arith.constant 336 : index
        %get3A_1600 = tpu.vector_load %arg13[%get3A_1599] {strides = array<i32>} : memref<416xf32, #tpu.memory_space<vmem>>, vector<16xf32>,
        %get3A_1601 = vector.shape_cast %get3A_1600 : vector<16xf32> to vector<16xf32>
        %mul3A_1602 = vector.broadcast %squeeze3A_1577 : f32 to vector<16xf32>
        %mul3A_1603 = arith.mulf %mul3A_1602, %get3A_1601 : vector<16xf32>
        %get3A_1604 = arith.constant 336 : index
        %get3A_1605 = tpu.vector_load %arg14[%get3A_1604] {strides = array<i32>} : memref<1248xf32, #tpu.memory_space<vmem>>, vector<16xf32>,
        %get3A_1606 = vector.shape_cast %get3A_1605 : vector<16xf32> to vector<16xf32>
        %add3A_1607 = arith.addf %mul3A_1603, %get3A_1606 : vector<16xf32>
        %swap3A_1608 = arith.index_cast %add3A_1598 : i32 to index
        %swap3A_1609 = tpu.vector_load %arg11[%swap3A_1608] {strides = array<i32>} : memref<39936xf32, #tpu.memory_space<vmem>>, vector<16xf32>,
        %swap3A_1610 = vector.shape_cast %swap3A_1609 : vector<16xf32> to vector<16xf32>
        %swap3A_1611 = vector.shape_cast %add3A_1607 : vector<16xf32> to vector<16xf32>
        tpu.vector_store %arg11[%swap3A_1608], %swap3A_1611 {strides = array<i32>} : memref<39936xf32, #tpu.memory_space<vmem>>, vector<16xf32>,
        %slice3A_1612 = vector.extract_strided_slice %get3A_1217 {offsets = [11], sizes = [1], strides = [1]} : vector<16xf32> to vector<1xf32>
        %squeeze3A_1613 = vector.extract %slice3A_1612[0] : f32 from vector<1xf32>
        %add3A_1614 = arith.constant 352 : i32
        %add3A_1615 = arith.addi %mul3A_1212, %add3A_1614 : i32
        %add3A_1616 = arith.constant 0 : i32
        %add3A_1617 = arith.addi %add3A_1615, %add3A_1616 : i32
        %get3A_1618 = arith.constant 352 : index
        %get3A_1619 = tpu.vector_load %arg13[%get3A_1618] {strides = array<i32>} : memref<416xf32, #tpu.memory_space<vmem>>, vector<16xf32>,
        %get3A_1620 = vector.shape_cast %get3A_1619 : vector<16xf32> to vector<16xf32>
        %mul3A_1621 = vector.broadcast %squeeze3A_1613 : f32 to vector<16xf32>
        %mul3A_1622 = arith.mulf %mul3A_1621, %get3A_1620 : vector<16xf32>
        %get3A_1623 = arith.constant 352 : index
        %get3A_1624 = tpu.vector_load %arg14[%get3A_1623] {strides = array<i32>} : memref<1248xf32, #tpu.memory_space<vmem>>, vector<16xf32>,
        %get3A_1625 = vector.shape_cast %get3A_1624 : vector<16xf32> to vector<16xf32>
        %add3A_1626 = arith.addf %mul3A_1622, %get3A_1625 : vector<16xf32>
        %swap3A_1627 = arith.index_cast %add3A_1617 : i32 to index
        %swap3A_1628 = tpu.vector_load %arg11[%swap3A_1627] {strides = array<i32>} : memref<39936xf32, #tpu.memory_space<vmem>>, vector<16xf32>,
        %swap3A_1629 = vector.shape_cast %swap3A_1628 : vector<16xf32> to vector<16xf32>
        %swap3A_1630 = vector.shape_cast %add3A_1626 : vector<16xf32> to vector<16xf32>
        tpu.vector_store %arg11[%swap3A_1627], %swap3A_1630 {strides = array<i32>} : memref<39936xf32, #tpu.memory_space<vmem>>, vector<16xf32>,
        %add3A_1631 = arith.constant 352 : i32
        %add3A_1632 = arith.addi %mul3A_1212, %add3A_1631 : i32
        %add3A_1633 = arith.constant 16 : i32
        %add3A_1634 = arith.addi %add3A_1632, %add3A_1633 : i32
        %get3A_1635 = arith.constant 368 : index
        %get3A_1636 = tpu.vector_load %arg13[%get3A_1635] {strides = array<i32>} : memref<416xf32, #tpu.memory_space<vmem>>, vector<16xf32>,
        %get3A_1637 = vector.shape_cast %get3A_1636 : vector<16xf32> to vector<16xf32>
        %mul3A_1638 = vector.broadcast %squeeze3A_1613 : f32 to vector<16xf32>
        %mul3A_1639 = arith.mulf %mul3A_1638, %get3A_1637 : vector<16xf32>
        %get3A_1640 = arith.constant 368 : index
        %get3A_1641 = tpu.vector_load %arg14[%get3A_1640] {strides = array<i32>} : memref<1248xf32, #tpu.memory_space<vmem>>, vector<16xf32>,
        %get3A_1642 = vector.shape_cast %get3A_1641 : vector<16xf32> to vector<16xf32>
        %add3A_1643 = arith.addf %mul3A_1639, %get3A_1642 : vector<16xf32>
        %swap3A_1644 = arith.index_cast %add3A_1634 : i32 to index
        %swap3A_1645 = tpu.vector_load %arg11[%swap3A_1644] {strides = array<i32>} : memref<39936xf32, #tpu.memory_space<vmem>>, vector<16xf32>,
        %swap3A_1646 = vector.shape_cast %swap3A_1645 : vector<16xf32> to vector<16xf32>
        %swap3A_1647 = vector.shape_cast %add3A_1643 : vector<16xf32> to vector<16xf32>
        tpu.vector_store %arg11[%swap3A_1644], %swap3A_1647 {strides = array<i32>} : memref<39936xf32, #tpu.memory_space<vmem>>, vector<16xf32>,
        %slice3A_1648 = vector.extract_strided_slice %get3A_1217 {offsets = [12], sizes = [1], strides = [1]} : vector<16xf32> to vector<1xf32>
        %squeeze3A_1649 = vector.extract %slice3A_1648[0] : f32 from vector<1xf32>
        %add3A_1650 = arith.constant 384 : i32
        %add3A_1651 = arith.addi %mul3A_1212, %add3A_1650 : i32
        %add3A_1652 = arith.constant 0 : i32
        %add3A_1653 = arith.addi %add3A_1651, %add3A_1652 : i32
        %get3A_1654 = arith.constant 384 : index
        %get3A_1655 = tpu.vector_load %arg13[%get3A_1654] {strides = array<i32>} : memref<416xf32, #tpu.memory_space<vmem>>, vector<16xf32>,
        %get3A_1656 = vector.shape_cast %get3A_1655 : vector<16xf32> to vector<16xf32>
        %mul3A_1657 = vector.broadcast %squeeze3A_1649 : f32 to vector<16xf32>
        %mul3A_1658 = arith.mulf %mul3A_1657, %get3A_1656 : vector<16xf32>
        %get3A_1659 = arith.constant 384 : index
        %get3A_1660 = tpu.vector_load %arg14[%get3A_1659] {strides = array<i32>} : memref<1248xf32, #tpu.memory_space<vmem>>, vector<16xf32>,
        %get3A_1661 = vector.shape_cast %get3A_1660 : vector<16xf32> to vector<16xf32>
        %add3A_1662 = arith.addf %mul3A_1658, %get3A_1661 : vector<16xf32>
        %swap3A_1663 = arith.index_cast %add3A_1653 : i32 to index
        %swap3A_1664 = tpu.vector_load %arg11[%swap3A_1663] {strides = array<i32>} : memref<39936xf32, #tpu.memory_space<vmem>>, vector<16xf32>,
        %swap3A_1665 = vector.shape_cast %swap3A_1664 : vector<16xf32> to vector<16xf32>
        %swap3A_1666 = vector.shape_cast %add3A_1662 : vector<16xf32> to vector<16xf32>
        tpu.vector_store %arg11[%swap3A_1663], %swap3A_1666 {strides = array<i32>} : memref<39936xf32, #tpu.memory_space<vmem>>, vector<16xf32>,
        %add3A_1667 = arith.constant 384 : i32
        %add3A_1668 = arith.addi %mul3A_1212, %add3A_1667 : i32
        %add3A_1669 = arith.constant 16 : i32
        %add3A_1670 = arith.addi %add3A_1668, %add3A_1669 : i32
        %get3A_1671 = arith.constant 400 : index
        %get3A_1672 = tpu.vector_load %arg13[%get3A_1671] {strides = array<i32>} : memref<416xf32, #tpu.memory_space<vmem>>, vector<16xf32>,
        %get3A_1673 = vector.shape_cast %get3A_1672 : vector<16xf32> to vector<16xf32>
        %mul3A_1674 = vector.broadcast %squeeze3A_1649 : f32 to vector<16xf32>
        %mul3A_1675 = arith.mulf %mul3A_1674, %get3A_1673 : vector<16xf32>
        %get3A_1676 = arith.constant 400 : index
        %get3A_1677 = tpu.vector_load %arg14[%get3A_1676] {strides = array<i32>} : memref<1248xf32, #tpu.memory_space<vmem>>, vector<16xf32>,
        %get3A_1678 = vector.shape_cast %get3A_1677 : vector<16xf32> to vector<16xf32>
        %add3A_1679 = arith.addf %mul3A_1675, %get3A_1678 : vector<16xf32>
        %swap3A_1680 = arith.index_cast %add3A_1670 : i32 to index
        %swap3A_1681 = tpu.vector_load %arg11[%swap3A_1680] {strides = array<i32>} : memref<39936xf32, #tpu.memory_space<vmem>>, vector<16xf32>,
        %swap3A_1682 = vector.shape_cast %swap3A_1681 : vector<16xf32> to vector<16xf32>
        %swap3A_1683 = vector.shape_cast %add3A_1679 : vector<16xf32> to vector<16xf32>
        tpu.vector_store %arg11[%swap3A_1680], %swap3A_1683 {strides = array<i32>} : memref<39936xf32, #tpu.memory_space<vmem>>, vector<16xf32>,
        %add3A_1684 = arith.constant 416 : i32
        %add3A_1685 = arith.addi %mul3A_1212, %add3A_1684 : i32
        %add3A_1686 = arith.constant 0 : i32
        %add3A_1687 = arith.addi %add3A_1685, %add3A_1686 : i32
        %add3A_1688 = arith.constant 0 : i32
        %add3A_1689 = arith.addi %add3A_1688, %scan3A_1210 : i32
        %get3A_1690 = arith.index_cast %add3A_1689 : i32 to index
        %get3A_1691 = arith.constant 0 : index
        %get3A_1692 = tpu.vector_load %arg10[%get3A_1690, %get3A_1691] {strides = array<i32>} : memref<832x32xf32, #tpu.memory_space<vmem>>, vector<1x16xf32>,
        %get3A_1693 = vector.shape_cast %get3A_1692 : vector<1x16xf32> to vector<16xf32>
        %get3A_1694 = arith.constant 416 : index
        %get3A_1695 = tpu.vector_load %arg14[%get3A_1694] {strides = array<i32>} : memref<1248xf32, #tpu.memory_space<vmem>>, vector<16xf32>,
        %get3A_1696 = vector.shape_cast %get3A_1695 : vector<16xf32> to vector<16xf32>
        %add3A_1697 = arith.addf %get3A_1693, %get3A_1696 : vector<16xf32>
        %swap3A_1698 = arith.index_cast %add3A_1687 : i32 to index
        %swap3A_1699 = tpu.vector_load %arg11[%swap3A_1698] {strides = array<i32>} : memref<39936xf32, #tpu.memory_space<vmem>>, vector<16xf32>,
        %swap3A_1700 = vector.shape_cast %swap3A_1699 : vector<16xf32> to vector<16xf32>
        %swap3A_1701 = vector.shape_cast %add3A_1697 : vector<16xf32> to vector<16xf32>
        tpu.vector_store %arg11[%swap3A_1698], %swap3A_1701 {strides = array<i32>} : memref<39936xf32, #tpu.memory_space<vmem>>, vector<16xf32>,
        %add3A_1702 = arith.constant 416 : i32
        %add3A_1703 = arith.addi %mul3A_1212, %add3A_1702 : i32
        %add3A_1704 = arith.constant 16 : i32
        %add3A_1705 = arith.addi %add3A_1703, %add3A_1704 : i32
        %add3A_1706 = arith.constant 0 : i32
        %add3A_1707 = arith.addi %add3A_1706, %scan3A_1210 : i32
        %get3A_1708 = arith.index_cast %add3A_1707 : i32 to index
        %get3A_1709 = arith.constant 16 : index
        %get3A_1710 = tpu.vector_load %arg10[%get3A_1708, %get3A_1709] {strides = array<i32>} : memref<832x32xf32, #tpu.memory_space<vmem>>, vector<1x16xf32>,
        %get3A_1711 = vector.shape_cast %get3A_1710 : vector<1x16xf32> to vector<16xf32>
        %get3A_1712 = arith.constant 432 : index
        %get3A_1713 = tpu.vector_load %arg14[%get3A_1712] {strides = array<i32>} : memref<1248xf32, #tpu.memory_space<vmem>>, vector<16xf32>,
        %get3A_1714 = vector.shape_cast %get3A_1713 : vector<16xf32> to vector<16xf32>
        %add3A_1715 = arith.addf %get3A_1711, %get3A_1714 : vector<16xf32>
        %swap3A_1716 = arith.index_cast %add3A_1705 : i32 to index
        %swap3A_1717 = tpu.vector_load %arg11[%swap3A_1716] {strides = array<i32>} : memref<39936xf32, #tpu.memory_space<vmem>>, vector<16xf32>,
        %swap3A_1718 = vector.shape_cast %swap3A_1717 : vector<16xf32> to vector<16xf32>
        %swap3A_1719 = vector.shape_cast %add3A_1715 : vector<16xf32> to vector<16xf32>
        tpu.vector_store %arg11[%swap3A_1716], %swap3A_1719 {strides = array<i32>} : memref<39936xf32, #tpu.memory_space<vmem>>, vector<16xf32>,
        %add3A_1720 = arith.constant 448 : i32
        %add3A_1721 = arith.addi %mul3A_1212, %add3A_1720 : i32
        %add3A_1722 = arith.constant 0 : i32
        %add3A_1723 = arith.addi %add3A_1721, %add3A_1722 : i32
        %add3A_1724 = arith.constant 32 : i32
        %add3A_1725 = arith.addi %add3A_1724, %scan3A_1210 : i32
        %get3A_1726 = arith.index_cast %add3A_1725 : i32 to index
        %get3A_1727 = arith.constant 0 : index
        %get3A_1728 = tpu.vector_load %arg10[%get3A_1726, %get3A_1727] {strides = array<i32>} : memref<832x32xf32, #tpu.memory_space<vmem>>, vector<1x16xf32>,
        %get3A_1729 = vector.shape_cast %get3A_1728 : vector<1x16xf32> to vector<16xf32>
        %get3A_1730 = arith.constant 448 : index
        %get3A_1731 = tpu.vector_load %arg14[%get3A_1730] {strides = array<i32>} : memref<1248xf32, #tpu.memory_space<vmem>>, vector<16xf32>,
        %get3A_1732 = vector.shape_cast %get3A_1731 : vector<16xf32> to vector<16xf32>
        %add3A_1733 = arith.addf %get3A_1729, %get3A_1732 : vector<16xf32>
        %swap3A_1734 = arith.index_cast %add3A_1723 : i32 to index
        %swap3A_1735 = tpu.vector_load %arg11[%swap3A_1734] {strides = array<i32>} : memref<39936xf32, #tpu.memory_space<vmem>>, vector<16xf32>,
        %swap3A_1736 = vector.shape_cast %swap3A_1735 : vector<16xf32> to vector<16xf32>
        %swap3A_1737 = vector.shape_cast %add3A_1733 : vector<16xf32> to vector<16xf32>
        tpu.vector_store %arg11[%swap3A_1734], %swap3A_1737 {strides = array<i32>} : memref<39936xf32, #tpu.memory_space<vmem>>, vector<16xf32>,
        %add3A_1738 = arith.constant 448 : i32
        %add3A_1739 = arith.addi %mul3A_1212, %add3A_1738 : i32
        %add3A_1740 = arith.constant 16 : i32
        %add3A_1741 = arith.addi %add3A_1739, %add3A_1740 : i32
        %add3A_1742 = arith.constant 32 : i32
        %add3A_1743 = arith.addi %add3A_1742, %scan3A_1210 : i32
        %get3A_1744 = arith.index_cast %add3A_1743 : i32 to index
        %get3A_1745 = arith.constant 16 : index
        %get3A_1746 = tpu.vector_load %arg10[%get3A_1744, %get3A_1745] {strides = array<i32>} : memref<832x32xf32, #tpu.memory_space<vmem>>, vector<1x16xf32>,
        %get3A_1747 = vector.shape_cast %get3A_1746 : vector<1x16xf32> to vector<16xf32>
        %get3A_1748 = arith.constant 464 : index
        %get3A_1749 = tpu.vector_load %arg14[%get3A_1748] {strides = array<i32>} : memref<1248xf32, #tpu.memory_space<vmem>>, vector<16xf32>,
        %get3A_1750 = vector.shape_cast %get3A_1749 : vector<16xf32> to vector<16xf32>
        %add3A_1751 = arith.addf %get3A_1747, %get3A_1750 : vector<16xf32>
        %swap3A_1752 = arith.index_cast %add3A_1741 : i32 to index
        %swap3A_1753 = tpu.vector_load %arg11[%swap3A_1752] {strides = array<i32>} : memref<39936xf32, #tpu.memory_space<vmem>>, vector<16xf32>,
        %swap3A_1754 = vector.shape_cast %swap3A_1753 : vector<16xf32> to vector<16xf32>
        %swap3A_1755 = vector.shape_cast %add3A_1751 : vector<16xf32> to vector<16xf32>
        tpu.vector_store %arg11[%swap3A_1752], %swap3A_1755 {strides = array<i32>} : memref<39936xf32, #tpu.memory_space<vmem>>, vector<16xf32>,
        %add3A_1756 = arith.constant 480 : i32
        %add3A_1757 = arith.addi %mul3A_1212, %add3A_1756 : i32
        %add3A_1758 = arith.constant 0 : i32
        %add3A_1759 = arith.addi %add3A_1757, %add3A_1758 : i32
        %add3A_1760 = arith.constant 64 : i32
        %add3A_1761 = arith.addi %add3A_1760, %scan3A_1210 : i32
        %get3A_1762 = arith.index_cast %add3A_1761 : i32 to index
        %get3A_1763 = arith.constant 0 : index
        %get3A_1764 = tpu.vector_load %arg10[%get3A_1762, %get3A_1763] {strides = array<i32>} : memref<832x32xf32, #tpu.memory_space<vmem>>, vector<1x16xf32>,
        %get3A_1765 = vector.shape_cast %get3A_1764 : vector<1x16xf32> to vector<16xf32>
        %get3A_1766 = arith.constant 480 : index
        %get3A_1767 = tpu.vector_load %arg14[%get3A_1766] {strides = array<i32>} : memref<1248xf32, #tpu.memory_space<vmem>>, vector<16xf32>,
        %get3A_1768 = vector.shape_cast %get3A_1767 : vector<16xf32> to vector<16xf32>
        %add3A_1769 = arith.addf %get3A_1765, %get3A_1768 : vector<16xf32>
        %swap3A_1770 = arith.index_cast %add3A_1759 : i32 to index
        %swap3A_1771 = tpu.vector_load %arg11[%swap3A_1770] {strides = array<i32>} : memref<39936xf32, #tpu.memory_space<vmem>>, vector<16xf32>,
        %swap3A_1772 = vector.shape_cast %swap3A_1771 : vector<16xf32> to vector<16xf32>
        %swap3A_1773 = vector.shape_cast %add3A_1769 : vector<16xf32> to vector<16xf32>
        tpu.vector_store %arg11[%swap3A_1770], %swap3A_1773 {strides = array<i32>} : memref<39936xf32, #tpu.memory_space<vmem>>, vector<16xf32>,
        %add3A_1774 = arith.constant 480 : i32
        %add3A_1775 = arith.addi %mul3A_1212, %add3A_1774 : i32
        %add3A_1776 = arith.constant 16 : i32
        %add3A_1777 = arith.addi %add3A_1775, %add3A_1776 : i32
        %add3A_1778 = arith.constant 64 : i32
        %add3A_1779 = arith.addi %add3A_1778, %scan3A_1210 : i32
        %get3A_1780 = arith.index_cast %add3A_1779 : i32 to index
        %get3A_1781 = arith.constant 16 : index
        %get3A_1782 = tpu.vector_load %arg10[%get3A_1780, %get3A_1781] {strides = array<i32>} : memref<832x32xf32, #tpu.memory_space<vmem>>, vector<1x16xf32>,
        %get3A_1783 = vector.shape_cast %get3A_1782 : vector<1x16xf32> to vector<16xf32>
        %get3A_1784 = arith.constant 496 : index
        %get3A_1785 = tpu.vector_load %arg14[%get3A_1784] {strides = array<i32>} : memref<1248xf32, #tpu.memory_space<vmem>>, vector<16xf32>,
        %get3A_1786 = vector.shape_cast %get3A_1785 : vector<16xf32> to vector<16xf32>
        %add3A_1787 = arith.addf %get3A_1783, %get3A_1786 : vector<16xf32>
        %swap3A_1788 = arith.index_cast %add3A_1777 : i32 to index
        %swap3A_1789 = tpu.vector_load %arg11[%swap3A_1788] {strides = array<i32>} : memref<39936xf32, #tpu.memory_space<vmem>>, vector<16xf32>,
        %swap3A_1790 = vector.shape_cast %swap3A_1789 : vector<16xf32> to vector<16xf32>
        %swap3A_1791 = vector.shape_cast %add3A_1787 : vector<16xf32> to vector<16xf32>
        tpu.vector_store %arg11[%swap3A_1788], %swap3A_1791 {strides = array<i32>} : memref<39936xf32, #tpu.memory_space<vmem>>, vector<16xf32>,
        %add3A_1792 = arith.constant 512 : i32
        %add3A_1793 = arith.addi %mul3A_1212, %add3A_1792 : i32
        %add3A_1794 = arith.constant 0 : i32
        %add3A_1795 = arith.addi %add3A_1793, %add3A_1794 : i32
        %add3A_1796 = arith.constant 96 : i32
        %add3A_1797 = arith.addi %add3A_1796, %scan3A_1210 : i32
        %get3A_1798 = arith.index_cast %add3A_1797 : i32 to index
        %get3A_1799 = arith.constant 0 : index
        %get3A_1800 = tpu.vector_load %arg10[%get3A_1798, %get3A_1799] {strides = array<i32>} : memref<832x32xf32, #tpu.memory_space<vmem>>, vector<1x16xf32>,
        %get3A_1801 = vector.shape_cast %get3A_1800 : vector<1x16xf32> to vector<16xf32>
        %get3A_1802 = arith.constant 512 : index
        %get3A_1803 = tpu.vector_load %arg14[%get3A_1802] {strides = array<i32>} : memref<1248xf32, #tpu.memory_space<vmem>>, vector<16xf32>,
        %get3A_1804 = vector.shape_cast %get3A_1803 : vector<16xf32> to vector<16xf32>
        %add3A_1805 = arith.addf %get3A_1801, %get3A_1804 : vector<16xf32>
        %swap3A_1806 = arith.index_cast %add3A_1795 : i32 to index
        %swap3A_1807 = tpu.vector_load %arg11[%swap3A_1806] {strides = array<i32>} : memref<39936xf32, #tpu.memory_space<vmem>>, vector<16xf32>,
        %swap3A_1808 = vector.shape_cast %swap3A_1807 : vector<16xf32> to vector<16xf32>
        %swap3A_1809 = vector.shape_cast %add3A_1805 : vector<16xf32> to vector<16xf32>
        tpu.vector_store %arg11[%swap3A_1806], %swap3A_1809 {strides = array<i32>} : memref<39936xf32, #tpu.memory_space<vmem>>, vector<16xf32>,
        %add3A_1810 = arith.constant 512 : i32
        %add3A_1811 = arith.addi %mul3A_1212, %add3A_1810 : i32
        %add3A_1812 = arith.constant 16 : i32
        %add3A_1813 = arith.addi %add3A_1811, %add3A_1812 : i32
        %add3A_1814 = arith.constant 96 : i32
        %add3A_1815 = arith.addi %add3A_1814, %scan3A_1210 : i32
        %get3A_1816 = arith.index_cast %add3A_1815 : i32 to index
        %get3A_1817 = arith.constant 16 : index
        %get3A_1818 = tpu.vector_load %arg10[%get3A_1816, %get3A_1817] {strides = array<i32>} : memref<832x32xf32, #tpu.memory_space<vmem>>, vector<1x16xf32>,
        %get3A_1819 = vector.shape_cast %get3A_1818 : vector<1x16xf32> to vector<16xf32>
        %get3A_1820 = arith.constant 528 : index
        %get3A_1821 = tpu.vector_load %arg14[%get3A_1820] {strides = array<i32>} : memref<1248xf32, #tpu.memory_space<vmem>>, vector<16xf32>,
        %get3A_1822 = vector.shape_cast %get3A_1821 : vector<16xf32> to vector<16xf32>
        %add3A_1823 = arith.addf %get3A_1819, %get3A_1822 : vector<16xf32>
        %swap3A_1824 = arith.index_cast %add3A_1813 : i32 to index
        %swap3A_1825 = tpu.vector_load %arg11[%swap3A_1824] {strides = array<i32>} : memref<39936xf32, #tpu.memory_space<vmem>>, vector<16xf32>,
        %swap3A_1826 = vector.shape_cast %swap3A_1825 : vector<16xf32> to vector<16xf32>
        %swap3A_1827 = vector.shape_cast %add3A_1823 : vector<16xf32> to vector<16xf32>
        tpu.vector_store %arg11[%swap3A_1824], %swap3A_1827 {strides = array<i32>} : memref<39936xf32, #tpu.memory_space<vmem>>, vector<16xf32>,
        %add3A_1828 = arith.constant 544 : i32
        %add3A_1829 = arith.addi %mul3A_1212, %add3A_1828 : i32
        %add3A_1830 = arith.constant 0 : i32
        %add3A_1831 = arith.addi %add3A_1829, %add3A_1830 : i32
        %add3A_1832 = arith.constant 128 : i32
        %add3A_1833 = arith.addi %add3A_1832, %scan3A_1210 : i32
        %get3A_1834 = arith.index_cast %add3A_1833 : i32 to index
        %get3A_1835 = arith.constant 0 : index
        %get3A_1836 = tpu.vector_load %arg10[%get3A_1834, %get3A_1835] {strides = array<i32>} : memref<832x32xf32, #tpu.memory_space<vmem>>, vector<1x16xf32>,
        %get3A_1837 = vector.shape_cast %get3A_1836 : vector<1x16xf32> to vector<16xf32>
        %get3A_1838 = arith.constant 544 : index
        %get3A_1839 = tpu.vector_load %arg14[%get3A_1838] {strides = array<i32>} : memref<1248xf32, #tpu.memory_space<vmem>>, vector<16xf32>,
        %get3A_1840 = vector.shape_cast %get3A_1839 : vector<16xf32> to vector<16xf32>
        %add3A_1841 = arith.addf %get3A_1837, %get3A_1840 : vector<16xf32>
        %swap3A_1842 = arith.index_cast %add3A_1831 : i32 to index
        %swap3A_1843 = tpu.vector_load %arg11[%swap3A_1842] {strides = array<i32>} : memref<39936xf32, #tpu.memory_space<vmem>>, vector<16xf32>,
        %swap3A_1844 = vector.shape_cast %swap3A_1843 : vector<16xf32> to vector<16xf32>
        %swap3A_1845 = vector.shape_cast %add3A_1841 : vector<16xf32> to vector<16xf32>
        tpu.vector_store %arg11[%swap3A_1842], %swap3A_1845 {strides = array<i32>} : memref<39936xf32, #tpu.memory_space<vmem>>, vector<16xf32>,
        %add3A_1846 = arith.constant 544 : i32
        %add3A_1847 = arith.addi %mul3A_1212, %add3A_1846 : i32
        %add3A_1848 = arith.constant 16 : i32
        %add3A_1849 = arith.addi %add3A_1847, %add3A_1848 : i32
        %add3A_1850 = arith.constant 128 : i32
        %add3A_1851 = arith.addi %add3A_1850, %scan3A_1210 : i32
        %get3A_1852 = arith.index_cast %add3A_1851 : i32 to index
        %get3A_1853 = arith.constant 16 : index
        %get3A_1854 = tpu.vector_load %arg10[%get3A_1852, %get3A_1853] {strides = array<i32>} : memref<832x32xf32, #tpu.memory_space<vmem>>, vector<1x16xf32>,
        %get3A_1855 = vector.shape_cast %get3A_1854 : vector<1x16xf32> to vector<16xf32>
        %get3A_1856 = arith.constant 560 : index
        %get3A_1857 = tpu.vector_load %arg14[%get3A_1856] {strides = array<i32>} : memref<1248xf32, #tpu.memory_space<vmem>>, vector<16xf32>,
        %get3A_1858 = vector.shape_cast %get3A_1857 : vector<16xf32> to vector<16xf32>
        %add3A_1859 = arith.addf %get3A_1855, %get3A_1858 : vector<16xf32>
        %swap3A_1860 = arith.index_cast %add3A_1849 : i32 to index
        %swap3A_1861 = tpu.vector_load %arg11[%swap3A_1860] {strides = array<i32>} : memref<39936xf32, #tpu.memory_space<vmem>>, vector<16xf32>,
        %swap3A_1862 = vector.shape_cast %swap3A_1861 : vector<16xf32> to vector<16xf32>
        %swap3A_1863 = vector.shape_cast %add3A_1859 : vector<16xf32> to vector<16xf32>
        tpu.vector_store %arg11[%swap3A_1860], %swap3A_1863 {strides = array<i32>} : memref<39936xf32, #tpu.memory_space<vmem>>, vector<16xf32>,
        %add3A_1864 = arith.constant 576 : i32
        %add3A_1865 = arith.addi %mul3A_1212, %add3A_1864 : i32
        %add3A_1866 = arith.constant 0 : i32
        %add3A_1867 = arith.addi %add3A_1865, %add3A_1866 : i32
        %add3A_1868 = arith.constant 160 : i32
        %add3A_1869 = arith.addi %add3A_1868, %scan3A_1210 : i32
        %get3A_1870 = arith.index_cast %add3A_1869 : i32 to index
        %get3A_1871 = arith.constant 0 : index
        %get3A_1872 = tpu.vector_load %arg10[%get3A_1870, %get3A_1871] {strides = array<i32>} : memref<832x32xf32, #tpu.memory_space<vmem>>, vector<1x16xf32>,
        %get3A_1873 = vector.shape_cast %get3A_1872 : vector<1x16xf32> to vector<16xf32>
        %get3A_1874 = arith.constant 576 : index
        %get3A_1875 = tpu.vector_load %arg14[%get3A_1874] {strides = array<i32>} : memref<1248xf32, #tpu.memory_space<vmem>>, vector<16xf32>,
        %get3A_1876 = vector.shape_cast %get3A_1875 : vector<16xf32> to vector<16xf32>
        %add3A_1877 = arith.addf %get3A_1873, %get3A_1876 : vector<16xf32>
        %swap3A_1878 = arith.index_cast %add3A_1867 : i32 to index
        %swap3A_1879 = tpu.vector_load %arg11[%swap3A_1878] {strides = array<i32>} : memref<39936xf32, #tpu.memory_space<vmem>>, vector<16xf32>,
        %swap3A_1880 = vector.shape_cast %swap3A_1879 : vector<16xf32> to vector<16xf32>
        %swap3A_1881 = vector.shape_cast %add3A_1877 : vector<16xf32> to vector<16xf32>
        tpu.vector_store %arg11[%swap3A_1878], %swap3A_1881 {strides = array<i32>} : memref<39936xf32, #tpu.memory_space<vmem>>, vector<16xf32>,
        %add3A_1882 = arith.constant 576 : i32
        %add3A_1883 = arith.addi %mul3A_1212, %add3A_1882 : i32
        %add3A_1884 = arith.constant 16 : i32
        %add3A_1885 = arith.addi %add3A_1883, %add3A_1884 : i32
        %add3A_1886 = arith.constant 160 : i32
        %add3A_1887 = arith.addi %add3A_1886, %scan3A_1210 : i32
        %get3A_1888 = arith.index_cast %add3A_1887 : i32 to index
        %get3A_1889 = arith.constant 16 : index
        %get3A_1890 = tpu.vector_load %arg10[%get3A_1888, %get3A_1889] {strides = array<i32>} : memref<832x32xf32, #tpu.memory_space<vmem>>, vector<1x16xf32>,
        %get3A_1891 = vector.shape_cast %get3A_1890 : vector<1x16xf32> to vector<16xf32>
        %get3A_1892 = arith.constant 592 : index
        %get3A_1893 = tpu.vector_load %arg14[%get3A_1892] {strides = array<i32>} : memref<1248xf32, #tpu.memory_space<vmem>>, vector<16xf32>,
        %get3A_1894 = vector.shape_cast %get3A_1893 : vector<16xf32> to vector<16xf32>
        %add3A_1895 = arith.addf %get3A_1891, %get3A_1894 : vector<16xf32>
        %swap3A_1896 = arith.index_cast %add3A_1885 : i32 to index
        %swap3A_1897 = tpu.vector_load %arg11[%swap3A_1896] {strides = array<i32>} : memref<39936xf32, #tpu.memory_space<vmem>>, vector<16xf32>,
        %swap3A_1898 = vector.shape_cast %swap3A_1897 : vector<16xf32> to vector<16xf32>
        %swap3A_1899 = vector.shape_cast %add3A_1895 : vector<16xf32> to vector<16xf32>
        tpu.vector_store %arg11[%swap3A_1896], %swap3A_1899 {strides = array<i32>} : memref<39936xf32, #tpu.memory_space<vmem>>, vector<16xf32>,
        %add3A_1900 = arith.constant 608 : i32
        %add3A_1901 = arith.addi %mul3A_1212, %add3A_1900 : i32
        %add3A_1902 = arith.constant 0 : i32
        %add3A_1903 = arith.addi %add3A_1901, %add3A_1902 : i32
        %add3A_1904 = arith.constant 192 : i32
        %add3A_1905 = arith.addi %add3A_1904, %scan3A_1210 : i32
        %get3A_1906 = arith.index_cast %add3A_1905 : i32 to index
        %get3A_1907 = arith.constant 0 : index
        %get3A_1908 = tpu.vector_load %arg10[%get3A_1906, %get3A_1907] {strides = array<i32>} : memref<832x32xf32, #tpu.memory_space<vmem>>, vector<1x16xf32>,
        %get3A_1909 = vector.shape_cast %get3A_1908 : vector<1x16xf32> to vector<16xf32>
        %get3A_1910 = arith.constant 608 : index
        %get3A_1911 = tpu.vector_load %arg14[%get3A_1910] {strides = array<i32>} : memref<1248xf32, #tpu.memory_space<vmem>>, vector<16xf32>,
        %get3A_1912 = vector.shape_cast %get3A_1911 : vector<16xf32> to vector<16xf32>
        %add3A_1913 = arith.addf %get3A_1909, %get3A_1912 : vector<16xf32>
        %swap3A_1914 = arith.index_cast %add3A_1903 : i32 to index
        %swap3A_1915 = tpu.vector_load %arg11[%swap3A_1914] {strides = array<i32>} : memref<39936xf32, #tpu.memory_space<vmem>>, vector<16xf32>,
        %swap3A_1916 = vector.shape_cast %swap3A_1915 : vector<16xf32> to vector<16xf32>
        %swap3A_1917 = vector.shape_cast %add3A_1913 : vector<16xf32> to vector<16xf32>
        tpu.vector_store %arg11[%swap3A_1914], %swap3A_1917 {strides = array<i32>} : memref<39936xf32, #tpu.memory_space<vmem>>, vector<16xf32>,
        %add3A_1918 = arith.constant 608 : i32
        %add3A_1919 = arith.addi %mul3A_1212, %add3A_1918 : i32
        %add3A_1920 = arith.constant 16 : i32
        %add3A_1921 = arith.addi %add3A_1919, %add3A_1920 : i32
        %add3A_1922 = arith.constant 192 : i32
        %add3A_1923 = arith.addi %add3A_1922, %scan3A_1210 : i32
        %get3A_1924 = arith.index_cast %add3A_1923 : i32 to index
        %get3A_1925 = arith.constant 16 : index
        %get3A_1926 = tpu.vector_load %arg10[%get3A_1924, %get3A_1925] {strides = array<i32>} : memref<832x32xf32, #tpu.memory_space<vmem>>, vector<1x16xf32>,
        %get3A_1927 = vector.shape_cast %get3A_1926 : vector<1x16xf32> to vector<16xf32>
        %get3A_1928 = arith.constant 624 : index
        %get3A_1929 = tpu.vector_load %arg14[%get3A_1928] {strides = array<i32>} : memref<1248xf32, #tpu.memory_space<vmem>>, vector<16xf32>,
        %get3A_1930 = vector.shape_cast %get3A_1929 : vector<16xf32> to vector<16xf32>
        %add3A_1931 = arith.addf %get3A_1927, %get3A_1930 : vector<16xf32>
        %swap3A_1932 = arith.index_cast %add3A_1921 : i32 to index
        %swap3A_1933 = tpu.vector_load %arg11[%swap3A_1932] {strides = array<i32>} : memref<39936xf32, #tpu.memory_space<vmem>>, vector<16xf32>,
        %swap3A_1934 = vector.shape_cast %swap3A_1933 : vector<16xf32> to vector<16xf32>
        %swap3A_1935 = vector.shape_cast %add3A_1931 : vector<16xf32> to vector<16xf32>
        tpu.vector_store %arg11[%swap3A_1932], %swap3A_1935 {strides = array<i32>} : memref<39936xf32, #tpu.memory_space<vmem>>, vector<16xf32>,
        %add3A_1936 = arith.constant 640 : i32
        %add3A_1937 = arith.addi %mul3A_1212, %add3A_1936 : i32
        %add3A_1938 = arith.constant 0 : i32
        %add3A_1939 = arith.addi %add3A_1937, %add3A_1938 : i32
        %add3A_1940 = arith.constant 224 : i32
        %add3A_1941 = arith.addi %add3A_1940, %scan3A_1210 : i32
        %get3A_1942 = arith.index_cast %add3A_1941 : i32 to index
        %get3A_1943 = arith.constant 0 : index
        %get3A_1944 = tpu.vector_load %arg10[%get3A_1942, %get3A_1943] {strides = array<i32>} : memref<832x32xf32, #tpu.memory_space<vmem>>, vector<1x16xf32>,
        %get3A_1945 = vector.shape_cast %get3A_1944 : vector<1x16xf32> to vector<16xf32>
        %get3A_1946 = arith.constant 640 : index
        %get3A_1947 = tpu.vector_load %arg14[%get3A_1946] {strides = array<i32>} : memref<1248xf32, #tpu.memory_space<vmem>>, vector<16xf32>,
        %get3A_1948 = vector.shape_cast %get3A_1947 : vector<16xf32> to vector<16xf32>
        %add3A_1949 = arith.addf %get3A_1945, %get3A_1948 : vector<16xf32>
        %swap3A_1950 = arith.index_cast %add3A_1939 : i32 to index
        %swap3A_1951 = tpu.vector_load %arg11[%swap3A_1950] {strides = array<i32>} : memref<39936xf32, #tpu.memory_space<vmem>>, vector<16xf32>,
        %swap3A_1952 = vector.shape_cast %swap3A_1951 : vector<16xf32> to vector<16xf32>
        %swap3A_1953 = vector.shape_cast %add3A_1949 : vector<16xf32> to vector<16xf32>
        tpu.vector_store %arg11[%swap3A_1950], %swap3A_1953 {strides = array<i32>} : memref<39936xf32, #tpu.memory_space<vmem>>, vector<16xf32>,
        %add3A_1954 = arith.constant 640 : i32
        %add3A_1955 = arith.addi %mul3A_1212, %add3A_1954 : i32
        %add3A_1956 = arith.constant 16 : i32
        %add3A_1957 = arith.addi %add3A_1955, %add3A_1956 : i32
        %add3A_1958 = arith.constant 224 : i32
        %add3A_1959 = arith.addi %add3A_1958, %scan3A_1210 : i32
        %get3A_1960 = arith.index_cast %add3A_1959 : i32 to index
        %get3A_1961 = arith.constant 16 : index
        %get3A_1962 = tpu.vector_load %arg10[%get3A_1960, %get3A_1961] {strides = array<i32>} : memref<832x32xf32, #tpu.memory_space<vmem>>, vector<1x16xf32>,
        %get3A_1963 = vector.shape_cast %get3A_1962 : vector<1x16xf32> to vector<16xf32>
        %get3A_1964 = arith.constant 656 : index
        %get3A_1965 = tpu.vector_load %arg14[%get3A_1964] {strides = array<i32>} : memref<1248xf32, #tpu.memory_space<vmem>>, vector<16xf32>,
        %get3A_1966 = vector.shape_cast %get3A_1965 : vector<16xf32> to vector<16xf32>
        %add3A_1967 = arith.addf %get3A_1963, %get3A_1966 : vector<16xf32>
        %swap3A_1968 = arith.index_cast %add3A_1957 : i32 to index
        %swap3A_1969 = tpu.vector_load %arg11[%swap3A_1968] {strides = array<i32>} : memref<39936xf32, #tpu.memory_space<vmem>>, vector<16xf32>,
        %swap3A_1970 = vector.shape_cast %swap3A_1969 : vector<16xf32> to vector<16xf32>
        %swap3A_1971 = vector.shape_cast %add3A_1967 : vector<16xf32> to vector<16xf32>
        tpu.vector_store %arg11[%swap3A_1968], %swap3A_1971 {strides = array<i32>} : memref<39936xf32, #tpu.memory_space<vmem>>, vector<16xf32>,
        %add3A_1972 = arith.constant 672 : i32
        %add3A_1973 = arith.addi %mul3A_1212, %add3A_1972 : i32
        %add3A_1974 = arith.constant 0 : i32
        %add3A_1975 = arith.addi %add3A_1973, %add3A_1974 : i32
        %add3A_1976 = arith.constant 256 : i32
        %add3A_1977 = arith.addi %add3A_1976, %scan3A_1210 : i32
        %get3A_1978 = arith.index_cast %add3A_1977 : i32 to index
        %get3A_1979 = arith.constant 0 : index
        %get3A_1980 = tpu.vector_load %arg10[%get3A_1978, %get3A_1979] {strides = array<i32>} : memref<832x32xf32, #tpu.memory_space<vmem>>, vector<1x16xf32>,
        %get3A_1981 = vector.shape_cast %get3A_1980 : vector<1x16xf32> to vector<16xf32>
        %get3A_1982 = arith.constant 672 : index
        %get3A_1983 = tpu.vector_load %arg14[%get3A_1982] {strides = array<i32>} : memref<1248xf32, #tpu.memory_space<vmem>>, vector<16xf32>,
        %get3A_1984 = vector.shape_cast %get3A_1983 : vector<16xf32> to vector<16xf32>
        %add3A_1985 = arith.addf %get3A_1981, %get3A_1984 : vector<16xf32>
        %swap3A_1986 = arith.index_cast %add3A_1975 : i32 to index
        %swap3A_1987 = tpu.vector_load %arg11[%swap3A_1986] {strides = array<i32>} : memref<39936xf32, #tpu.memory_space<vmem>>, vector<16xf32>,
        %swap3A_1988 = vector.shape_cast %swap3A_1987 : vector<16xf32> to vector<16xf32>
        %swap3A_1989 = vector.shape_cast %add3A_1985 : vector<16xf32> to vector<16xf32>
        tpu.vector_store %arg11[%swap3A_1986], %swap3A_1989 {strides = array<i32>} : memref<39936xf32, #tpu.memory_space<vmem>>, vector<16xf32>,
        %add3A_1990 = arith.constant 672 : i32
        %add3A_1991 = arith.addi %mul3A_1212, %add3A_1990 : i32
        %add3A_1992 = arith.constant 16 : i32
        %add3A_1993 = arith.addi %add3A_1991, %add3A_1992 : i32
        %add3A_1994 = arith.constant 256 : i32
        %add3A_1995 = arith.addi %add3A_1994, %scan3A_1210 : i32
        %get3A_1996 = arith.index_cast %add3A_1995 : i32 to index
        %get3A_1997 = arith.constant 16 : index
        %get3A_1998 = tpu.vector_load %arg10[%get3A_1996, %get3A_1997] {strides = array<i32>} : memref<832x32xf32, #tpu.memory_space<vmem>>, vector<1x16xf32>,
        %get3A_1999 = vector.shape_cast %get3A_1998 : vector<1x16xf32> to vector<16xf32>
        %get3A_2000 = arith.constant 688 : index
        %get3A_2001 = tpu.vector_load %arg14[%get3A_2000] {strides = array<i32>} : memref<1248xf32, #tpu.memory_space<vmem>>, vector<16xf32>,
        %get3A_2002 = vector.shape_cast %get3A_2001 : vector<16xf32> to vector<16xf32>
        %add3A_2003 = arith.addf %get3A_1999, %get3A_2002 : vector<16xf32>
        %swap3A_2004 = arith.index_cast %add3A_1993 : i32 to index
        %swap3A_2005 = tpu.vector_load %arg11[%swap3A_2004] {strides = array<i32>} : memref<39936xf32, #tpu.memory_space<vmem>>, vector<16xf32>,
        %swap3A_2006 = vector.shape_cast %swap3A_2005 : vector<16xf32> to vector<16xf32>
        %swap3A_2007 = vector.shape_cast %add3A_2003 : vector<16xf32> to vector<16xf32>
        tpu.vector_store %arg11[%swap3A_2004], %swap3A_2007 {strides = array<i32>} : memref<39936xf32, #tpu.memory_space<vmem>>, vector<16xf32>,
        %add3A_2008 = arith.constant 704 : i32
        %add3A_2009 = arith.addi %mul3A_1212, %add3A_2008 : i32
        %add3A_2010 = arith.constant 0 : i32
        %add3A_2011 = arith.addi %add3A_2009, %add3A_2010 : i32
        %add3A_2012 = arith.constant 288 : i32
        %add3A_2013 = arith.addi %add3A_2012, %scan3A_1210 : i32
        %get3A_2014 = arith.index_cast %add3A_2013 : i32 to index
        %get3A_2015 = arith.constant 0 : index
        %get3A_2016 = tpu.vector_load %arg10[%get3A_2014, %get3A_2015] {strides = array<i32>} : memref<832x32xf32, #tpu.memory_space<vmem>>, vector<1x16xf32>,
        %get3A_2017 = vector.shape_cast %get3A_2016 : vector<1x16xf32> to vector<16xf32>
        %get3A_2018 = arith.constant 704 : index
        %get3A_2019 = tpu.vector_load %arg14[%get3A_2018] {strides = array<i32>} : memref<1248xf32, #tpu.memory_space<vmem>>, vector<16xf32>,
        %get3A_2020 = vector.shape_cast %get3A_2019 : vector<16xf32> to vector<16xf32>
        %add3A_2021 = arith.addf %get3A_2017, %get3A_2020 : vector<16xf32>
        %swap3A_2022 = arith.index_cast %add3A_2011 : i32 to index
        %swap3A_2023 = tpu.vector_load %arg11[%swap3A_2022] {strides = array<i32>} : memref<39936xf32, #tpu.memory_space<vmem>>, vector<16xf32>,
        %swap3A_2024 = vector.shape_cast %swap3A_2023 : vector<16xf32> to vector<16xf32>
        %swap3A_2025 = vector.shape_cast %add3A_2021 : vector<16xf32> to vector<16xf32>
        tpu.vector_store %arg11[%swap3A_2022], %swap3A_2025 {strides = array<i32>} : memref<39936xf32, #tpu.memory_space<vmem>>, vector<16xf32>,
        %add3A_2026 = arith.constant 704 : i32
        %add3A_2027 = arith.addi %mul3A_1212, %add3A_2026 : i32
        %add3A_2028 = arith.constant 16 : i32
        %add3A_2029 = arith.addi %add3A_2027, %add3A_2028 : i32
        %add3A_2030 = arith.constant 288 : i32
        %add3A_2031 = arith.addi %add3A_2030, %scan3A_1210 : i32
        %get3A_2032 = arith.index_cast %add3A_2031 : i32 to index
        %get3A_2033 = arith.constant 16 : index
        %get3A_2034 = tpu.vector_load %arg10[%get3A_2032, %get3A_2033] {strides = array<i32>} : memref<832x32xf32, #tpu.memory_space<vmem>>, vector<1x16xf32>,
        %get3A_2035 = vector.shape_cast %get3A_2034 : vector<1x16xf32> to vector<16xf32>
        %get3A_2036 = arith.constant 720 : index
        %get3A_2037 = tpu.vector_load %arg14[%get3A_2036] {strides = array<i32>} : memref<1248xf32, #tpu.memory_space<vmem>>, vector<16xf32>,
        %get3A_2038 = vector.shape_cast %get3A_2037 : vector<16xf32> to vector<16xf32>
        %add3A_2039 = arith.addf %get3A_2035, %get3A_2038 : vector<16xf32>
        %swap3A_2040 = arith.index_cast %add3A_2029 : i32 to index
        %swap3A_2041 = tpu.vector_load %arg11[%swap3A_2040] {strides = array<i32>} : memref<39936xf32, #tpu.memory_space<vmem>>, vector<16xf32>,
        %swap3A_2042 = vector.shape_cast %swap3A_2041 : vector<16xf32> to vector<16xf32>
        %swap3A_2043 = vector.shape_cast %add3A_2039 : vector<16xf32> to vector<16xf32>
        tpu.vector_store %arg11[%swap3A_2040], %swap3A_2043 {strides = array<i32>} : memref<39936xf32, #tpu.memory_space<vmem>>, vector<16xf32>,
        %add3A_2044 = arith.constant 736 : i32
        %add3A_2045 = arith.addi %mul3A_1212, %add3A_2044 : i32
        %add3A_2046 = arith.constant 0 : i32
        %add3A_2047 = arith.addi %add3A_2045, %add3A_2046 : i32
        %add3A_2048 = arith.constant 320 : i32
        %add3A_2049 = arith.addi %add3A_2048, %scan3A_1210 : i32
        %get3A_2050 = arith.index_cast %add3A_2049 : i32 to index
        %get3A_2051 = arith.constant 0 : index
        %get3A_2052 = tpu.vector_load %arg10[%get3A_2050, %get3A_2051] {strides = array<i32>} : memref<832x32xf32, #tpu.memory_space<vmem>>, vector<1x16xf32>,
        %get3A_2053 = vector.shape_cast %get3A_2052 : vector<1x16xf32> to vector<16xf32>
        %get3A_2054 = arith.constant 736 : index
        %get3A_2055 = tpu.vector_load %arg14[%get3A_2054] {strides = array<i32>} : memref<1248xf32, #tpu.memory_space<vmem>>, vector<16xf32>,
        %get3A_2056 = vector.shape_cast %get3A_2055 : vector<16xf32> to vector<16xf32>
        %add3A_2057 = arith.addf %get3A_2053, %get3A_2056 : vector<16xf32>
        %swap3A_2058 = arith.index_cast %add3A_2047 : i32 to index
        %swap3A_2059 = tpu.vector_load %arg11[%swap3A_2058] {strides = array<i32>} : memref<39936xf32, #tpu.memory_space<vmem>>, vector<16xf32>,
        %swap3A_2060 = vector.shape_cast %swap3A_2059 : vector<16xf32> to vector<16xf32>
        %swap3A_2061 = vector.shape_cast %add3A_2057 : vector<16xf32> to vector<16xf32>
        tpu.vector_store %arg11[%swap3A_2058], %swap3A_2061 {strides = array<i32>} : memref<39936xf32, #tpu.memory_space<vmem>>, vector<16xf32>,
        %add3A_2062 = arith.constant 736 : i32
        %add3A_2063 = arith.addi %mul3A_1212, %add3A_2062 : i32
        %add3A_2064 = arith.constant 16 : i32
        %add3A_2065 = arith.addi %add3A_2063, %add3A_2064 : i32
        %add3A_2066 = arith.constant 320 : i32
        %add3A_2067 = arith.addi %add3A_2066, %scan3A_1210 : i32
        %get3A_2068 = arith.index_cast %add3A_2067 : i32 to index
        %get3A_2069 = arith.constant 16 : index
        %get3A_2070 = tpu.vector_load %arg10[%get3A_2068, %get3A_2069] {strides = array<i32>} : memref<832x32xf32, #tpu.memory_space<vmem>>, vector<1x16xf32>,
        %get3A_2071 = vector.shape_cast %get3A_2070 : vector<1x16xf32> to vector<16xf32>
        %get3A_2072 = arith.constant 752 : index
        %get3A_2073 = tpu.vector_load %arg14[%get3A_2072] {strides = array<i32>} : memref<1248xf32, #tpu.memory_space<vmem>>, vector<16xf32>,
        %get3A_2074 = vector.shape_cast %get3A_2073 : vector<16xf32> to vector<16xf32>
        %add3A_2075 = arith.addf %get3A_2071, %get3A_2074 : vector<16xf32>
        %swap3A_2076 = arith.index_cast %add3A_2065 : i32 to index
        %swap3A_2077 = tpu.vector_load %arg11[%swap3A_2076] {strides = array<i32>} : memref<39936xf32, #tpu.memory_space<vmem>>, vector<16xf32>,
        %swap3A_2078 = vector.shape_cast %swap3A_2077 : vector<16xf32> to vector<16xf32>
        %swap3A_2079 = vector.shape_cast %add3A_2075 : vector<16xf32> to vector<16xf32>
        tpu.vector_store %arg11[%swap3A_2076], %swap3A_2079 {strides = array<i32>} : memref<39936xf32, #tpu.memory_space<vmem>>, vector<16xf32>,
        %add3A_2080 = arith.constant 768 : i32
        %add3A_2081 = arith.addi %mul3A_1212, %add3A_2080 : i32
        %add3A_2082 = arith.constant 0 : i32
        %add3A_2083 = arith.addi %add3A_2081, %add3A_2082 : i32
        %add3A_2084 = arith.constant 352 : i32
        %add3A_2085 = arith.addi %add3A_2084, %scan3A_1210 : i32
        %get3A_2086 = arith.index_cast %add3A_2085 : i32 to index
        %get3A_2087 = arith.constant 0 : index
        %get3A_2088 = tpu.vector_load %arg10[%get3A_2086, %get3A_2087] {strides = array<i32>} : memref<832x32xf32, #tpu.memory_space<vmem>>, vector<1x16xf32>,
        %get3A_2089 = vector.shape_cast %get3A_2088 : vector<1x16xf32> to vector<16xf32>
        %get3A_2090 = arith.constant 768 : index
        %get3A_2091 = tpu.vector_load %arg14[%get3A_2090] {strides = array<i32>} : memref<1248xf32, #tpu.memory_space<vmem>>, vector<16xf32>,
        %get3A_2092 = vector.shape_cast %get3A_2091 : vector<16xf32> to vector<16xf32>
        %add3A_2093 = arith.addf %get3A_2089, %get3A_2092 : vector<16xf32>
        %swap3A_2094 = arith.index_cast %add3A_2083 : i32 to index
        %swap3A_2095 = tpu.vector_load %arg11[%swap3A_2094] {strides = array<i32>} : memref<39936xf32, #tpu.memory_space<vmem>>, vector<16xf32>,
        %swap3A_2096 = vector.shape_cast %swap3A_2095 : vector<16xf32> to vector<16xf32>
        %swap3A_2097 = vector.shape_cast %add3A_2093 : vector<16xf32> to vector<16xf32>
        tpu.vector_store %arg11[%swap3A_2094], %swap3A_2097 {strides = array<i32>} : memref<39936xf32, #tpu.memory_space<vmem>>, vector<16xf32>,
        %add3A_2098 = arith.constant 768 : i32
        %add3A_2099 = arith.addi %mul3A_1212, %add3A_2098 : i32
        %add3A_2100 = arith.constant 16 : i32
        %add3A_2101 = arith.addi %add3A_2099, %add3A_2100 : i32
        %add3A_2102 = arith.constant 352 : i32
        %add3A_2103 = arith.addi %add3A_2102, %scan3A_1210 : i32
        %get3A_2104 = arith.index_cast %add3A_2103 : i32 to index
        %get3A_2105 = arith.constant 16 : index
        %get3A_2106 = tpu.vector_load %arg10[%get3A_2104, %get3A_2105] {strides = array<i32>} : memref<832x32xf32, #tpu.memory_space<vmem>>, vector<1x16xf32>,
        %get3A_2107 = vector.shape_cast %get3A_2106 : vector<1x16xf32> to vector<16xf32>
        %get3A_2108 = arith.constant 784 : index
        %get3A_2109 = tpu.vector_load %arg14[%get3A_2108] {strides = array<i32>} : memref<1248xf32, #tpu.memory_space<vmem>>, vector<16xf32>,
        %get3A_2110 = vector.shape_cast %get3A_2109 : vector<16xf32> to vector<16xf32>
        %add3A_2111 = arith.addf %get3A_2107, %get3A_2110 : vector<16xf32>
        %swap3A_2112 = arith.index_cast %add3A_2101 : i32 to index
        %swap3A_2113 = tpu.vector_load %arg11[%swap3A_2112] {strides = array<i32>} : memref<39936xf32, #tpu.memory_space<vmem>>, vector<16xf32>,
        %swap3A_2114 = vector.shape_cast %swap3A_2113 : vector<16xf32> to vector<16xf32>
        %swap3A_2115 = vector.shape_cast %add3A_2111 : vector<16xf32> to vector<16xf32>
        tpu.vector_store %arg11[%swap3A_2112], %swap3A_2115 {strides = array<i32>} : memref<39936xf32, #tpu.memory_space<vmem>>, vector<16xf32>,
        %add3A_2116 = arith.constant 800 : i32
        %add3A_2117 = arith.addi %mul3A_1212, %add3A_2116 : i32
        %add3A_2118 = arith.constant 0 : i32
        %add3A_2119 = arith.addi %add3A_2117, %add3A_2118 : i32
        %add3A_2120 = arith.constant 384 : i32
        %add3A_2121 = arith.addi %add3A_2120, %scan3A_1210 : i32
        %get3A_2122 = arith.index_cast %add3A_2121 : i32 to index
        %get3A_2123 = arith.constant 0 : index
        %get3A_2124 = tpu.vector_load %arg10[%get3A_2122, %get3A_2123] {strides = array<i32>} : memref<832x32xf32, #tpu.memory_space<vmem>>, vector<1x16xf32>,
        %get3A_2125 = vector.shape_cast %get3A_2124 : vector<1x16xf32> to vector<16xf32>
        %get3A_2126 = arith.constant 800 : index
        %get3A_2127 = tpu.vector_load %arg14[%get3A_2126] {strides = array<i32>} : memref<1248xf32, #tpu.memory_space<vmem>>, vector<16xf32>,
        %get3A_2128 = vector.shape_cast %get3A_2127 : vector<16xf32> to vector<16xf32>
        %add3A_2129 = arith.addf %get3A_2125, %get3A_2128 : vector<16xf32>
        %swap3A_2130 = arith.index_cast %add3A_2119 : i32 to index
        %swap3A_2131 = tpu.vector_load %arg11[%swap3A_2130] {strides = array<i32>} : memref<39936xf32, #tpu.memory_space<vmem>>, vector<16xf32>,
        %swap3A_2132 = vector.shape_cast %swap3A_2131 : vector<16xf32> to vector<16xf32>
        %swap3A_2133 = vector.shape_cast %add3A_2129 : vector<16xf32> to vector<16xf32>
        tpu.vector_store %arg11[%swap3A_2130], %swap3A_2133 {strides = array<i32>} : memref<39936xf32, #tpu.memory_space<vmem>>, vector<16xf32>,
        %add3A_2134 = arith.constant 800 : i32
        %add3A_2135 = arith.addi %mul3A_1212, %add3A_2134 : i32
        %add3A_2136 = arith.constant 16 : i32
        %add3A_2137 = arith.addi %add3A_2135, %add3A_2136 : i32
        %add3A_2138 = arith.constant 384 : i32
        %add3A_2139 = arith.addi %add3A_2138, %scan3A_1210 : i32
        %get3A_2140 = arith.index_cast %add3A_2139 : i32 to index
        %get3A_2141 = arith.constant 16 : index
        %get3A_2142 = tpu.vector_load %arg10[%get3A_2140, %get3A_2141] {strides = array<i32>} : memref<832x32xf32, #tpu.memory_space<vmem>>, vector<1x16xf32>,
        %get3A_2143 = vector.shape_cast %get3A_2142 : vector<1x16xf32> to vector<16xf32>
        %get3A_2144 = arith.constant 816 : index
        %get3A_2145 = tpu.vector_load %arg14[%get3A_2144] {strides = array<i32>} : memref<1248xf32, #tpu.memory_space<vmem>>, vector<16xf32>,
        %get3A_2146 = vector.shape_cast %get3A_2145 : vector<16xf32> to vector<16xf32>
        %add3A_2147 = arith.addf %get3A_2143, %get3A_2146 : vector<16xf32>
        %swap3A_2148 = arith.index_cast %add3A_2137 : i32 to index
        %swap3A_2149 = tpu.vector_load %arg11[%swap3A_2148] {strides = array<i32>} : memref<39936xf32, #tpu.memory_space<vmem>>, vector<16xf32>,
        %swap3A_2150 = vector.shape_cast %swap3A_2149 : vector<16xf32> to vector<16xf32>
        %swap3A_2151 = vector.shape_cast %add3A_2147 : vector<16xf32> to vector<16xf32>
        tpu.vector_store %arg11[%swap3A_2148], %swap3A_2151 {strides = array<i32>} : memref<39936xf32, #tpu.memory_space<vmem>>, vector<16xf32>,
        %add3A_2152 = arith.constant 832 : i32
        %add3A_2153 = arith.addi %mul3A_1212, %add3A_2152 : i32
        %add3A_2154 = arith.constant 0 : i32
        %add3A_2155 = arith.addi %add3A_2153, %add3A_2154 : i32
        %add3A_2156 = arith.constant 416 : i32
        %add3A_2157 = arith.addi %add3A_2156, %scan3A_1210 : i32
        %get3A_2158 = arith.index_cast %add3A_2157 : i32 to index
        %get3A_2159 = arith.constant 0 : index
        %get3A_2160 = tpu.vector_load %arg10[%get3A_2158, %get3A_2159] {strides = array<i32>} : memref<832x32xf32, #tpu.memory_space<vmem>>, vector<1x16xf32>,
        %get3A_2161 = vector.shape_cast %get3A_2160 : vector<1x16xf32> to vector<16xf32>
        %get3A_2162 = arith.constant 832 : index
        %get3A_2163 = tpu.vector_load %arg14[%get3A_2162] {strides = array<i32>} : memref<1248xf32, #tpu.memory_space<vmem>>, vector<16xf32>,
        %get3A_2164 = vector.shape_cast %get3A_2163 : vector<16xf32> to vector<16xf32>
        %add3A_2165 = arith.addf %get3A_2161, %get3A_2164 : vector<16xf32>
        %swap3A_2166 = arith.index_cast %add3A_2155 : i32 to index
        %swap3A_2167 = tpu.vector_load %arg11[%swap3A_2166] {strides = array<i32>} : memref<39936xf32, #tpu.memory_space<vmem>>, vector<16xf32>,
        %swap3A_2168 = vector.shape_cast %swap3A_2167 : vector<16xf32> to vector<16xf32>
        %swap3A_2169 = vector.shape_cast %add3A_2165 : vector<16xf32> to vector<16xf32>
        tpu.vector_store %arg11[%swap3A_2166], %swap3A_2169 {strides = array<i32>} : memref<39936xf32, #tpu.memory_space<vmem>>, vector<16xf32>,
        %add3A_2170 = arith.constant 832 : i32
        %add3A_2171 = arith.addi %mul3A_1212, %add3A_2170 : i32
        %add3A_2172 = arith.constant 16 : i32
        %add3A_2173 = arith.addi %add3A_2171, %add3A_2172 : i32
        %add3A_2174 = arith.constant 416 : i32
        %add3A_2175 = arith.addi %add3A_2174, %scan3A_1210 : i32
        %get3A_2176 = arith.index_cast %add3A_2175 : i32 to index
        %get3A_2177 = arith.constant 16 : index
        %get3A_2178 = tpu.vector_load %arg10[%get3A_2176, %get3A_2177] {strides = array<i32>} : memref<832x32xf32, #tpu.memory_space<vmem>>, vector<1x16xf32>,
        %get3A_2179 = vector.shape_cast %get3A_2178 : vector<1x16xf32> to vector<16xf32>
        %get3A_2180 = arith.constant 848 : index
        %get3A_2181 = tpu.vector_load %arg14[%get3A_2180] {strides = array<i32>} : memref<1248xf32, #tpu.memory_space<vmem>>, vector<16xf32>,
        %get3A_2182 = vector.shape_cast %get3A_2181 : vector<16xf32> to vector<16xf32>
        %add3A_2183 = arith.addf %get3A_2179, %get3A_2182 : vector<16xf32>
        %swap3A_2184 = arith.index_cast %add3A_2173 : i32 to index
        %swap3A_2185 = tpu.vector_load %arg11[%swap3A_2184] {strides = array<i32>} : memref<39936xf32, #tpu.memory_space<vmem>>, vector<16xf32>,
        %swap3A_2186 = vector.shape_cast %swap3A_2185 : vector<16xf32> to vector<16xf32>
        %swap3A_2187 = vector.shape_cast %add3A_2183 : vector<16xf32> to vector<16xf32>
        tpu.vector_store %arg11[%swap3A_2184], %swap3A_2187 {strides = array<i32>} : memref<39936xf32, #tpu.memory_space<vmem>>, vector<16xf32>,
        %add3A_2188 = arith.constant 864 : i32
        %add3A_2189 = arith.addi %mul3A_1212, %add3A_2188 : i32
        %add3A_2190 = arith.constant 0 : i32
        %add3A_2191 = arith.addi %add3A_2189, %add3A_2190 : i32
        %add3A_2192 = arith.constant 448 : i32
        %add3A_2193 = arith.addi %add3A_2192, %scan3A_1210 : i32
        %get3A_2194 = arith.index_cast %add3A_2193 : i32 to index
        %get3A_2195 = arith.constant 0 : index
        %get3A_2196 = tpu.vector_load %arg10[%get3A_2194, %get3A_2195] {strides = array<i32>} : memref<832x32xf32, #tpu.memory_space<vmem>>, vector<1x16xf32>,
        %get3A_2197 = vector.shape_cast %get3A_2196 : vector<1x16xf32> to vector<16xf32>
        %get3A_2198 = arith.constant 864 : index
        %get3A_2199 = tpu.vector_load %arg14[%get3A_2198] {strides = array<i32>} : memref<1248xf32, #tpu.memory_space<vmem>>, vector<16xf32>,
        %get3A_2200 = vector.shape_cast %get3A_2199 : vector<16xf32> to vector<16xf32>
        %add3A_2201 = arith.addf %get3A_2197, %get3A_2200 : vector<16xf32>
        %swap3A_2202 = arith.index_cast %add3A_2191 : i32 to index
        %swap3A_2203 = tpu.vector_load %arg11[%swap3A_2202] {strides = array<i32>} : memref<39936xf32, #tpu.memory_space<vmem>>, vector<16xf32>,
        %swap3A_2204 = vector.shape_cast %swap3A_2203 : vector<16xf32> to vector<16xf32>
        %swap3A_2205 = vector.shape_cast %add3A_2201 : vector<16xf32> to vector<16xf32>
        tpu.vector_store %arg11[%swap3A_2202], %swap3A_2205 {strides = array<i32>} : memref<39936xf32, #tpu.memory_space<vmem>>, vector<16xf32>,
        %add3A_2206 = arith.constant 864 : i32
        %add3A_2207 = arith.addi %mul3A_1212, %add3A_2206 : i32
        %add3A_2208 = arith.constant 16 : i32
        %add3A_2209 = arith.addi %add3A_2207, %add3A_2208 : i32
        %add3A_2210 = arith.constant 448 : i32
        %add3A_2211 = arith.addi %add3A_2210, %scan3A_1210 : i32
        %get3A_2212 = arith.index_cast %add3A_2211 : i32 to index
        %get3A_2213 = arith.constant 16 : index
        %get3A_2214 = tpu.vector_load %arg10[%get3A_2212, %get3A_2213] {strides = array<i32>} : memref<832x32xf32, #tpu.memory_space<vmem>>, vector<1x16xf32>,
        %get3A_2215 = vector.shape_cast %get3A_2214 : vector<1x16xf32> to vector<16xf32>
        %get3A_2216 = arith.constant 880 : index
        %get3A_2217 = tpu.vector_load %arg14[%get3A_2216] {strides = array<i32>} : memref<1248xf32, #tpu.memory_space<vmem>>, vector<16xf32>,
        %get3A_2218 = vector.shape_cast %get3A_2217 : vector<16xf32> to vector<16xf32>
        %add3A_2219 = arith.addf %get3A_2215, %get3A_2218 : vector<16xf32>
        %swap3A_2220 = arith.index_cast %add3A_2209 : i32 to index
        %swap3A_2221 = tpu.vector_load %arg11[%swap3A_2220] {strides = array<i32>} : memref<39936xf32, #tpu.memory_space<vmem>>, vector<16xf32>,
        %swap3A_2222 = vector.shape_cast %swap3A_2221 : vector<16xf32> to vector<16xf32>
        %swap3A_2223 = vector.shape_cast %add3A_2219 : vector<16xf32> to vector<16xf32>
        tpu.vector_store %arg11[%swap3A_2220], %swap3A_2223 {strides = array<i32>} : memref<39936xf32, #tpu.memory_space<vmem>>, vector<16xf32>,
        %add3A_2224 = arith.constant 896 : i32
        %add3A_2225 = arith.addi %mul3A_1212, %add3A_2224 : i32
        %add3A_2226 = arith.constant 0 : i32
        %add3A_2227 = arith.addi %add3A_2225, %add3A_2226 : i32
        %add3A_2228 = arith.constant 480 : i32
        %add3A_2229 = arith.addi %add3A_2228, %scan3A_1210 : i32
        %get3A_2230 = arith.index_cast %add3A_2229 : i32 to index
        %get3A_2231 = arith.constant 0 : index
        %get3A_2232 = tpu.vector_load %arg10[%get3A_2230, %get3A_2231] {strides = array<i32>} : memref<832x32xf32, #tpu.memory_space<vmem>>, vector<1x16xf32>,
        %get3A_2233 = vector.shape_cast %get3A_2232 : vector<1x16xf32> to vector<16xf32>
        %get3A_2234 = arith.constant 896 : index
        %get3A_2235 = tpu.vector_load %arg14[%get3A_2234] {strides = array<i32>} : memref<1248xf32, #tpu.memory_space<vmem>>, vector<16xf32>,
        %get3A_2236 = vector.shape_cast %get3A_2235 : vector<16xf32> to vector<16xf32>
        %add3A_2237 = arith.addf %get3A_2233, %get3A_2236 : vector<16xf32>
        %swap3A_2238 = arith.index_cast %add3A_2227 : i32 to index
        %swap3A_2239 = tpu.vector_load %arg11[%swap3A_2238] {strides = array<i32>} : memref<39936xf32, #tpu.memory_space<vmem>>, vector<16xf32>,
        %swap3A_2240 = vector.shape_cast %swap3A_2239 : vector<16xf32> to vector<16xf32>
        %swap3A_2241 = vector.shape_cast %add3A_2237 : vector<16xf32> to vector<16xf32>
        tpu.vector_store %arg11[%swap3A_2238], %swap3A_2241 {strides = array<i32>} : memref<39936xf32, #tpu.memory_space<vmem>>, vector<16xf32>,
        %add3A_2242 = arith.constant 896 : i32
        %add3A_2243 = arith.addi %mul3A_1212, %add3A_2242 : i32
        %add3A_2244 = arith.constant 16 : i32
        %add3A_2245 = arith.addi %add3A_2243, %add3A_2244 : i32
        %add3A_2246 = arith.constant 480 : i32
        %add3A_2247 = arith.addi %add3A_2246, %scan3A_1210 : i32
        %get3A_2248 = arith.index_cast %add3A_2247 : i32 to index
        %get3A_2249 = arith.constant 16 : index
        %get3A_2250 = tpu.vector_load %arg10[%get3A_2248, %get3A_2249] {strides = array<i32>} : memref<832x32xf32, #tpu.memory_space<vmem>>, vector<1x16xf32>,
        %get3A_2251 = vector.shape_cast %get3A_2250 : vector<1x16xf32> to vector<16xf32>
        %get3A_2252 = arith.constant 912 : index
        %get3A_2253 = tpu.vector_load %arg14[%get3A_2252] {strides = array<i32>} : memref<1248xf32, #tpu.memory_space<vmem>>, vector<16xf32>,
        %get3A_2254 = vector.shape_cast %get3A_2253 : vector<16xf32> to vector<16xf32>
        %add3A_2255 = arith.addf %get3A_2251, %get3A_2254 : vector<16xf32>
        %swap3A_2256 = arith.index_cast %add3A_2245 : i32 to index
        %swap3A_2257 = tpu.vector_load %arg11[%swap3A_2256] {strides = array<i32>} : memref<39936xf32, #tpu.memory_space<vmem>>, vector<16xf32>,
        %swap3A_2258 = vector.shape_cast %swap3A_2257 : vector<16xf32> to vector<16xf32>
        %swap3A_2259 = vector.shape_cast %add3A_2255 : vector<16xf32> to vector<16xf32>
        tpu.vector_store %arg11[%swap3A_2256], %swap3A_2259 {strides = array<i32>} : memref<39936xf32, #tpu.memory_space<vmem>>, vector<16xf32>,
        %add3A_2260 = arith.constant 928 : i32
        %add3A_2261 = arith.addi %mul3A_1212, %add3A_2260 : i32
        %add3A_2262 = arith.constant 0 : i32
        %add3A_2263 = arith.addi %add3A_2261, %add3A_2262 : i32
        %add3A_2264 = arith.constant 512 : i32
        %add3A_2265 = arith.addi %add3A_2264, %scan3A_1210 : i32
        %get3A_2266 = arith.index_cast %add3A_2265 : i32 to index
        %get3A_2267 = arith.constant 0 : index
        %get3A_2268 = tpu.vector_load %arg10[%get3A_2266, %get3A_2267] {strides = array<i32>} : memref<832x32xf32, #tpu.memory_space<vmem>>, vector<1x16xf32>,
        %get3A_2269 = vector.shape_cast %get3A_2268 : vector<1x16xf32> to vector<16xf32>
        %get3A_2270 = arith.constant 928 : index
        %get3A_2271 = tpu.vector_load %arg14[%get3A_2270] {strides = array<i32>} : memref<1248xf32, #tpu.memory_space<vmem>>, vector<16xf32>,
        %get3A_2272 = vector.shape_cast %get3A_2271 : vector<16xf32> to vector<16xf32>
        %add3A_2273 = arith.addf %get3A_2269, %get3A_2272 : vector<16xf32>
        %swap3A_2274 = arith.index_cast %add3A_2263 : i32 to index
        %swap3A_2275 = tpu.vector_load %arg11[%swap3A_2274] {strides = array<i32>} : memref<39936xf32, #tpu.memory_space<vmem>>, vector<16xf32>,
        %swap3A_2276 = vector.shape_cast %swap3A_2275 : vector<16xf32> to vector<16xf32>
        %swap3A_2277 = vector.shape_cast %add3A_2273 : vector<16xf32> to vector<16xf32>
        tpu.vector_store %arg11[%swap3A_2274], %swap3A_2277 {strides = array<i32>} : memref<39936xf32, #tpu.memory_space<vmem>>, vector<16xf32>,
        %add3A_2278 = arith.constant 928 : i32
        %add3A_2279 = arith.addi %mul3A_1212, %add3A_2278 : i32
        %add3A_2280 = arith.constant 16 : i32
        %add3A_2281 = arith.addi %add3A_2279, %add3A_2280 : i32
        %add3A_2282 = arith.constant 512 : i32
        %add3A_2283 = arith.addi %add3A_2282, %scan3A_1210 : i32
        %get3A_2284 = arith.index_cast %add3A_2283 : i32 to index
        %get3A_2285 = arith.constant 16 : index
        %get3A_2286 = tpu.vector_load %arg10[%get3A_2284, %get3A_2285] {strides = array<i32>} : memref<832x32xf32, #tpu.memory_space<vmem>>, vector<1x16xf32>,
        %get3A_2287 = vector.shape_cast %get3A_2286 : vector<1x16xf32> to vector<16xf32>
        %get3A_2288 = arith.constant 944 : index
        %get3A_2289 = tpu.vector_load %arg14[%get3A_2288] {strides = array<i32>} : memref<1248xf32, #tpu.memory_space<vmem>>, vector<16xf32>,
        %get3A_2290 = vector.shape_cast %get3A_2289 : vector<16xf32> to vector<16xf32>
        %add3A_2291 = arith.addf %get3A_2287, %get3A_2290 : vector<16xf32>
        %swap3A_2292 = arith.index_cast %add3A_2281 : i32 to index
        %swap3A_2293 = tpu.vector_load %arg11[%swap3A_2292] {strides = array<i32>} : memref<39936xf32, #tpu.memory_space<vmem>>, vector<16xf32>,
        %swap3A_2294 = vector.shape_cast %swap3A_2293 : vector<16xf32> to vector<16xf32>
        %swap3A_2295 = vector.shape_cast %add3A_2291 : vector<16xf32> to vector<16xf32>
        tpu.vector_store %arg11[%swap3A_2292], %swap3A_2295 {strides = array<i32>} : memref<39936xf32, #tpu.memory_space<vmem>>, vector<16xf32>,
        %add3A_2296 = arith.constant 960 : i32
        %add3A_2297 = arith.addi %mul3A_1212, %add3A_2296 : i32
        %add3A_2298 = arith.constant 0 : i32
        %add3A_2299 = arith.addi %add3A_2297, %add3A_2298 : i32
        %add3A_2300 = arith.constant 544 : i32
        %add3A_2301 = arith.addi %add3A_2300, %scan3A_1210 : i32
        %get3A_2302 = arith.index_cast %add3A_2301 : i32 to index
        %get3A_2303 = arith.constant 0 : index
        %get3A_2304 = tpu.vector_load %arg10[%get3A_2302, %get3A_2303] {strides = array<i32>} : memref<832x32xf32, #tpu.memory_space<vmem>>, vector<1x16xf32>,
        %get3A_2305 = vector.shape_cast %get3A_2304 : vector<1x16xf32> to vector<16xf32>
        %get3A_2306 = arith.constant 960 : index
        %get3A_2307 = tpu.vector_load %arg14[%get3A_2306] {strides = array<i32>} : memref<1248xf32, #tpu.memory_space<vmem>>, vector<16xf32>,
        %get3A_2308 = vector.shape_cast %get3A_2307 : vector<16xf32> to vector<16xf32>
        %add3A_2309 = arith.addf %get3A_2305, %get3A_2308 : vector<16xf32>
        %swap3A_2310 = arith.index_cast %add3A_2299 : i32 to index
        %swap3A_2311 = tpu.vector_load %arg11[%swap3A_2310] {strides = array<i32>} : memref<39936xf32, #tpu.memory_space<vmem>>, vector<16xf32>,
        %swap3A_2312 = vector.shape_cast %swap3A_2311 : vector<16xf32> to vector<16xf32>
        %swap3A_2313 = vector.shape_cast %add3A_2309 : vector<16xf32> to vector<16xf32>
        tpu.vector_store %arg11[%swap3A_2310], %swap3A_2313 {strides = array<i32>} : memref<39936xf32, #tpu.memory_space<vmem>>, vector<16xf32>,
        %add3A_2314 = arith.constant 960 : i32
        %add3A_2315 = arith.addi %mul3A_1212, %add3A_2314 : i32
        %add3A_2316 = arith.constant 16 : i32
        %add3A_2317 = arith.addi %add3A_2315, %add3A_2316 : i32
        %add3A_2318 = arith.constant 544 : i32
        %add3A_2319 = arith.addi %add3A_2318, %scan3A_1210 : i32
        %get3A_2320 = arith.index_cast %add3A_2319 : i32 to index
        %get3A_2321 = arith.constant 16 : index
        %get3A_2322 = tpu.vector_load %arg10[%get3A_2320, %get3A_2321] {strides = array<i32>} : memref<832x32xf32, #tpu.memory_space<vmem>>, vector<1x16xf32>,
        %get3A_2323 = vector.shape_cast %get3A_2322 : vector<1x16xf32> to vector<16xf32>
        %get3A_2324 = arith.constant 976 : index
        %get3A_2325 = tpu.vector_load %arg14[%get3A_2324] {strides = array<i32>} : memref<1248xf32, #tpu.memory_space<vmem>>, vector<16xf32>,
        %get3A_2326 = vector.shape_cast %get3A_2325 : vector<16xf32> to vector<16xf32>
        %add3A_2327 = arith.addf %get3A_2323, %get3A_2326 : vector<16xf32>
        %swap3A_2328 = arith.index_cast %add3A_2317 : i32 to index
        %swap3A_2329 = tpu.vector_load %arg11[%swap3A_2328] {strides = array<i32>} : memref<39936xf32, #tpu.memory_space<vmem>>, vector<16xf32>,
        %swap3A_2330 = vector.shape_cast %swap3A_2329 : vector<16xf32> to vector<16xf32>
        %swap3A_2331 = vector.shape_cast %add3A_2327 : vector<16xf32> to vector<16xf32>
        tpu.vector_store %arg11[%swap3A_2328], %swap3A_2331 {strides = array<i32>} : memref<39936xf32, #tpu.memory_space<vmem>>, vector<16xf32>,
        %add3A_2332 = arith.constant 992 : i32
        %add3A_2333 = arith.addi %mul3A_1212, %add3A_2332 : i32
        %add3A_2334 = arith.constant 0 : i32
        %add3A_2335 = arith.addi %add3A_2333, %add3A_2334 : i32
        %add3A_2336 = arith.constant 576 : i32
        %add3A_2337 = arith.addi %add3A_2336, %scan3A_1210 : i32
        %get3A_2338 = arith.index_cast %add3A_2337 : i32 to index
        %get3A_2339 = arith.constant 0 : index
        %get3A_2340 = tpu.vector_load %arg10[%get3A_2338, %get3A_2339] {strides = array<i32>} : memref<832x32xf32, #tpu.memory_space<vmem>>, vector<1x16xf32>,
        %get3A_2341 = vector.shape_cast %get3A_2340 : vector<1x16xf32> to vector<16xf32>
        %get3A_2342 = arith.constant 992 : index
        %get3A_2343 = tpu.vector_load %arg14[%get3A_2342] {strides = array<i32>} : memref<1248xf32, #tpu.memory_space<vmem>>, vector<16xf32>,
        %get3A_2344 = vector.shape_cast %get3A_2343 : vector<16xf32> to vector<16xf32>
        %add3A_2345 = arith.addf %get3A_2341, %get3A_2344 : vector<16xf32>
        %swap3A_2346 = arith.index_cast %add3A_2335 : i32 to index
        %swap3A_2347 = tpu.vector_load %arg11[%swap3A_2346] {strides = array<i32>} : memref<39936xf32, #tpu.memory_space<vmem>>, vector<16xf32>,
        %swap3A_2348 = vector.shape_cast %swap3A_2347 : vector<16xf32> to vector<16xf32>
        %swap3A_2349 = vector.shape_cast %add3A_2345 : vector<16xf32> to vector<16xf32>
        tpu.vector_store %arg11[%swap3A_2346], %swap3A_2349 {strides = array<i32>} : memref<39936xf32, #tpu.memory_space<vmem>>, vector<16xf32>,
        %add3A_2350 = arith.constant 992 : i32
        %add3A_2351 = arith.addi %mul3A_1212, %add3A_2350 : i32
        %add3A_2352 = arith.constant 16 : i32
        %add3A_2353 = arith.addi %add3A_2351, %add3A_2352 : i32
        %add3A_2354 = arith.constant 576 : i32
        %add3A_2355 = arith.addi %add3A_2354, %scan3A_1210 : i32
        %get3A_2356 = arith.index_cast %add3A_2355 : i32 to index
        %get3A_2357 = arith.constant 16 : index
        %get3A_2358 = tpu.vector_load %arg10[%get3A_2356, %get3A_2357] {strides = array<i32>} : memref<832x32xf32, #tpu.memory_space<vmem>>, vector<1x16xf32>,
        %get3A_2359 = vector.shape_cast %get3A_2358 : vector<1x16xf32> to vector<16xf32>
        %get3A_2360 = arith.constant 1008 : index
        %get3A_2361 = tpu.vector_load %arg14[%get3A_2360] {strides = array<i32>} : memref<1248xf32, #tpu.memory_space<vmem>>, vector<16xf32>,
        %get3A_2362 = vector.shape_cast %get3A_2361 : vector<16xf32> to vector<16xf32>
        %add3A_2363 = arith.addf %get3A_2359, %get3A_2362 : vector<16xf32>
        %swap3A_2364 = arith.index_cast %add3A_2353 : i32 to index
        %swap3A_2365 = tpu.vector_load %arg11[%swap3A_2364] {strides = array<i32>} : memref<39936xf32, #tpu.memory_space<vmem>>, vector<16xf32>,
        %swap3A_2366 = vector.shape_cast %swap3A_2365 : vector<16xf32> to vector<16xf32>
        %swap3A_2367 = vector.shape_cast %add3A_2363 : vector<16xf32> to vector<16xf32>
        tpu.vector_store %arg11[%swap3A_2364], %swap3A_2367 {strides = array<i32>} : memref<39936xf32, #tpu.memory_space<vmem>>, vector<16xf32>,
        %add3A_2368 = arith.constant 1024 : i32
        %add3A_2369 = arith.addi %mul3A_1212, %add3A_2368 : i32
        %add3A_2370 = arith.constant 0 : i32
        %add3A_2371 = arith.addi %add3A_2369, %add3A_2370 : i32
        %add3A_2372 = arith.constant 608 : i32
        %add3A_2373 = arith.addi %add3A_2372, %scan3A_1210 : i32
        %get3A_2374 = arith.index_cast %add3A_2373 : i32 to index
        %get3A_2375 = arith.constant 0 : index
        %get3A_2376 = tpu.vector_load %arg10[%get3A_2374, %get3A_2375] {strides = array<i32>} : memref<832x32xf32, #tpu.memory_space<vmem>>, vector<1x16xf32>,
        %get3A_2377 = vector.shape_cast %get3A_2376 : vector<1x16xf32> to vector<16xf32>
        %get3A_2378 = arith.constant 1024 : index
        %get3A_2379 = tpu.vector_load %arg14[%get3A_2378] {strides = array<i32>} : memref<1248xf32, #tpu.memory_space<vmem>>, vector<16xf32>,
        %get3A_2380 = vector.shape_cast %get3A_2379 : vector<16xf32> to vector<16xf32>
        %add3A_2381 = arith.addf %get3A_2377, %get3A_2380 : vector<16xf32>
        %swap3A_2382 = arith.index_cast %add3A_2371 : i32 to index
        %swap3A_2383 = tpu.vector_load %arg11[%swap3A_2382] {strides = array<i32>} : memref<39936xf32, #tpu.memory_space<vmem>>, vector<16xf32>,
        %swap3A_2384 = vector.shape_cast %swap3A_2383 : vector<16xf32> to vector<16xf32>
        %swap3A_2385 = vector.shape_cast %add3A_2381 : vector<16xf32> to vector<16xf32>
        tpu.vector_store %arg11[%swap3A_2382], %swap3A_2385 {strides = array<i32>} : memref<39936xf32, #tpu.memory_space<vmem>>, vector<16xf32>,
        %add3A_2386 = arith.constant 1024 : i32
        %add3A_2387 = arith.addi %mul3A_1212, %add3A_2386 : i32
        %add3A_2388 = arith.constant 16 : i32
        %add3A_2389 = arith.addi %add3A_2387, %add3A_2388 : i32
        %add3A_2390 = arith.constant 608 : i32
        %add3A_2391 = arith.addi %add3A_2390, %scan3A_1210 : i32
        %get3A_2392 = arith.index_cast %add3A_2391 : i32 to index
        %get3A_2393 = arith.constant 16 : index
        %get3A_2394 = tpu.vector_load %arg10[%get3A_2392, %get3A_2393] {strides = array<i32>} : memref<832x32xf32, #tpu.memory_space<vmem>>, vector<1x16xf32>,
        %get3A_2395 = vector.shape_cast %get3A_2394 : vector<1x16xf32> to vector<16xf32>
        %get3A_2396 = arith.constant 1040 : index
        %get3A_2397 = tpu.vector_load %arg14[%get3A_2396] {strides = array<i32>} : memref<1248xf32, #tpu.memory_space<vmem>>, vector<16xf32>,
        %get3A_2398 = vector.shape_cast %get3A_2397 : vector<16xf32> to vector<16xf32>
        %add3A_2399 = arith.addf %get3A_2395, %get3A_2398 : vector<16xf32>
        %swap3A_2400 = arith.index_cast %add3A_2389 : i32 to index
        %swap3A_2401 = tpu.vector_load %arg11[%swap3A_2400] {strides = array<i32>} : memref<39936xf32, #tpu.memory_space<vmem>>, vector<16xf32>,
        %swap3A_2402 = vector.shape_cast %swap3A_2401 : vector<16xf32> to vector<16xf32>
        %swap3A_2403 = vector.shape_cast %add3A_2399 : vector<16xf32> to vector<16xf32>
        tpu.vector_store %arg11[%swap3A_2400], %swap3A_2403 {strides = array<i32>} : memref<39936xf32, #tpu.memory_space<vmem>>, vector<16xf32>,
        %add3A_2404 = arith.constant 1056 : i32
        %add3A_2405 = arith.addi %mul3A_1212, %add3A_2404 : i32
        %add3A_2406 = arith.constant 0 : i32
        %add3A_2407 = arith.addi %add3A_2405, %add3A_2406 : i32
        %add3A_2408 = arith.constant 640 : i32
        %add3A_2409 = arith.addi %add3A_2408, %scan3A_1210 : i32
        %get3A_2410 = arith.index_cast %add3A_2409 : i32 to index
        %get3A_2411 = arith.constant 0 : index
        %get3A_2412 = tpu.vector_load %arg10[%get3A_2410, %get3A_2411] {strides = array<i32>} : memref<832x32xf32, #tpu.memory_space<vmem>>, vector<1x16xf32>,
        %get3A_2413 = vector.shape_cast %get3A_2412 : vector<1x16xf32> to vector<16xf32>
        %get3A_2414 = arith.constant 1056 : index
        %get3A_2415 = tpu.vector_load %arg14[%get3A_2414] {strides = array<i32>} : memref<1248xf32, #tpu.memory_space<vmem>>, vector<16xf32>,
        %get3A_2416 = vector.shape_cast %get3A_2415 : vector<16xf32> to vector<16xf32>
        %add3A_2417 = arith.addf %get3A_2413, %get3A_2416 : vector<16xf32>
        %swap3A_2418 = arith.index_cast %add3A_2407 : i32 to index
        %swap3A_2419 = tpu.vector_load %arg11[%swap3A_2418] {strides = array<i32>} : memref<39936xf32, #tpu.memory_space<vmem>>, vector<16xf32>,
        %swap3A_2420 = vector.shape_cast %swap3A_2419 : vector<16xf32> to vector<16xf32>
        %swap3A_2421 = vector.shape_cast %add3A_2417 : vector<16xf32> to vector<16xf32>
        tpu.vector_store %arg11[%swap3A_2418], %swap3A_2421 {strides = array<i32>} : memref<39936xf32, #tpu.memory_space<vmem>>, vector<16xf32>,
        %add3A_2422 = arith.constant 1056 : i32
        %add3A_2423 = arith.addi %mul3A_1212, %add3A_2422 : i32
        %add3A_2424 = arith.constant 16 : i32
        %add3A_2425 = arith.addi %add3A_2423, %add3A_2424 : i32
        %add3A_2426 = arith.constant 640 : i32
        %add3A_2427 = arith.addi %add3A_2426, %scan3A_1210 : i32
        %get3A_2428 = arith.index_cast %add3A_2427 : i32 to index
        %get3A_2429 = arith.constant 16 : index
        %get3A_2430 = tpu.vector_load %arg10[%get3A_2428, %get3A_2429] {strides = array<i32>} : memref<832x32xf32, #tpu.memory_space<vmem>>, vector<1x16xf32>,
        %get3A_2431 = vector.shape_cast %get3A_2430 : vector<1x16xf32> to vector<16xf32>
        %get3A_2432 = arith.constant 1072 : index
        %get3A_2433 = tpu.vector_load %arg14[%get3A_2432] {strides = array<i32>} : memref<1248xf32, #tpu.memory_space<vmem>>, vector<16xf32>,
        %get3A_2434 = vector.shape_cast %get3A_2433 : vector<16xf32> to vector<16xf32>
        %add3A_2435 = arith.addf %get3A_2431, %get3A_2434 : vector<16xf32>
        %swap3A_2436 = arith.index_cast %add3A_2425 : i32 to index
        %swap3A_2437 = tpu.vector_load %arg11[%swap3A_2436] {strides = array<i32>} : memref<39936xf32, #tpu.memory_space<vmem>>, vector<16xf32>,
        %swap3A_2438 = vector.shape_cast %swap3A_2437 : vector<16xf32> to vector<16xf32>
        %swap3A_2439 = vector.shape_cast %add3A_2435 : vector<16xf32> to vector<16xf32>
        tpu.vector_store %arg11[%swap3A_2436], %swap3A_2439 {strides = array<i32>} : memref<39936xf32, #tpu.memory_space<vmem>>, vector<16xf32>,
        %add3A_2440 = arith.constant 1088 : i32
        %add3A_2441 = arith.addi %mul3A_1212, %add3A_2440 : i32
        %add3A_2442 = arith.constant 0 : i32
        %add3A_2443 = arith.addi %add3A_2441, %add3A_2442 : i32
        %add3A_2444 = arith.constant 672 : i32
        %add3A_2445 = arith.addi %add3A_2444, %scan3A_1210 : i32
        %get3A_2446 = arith.index_cast %add3A_2445 : i32 to index
        %get3A_2447 = arith.constant 0 : index
        %get3A_2448 = tpu.vector_load %arg10[%get3A_2446, %get3A_2447] {strides = array<i32>} : memref<832x32xf32, #tpu.memory_space<vmem>>, vector<1x16xf32>,
        %get3A_2449 = vector.shape_cast %get3A_2448 : vector<1x16xf32> to vector<16xf32>
        %get3A_2450 = arith.constant 1088 : index
        %get3A_2451 = tpu.vector_load %arg14[%get3A_2450] {strides = array<i32>} : memref<1248xf32, #tpu.memory_space<vmem>>, vector<16xf32>,
        %get3A_2452 = vector.shape_cast %get3A_2451 : vector<16xf32> to vector<16xf32>
        %add3A_2453 = arith.addf %get3A_2449, %get3A_2452 : vector<16xf32>
        %swap3A_2454 = arith.index_cast %add3A_2443 : i32 to index
        %swap3A_2455 = tpu.vector_load %arg11[%swap3A_2454] {strides = array<i32>} : memref<39936xf32, #tpu.memory_space<vmem>>, vector<16xf32>,
        %swap3A_2456 = vector.shape_cast %swap3A_2455 : vector<16xf32> to vector<16xf32>
        %swap3A_2457 = vector.shape_cast %add3A_2453 : vector<16xf32> to vector<16xf32>
        tpu.vector_store %arg11[%swap3A_2454], %swap3A_2457 {strides = array<i32>} : memref<39936xf32, #tpu.memory_space<vmem>>, vector<16xf32>,
        %add3A_2458 = arith.constant 1088 : i32
        %add3A_2459 = arith.addi %mul3A_1212, %add3A_2458 : i32
        %add3A_2460 = arith.constant 16 : i32
        %add3A_2461 = arith.addi %add3A_2459, %add3A_2460 : i32
        %add3A_2462 = arith.constant 672 : i32
        %add3A_2463 = arith.addi %add3A_2462, %scan3A_1210 : i32
        %get3A_2464 = arith.index_cast %add3A_2463 : i32 to index
        %get3A_2465 = arith.constant 16 : index
        %get3A_2466 = tpu.vector_load %arg10[%get3A_2464, %get3A_2465] {strides = array<i32>} : memref<832x32xf32, #tpu.memory_space<vmem>>, vector<1x16xf32>,
        %get3A_2467 = vector.shape_cast %get3A_2466 : vector<1x16xf32> to vector<16xf32>
        %get3A_2468 = arith.constant 1104 : index
        %get3A_2469 = tpu.vector_load %arg14[%get3A_2468] {strides = array<i32>} : memref<1248xf32, #tpu.memory_space<vmem>>, vector<16xf32>,
        %get3A_2470 = vector.shape_cast %get3A_2469 : vector<16xf32> to vector<16xf32>
        %add3A_2471 = arith.addf %get3A_2467, %get3A_2470 : vector<16xf32>
        %swap3A_2472 = arith.index_cast %add3A_2461 : i32 to index
        %swap3A_2473 = tpu.vector_load %arg11[%swap3A_2472] {strides = array<i32>} : memref<39936xf32, #tpu.memory_space<vmem>>, vector<16xf32>,
        %swap3A_2474 = vector.shape_cast %swap3A_2473 : vector<16xf32> to vector<16xf32>
        %swap3A_2475 = vector.shape_cast %add3A_2471 : vector<16xf32> to vector<16xf32>
        tpu.vector_store %arg11[%swap3A_2472], %swap3A_2475 {strides = array<i32>} : memref<39936xf32, #tpu.memory_space<vmem>>, vector<16xf32>,
        %add3A_2476 = arith.constant 1120 : i32
        %add3A_2477 = arith.addi %mul3A_1212, %add3A_2476 : i32
        %add3A_2478 = arith.constant 0 : i32
        %add3A_2479 = arith.addi %add3A_2477, %add3A_2478 : i32
        %add3A_2480 = arith.constant 704 : i32
        %add3A_2481 = arith.addi %add3A_2480, %scan3A_1210 : i32
        %get3A_2482 = arith.index_cast %add3A_2481 : i32 to index
        %get3A_2483 = arith.constant 0 : index
        %get3A_2484 = tpu.vector_load %arg10[%get3A_2482, %get3A_2483] {strides = array<i32>} : memref<832x32xf32, #tpu.memory_space<vmem>>, vector<1x16xf32>,
        %get3A_2485 = vector.shape_cast %get3A_2484 : vector<1x16xf32> to vector<16xf32>
        %get3A_2486 = arith.constant 1120 : index
        %get3A_2487 = tpu.vector_load %arg14[%get3A_2486] {strides = array<i32>} : memref<1248xf32, #tpu.memory_space<vmem>>, vector<16xf32>,
        %get3A_2488 = vector.shape_cast %get3A_2487 : vector<16xf32> to vector<16xf32>
        %add3A_2489 = arith.addf %get3A_2485, %get3A_2488 : vector<16xf32>
        %swap3A_2490 = arith.index_cast %add3A_2479 : i32 to index
        %swap3A_2491 = tpu.vector_load %arg11[%swap3A_2490] {strides = array<i32>} : memref<39936xf32, #tpu.memory_space<vmem>>, vector<16xf32>,
        %swap3A_2492 = vector.shape_cast %swap3A_2491 : vector<16xf32> to vector<16xf32>
        %swap3A_2493 = vector.shape_cast %add3A_2489 : vector<16xf32> to vector<16xf32>
        tpu.vector_store %arg11[%swap3A_2490], %swap3A_2493 {strides = array<i32>} : memref<39936xf32, #tpu.memory_space<vmem>>, vector<16xf32>,
        %add3A_2494 = arith.constant 1120 : i32
        %add3A_2495 = arith.addi %mul3A_1212, %add3A_2494 : i32
        %add3A_2496 = arith.constant 16 : i32
        %add3A_2497 = arith.addi %add3A_2495, %add3A_2496 : i32
        %add3A_2498 = arith.constant 704 : i32
        %add3A_2499 = arith.addi %add3A_2498, %scan3A_1210 : i32
        %get3A_2500 = arith.index_cast %add3A_2499 : i32 to index
        %get3A_2501 = arith.constant 16 : index
        %get3A_2502 = tpu.vector_load %arg10[%get3A_2500, %get3A_2501] {strides = array<i32>} : memref<832x32xf32, #tpu.memory_space<vmem>>, vector<1x16xf32>,
        %get3A_2503 = vector.shape_cast %get3A_2502 : vector<1x16xf32> to vector<16xf32>
        %get3A_2504 = arith.constant 1136 : index
        %get3A_2505 = tpu.vector_load %arg14[%get3A_2504] {strides = array<i32>} : memref<1248xf32, #tpu.memory_space<vmem>>, vector<16xf32>,
        %get3A_2506 = vector.shape_cast %get3A_2505 : vector<16xf32> to vector<16xf32>
        %add3A_2507 = arith.addf %get3A_2503, %get3A_2506 : vector<16xf32>
        %swap3A_2508 = arith.index_cast %add3A_2497 : i32 to index
        %swap3A_2509 = tpu.vector_load %arg11[%swap3A_2508] {strides = array<i32>} : memref<39936xf32, #tpu.memory_space<vmem>>, vector<16xf32>,
        %swap3A_2510 = vector.shape_cast %swap3A_2509 : vector<16xf32> to vector<16xf32>
        %swap3A_2511 = vector.shape_cast %add3A_2507 : vector<16xf32> to vector<16xf32>
        tpu.vector_store %arg11[%swap3A_2508], %swap3A_2511 {strides = array<i32>} : memref<39936xf32, #tpu.memory_space<vmem>>, vector<16xf32>,
        %add3A_2512 = arith.constant 1152 : i32
        %add3A_2513 = arith.addi %mul3A_1212, %add3A_2512 : i32
        %add3A_2514 = arith.constant 0 : i32
        %add3A_2515 = arith.addi %add3A_2513, %add3A_2514 : i32
        %add3A_2516 = arith.constant 736 : i32
        %add3A_2517 = arith.addi %add3A_2516, %scan3A_1210 : i32
        %get3A_2518 = arith.index_cast %add3A_2517 : i32 to index
        %get3A_2519 = arith.constant 0 : index
        %get3A_2520 = tpu.vector_load %arg10[%get3A_2518, %get3A_2519] {strides = array<i32>} : memref<832x32xf32, #tpu.memory_space<vmem>>, vector<1x16xf32>,
        %get3A_2521 = vector.shape_cast %get3A_2520 : vector<1x16xf32> to vector<16xf32>
        %get3A_2522 = arith.constant 1152 : index
        %get3A_2523 = tpu.vector_load %arg14[%get3A_2522] {strides = array<i32>} : memref<1248xf32, #tpu.memory_space<vmem>>, vector<16xf32>,
        %get3A_2524 = vector.shape_cast %get3A_2523 : vector<16xf32> to vector<16xf32>
        %add3A_2525 = arith.addf %get3A_2521, %get3A_2524 : vector<16xf32>
        %swap3A_2526 = arith.index_cast %add3A_2515 : i32 to index
        %swap3A_2527 = tpu.vector_load %arg11[%swap3A_2526] {strides = array<i32>} : memref<39936xf32, #tpu.memory_space<vmem>>, vector<16xf32>,
        %swap3A_2528 = vector.shape_cast %swap3A_2527 : vector<16xf32> to vector<16xf32>
        %swap3A_2529 = vector.shape_cast %add3A_2525 : vector<16xf32> to vector<16xf32>
        tpu.vector_store %arg11[%swap3A_2526], %swap3A_2529 {strides = array<i32>} : memref<39936xf32, #tpu.memory_space<vmem>>, vector<16xf32>,
        %add3A_2530 = arith.constant 1152 : i32
        %add3A_2531 = arith.addi %mul3A_1212, %add3A_2530 : i32
        %add3A_2532 = arith.constant 16 : i32
        %add3A_2533 = arith.addi %add3A_2531, %add3A_2532 : i32
        %add3A_2534 = arith.constant 736 : i32
        %add3A_2535 = arith.addi %add3A_2534, %scan3A_1210 : i32
        %get3A_2536 = arith.index_cast %add3A_2535 : i32 to index
        %get3A_2537 = arith.constant 16 : index
        %get3A_2538 = tpu.vector_load %arg10[%get3A_2536, %get3A_2537] {strides = array<i32>} : memref<832x32xf32, #tpu.memory_space<vmem>>, vector<1x16xf32>,
        %get3A_2539 = vector.shape_cast %get3A_2538 : vector<1x16xf32> to vector<16xf32>
        %get3A_2540 = arith.constant 1168 : index
        %get3A_2541 = tpu.vector_load %arg14[%get3A_2540] {strides = array<i32>} : memref<1248xf32, #tpu.memory_space<vmem>>, vector<16xf32>,
        %get3A_2542 = vector.shape_cast %get3A_2541 : vector<16xf32> to vector<16xf32>
        %add3A_2543 = arith.addf %get3A_2539, %get3A_2542 : vector<16xf32>
        %swap3A_2544 = arith.index_cast %add3A_2533 : i32 to index
        %swap3A_2545 = tpu.vector_load %arg11[%swap3A_2544] {strides = array<i32>} : memref<39936xf32, #tpu.memory_space<vmem>>, vector<16xf32>,
        %swap3A_2546 = vector.shape_cast %swap3A_2545 : vector<16xf32> to vector<16xf32>
        %swap3A_2547 = vector.shape_cast %add3A_2543 : vector<16xf32> to vector<16xf32>
        tpu.vector_store %arg11[%swap3A_2544], %swap3A_2547 {strides = array<i32>} : memref<39936xf32, #tpu.memory_space<vmem>>, vector<16xf32>,
        %add3A_2548 = arith.constant 1184 : i32
        %add3A_2549 = arith.addi %mul3A_1212, %add3A_2548 : i32
        %add3A_2550 = arith.constant 0 : i32
        %add3A_2551 = arith.addi %add3A_2549, %add3A_2550 : i32
        %add3A_2552 = arith.constant 768 : i32
        %add3A_2553 = arith.addi %add3A_2552, %scan3A_1210 : i32
        %get3A_2554 = arith.index_cast %add3A_2553 : i32 to index
        %get3A_2555 = arith.constant 0 : index
        %get3A_2556 = tpu.vector_load %arg10[%get3A_2554, %get3A_2555] {strides = array<i32>} : memref<832x32xf32, #tpu.memory_space<vmem>>, vector<1x16xf32>,
        %get3A_2557 = vector.shape_cast %get3A_2556 : vector<1x16xf32> to vector<16xf32>
        %get3A_2558 = arith.constant 1184 : index
        %get3A_2559 = tpu.vector_load %arg14[%get3A_2558] {strides = array<i32>} : memref<1248xf32, #tpu.memory_space<vmem>>, vector<16xf32>,
        %get3A_2560 = vector.shape_cast %get3A_2559 : vector<16xf32> to vector<16xf32>
        %add3A_2561 = arith.addf %get3A_2557, %get3A_2560 : vector<16xf32>
        %swap3A_2562 = arith.index_cast %add3A_2551 : i32 to index
        %swap3A_2563 = tpu.vector_load %arg11[%swap3A_2562] {strides = array<i32>} : memref<39936xf32, #tpu.memory_space<vmem>>, vector<16xf32>,
        %swap3A_2564 = vector.shape_cast %swap3A_2563 : vector<16xf32> to vector<16xf32>
        %swap3A_2565 = vector.shape_cast %add3A_2561 : vector<16xf32> to vector<16xf32>
        tpu.vector_store %arg11[%swap3A_2562], %swap3A_2565 {strides = array<i32>} : memref<39936xf32, #tpu.memory_space<vmem>>, vector<16xf32>,
        %add3A_2566 = arith.constant 1184 : i32
        %add3A_2567 = arith.addi %mul3A_1212, %add3A_2566 : i32
        %add3A_2568 = arith.constant 16 : i32
        %add3A_2569 = arith.addi %add3A_2567, %add3A_2568 : i32
        %add3A_2570 = arith.constant 768 : i32
        %add3A_2571 = arith.addi %add3A_2570, %scan3A_1210 : i32
        %get3A_2572 = arith.index_cast %add3A_2571 : i32 to index
        %get3A_2573 = arith.constant 16 : index
        %get3A_2574 = tpu.vector_load %arg10[%get3A_2572, %get3A_2573] {strides = array<i32>} : memref<832x32xf32, #tpu.memory_space<vmem>>, vector<1x16xf32>,
        %get3A_2575 = vector.shape_cast %get3A_2574 : vector<1x16xf32> to vector<16xf32>
        %get3A_2576 = arith.constant 1200 : index
        %get3A_2577 = tpu.vector_load %arg14[%get3A_2576] {strides = array<i32>} : memref<1248xf32, #tpu.memory_space<vmem>>, vector<16xf32>,
        %get3A_2578 = vector.shape_cast %get3A_2577 : vector<16xf32> to vector<16xf32>
        %add3A_2579 = arith.addf %get3A_2575, %get3A_2578 : vector<16xf32>
        %swap3A_2580 = arith.index_cast %add3A_2569 : i32 to index
        %swap3A_2581 = tpu.vector_load %arg11[%swap3A_2580] {strides = array<i32>} : memref<39936xf32, #tpu.memory_space<vmem>>, vector<16xf32>,
        %swap3A_2582 = vector.shape_cast %swap3A_2581 : vector<16xf32> to vector<16xf32>
        %swap3A_2583 = vector.shape_cast %add3A_2579 : vector<16xf32> to vector<16xf32>
        tpu.vector_store %arg11[%swap3A_2580], %swap3A_2583 {strides = array<i32>} : memref<39936xf32, #tpu.memory_space<vmem>>, vector<16xf32>,
        %add3A_2584 = arith.constant 1216 : i32
        %add3A_2585 = arith.addi %mul3A_1212, %add3A_2584 : i32
        %add3A_2586 = arith.constant 0 : i32
        %add3A_2587 = arith.addi %add3A_2585, %add3A_2586 : i32
        %add3A_2588 = arith.constant 800 : i32
        %add3A_2589 = arith.addi %add3A_2588, %scan3A_1210 : i32
        %get3A_2590 = arith.index_cast %add3A_2589 : i32 to index
        %get3A_2591 = arith.constant 0 : index
        %get3A_2592 = tpu.vector_load %arg10[%get3A_2590, %get3A_2591] {strides = array<i32>} : memref<832x32xf32, #tpu.memory_space<vmem>>, vector<1x16xf32>,
        %get3A_2593 = vector.shape_cast %get3A_2592 : vector<1x16xf32> to vector<16xf32>
        %get3A_2594 = arith.constant 1216 : index
        %get3A_2595 = tpu.vector_load %arg14[%get3A_2594] {strides = array<i32>} : memref<1248xf32, #tpu.memory_space<vmem>>, vector<16xf32>,
        %get3A_2596 = vector.shape_cast %get3A_2595 : vector<16xf32> to vector<16xf32>
        %add3A_2597 = arith.addf %get3A_2593, %get3A_2596 : vector<16xf32>
        %swap3A_2598 = arith.index_cast %add3A_2587 : i32 to index
        %swap3A_2599 = tpu.vector_load %arg11[%swap3A_2598] {strides = array<i32>} : memref<39936xf32, #tpu.memory_space<vmem>>, vector<16xf32>,
        %swap3A_2600 = vector.shape_cast %swap3A_2599 : vector<16xf32> to vector<16xf32>
        %swap3A_2601 = vector.shape_cast %add3A_2597 : vector<16xf32> to vector<16xf32>
        tpu.vector_store %arg11[%swap3A_2598], %swap3A_2601 {strides = array<i32>} : memref<39936xf32, #tpu.memory_space<vmem>>, vector<16xf32>,
        %add3A_2602 = arith.constant 1216 : i32
        %add3A_2603 = arith.addi %mul3A_1212, %add3A_2602 : i32
        %add3A_2604 = arith.constant 16 : i32
        %add3A_2605 = arith.addi %add3A_2603, %add3A_2604 : i32
        %add3A_2606 = arith.constant 800 : i32
        %add3A_2607 = arith.addi %add3A_2606, %scan3A_1210 : i32
        %get3A_2608 = arith.index_cast %add3A_2607 : i32 to index
        %get3A_2609 = arith.constant 16 : index
        %get3A_2610 = tpu.vector_load %arg10[%get3A_2608, %get3A_2609] {strides = array<i32>} : memref<832x32xf32, #tpu.memory_space<vmem>>, vector<1x16xf32>,
        %get3A_2611 = vector.shape_cast %get3A_2610 : vector<1x16xf32> to vector<16xf32>
        %get3A_2612 = arith.constant 1232 : index
        %get3A_2613 = tpu.vector_load %arg14[%get3A_2612] {strides = array<i32>} : memref<1248xf32, #tpu.memory_space<vmem>>, vector<16xf32>,
        %get3A_2614 = vector.shape_cast %get3A_2613 : vector<16xf32> to vector<16xf32>
        %add3A_2615 = arith.addf %get3A_2611, %get3A_2614 : vector<16xf32>
        %swap3A_2616 = arith.index_cast %add3A_2605 : i32 to index
        %swap3A_2617 = tpu.vector_load %arg11[%swap3A_2616] {strides = array<i32>} : memref<39936xf32, #tpu.memory_space<vmem>>, vector<16xf32>,
        %swap3A_2618 = vector.shape_cast %swap3A_2617 : vector<16xf32> to vector<16xf32>
        %swap3A_2619 = vector.shape_cast %add3A_2615 : vector<16xf32> to vector<16xf32>
        tpu.vector_store %arg11[%swap3A_2616], %swap3A_2619 {strides = array<i32>} : memref<39936xf32, #tpu.memory_space<vmem>>, vector<16xf32>,
      }
      %scan3A_1207 = arith.constant 32 : i32
      %mul3A_1208 = arith.constant 1248 : i32
      %mul3A_1209 = arith.muli %mul3A_11, %mul3A_1208 : i32
      "tpu.region"() ({
        %run_scoped3A = tpu.sem_alloc : memref<!tpu.dma_semaphore, #tpu.memory_space<semaphore_mem>>
        %dma_start3A_1210 = tpu.memref_slice %arg8[%mul3A_1209] : memref<20447232xf32, #tpu.memory_space<hbm>> -> memref<39936xf32, #tpu.memory_space<hbm>>
        %dma_start3A_1211 = tpu.memref_slice %arg8[%mul3A_1209] : memref<20447232xf32, #tpu.memory_space<hbm>> -> memref<39936xf32, #tpu.memory_space<hbm>>
        tpu.enqueue_dma source(%arg11 : memref<39936xf32, #tpu.memory_space<vmem>>) target(%dma_start3A_1211 : memref<39936xf32, #tpu.memory_space<hbm>>) target_semaphore(%run_scoped3A : memref<!tpu.dma_semaphore, #tpu.memory_space<semaphore_mem>>)
        %dma_wait3A_1212 = tpu.memref_slice %arg8[%mul3A_1209] : memref<20447232xf32, #tpu.memory_space<hbm>> -> memref<39936xf32, #tpu.memory_space<hbm>>
        %dma_wait3A_1213 = tpu.memref_slice %arg8[%mul3A_1209] : memref<20447232xf32, #tpu.memory_space<hbm>> -> memref<39936xf32, #tpu.memory_space<hbm>>
        tpu.wait_dma2 semaphore(%run_scoped3A : memref<!tpu.dma_semaphore, #tpu.memory_space<semaphore_mem>>) src(%arg11 : memref<39936xf32, #tpu.memory_space<vmem>>) dst(%dma_wait3A_1213 : memref<39936xf32, #tpu.memory_space<hbm>>)
        tpu.yield
      }) : () -> ()
    }
    %scan3A_5 = arith.constant 16 : i32
    return
  }
}

</mosaic_0001>

<sc_bundles>
// kernel: kernel.3.cloned.1.call-start
scs
__scs_entry_jumppad:
0x0: {  	(pc) =	sbr.rel $0x88, $3  }
0x1: {  	(tag) =	ssettag $0x0;
	lr =	simm.s32 $0x1  }
0x2: {  	[smem:$0x3F9C] =	sst lr;
	_ =	strace $0xD0000000  }
0x3: {  	_ = 	snop  }
0x4: {  	_ = 	snop  }
0x5: {  	_ = 	snop  }
0x6: {  	_ = 	snop  }
0x7: {  	_ = 	snop  }
__scs_overlays_trampoline_lowered:
0x8: {  	[smem:$0x3FAB] =	sst s0  }
0x9: {  	[smem:$0x3FAC] =	sst s1  }
0xa: {  	[smem:$0x3FAD] =	sst s2  }
0xb: {  	[smem:$0x3FAE] =	sst s3  }
0xc: {  	[smem:$0x3FAF] =	sst s4  }
0xd: {  	[smem:$0x3FB0] =	sst s5  }
0xe: {  	[smem:$0x3FB1] =	sst s6  }
0xf: {  	[smem:$0x3FB2] =	sst s7  }
0x10: {  	[smem:$0x3FB3] =	sst s8  }
0x11: {  	[smem:$0x3FB4] =	sst s9;
	s0 =	simm.s32 @!p0 $0x0  }
0x12: {  	s1 =	sld [smem:$0x3F9A];
	s0 =	simm.s32 @p0 $0x1  }
0x13: {  	[smem:$0x3FB5] =	sst s0;
	s0 =	simm.s32 @!p1 $0x0  }
0x14: {  	s2 =	sld [smem:$0x3F99];
	s0 =	simm.s32 @p1 $0x1  }
0x15: {  	[smem:$0x3FB6] =	sst s0;
	s0 =	simm.s32 @!p2 $0x0  }
0x16: {  	s3 =	sld [smem:$0x3FDB];
	s0 =	simm.s32 @p2 $0x1  }
0x17: {  	s4 =	simm.s32 $0x1BF5;
	[smem:$0x3FB8] =	sst s0  }
0x18: {  	s0 =	sld [smem:$0x3F9B];
	_ =	swait.ge [sflag:s4], $0x0  }
0x19: {  	s7 =	sld [smem:$0x3F9C]  }
0x1a: {  	s8 =	sadd.s32 $0xFFFFE003, lr  }
0x1b: {  	s9 =	sadd.s32 $0xFFFFFEF7, lr;
	s5 =	simm.s32 $0xFFFFFFFF;
	p2 =	slt.u32 s8, $0xFFFFF086  }
0x1c: {  	p1 =	slt.u32 s9, $0xF7A;
	s5 =	simm.s32 @!p2 $0x0  }
0x1d: {  	s5 =	simm.s32 @p1 $0x1;
	p0 =	seq.s32 s7, s2  }
0x1e: {  	s7 =	smul.u32 @!p0 $0xF7A, s2;
	p2 =	seq.s32 @!p0 s5, $0x0  }
0x1f: {  	s9 =	smul.u32 $0xF7A, s1;
	s8 =	simm.s32 @!p0 $0x1BF5;
	p2 =	por !p2, p0  }
0x20: {  	[sflag:s8] =	ssyncset.s32 @!p0 $0xFFFFF086;
	s6 =	sadd.s32 @!p0 s3, s7;
	s7 =	simm.s32 @!p0 $0x108  }
0x21: {  	s3 =	sadd.s32 s3, s9;
	s6 =	sadd.s32 @!p0 $0x88, s6;
	s7 =	simm.s32 @p2 $0x1082  }
0x22: {  	[simem:s7], [sflag:s8] =	dma.local @!p0 [hbm:s6], $0xF7A  }
0x23: {  	s9 =	sor.u32 $0xD0000000, s2;
	s6 =	simm.s32 $0x108;
	_ =	swait.ge @!p0 [sflag:s8], $0x0  }
0x24: {  	s3 =	sadd.s32 $0x88, s3;
	s6 =	simm.s32 @!p1 $0x1082;
	[sflag:s4] =	ssyncset.s32 $0xFFFFF086  }
0x25: {  	[simem:s6], [sflag:s4] =	dma.local [hbm:s3], $0xF7A  }
0x26: {  	[smem:$0x3F9C] =	sst s1;
	(tag) =	ssettag s2;
	_ =	strace s9  }
0x27: {  	s1 =	sld [smem:$0x3FAC]  }
0x28: {  	s2 =	sld [smem:$0x3FAD]  }
0x29: {  	s4 =	sld [smem:$0x3FAF]  }
0x2a: {  	p0 =	seq.s32 s5, $0x0;
	s5 =	sld [smem:$0x3FB0]  }
0x2b: {  	s6 =	sld [smem:$0x3FB1]  }
0x2c: {  	s7 =	sld [smem:$0x3FB2]  }
0x2d: {  	s3 =	simm.s32 $0x108;
	s8 =	sld [smem:$0x3FB3]  }
0x2e: {  	s3 =	simm.s32 @!p0 $0x1082;
	s9 =	sld [smem:$0x3FB4]  }
0x2f: {  	lr =	sadd.s32 s0, s3;
	s0 =	sld [smem:$0x3FAB]  }
0x30: {  	s3 =	sld [smem:$0x3FAE]  }
0x31: {  	[smem:$0x3FB7] =	sst s10  }
0x32: {  	s10 =	sld [smem:$0x3FB5];
	_ =	sdelay $0x3  }
0x33: {  	p0 =	seq.s32 s10, $0x1;
	s10 =	sld [smem:$0x3FB7];
	_ =	sdelay $0x3  }
0x34: {  	[smem:$0x3FB7] =	sst s10  }
0x35: {  	s10 =	sld [smem:$0x3FB6];
	_ =	sdelay $0x3  }
0x36: {  	p1 =	seq.s32 s10, $0x1;
	s10 =	sld [smem:$0x3FB7];
	_ =	sdelay $0x3  }
0x37: {  	[smem:$0x3FB7] =	sst s10  }
0x38: {  	s10 =	sld [smem:$0x3FB8]  }
0x39: {  	_ = 	snop;
	(pc) =	sbr.ind lr, $3  }
0x3a: {  	_ = 	snop  }
0x3b: {  	_ = 	snop  }
0x3c: {  	p2 =	seq.s32 s10, $0x1;
	s10 =	sld [smem:$0x3FB7]  }
0x3d: {  	_ =	shalt  }
0x3e: {  	_ =	shalt  }
0x3f: {  	_ =	shalt  }
0x40: {  	_ =	shalt  }
0x41: {  	_ =	shalt  }
0x42: {  	_ =	shalt  }
0x43: {  	_ =	shalt  }
0x44: {  	_ =	shalt  }
0x45: {  	_ =	shalt  }
0x46: {  	_ =	shalt  }
0x47: {  	_ =	shalt  }
0x48: {  	_ =	shalt  }
0x49: {  	_ =	shalt  }
0x4a: {  	_ =	shalt  }
0x4b: {  	_ =	shalt  }
0x4c: {  	_ =	shalt  }
0x4d: {  	_ =	shalt  }
0x4e: {  	_ =	shalt  }
0x4f: {  	_ =	shalt  }
0x50: {  	_ =	shalt  }
0x51: {  	_ =	shalt  }
0x52: {  	_ =	shalt  }
0x53: {  	_ =	shalt  }
0x54: {  	_ =	shalt  }
0x55: {  	_ =	shalt  }
0x56: {  	_ =	shalt  }
0x57: {  	_ =	shalt  }
0x58: {  	_ =	shalt  }
0x59: {  	_ =	shalt  }
0x5a: {  	_ =	shalt  }
0x5b: {  	_ =	shalt  }
0x5c: {  	_ =	shalt  }
0x5d: {  	_ =	shalt  }
0x5e: {  	_ =	shalt  }
0x5f: {  	_ =	shalt  }
0x60: {  	_ =	shalt  }
0x61: {  	_ =	shalt  }
0x62: {  	_ =	shalt  }
0x63: {  	_ =	shalt  }
0x64: {  	_ =	shalt  }
0x65: {  	_ =	shalt  }
0x66: {  	_ =	shalt  }
0x67: {  	_ =	shalt  }
0x68: {  	_ =	shalt  }
0x69: {  	_ =	shalt  }
0x6a: {  	_ =	shalt  }
0x6b: {  	_ =	shalt  }
0x6c: {  	_ =	shalt  }
0x6d: {  	_ =	shalt  }
0x6e: {  	_ =	shalt  }
0x6f: {  	_ =	shalt  }
0x70: {  	_ =	shalt  }
0x71: {  	_ =	shalt  }
0x72: {  	_ =	shalt  }
0x73: {  	_ =	shalt  }
0x74: {  	_ =	shalt  }
0x75: {  	_ =	shalt  }
0x76: {  	_ =	shalt  }
0x77: {  	_ =	shalt  }
0x78: {  	_ =	shalt  }
0x79: {  	_ =	shalt  }
0x7a: {  	_ =	shalt  }
0x7b: {  	_ =	shalt  }
0x7c: {  	_ =	shalt  }
0x7d: {  	_ =	shalt  }
0x7e: {  	_ =	shalt  }
0x7f: {  	_ =	shalt  }
0x80: {  	_ =	shalt  }
0x81: {  	_ =	shalt  }
0x82: {  	_ =	shalt  }
0x83: {  	_ =	shalt  }
0x84: {  	_ =	shalt  }
0x85: {  	_ =	shalt  }
0x86: {  	_ =	shalt  }
0x87: {  	_ =	shalt  }
.Lfunc_end0:
.L_simem_size_0:
called_computation.3_lowered:
.L_overlay_start_0:
0x88: {  	s2 =	sld [smem:$0x3FD9]  }
0x89: {  	s3 =	sld [smem:$0x3FFE];
	_ =	sdelay $0x1  }
0x8a: {  	s1 =	srdreg.scid  }
0x8b: {  	s0 =	sand.u32 $0x1, s1  }
0x8c: {  	s17 =	sshll.u32 s0, $0xA;
	s2 =	sadd.s32 s3, s2  }
0x8d: {  	s2 =	sadd.s32 s2, s17  }
0x8e: {  	[smem:$0x3FC3] =	sst s2  }
0x8f: {  	_ = 	snop  }
0x90: {  	s2 =	sld [smem:$0x3FD0];
	(tm) =	ssettm $0x1  }
0x91: {  	s18 =	sld [smem:$0x3FFB];
	_ =	sdelay $0x3  }
0x92: {  	_ =	strace s18  }
0x93: {  	s3 =	sld [smem:$0x3FFC];
	_ =	sdelay $0x3  }
0x94: {  	_ =	strace s3  }
0x95: {  	s3 =	sld [smem:$0x3FFD];
	_ =	sdelay $0x3  }
0x96: {  	_ =	strace s3  }
0x97: {  	_ =	strace $0x8FFFFFFF  }
0x98: {  	s19 =	sld [smem:$0x3FDB];
	_ =	sdelay $0x1  }
0x99: {  	s4 =	simm.s32 $_scs_section_size  }
0x9a: {  	s5 =	simm.s32 $_size__tile_overlayer_lowered;
	s6 =	simm.s32 $_tile_overlayer_lowered  }
0x9b: {  	s22 =	simm.s32 $0x1BFF;
	s21 =	sshll.u32 s6, $0x1;
	s3 =	sadd.s32 s4, s19  }
0x9c: {  	s7 =	simm.s32 $0x0;
	s20 =	sshll.u32 s5, $0x1;
	s5 =	sadd.s32 s21, s3  }
0x9d: {  	[timem:s7], [sflag:s22] =	dma.local [hbm:s5], s20  }
0x9e: {  	_ =	swait.ge [sflag:s22], s20  }
0x9f: {  	s4 =	ssub.s32 $0x0, s20;
	[sflag:s22] =	ssyncset.done $0x0  }
0xa0: {  	[sflag:s22] =	ssyncadd.s32 s4;
	_ =	sdelay $0x1  }
0xa1: {  	s23 =	simm.s32 $0x1B8B  }
0xa2: {  	_ =	swait.ge [sflag:s23], $0x1  }
0xa3: {  	[sflag:s23] =	ssyncset.done $0x0  }
0xa4: {  	s25 =	simm.s32 $0x1B8E;
	s24 =	sld [smem:$0x3FFE];
	[sflag:s23] =	ssyncadd.s32 $0xFFFFFFFF  }
0xa5: {  	s26 =	simm.s32 $execute0_lowered;
	[smem:$0x3FD2] =	sst s25  }
0xa6: {  	s5 =	sshll.u32 s26, $0x1;
	_ =	strace $0x8000004C;
	[dreg:$0x1] =	wrdreg $0xFFFFFFFF  }
0xa7: {  	s28 =	simm.s32 $_size_execute0_lowered;
	s3 =	sadd.s32 s3, s5;
	[dreg:$0x0] =	wrdreg $0x0  }
0xa8: {  	s5 =	sshll.u32 s28, $0x1;
	[dreg:$0x2] =	wrdreg s3  }
0xa9: {  	[dreg:$0x3] =	wrdreg s5  }
0xaa: {  	[dreg:$0x4] =	wrdreg $0xC0  }
0xab: {  	_ =	task [dreg:s7], $0x5FFFF  }
0xac: {  	[dreg:$0x1] =	wrdreg $0xFFFFFFFF  }
0xad: {  	[dreg:$0x0] =	wrdreg $0x60  }
0xae: {  	[dreg:$0x2] =	wrdreg s24  }
0xaf: {  	[dreg:$0x3] =	wrdreg s2  }
0xb0: {  	[dreg:$0x4] =	wrdreg $0x9  }
0xb1: {  	_ =	task.clear_ibuf [dreg:s7], $0x5FFFF;
	_ =	strace $0x9000004C  }
0xb2: {  	s29 =	simm.s32 $0x9;
	_ =	strace $0x8000004E  }
0xb3: {  	_ =	swait.ge [sflag:s29], $0x1  }
0xb4: {  	[sflag:s29] =	ssyncadd.s32 $0xFFFFFFFF  }
0xb5: {  	_ =	strace $0x9000004E  }
0xb6: {  	_ =	sfence  }
0xb7: {  	s30 =	sld [smem:$0x0];
	_ =	sdelay $0x2  }
0xb8: {  	s31 =	sshll.u32 s1, $0xD;
	s1 =	sshrl.u32 s1, $0x2  }
0xb9: {  	s3 =	sand.u32 $0x4000, s31;
	s1 =	sadd.s32 s1, s30  }
0xba: {  	s0 =	sor.u32 s3, s0;
	s1 =	sshll.u32 s1, $0x11  }
0xbb: {  	s0 =	sor.u32 s1, s0  }
0xbc: {  	s0 =	sadd.s32 $0x8F2B, s0  }
0xbd: {  	[sflag:s0] =	ssyncadd.remote.s32 $0x1  }
0xbe: {  	_ =	sfence.sel $0xFFFF  }
0xbf: {  	[dreg:$0x0] =	wrdreg $0xFFFFFFFF;
	(pc) =	sbr.abs _section_cstart, $3  }
0xc0: {  	[dreg:$0x1] =	wrdreg $0xFFFFFFFF  }
0xc1: {  	_ =	task.clear_ibuf [dreg:s7], $0x2FFFF;
	_ =	strace $0x9FFFFFFF  }
0xc2: {  	(tm) =	ssettm $0x7FFFFFFF  }
0xc3: {  	_ =	shalt  }
tec
execute0_lowered:
.L_overlay_start_1:
0x0: {  	(tag) =	ssettag $0x1  }
0x1: {  	s0 =	rddreg [dreg:$0x0];
	s1 =	simm.s32 $0x0  }
0x2: {  	s23 =	srdreg.scid;
	s5 =	stileid.u32;
	s13 =	simm.s32 $0x2  }
0x3: {  	s15 =	simm.s32 $0x20;
	s30 =	simm.s32 $0x4B40;
	s31 =	simm.s32 $0x260  }
0x4: {  	s6 =	simm.s32 $0x280;
	s12 =	simm.s32 $0x5340;
	s14 =	simm.s32 $0x2A0  }
0x5: {  	s7 =	simm.s32 $0x2C0;
	s11 =	simm.s32 $0x5B40;
	s16 =	simm.s32 $0x300  }
0x6: {  	s17 =	simm.s32 $0x6340;
	s18 =	simm.s32 $0x320;
	s19 =	simm.s32 $0x6740  }
0x7: {  	s20 =	simm.s32 $0x1;
	s21 =	simm.s32 $0x6B40;
	s29 =	simm.s32 $0x0  }
0x8: {  	[smem:$0x7FF] =	sst s1;
	s3 =	sadd.s32 $0xC200, s0;
	s4 =	sadd.s32 $0x4200, s0  }
0x9: {  	s2 =	sadd.s32 $0x19400, s0;
	s1 =	sand.u32 $0x1, s23;
	s24 =	sadd.s32 $0x19200, s0  }
0xa: {  	s8 =	sadd.s32 $0x50F000, s0;
	s9 =	sadd.s32 $0x19600, s0;
	s28 =	sshll.u32 s5, $0x5  }
0xb: {  	s5 =	simm.s32 $0x5740;
	s23 =	simm.s32 $0x0;
	s25 =	ssub.s32 $0x2, s1  }
0xc: {  	_ =	strace $0x8000004D;
	[dreg:$0x3] =	wrdreg s2;
	s26 =	sshrl.u32 s25, $0x1  }
0xd: {  	[dreg:$0x4] =	wrdreg s24;
	s1 =	sshll.u32 s1, $0x4;
	s0 =	ssub.s32 s25, s26  }
0xe: {  	s2 =	simm.s32 $0x2E0;
	s10 =	sor.u32 s1, s28;
	s0 =	smax.u32 s0, $0x1  }
0xf: {  	s1 =	simm.s32 $0x5F40;
	[dreg:$0x5] =	wrdreg s0;
	s0 =	simm.s32 $0x4F40  }
.LBB2_1:
0x10: {  	[dreg:$0x6] =	wrdreg s23  }
0x11: {  	s22 =	simm.s32 $0x0;
	s25 =	rddreg [dreg:$0x3];
	s24 =	simm.s32 $0x10940  }
0x12: {  	[tilespmem:s24], [sflag:$0x2] =	stream.linear.gather [hbm4b:s25+s22], $0x1A0, $0x38;
	[tilespmem:$0x10FC0] =	vst v63  }
0x13: {  	_ =	swait.ge [sflag:s13], $0x1A0  }
0x14: {  	[sflag:s13] =	ssyncset.done $0x0  }
0x15: {  	s28 =	simm.s32 $0x10AE0;
	s26 =	rddreg [dreg:$0x4];
	[sflag:s13] =	ssyncadd.s32 $0xFFFFFE60  }
0x16: {  	[tilespmem:s28], [sflag:$0x2] =	stream.linear.gather [hbm4b:s26+s22], $0x4E0, $0x38;
	[tilespmem:$0x10FC0] =	vst v63  }
0x17: {  	_ =	swait.ge [sflag:s13], $0x4E0  }
0x18: {  	[sflag:s13] =	ssyncset.done $0x0  }
0x19: {  	s22 =	simm.s32 $0x0;
	[sflag:s13] =	ssyncadd.s32 $0xFFFFFB20  }
.LBB2_2:
0x1a: {  	s23 =	sadd.s32 s10, s22  }
0x1b: {  	s24 =	sshll.u32 s23, $0x2  }
0x1c: {  	s26 =	simm.s32 $0x4000;
	s25 =	sadd.s32 s3, s24;
	s24 =	simm.s32 $0x0  }
0x1d: {  	[tilespmem:s24], [sflag:$0x2] =	stream.strided.gather [hbm4b:s25+s15], $0x340, s26, s15, $0x38;
	[tilespmem:$0x10FC0] =	vst v63  }
0x1e: {  	_ =	swait.ge [sflag:s13], $0x340  }
0x1f: {  	[sflag:s13] =	ssyncset.done $0x0  }
0x20: {  	[sflag:s13] =	ssyncadd.s32 $0xFFFFFCC0  }
0x21: {  	v0 =	vld [tilespmem:$0x20]  }
0x22: {  	v1 =	vld [tilespmem:$0x30]  }
0x23: {  	v2 =	vld [tilespmem:$0x40]  }
0x24: {  	v3 =	vld [tilespmem:$0x50]  }
0x25: {  	v4 =	vld [tilespmem:$0x60]  }
0x26: {  	v5 =	vld [tilespmem:$0x70];
	v0 =	vadd.s32 $0x186A1, v0  }
0x27: {  	v33 =	vld [tilespmem:$0x80];
	v32 =	vadd.s32 $0x186A1, v1;
	[tilespmem:$0x20] =	vst v0  }
0x28: {  	v35 =	vld [tilespmem:$0x90];
	v34 =	vadd.s32 $0x30D42, v2;
	[tilespmem:$0x30] =	vst v32  }
0x29: {  	v37 =	vld [tilespmem:$0xA0];
	v36 =	vadd.s32 $0x30D42, v3;
	[tilespmem:$0x40] =	vst v34  }
0x2a: {  	v39 =	vld [tilespmem:$0xB0];
	v38 =	vadd.s32 $0x493E3, v4;
	[tilespmem:$0x50] =	vst v36  }
0x2b: {  	v41 =	vld [tilespmem:$0xC0];
	v40 =	vadd.s32 $0x493E3, v5;
	[tilespmem:$0x60] =	vst v38  }
0x2c: {  	v43 =	vld [tilespmem:$0xD0];
	v42 =	vadd.s32 $0x61A84, v33;
	[tilespmem:$0x70] =	vst v40  }
0x2d: {  	v45 =	vld [tilespmem:$0xE0];
	v44 =	vadd.s32 $0x61A84, v35;
	[tilespmem:$0x80] =	vst v42  }
0x2e: {  	v47 =	vld [tilespmem:$0xF0];
	v46 =	vadd.s32 $0x7A125, v37;
	[tilespmem:$0x90] =	vst v44  }
0x2f: {  	v49 =	vld [tilespmem:$0x100];
	v48 =	vadd.s32 $0x7A125, v39;
	[tilespmem:$0xA0] =	vst v46  }
0x30: {  	v51 =	vld [tilespmem:$0x110];
	v50 =	vadd.s32 $0x927C6, v41;
	[tilespmem:$0xB0] =	vst v48  }
0x31: {  	v53 =	vld [tilespmem:$0x120];
	v52 =	vadd.s32 $0x927C6, v43;
	[tilespmem:$0xC0] =	vst v50  }
0x32: {  	v55 =	vld [tilespmem:$0x130];
	v54 =	vadd.s32 $0xAAE67, v45;
	[tilespmem:$0xD0] =	vst v52  }
0x33: {  	v57 =	vld [tilespmem:$0x140];
	v56 =	vadd.s32 $0xAAE67, v47;
	[tilespmem:$0xE0] =	vst v54  }
0x34: {  	v59 =	vld [tilespmem:$0x150];
	v58 =	vadd.s32 $0xC3508, v49;
	[tilespmem:$0xF0] =	vst v56  }
0x35: {  	v61 =	vld [tilespmem:$0x160];
	v60 =	vadd.s32 $0xC3508, v51;
	[tilespmem:$0x100] =	vst v58  }
0x36: {  	v63 =	vld [tilespmem:$0x170];
	v62 =	vadd.s32 $0xDBBA9, v53;
	[tilespmem:$0x110] =	vst v60  }
0x37: {  	v8 =	vld [tilespmem:$0x180];
	v7 =	vadd.s32 $0xDBBA9, v55;
	[tilespmem:$0x120] =	vst v62  }
0x38: {  	v10 =	vld [tilespmem:$0x190];
	v9 =	vadd.s32 $0xF424A, v57;
	[tilespmem:$0x130] =	vst v7  }
0x39: {  	v12 =	vld [tilespmem:$0x1C0];
	v11 =	vadd.s32 $0xF424A, v59;
	[tilespmem:$0x140] =	vst v9  }
0x3a: {  	v14 =	vld [tilespmem:$0x1D0];
	v13 =	vadd.s32 $0x10C8EB, v61;
	[tilespmem:$0x150] =	vst v11  }
0x3b: {  	v16 =	vld [tilespmem:$0x1E0];
	v15 =	vadd.s32 $0x10C8EB, v63;
	[tilespmem:$0x160] =	vst v13  }
0x3c: {  	v18 =	vld [tilespmem:$0x1F0];
	v17 =	vadd.s32 $0x124F8C, v8;
	[tilespmem:$0x170] =	vst v15  }
0x3d: {  	v20 =	vld [tilespmem:$0x200];
	v19 =	vadd.s32 $0x124F8C, v10;
	[tilespmem:$0x180] =	vst v17  }
0x3e: {  	v22 =	vld [tilespmem:$0x210];
	v21 =	vadd.s32 $0x186A1, v12;
	[tilespmem:$0x190] =	vst v19  }
0x3f: {  	v24 =	vld [tilespmem:$0x220];
	v23 =	vadd.s32 $0x186A1, v14;
	[tilespmem:$0x1C0] =	vst v21  }
0x40: {  	v26 =	vld [tilespmem:$0x230];
	v25 =	vadd.s32 $0x30D42, v16;
	[tilespmem:$0x1D0] =	vst v23  }
0x41: {  	v28 =	vld [tilespmem:$0x240];
	v27 =	vadd.s32 $0x30D42, v18;
	[tilespmem:$0x1E0] =	vst v25  }
0x42: {  	v30 =	vld [tilespmem:$0x250];
	v29 =	vadd.s32 $0x493E3, v20;
	[tilespmem:$0x1F0] =	vst v27  }
0x43: {  	v31 =	vadd.s32 $0x493E3, v22;
	[tilespmem:$0x200] =	vst v29;
	v32 =	vld [tilespmem:$0x260]  }
0x44: {  	v33 =	vadd.s32 $0x61A84, v24;
	[tilespmem:$0x210] =	vst v31;
	v34 =	vld [tilespmem:$0x270]  }
0x45: {  	v35 =	vadd.s32 $0x61A84, v26;
	[tilespmem:$0x220] =	vst v33;
	v36 =	vld [tilespmem:$0x280]  }
0x46: {  	v37 =	vadd.s32 $0x7A125, v28;
	[tilespmem:$0x230] =	vst v35;
	v38 =	vld [tilespmem:$0x290]  }
0x47: {  	v39 =	vadd.s32 $0x7A125, v30;
	[tilespmem:$0x240] =	vst v37;
	v40 =	vld [tilespmem:$0x2A0]  }
0x48: {  	[tilespmem:$0x250] =	vst v39;
	v42 =	vld [tilespmem:$0x2B0];
	v41 =	vadd.s32 $0x927C6, v32  }
0x49: {  	v44 =	vld [tilespmem:$0x2C0];
	v43 =	vadd.s32 $0x927C6, v34;
	[tilespmem:$0x260] =	vst v41  }
0x4a: {  	v46 =	vld [tilespmem:$0x2D0];
	v45 =	vadd.s32 $0xAAE67, v36;
	[tilespmem:$0x270] =	vst v43  }
0x4b: {  	v48 =	vld [tilespmem:$0x2E0];
	v47 =	vadd.s32 $0xAAE67, v38;
	[tilespmem:$0x280] =	vst v45  }
0x4c: {  	v50 =	vld [tilespmem:$0x2F0];
	v49 =	vadd.s32 $0xC3508, v40;
	[tilespmem:$0x290] =	vst v47  }
0x4d: {  	v52 =	vld [tilespmem:$0x300];
	v51 =	vadd.s32 $0xC3508, v42;
	[tilespmem:$0x2A0] =	vst v49  }
0x4e: {  	v54 =	vld [tilespmem:$0x310];
	v53 =	vadd.s32 $0xDBBA9, v44;
	[tilespmem:$0x2B0] =	vst v51  }
0x4f: {  	v56 =	vld [tilespmem:$0x320];
	v55 =	vadd.s32 $0xDBBA9, v46;
	[tilespmem:$0x2C0] =	vst v53  }
0x50: {  	v58 =	vld [tilespmem:$0x330];
	v57 =	vadd.s32 $0xF424A, v48;
	[tilespmem:$0x2D0] =	vst v55  }
0x51: {  	v59 =	vadd.s32 $0xF424A, v50;
	[tilespmem:$0x2E0] =	vst v57  }
0x52: {  	v60 =	vadd.s32 $0x10C8EB, v52;
	[tilespmem:$0x2F0] =	vst v59  }
0x53: {  	v61 =	vadd.s32 $0x10C8EB, v54;
	[tilespmem:$0x300] =	vst v60  }
0x54: {  	v62 =	vadd.s32 $0x124F8C, v56;
	[tilespmem:$0x310] =	vst v61  }
0x55: {  	v63 =	vadd.s32 $0x124F8C, v58;
	[tilespmem:$0x320] =	vst v62  }
0x56: {  	s26 =	simm.s32 $0x340;
	[tilespmem:$0x330] =	vst v63  }
0x57: {  	[tilespmem:s26], [sflag:$0x1] =	stream.indirect.gather [hbm4b:s8+s15], $0x20, s24, s15, $0xb8;
	[tilespmem:$0x10FC0] =	vst v63  }
0x58: {  	s28 =	simm.s32 $0x740  }
0x59: {  	[tilespmem:s28], [sflag:$0x1] =	stream.indirect.gather [hbm4b:s8+s15], $0x20, s15, s15, $0xb8;
	[tilespmem:$0x10FC0] =	vst v63  }
0x5a: {  	s26 =	simm.s32 $0x40;
	s28 =	simm.s32 $0xB40  }
0x5b: {  	[tilespmem:s28], [sflag:$0x1] =	stream.indirect.gather [hbm4b:s8+s15], $0x20, s26, s15, $0xb8;
	[tilespmem:$0x10FC0] =	vst v63  }
0x5c: {  	s26 =	simm.s32 $0x60;
	s28 =	simm.s32 $0xF40  }
0x5d: {  	[tilespmem:s28], [sflag:$0x1] =	stream.indirect.gather [hbm4b:s8+s15], $0x20, s26, s15, $0xb8;
	[tilespmem:$0x10FC0] =	vst v63  }
0x5e: {  	s26 =	simm.s32 $0x80;
	s28 =	simm.s32 $0x1340  }
0x5f: {  	[tilespmem:s28], [sflag:$0x1] =	stream.indirect.gather [hbm4b:s8+s15], $0x20, s26, s15, $0xb8;
	[tilespmem:$0x10FC0] =	vst v63  }
0x60: {  	s26 =	simm.s32 $0xA0;
	s28 =	simm.s32 $0x1740  }
0x61: {  	[tilespmem:s28], [sflag:$0x1] =	stream.indirect.gather [hbm4b:s8+s15], $0x20, s26, s15, $0xb8;
	[tilespmem:$0x10FC0] =	vst v63  }
0x62: {  	s26 =	simm.s32 $0xC0;
	s28 =	simm.s32 $0x1B40  }
0x63: {  	[tilespmem:s28], [sflag:$0x1] =	stream.indirect.gather [hbm4b:s8+s15], $0x20, s26, s15, $0xb8;
	[tilespmem:$0x10FC0] =	vst v63  }
0x64: {  	s26 =	simm.s32 $0xE0;
	s28 =	simm.s32 $0x1F40  }
0x65: {  	[tilespmem:s28], [sflag:$0x1] =	stream.indirect.gather [hbm4b:s8+s15], $0x20, s26, s15, $0xb8;
	[tilespmem:$0x10FC0] =	vst v63  }
0x66: {  	s26 =	simm.s32 $0x100;
	s28 =	simm.s32 $0x2340  }
0x67: {  	[tilespmem:s28], [sflag:$0x1] =	stream.indirect.gather [hbm4b:s8+s15], $0x20, s26, s15, $0xb8;
	[tilespmem:$0x10FC0] =	vst v63  }
0x68: {  	s26 =	simm.s32 $0x120;
	s28 =	simm.s32 $0x2740  }
0x69: {  	[tilespmem:s28], [sflag:$0x1] =	stream.indirect.gather [hbm4b:s8+s15], $0x20, s26, s15, $0xb8;
	[tilespmem:$0x10FC0] =	vst v63  }
0x6a: {  	s26 =	simm.s32 $0x140;
	s28 =	simm.s32 $0x2B40  }
0x6b: {  	[tilespmem:s28], [sflag:$0x1] =	stream.indirect.gather [hbm4b:s8+s15], $0x20, s26, s15, $0xb8;
	[tilespmem:$0x10FC0] =	vst v63  }
0x6c: {  	s26 =	simm.s32 $0x160;
	s28 =	simm.s32 $0x2F40  }
0x6d: {  	[tilespmem:s28], [sflag:$0x1] =	stream.indirect.gather [hbm4b:s8+s15], $0x20, s26, s15, $0xb8;
	[tilespmem:$0x10FC0] =	vst v63  }
0x6e: {  	s26 =	simm.s32 $0x180;
	s28 =	simm.s32 $0x3340  }
0x6f: {  	[tilespmem:s28], [sflag:$0x1] =	stream.indirect.gather [hbm4b:s8+s15], $0x20, s26, s15, $0xb8;
	[tilespmem:$0x10FC0] =	vst v63  }
0x70: {  	s26 =	simm.s32 $0x1A0;
	s28 =	simm.s32 $0x3740  }
0x71: {  	[tilespmem:s28], [sflag:$0x1] =	stream.indirect.gather [hbm4b:s9+s15], $0x20, s26, s15, $0xb8;
	[tilespmem:$0x10FC0] =	vst v63  }
0x72: {  	s26 =	simm.s32 $0x1C0;
	s28 =	simm.s32 $0x3B40  }
0x73: {  	[tilespmem:s28], [sflag:$0x1] =	stream.indirect.gather [hbm4b:s9+s15], $0x20, s26, s15, $0xb8;
	[tilespmem:$0x10FC0] =	vst v63  }
0x74: {  	s26 =	simm.s32 $0x1E0;
	s28 =	simm.s32 $0x3F40  }
0x75: {  	[tilespmem:s28], [sflag:$0x1] =	stream.indirect.gather [hbm4b:s9+s15], $0x20, s26, s15, $0xb8;
	[tilespmem:$0x10FC0] =	vst v63  }
0x76: {  	s26 =	simm.s32 $0x200;
	s28 =	simm.s32 $0x4340  }
0x77: {  	[tilespmem:s28], [sflag:$0x1] =	stream.indirect.gather [hbm4b:s9+s15], $0x20, s26, s15, $0xb8;
	[tilespmem:$0x10FC0] =	vst v63  }
0x78: {  	s26 =	simm.s32 $0x220;
	s28 =	simm.s32 $0x4740  }
0x79: {  	[tilespmem:s28], [sflag:$0x1] =	stream.indirect.gather [hbm4b:s9+s15], $0x20, s26, s15, $0xb8;
	[tilespmem:$0x10FC0] =	vst v63  }
0x7a: {  	s28 =	simm.s32 $0x240  }
0x7b: {  	[tilespmem:s30], [sflag:$0x1] =	stream.indirect.gather [hbm4b:s9+s15], $0x20, s28, s15, $0xb8;
	[tilespmem:$0x10FC0] =	vst v63  }
0x7c: {  	_ = 	snop  }
0x7d: {  	[tilespmem:s0], [sflag:$0x1] =	stream.indirect.gather [hbm4b:s9+s15], $0x20, s31, s15, $0xb8;
	[tilespmem:$0x10FC0] =	vst v63  }
0x7e: {  	_ = 	snop  }
0x7f: {  	[tilespmem:s12], [sflag:$0x1] =	stream.indirect.gather [hbm4b:s9+s15], $0x20, s6, s15, $0xb8;
	[tilespmem:$0x10FC0] =	vst v63  }
0x80: {  	_ = 	snop  }
0x81: {  	[tilespmem:s5], [sflag:$0x1] =	stream.indirect.gather [hbm4b:s9+s15], $0x20, s14, s15, $0xb8;
	[tilespmem:$0x10FC0] =	vst v63  }
0x82: {  	_ = 	snop  }
0x83: {  	[tilespmem:s11], [sflag:$0x1] =	stream.indirect.gather [hbm4b:s9+s15], $0x20, s7, s15, $0xb8;
	[tilespmem:$0x10FC0] =	vst v63  }
0x84: {  	_ = 	snop  }
0x85: {  	[tilespmem:s1], [sflag:$0x1] =	stream.indirect.gather [hbm4b:s9+s15], $0x20, s2, s15, $0xb8;
	[tilespmem:$0x10FC0] =	vst v63  }
0x86: {  	_ = 	snop  }
0x87: {  	[tilespmem:s17], [sflag:$0x1] =	stream.indirect.gather [hbm4b:s9+s15], $0x20, s16, s15, $0xb8;
	[tilespmem:$0x10FC0] =	vst v63  }
0x88: {  	s26 =	sshll.u32 s23, $0x6  }
0x89: {  	[tilespmem:s19], [sflag:$0x1] =	stream.indirect.gather [hbm4b:s9+s15], $0x20, s18, s15, $0xb8;
	[tilespmem:$0x10FC0] =	vst v63  }
0x8a: {  	s25 =	simm.s32 $0x10740;
	s28 =	sadd.s32 s4, s26  }
0x8b: {  	[tilespmem:s25], [sflag:$0x2] =	stream.linear.gather [hbm4b:s28+s24], $0x200, $0x38;
	[tilespmem:$0x10FC0] =	vst v63  }
0x8c: {  	_ =	swait.ge [sflag:s13], $0x200  }
0x8d: {  	[sflag:s13] =	ssyncset.done $0x0  }
0x8e: {  	[sflag:s13] =	ssyncadd.s32 $0xFFFFFE00  }
0x8f: {  	_ =	swait.ge [sflag:s20], $0x400  }
0x90: {  	[sflag:s20] =	ssyncset.done $0x0  }
0x91: {  	[sflag:s20] =	ssyncadd.s32 $0xFFFFFC00  }
0x92: {  	_ =	swait.ge [sflag:s20], $0x400  }
0x93: {  	[sflag:s20] =	ssyncset.done $0x0  }
0x94: {  	[sflag:s20] =	ssyncadd.s32 $0xFFFFFC00  }
0x95: {  	_ =	swait.ge [sflag:s20], $0x400  }
0x96: {  	[sflag:s20] =	ssyncset.done $0x0  }
0x97: {  	[sflag:s20] =	ssyncadd.s32 $0xFFFFFC00  }
0x98: {  	_ =	swait.ge [sflag:s20], $0x400  }
0x99: {  	[sflag:s20] =	ssyncset.done $0x0  }
0x9a: {  	[sflag:s20] =	ssyncadd.s32 $0xFFFFFC00  }
0x9b: {  	_ =	swait.ge [sflag:s20], $0x400  }
0x9c: {  	[sflag:s20] =	ssyncset.done $0x0  }
0x9d: {  	[sflag:s20] =	ssyncadd.s32 $0xFFFFFC00  }
0x9e: {  	_ =	swait.ge [sflag:s20], $0x400  }
0x9f: {  	[sflag:s20] =	ssyncset.done $0x0  }
0xa0: {  	[sflag:s20] =	ssyncadd.s32 $0xFFFFFC00  }
0xa1: {  	_ =	swait.ge [sflag:s20], $0x400  }
0xa2: {  	[sflag:s20] =	ssyncset.done $0x0  }
0xa3: {  	[sflag:s20] =	ssyncadd.s32 $0xFFFFFC00  }
0xa4: {  	_ =	swait.ge [sflag:s20], $0x400  }
0xa5: {  	[sflag:s20] =	ssyncset.done $0x0  }
0xa6: {  	[sflag:s20] =	ssyncadd.s32 $0xFFFFFC00  }
0xa7: {  	_ =	swait.ge [sflag:s20], $0x400  }
0xa8: {  	[sflag:s20] =	ssyncset.done $0x0  }
0xa9: {  	[sflag:s20] =	ssyncadd.s32 $0xFFFFFC00  }
0xaa: {  	_ =	swait.ge [sflag:s20], $0x400  }
0xab: {  	[sflag:s20] =	ssyncset.done $0x0  }
0xac: {  	[sflag:s20] =	ssyncadd.s32 $0xFFFFFC00  }
0xad: {  	_ =	swait.ge [sflag:s20], $0x400  }
0xae: {  	[sflag:s20] =	ssyncset.done $0x0  }
0xaf: {  	[sflag:s20] =	ssyncadd.s32 $0xFFFFFC00  }
0xb0: {  	_ =	swait.ge [sflag:s20], $0x400  }
0xb1: {  	[sflag:s20] =	ssyncset.done $0x0  }
0xb2: {  	[sflag:s20] =	ssyncadd.s32 $0xFFFFFC00  }
0xb3: {  	_ =	swait.ge [sflag:s20], $0x400  }
0xb4: {  	[sflag:s20] =	ssyncset.done $0x0  }
0xb5: {  	[sflag:s20] =	ssyncadd.s32 $0xFFFFFC00  }
0xb6: {  	_ =	swait.ge [sflag:s20], $0x400  }
0xb7: {  	[sflag:s20] =	ssyncset.done $0x0  }
0xb8: {  	[sflag:s20] =	ssyncadd.s32 $0xFFFFFC00  }
0xb9: {  	_ =	swait.ge [sflag:s20], $0x400  }
0xba: {  	[sflag:s20] =	ssyncset.done $0x0  }
0xbb: {  	[sflag:s20] =	ssyncadd.s32 $0xFFFFFC00  }
0xbc: {  	_ =	swait.ge [sflag:s20], $0x400  }
0xbd: {  	[sflag:s20] =	ssyncset.done $0x0  }
0xbe: {  	[sflag:s20] =	ssyncadd.s32 $0xFFFFFC00  }
0xbf: {  	_ =	swait.ge [sflag:s20], $0x400  }
0xc0: {  	[sflag:s20] =	ssyncset.done $0x0  }
0xc1: {  	[sflag:s20] =	ssyncadd.s32 $0xFFFFFC00  }
0xc2: {  	_ =	swait.ge [sflag:s20], $0x400  }
0xc3: {  	[sflag:s20] =	ssyncset.done $0x0  }
0xc4: {  	[sflag:s20] =	ssyncadd.s32 $0xFFFFFC00  }
0xc5: {  	_ =	swait.ge [sflag:s20], $0x400  }
0xc6: {  	[sflag:s20] =	ssyncset.done $0x0  }
0xc7: {  	[sflag:s20] =	ssyncadd.s32 $0xFFFFFC00  }
0xc8: {  	_ =	swait.ge [sflag:s20], $0x400  }
0xc9: {  	[sflag:s20] =	ssyncset.done $0x0  }
0xca: {  	[sflag:s20] =	ssyncadd.s32 $0xFFFFFC00  }
0xcb: {  	_ =	swait.ge [sflag:s20], $0x400  }
0xcc: {  	[sflag:s20] =	ssyncset.done $0x0  }
0xcd: {  	[sflag:s20] =	ssyncadd.s32 $0xFFFFFC00  }
0xce: {  	_ =	swait.ge [sflag:s20], $0x400  }
0xcf: {  	[sflag:s20] =	ssyncset.done $0x0  }
0xd0: {  	[sflag:s20] =	ssyncadd.s32 $0xFFFFFC00  }
0xd1: {  	_ =	swait.ge [sflag:s20], $0x400  }
0xd2: {  	[sflag:s20] =	ssyncset.done $0x0  }
0xd3: {  	[sflag:s20] =	ssyncadd.s32 $0xFFFFFC00  }
0xd4: {  	_ =	swait.ge [sflag:s20], $0x400  }
0xd5: {  	[sflag:s20] =	ssyncset.done $0x0  }
0xd6: {  	[sflag:s20] =	ssyncadd.s32 $0xFFFFFC00  }
0xd7: {  	_ =	swait.ge [sflag:s20], $0x400  }
0xd8: {  	[sflag:s20] =	ssyncset.done $0x0  }
0xd9: {  	[sflag:s20] =	ssyncadd.s32 $0xFFFFFC00  }
0xda: {  	_ =	swait.ge [sflag:s20], $0x400  }
0xdb: {  	[sflag:s20] =	ssyncset.done $0x0  }
0xdc: {  	s26 =	simm.s32 $0x6DB0;
	[sflag:s20] =	ssyncadd.s32 $0xFFFFFC00  }
.LBB2_3:
0xdd: {  	v0 =	vld [tilespmem:s25+$0x0];
	_ =	sdelay $0x1  }
0xde: {  	v1 =	vld [tilespmem:$0x10940];
	_ =	sdelay $0x1  }
0xdf: {  	v2 =	vld [tilespmem:$0x10AE0]  }
0xe0: {  	v3 =	vbroadcast v0, $0x0;
	_ =	sdelay $0x1  }
0xe1: {  	v1 =	vmul.f32 v1, v3;
	_ =	sdelay $0x1  }
0xe2: {  	v1 =	vadd.f32 v2, v1;
	_ =	sdelay $0x1  }
0xe3: {  	[tilespmem:s26+$0xFFFFFD90] =	vst v1  }
0xe4: {  	v1 =	vld [tilespmem:$0x10950];
	_ =	sdelay $0x1  }
0xe5: {  	v34 =	vld [tilespmem:$0x10AF0];
	_ =	sdelay $0x2  }
0xe6: {  	v1 =	vmul.f32 v1, v3;
	_ =	sdelay $0x1  }
0xe7: {  	v1 =	vadd.f32 v34, v1;
	_ =	sdelay $0x1  }
0xe8: {  	[tilespmem:s26+$0xFFFFFDA0] =	vst v1  }
0xe9: {  	v1 =	vld [tilespmem:$0x10960];
	_ =	sdelay $0x1  }
0xea: {  	v35 =	vld [tilespmem:$0x10B00]  }
0xeb: {  	v36 =	vbroadcast v0, $0x1;
	_ =	sdelay $0x1  }
0xec: {  	v1 =	vmul.f32 v1, v36;
	_ =	sdelay $0x1  }
0xed: {  	v1 =	vadd.f32 v35, v1;
	_ =	sdelay $0x1  }
0xee: {  	[tilespmem:s26+$0xFFFFFDB0] =	vst v1  }
0xef: {  	v1 =	vld [tilespmem:$0x10970];
	_ =	sdelay $0x1  }
0xf0: {  	v37 =	vld [tilespmem:$0x10B10];
	_ =	sdelay $0x2  }
0xf1: {  	v1 =	vmul.f32 v1, v36;
	_ =	sdelay $0x1  }
0xf2: {  	v1 =	vadd.f32 v37, v1;
	_ =	sdelay $0x1  }
0xf3: {  	[tilespmem:s26+$0xFFFFFDC0] =	vst v1  }
0xf4: {  	v1 =	vld [tilespmem:$0x10980];
	_ =	sdelay $0x1  }
0xf5: {  	v38 =	vld [tilespmem:$0x10B20]  }
0xf6: {  	v39 =	vbroadcast v0, $0x2;
	_ =	sdelay $0x1  }
0xf7: {  	v1 =	vmul.f32 v1, v39;
	_ =	sdelay $0x1  }
0xf8: {  	v1 =	vadd.f32 v38, v1;
	_ =	sdelay $0x1  }
0xf9: {  	[tilespmem:s26+$0xFFFFFDD0] =	vst v1  }
0xfa: {  	v1 =	vld [tilespmem:$0x10990];
	_ =	sdelay $0x1  }
0xfb: {  	v40 =	vld [tilespmem:$0x10B30];
	_ =	sdelay $0x2  }
0xfc: {  	v1 =	vmul.f32 v1, v39;
	_ =	sdelay $0x1  }
0xfd: {  	v1 =	vadd.f32 v40, v1;
	_ =	sdelay $0x1  }
0xfe: {  	[tilespmem:s26+$0xFFFFFDE0] =	vst v1  }
0xff: {  	v1 =	vld [tilespmem:$0x109A0];
	_ =	sdelay $0x1  }
0x100: {  	v41 =	vld [tilespmem:$0x10B40]  }
0x101: {  	v42 =	vbroadcast v0, $0x3;
	_ =	sdelay $0x1  }
0x102: {  	v1 =	vmul.f32 v1, v42;
	_ =	sdelay $0x1  }
0x103: {  	v1 =	vadd.f32 v41, v1;
	_ =	sdelay $0x1  }
0x104: {  	[tilespmem:s26+$0xFFFFFDF0] =	vst v1  }
0x105: {  	v1 =	vld [tilespmem:$0x109B0];
	_ =	sdelay $0x1  }
0x106: {  	v43 =	vld [tilespmem:$0x10B50];
	_ =	sdelay $0x2  }
0x107: {  	v1 =	vmul.f32 v1, v42;
	_ =	sdelay $0x1  }
0x108: {  	v1 =	vadd.f32 v43, v1;
	_ =	sdelay $0x1  }
0x109: {  	[tilespmem:s26+$0xFFFFFE00] =	vst v1  }
0x10a: {  	v1 =	vld [tilespmem:$0x109C0];
	_ =	sdelay $0x1  }
0x10b: {  	v44 =	vld [tilespmem:$0x10B60]  }
0x10c: {  	v45 =	vbroadcast v0, $0x4;
	_ =	sdelay $0x1  }
0x10d: {  	v1 =	vmul.f32 v1, v45;
	_ =	sdelay $0x1  }
0x10e: {  	v1 =	vadd.f32 v44, v1;
	_ =	sdelay $0x1  }
0x10f: {  	[tilespmem:s26+$0xFFFFFE10] =	vst v1  }
0x110: {  	v1 =	vld [tilespmem:$0x109D0];
	_ =	sdelay $0x1  }
0x111: {  	v46 =	vld [tilespmem:$0x10B70];
	_ =	sdelay $0x2  }
0x112: {  	v1 =	vmul.f32 v1, v45;
	_ =	sdelay $0x1  }
0x113: {  	v1 =	vadd.f32 v46, v1;
	_ =	sdelay $0x1  }
0x114: {  	[tilespmem:s26+$0xFFFFFE20] =	vst v1  }
0x115: {  	v1 =	vld [tilespmem:$0x109E0];
	_ =	sdelay $0x1  }
0x116: {  	v47 =	vld [tilespmem:$0x10B80]  }
0x117: {  	v48 =	vbroadcast v0, $0x5;
	_ =	sdelay $0x1  }
0x118: {  	v1 =	vmul.f32 v1, v48;
	_ =	sdelay $0x1  }
0x119: {  	v1 =	vadd.f32 v47, v1;
	_ =	sdelay $0x1  }
0x11a: {  	[tilespmem:s26+$0xFFFFFE30] =	vst v1  }
0x11b: {  	v1 =	vld [tilespmem:$0x109F0];
	_ =	sdelay $0x1  }
0x11c: {  	v49 =	vld [tilespmem:$0x10B90];
	_ =	sdelay $0x2  }
0x11d: {  	v1 =	vmul.f32 v1, v48;
	_ =	sdelay $0x1  }
0x11e: {  	v1 =	vadd.f32 v49, v1;
	_ =	sdelay $0x1  }
0x11f: {  	[tilespmem:s26+$0xFFFFFE40] =	vst v1  }
0x120: {  	v1 =	vld [tilespmem:$0x10A00];
	_ =	sdelay $0x1  }
0x121: {  	v50 =	vld [tilespmem:$0x10BA0]  }
0x122: {  	v51 =	vbroadcast v0, $0x6;
	_ =	sdelay $0x1  }
0x123: {  	v1 =	vmul.f32 v1, v51;
	_ =	sdelay $0x1  }
0x124: {  	v1 =	vadd.f32 v50, v1;
	_ =	sdelay $0x1  }
0x125: {  	[tilespmem:s26+$0xFFFFFE50] =	vst v1  }
0x126: {  	v1 =	vld [tilespmem:$0x10A10];
	_ =	sdelay $0x1  }
0x127: {  	v52 =	vld [tilespmem:$0x10BB0];
	_ =	sdelay $0x2  }
0x128: {  	v1 =	vmul.f32 v1, v51;
	_ =	sdelay $0x1  }
0x129: {  	v1 =	vadd.f32 v52, v1;
	_ =	sdelay $0x1  }
0x12a: {  	[tilespmem:s26+$0xFFFFFE60] =	vst v1  }
0x12b: {  	v1 =	vld [tilespmem:$0x10A20];
	_ =	sdelay $0x1  }
0x12c: {  	v53 =	vld [tilespmem:$0x10BC0]  }
0x12d: {  	v54 =	vbroadcast v0, $0x7;
	_ =	sdelay $0x1  }
0x12e: {  	v1 =	vmul.f32 v1, v54;
	_ =	sdelay $0x1  }
0x12f: {  	v1 =	vadd.f32 v53, v1;
	_ =	sdelay $0x1  }
0x130: {  	[tilespmem:s26+$0xFFFFFE70] =	vst v1  }
0x131: {  	v1 =	vld [tilespmem:$0x10A30];
	_ =	sdelay $0x1  }
0x132: {  	v55 =	vld [tilespmem:$0x10BD0];
	_ =	sdelay $0x2  }
0x133: {  	v1 =	vmul.f32 v1, v54;
	_ =	sdelay $0x1  }
0x134: {  	v1 =	vadd.f32 v55, v1;
	_ =	sdelay $0x1  }
0x135: {  	[tilespmem:s26+$0xFFFFFE80] =	vst v1  }
0x136: {  	v1 =	vld [tilespmem:$0x10A40];
	_ =	sdelay $0x1  }
0x137: {  	v56 =	vld [tilespmem:$0x10BE0]  }
0x138: {  	v57 =	vbroadcast v0, $0x8;
	_ =	sdelay $0x1  }
0x139: {  	v1 =	vmul.f32 v1, v57;
	_ =	sdelay $0x1  }
0x13a: {  	v1 =	vadd.f32 v56, v1;
	_ =	sdelay $0x1  }
0x13b: {  	[tilespmem:s26+$0xFFFFFE90] =	vst v1  }
0x13c: {  	v1 =	vld [tilespmem:$0x10A50];
	_ =	sdelay $0x1  }
0x13d: {  	v58 =	vld [tilespmem:$0x10BF0];
	_ =	sdelay $0x2  }
0x13e: {  	v1 =	vmul.f32 v1, v57;
	_ =	sdelay $0x1  }
0x13f: {  	v1 =	vadd.f32 v58, v1;
	_ =	sdelay $0x1  }
0x140: {  	[tilespmem:s26+$0xFFFFFEA0] =	vst v1  }
0x141: {  	v1 =	vld [tilespmem:$0x10A60];
	_ =	sdelay $0x1  }
0x142: {  	v59 =	vld [tilespmem:$0x10C00]  }
0x143: {  	v60 =	vbroadcast v0, $0x9;
	_ =	sdelay $0x1  }
0x144: {  	v1 =	vmul.f32 v1, v60;
	_ =	sdelay $0x1  }
0x145: {  	v1 =	vadd.f32 v59, v1;
	_ =	sdelay $0x1  }
0x146: {  	[tilespmem:s26+$0xFFFFFEB0] =	vst v1  }
0x147: {  	v1 =	vld [tilespmem:$0x10A70];
	_ =	sdelay $0x1  }
0x148: {  	v61 =	vld [tilespmem:$0x10C10];
	_ =	sdelay $0x2  }
0x149: {  	v1 =	vmul.f32 v1, v60;
	_ =	sdelay $0x1  }
0x14a: {  	v1 =	vadd.f32 v61, v1;
	_ =	sdelay $0x1  }
0x14b: {  	[tilespmem:s26+$0xFFFFFEC0] =	vst v1  }
0x14c: {  	v1 =	vld [tilespmem:$0x10A80];
	_ =	sdelay $0x1  }
0x14d: {  	v62 =	vld [tilespmem:$0x10C20]  }
0x14e: {  	v63 =	vbroadcast v0, $0xA;
	_ =	sdelay $0x1  }
0x14f: {  	v1 =	vmul.f32 v1, v63;
	_ =	sdelay $0x1  }
0x150: {  	v1 =	vadd.f32 v62, v1;
	_ =	sdelay $0x1  }
0x151: {  	[tilespmem:s26+$0xFFFFFED0] =	vst v1  }
0x152: {  	v1 =	vld [tilespmem:$0x10A90];
	_ =	sdelay $0x1  }
0x153: {  	v6 =	vld [tilespmem:$0x10C30];
	_ =	sdelay $0x2  }
0x154: {  	v1 =	vmul.f32 v1, v63;
	_ =	sdelay $0x1  }
0x155: {  	v1 =	vadd.f32 v6, v1;
	_ =	sdelay $0x1  }
0x156: {  	[tilespmem:s26+$0xFFFFFEE0] =	vst v1  }
0x157: {  	v1 =	vld [tilespmem:$0x10AA0];
	_ =	sdelay $0x1  }
0x158: {  	v7 =	vld [tilespmem:$0x10C40]  }
0x159: {  	v8 =	vbroadcast v0, $0xB;
	_ =	sdelay $0x1  }
0x15a: {  	v1 =	vmul.f32 v1, v8;
	_ =	sdelay $0x1  }
0x15b: {  	v1 =	vadd.f32 v7, v1;
	_ =	sdelay $0x1  }
0x15c: {  	[tilespmem:s26+$0xFFFFFEF0] =	vst v1  }
0x15d: {  	v1 =	vld [tilespmem:$0x10AB0];
	_ =	sdelay $0x1  }
0x15e: {  	v9 =	vld [tilespmem:$0x10C50];
	_ =	sdelay $0x2  }
0x15f: {  	v1 =	vmul.f32 v1, v8;
	_ =	sdelay $0x1  }
0x160: {  	v1 =	vadd.f32 v9, v1;
	_ =	sdelay $0x1  }
0x161: {  	[tilespmem:s26+$0xFFFFFF00] =	vst v1  }
0x162: {  	v1 =	vld [tilespmem:$0x10AC0];
	_ =	sdelay $0x1  }
0x163: {  	v10 =	vld [tilespmem:$0x10C60]  }
0x164: {  	v0 =	vbroadcast v0, $0xC;
	_ =	sdelay $0x1  }
0x165: {  	v1 =	vmul.f32 v1, v0;
	_ =	sdelay $0x1  }
0x166: {  	v1 =	vadd.f32 v10, v1;
	_ =	sdelay $0x1  }
0x167: {  	[tilespmem:s26+$0xFFFFFF10] =	vst v1  }
0x168: {  	v1 =	vld [tilespmem:$0x10AD0];
	_ =	sdelay $0x1  }
0x169: {  	v11 =	vld [tilespmem:$0x10C70];
	_ =	sdelay $0x2  }
0x16a: {  	v0 =	vmul.f32 v1, v0;
	_ =	sdelay $0x1  }
0x16b: {  	v0 =	vadd.f32 v11, v0;
	_ =	sdelay $0x1  }
0x16c: {  	s28 =	sshra.s32 s24, $0x2;
	[tilespmem:s26+$0xFFFFFF20] =	vst v0  }
0x16d: {  	v0 =	vld [tilespmem:s28+$0x340]  }
0x16e: {  	v12 =	vld [tilespmem:$0x10C80];
	_ =	sdelay $0x4  }
0x16f: {  	v0 =	vadd.f32 v12, v0;
	_ =	sdelay $0x1  }
0x170: {  	[tilespmem:s26+$0xFFFFFF30] =	vst v0  }
0x171: {  	v0 =	vld [tilespmem:s28+$0x350]  }
0x172: {  	v13 =	vld [tilespmem:$0x10C90];
	_ =	sdelay $0x4  }
0x173: {  	v0 =	vadd.f32 v13, v0;
	_ =	sdelay $0x1  }
0x174: {  	[tilespmem:s26+$0xFFFFFF40] =	vst v0  }
0x175: {  	v0 =	vld [tilespmem:s28+$0x740]  }
0x176: {  	v14 =	vld [tilespmem:$0x10CA0];
	_ =	sdelay $0x4  }
0x177: {  	v0 =	vadd.f32 v14, v0;
	_ =	sdelay $0x1  }
0x178: {  	[tilespmem:s26+$0xFFFFFF50] =	vst v0  }
0x179: {  	v0 =	vld [tilespmem:s28+$0x750]  }
0x17a: {  	v15 =	vld [tilespmem:$0x10CB0];
	_ =	sdelay $0x4  }
0x17b: {  	v0 =	vadd.f32 v15, v0;
	_ =	sdelay $0x1  }
0x17c: {  	[tilespmem:s26+$0xFFFFFF60] =	vst v0  }
0x17d: {  	v0 =	vld [tilespmem:s28+$0xB40]  }
0x17e: {  	v16 =	vld [tilespmem:$0x10CC0];
	_ =	sdelay $0x4  }
0x17f: {  	v0 =	vadd.f32 v16, v0;
	_ =	sdelay $0x1  }
0x180: {  	[tilespmem:s26+$0xFFFFFF70] =	vst v0  }
0x181: {  	v0 =	vld [tilespmem:s28+$0xB50]  }
0x182: {  	v17 =	vld [tilespmem:$0x10CD0];
	_ =	sdelay $0x4  }
0x183: {  	v0 =	vadd.f32 v17, v0;
	_ =	sdelay $0x1  }
0x184: {  	[tilespmem:s26+$0xFFFFFF80] =	vst v0  }
0x185: {  	v0 =	vld [tilespmem:s28+$0xF40]  }
0x186: {  	v18 =	vld [tilespmem:$0x10CE0];
	_ =	sdelay $0x4  }
0x187: {  	v0 =	vadd.f32 v18, v0;
	_ =	sdelay $0x1  }
0x188: {  	[tilespmem:s26+$0xFFFFFF90] =	vst v0  }
0x189: {  	v0 =	vld [tilespmem:s28+$0xF50]  }
0x18a: {  	v19 =	vld [tilespmem:$0x10CF0];
	_ =	sdelay $0x4  }
0x18b: {  	v0 =	vadd.f32 v19, v0;
	_ =	sdelay $0x1  }
0x18c: {  	[tilespmem:s26+$0xFFFFFFA0] =	vst v0  }
0x18d: {  	v0 =	vld [tilespmem:s28+$0x1340]  }
0x18e: {  	v20 =	vld [tilespmem:$0x10D00];
	_ =	sdelay $0x4  }
0x18f: {  	v0 =	vadd.f32 v20, v0;
	_ =	sdelay $0x1  }
0x190: {  	[tilespmem:s26+$0xFFFFFFB0] =	vst v0  }
0x191: {  	v0 =	vld [tilespmem:s28+$0x1350]  }
0x192: {  	v21 =	vld [tilespmem:$0x10D10];
	_ =	sdelay $0x4  }
0x193: {  	v0 =	vadd.f32 v21, v0;
	_ =	sdelay $0x1  }
0x194: {  	[tilespmem:s26+$0xFFFFFFC0] =	vst v0  }
0x195: {  	v0 =	vld [tilespmem:s28+$0x1740]  }
0x196: {  	v22 =	vld [tilespmem:$0x10D20];
	_ =	sdelay $0x4  }
0x197: {  	v0 =	vadd.f32 v22, v0;
	_ =	sdelay $0x1  }
0x198: {  	[tilespmem:s26+$0xFFFFFFD0] =	vst v0  }
0x199: {  	v0 =	vld [tilespmem:s28+$0x1750]  }
0x19a: {  	v23 =	vld [tilespmem:$0x10D30];
	_ =	sdelay $0x4  }
0x19b: {  	v0 =	vadd.f32 v23, v0;
	_ =	sdelay $0x1  }
0x19c: {  	[tilespmem:s26+$0xFFFFFFE0] =	vst v0  }
0x19d: {  	v0 =	vld [tilespmem:s28+$0x1B40]  }
0x19e: {  	v24 =	vld [tilespmem:$0x10D40];
	_ =	sdelay $0x4  }
0x19f: {  	v0 =	vadd.f32 v24, v0;
	_ =	sdelay $0x1  }
0x1a0: {  	[tilespmem:s26+$0xFFFFFFF0] =	vst v0  }
0x1a1: {  	v0 =	vld [tilespmem:s28+$0x1B50]  }
0x1a2: {  	v25 =	vld [tilespmem:$0x10D50];
	_ =	sdelay $0x4  }
0x1a3: {  	v0 =	vadd.f32 v25, v0;
	_ =	sdelay $0x1  }
0x1a4: {  	[tilespmem:s26+$0x0] =	vst v0  }
0x1a5: {  	v0 =	vld [tilespmem:s28+$0x1F40]  }
0x1a6: {  	v26 =	vld [tilespmem:$0x10D60];
	_ =	sdelay $0x4  }
0x1a7: {  	v0 =	vadd.f32 v26, v0;
	_ =	sdelay $0x1  }
0x1a8: {  	[tilespmem:s26+$0x10] =	vst v0  }
0x1a9: {  	v0 =	vld [tilespmem:s28+$0x1F50]  }
0x1aa: {  	v27 =	vld [tilespmem:$0x10D70];
	_ =	sdelay $0x4  }
0x1ab: {  	v0 =	vadd.f32 v27, v0;
	_ =	sdelay $0x1  }
0x1ac: {  	[tilespmem:s26+$0x20] =	vst v0  }
0x1ad: {  	v0 =	vld [tilespmem:s28+$0x2340]  }
0x1ae: {  	v28 =	vld [tilespmem:$0x10D80];
	_ =	sdelay $0x4  }
0x1af: {  	v0 =	vadd.f32 v28, v0;
	_ =	sdelay $0x1  }
0x1b0: {  	[tilespmem:s26+$0x30] =	vst v0  }
0x1b1: {  	v0 =	vld [tilespmem:s28+$0x2350]  }
0x1b2: {  	v29 =	vld [tilespmem:$0x10D90];
	_ =	sdelay $0x4  }
0x1b3: {  	v0 =	vadd.f32 v29, v0;
	_ =	sdelay $0x1  }
0x1b4: {  	[tilespmem:s26+$0x40] =	vst v0  }
0x1b5: {  	v0 =	vld [tilespmem:s28+$0x2740]  }
0x1b6: {  	v30 =	vld [tilespmem:$0x10DA0];
	_ =	sdelay $0x4  }
0x1b7: {  	v0 =	vadd.f32 v30, v0;
	_ =	sdelay $0x1  }
0x1b8: {  	[tilespmem:s26+$0x50] =	vst v0  }
0x1b9: {  	v0 =	vld [tilespmem:s28+$0x2750]  }
0x1ba: {  	v31 =	vld [tilespmem:$0x10DB0];
	_ =	sdelay $0x4  }
0x1bb: {  	v0 =	vadd.f32 v31, v0;
	_ =	sdelay $0x1  }
0x1bc: {  	[tilespmem:s26+$0x60] =	vst v0  }
0x1bd: {  	v0 =	vld [tilespmem:s28+$0x2B40]  }
0x1be: {  	v32 =	vld [tilespmem:$0x10DC0];
	_ =	sdelay $0x4  }
0x1bf: {  	v0 =	vadd.f32 v32, v0;
	_ =	sdelay $0x1  }
0x1c0: {  	[tilespmem:s26+$0x70] =	vst v0  }
0x1c1: {  	v0 =	vld [tilespmem:s28+$0x2B50]  }
0x1c2: {  	v33 =	vld [tilespmem:$0x10DD0];
	_ =	sdelay $0x4  }
0x1c3: {  	v0 =	vadd.f32 v33, v0;
	_ =	sdelay $0x1  }
0x1c4: {  	[tilespmem:s26+$0x80] =	vst v0  }
0x1c5: {  	v0 =	vld [tilespmem:s28+$0x2F40]  }
0x1c6: {  	v34 =	vld [tilespmem:$0x10DE0];
	_ =	sdelay $0x4  }
0x1c7: {  	v0 =	vadd.f32 v34, v0;
	_ =	sdelay $0x1  }
0x1c8: {  	[tilespmem:s26+$0x90] =	vst v0  }
0x1c9: {  	v0 =	vld [tilespmem:s28+$0x2F50]  }
0x1ca: {  	v35 =	vld [tilespmem:$0x10DF0];
	_ =	sdelay $0x4  }
0x1cb: {  	v0 =	vadd.f32 v35, v0;
	_ =	sdelay $0x1  }
0x1cc: {  	[tilespmem:s26+$0xA0] =	vst v0  }
0x1cd: {  	v0 =	vld [tilespmem:s28+$0x3340]  }
0x1ce: {  	v36 =	vld [tilespmem:$0x10E00];
	_ =	sdelay $0x4  }
0x1cf: {  	v0 =	vadd.f32 v36, v0;
	_ =	sdelay $0x1  }
0x1d0: {  	[tilespmem:s26+$0xB0] =	vst v0  }
0x1d1: {  	v0 =	vld [tilespmem:s28+$0x3350]  }
0x1d2: {  	v37 =	vld [tilespmem:$0x10E10];
	_ =	sdelay $0x4  }
0x1d3: {  	v0 =	vadd.f32 v37, v0;
	_ =	sdelay $0x1  }
0x1d4: {  	[tilespmem:s26+$0xC0] =	vst v0  }
0x1d5: {  	v0 =	vld [tilespmem:s28+$0x3740]  }
0x1d6: {  	v38 =	vld [tilespmem:$0x10E20];
	_ =	sdelay $0x4  }
0x1d7: {  	v0 =	vadd.f32 v38, v0;
	_ =	sdelay $0x1  }
0x1d8: {  	[tilespmem:s26+$0xD0] =	vst v0  }
0x1d9: {  	v0 =	vld [tilespmem:s28+$0x3750]  }
0x1da: {  	v39 =	vld [tilespmem:$0x10E30];
	_ =	sdelay $0x4  }
0x1db: {  	v0 =	vadd.f32 v39, v0;
	_ =	sdelay $0x1  }
0x1dc: {  	[tilespmem:s26+$0xE0] =	vst v0  }
0x1dd: {  	v0 =	vld [tilespmem:s28+$0x3B40]  }
0x1de: {  	v40 =	vld [tilespmem:$0x10E40];
	_ =	sdelay $0x4  }
0x1df: {  	v0 =	vadd.f32 v40, v0;
	_ =	sdelay $0x1  }
0x1e0: {  	[tilespmem:s26+$0xF0] =	vst v0  }
0x1e1: {  	v0 =	vld [tilespmem:s28+$0x3B50]  }
0x1e2: {  	v41 =	vld [tilespmem:$0x10E50];
	_ =	sdelay $0x4  }
0x1e3: {  	v0 =	vadd.f32 v41, v0;
	_ =	sdelay $0x1  }
0x1e4: {  	[tilespmem:s26+$0x100] =	vst v0  }
0x1e5: {  	v0 =	vld [tilespmem:s28+$0x3F40]  }
0x1e6: {  	v42 =	vld [tilespmem:$0x10E60];
	_ =	sdelay $0x4  }
0x1e7: {  	v0 =	vadd.f32 v42, v0;
	_ =	sdelay $0x1  }
0x1e8: {  	[tilespmem:s26+$0x110] =	vst v0  }
0x1e9: {  	v0 =	vld [tilespmem:s28+$0x3F50]  }
0x1ea: {  	v43 =	vld [tilespmem:$0x10E70];
	_ =	sdelay $0x4  }
0x1eb: {  	v0 =	vadd.f32 v43, v0;
	_ =	sdelay $0x1  }
0x1ec: {  	[tilespmem:s26+$0x120] =	vst v0  }
0x1ed: {  	v0 =	vld [tilespmem:s28+$0x4340]  }
0x1ee: {  	v44 =	vld [tilespmem:$0x10E80];
	_ =	sdelay $0x4  }
0x1ef: {  	v0 =	vadd.f32 v44, v0;
	_ =	sdelay $0x1  }
0x1f0: {  	[tilespmem:s26+$0x130] =	vst v0  }
0x1f1: {  	v0 =	vld [tilespmem:s28+$0x4350]  }
0x1f2: {  	v45 =	vld [tilespmem:$0x10E90];
	_ =	sdelay $0x4  }
0x1f3: {  	v0 =	vadd.f32 v45, v0;
	_ =	sdelay $0x1  }
0x1f4: {  	[tilespmem:s26+$0x140] =	vst v0  }
0x1f5: {  	v0 =	vld [tilespmem:s28+$0x4740]  }
0x1f6: {  	v46 =	vld [tilespmem:$0x10EA0];
	_ =	sdelay $0x4  }
0x1f7: {  	v0 =	vadd.f32 v46, v0;
	_ =	sdelay $0x1  }
0x1f8: {  	[tilespmem:s26+$0x150] =	vst v0  }
0x1f9: {  	v0 =	vld [tilespmem:s28+$0x4750]  }
0x1fa: {  	v47 =	vld [tilespmem:$0x10EB0];
	_ =	sdelay $0x4  }
0x1fb: {  	v0 =	vadd.f32 v47, v0;
	_ =	sdelay $0x1  }
0x1fc: {  	[tilespmem:s26+$0x160] =	vst v0  }
0x1fd: {  	v0 =	vld [tilespmem:s28+$0x4B40]  }
0x1fe: {  	v48 =	vld [tilespmem:$0x10EC0];
	_ =	sdelay $0x4  }
0x1ff: {  	v0 =	vadd.f32 v48, v0;
	_ =	sdelay $0x1  }
0x200: {  	[tilespmem:s26+$0x170] =	vst v0  }
0x201: {  	v0 =	vld [tilespmem:s28+$0x4B50]  }
0x202: {  	v49 =	vld [tilespmem:$0x10ED0];
	_ =	sdelay $0x4  }
0x203: {  	v0 =	vadd.f32 v49, v0;
	_ =	sdelay $0x1  }
0x204: {  	[tilespmem:s26+$0x180] =	vst v0  }
0x205: {  	v0 =	vld [tilespmem:s28+$0x4F40]  }
0x206: {  	v50 =	vld [tilespmem:$0x10EE0];
	_ =	sdelay $0x4  }
0x207: {  	v0 =	vadd.f32 v50, v0;
	_ =	sdelay $0x1  }
0x208: {  	[tilespmem:s26+$0x190] =	vst v0  }
0x209: {  	v0 =	vld [tilespmem:s28+$0x4F50]  }
0x20a: {  	v51 =	vld [tilespmem:$0x10EF0];
	_ =	sdelay $0x4  }
0x20b: {  	v0 =	vadd.f32 v51, v0;
	_ =	sdelay $0x1  }
0x20c: {  	[tilespmem:s26+$0x1A0] =	vst v0  }
0x20d: {  	v0 =	vld [tilespmem:s28+$0x5340]  }
0x20e: {  	v52 =	vld [tilespmem:$0x10F00];
	_ =	sdelay $0x4  }
0x20f: {  	v0 =	vadd.f32 v52, v0;
	_ =	sdelay $0x1  }
0x210: {  	[tilespmem:s26+$0x1B0] =	vst v0  }
0x211: {  	v0 =	vld [tilespmem:s28+$0x5350]  }
0x212: {  	v53 =	vld [tilespmem:$0x10F10];
	_ =	sdelay $0x4  }
0x213: {  	v0 =	vadd.f32 v53, v0;
	_ =	sdelay $0x1  }
0x214: {  	[tilespmem:s26+$0x1C0] =	vst v0  }
0x215: {  	v0 =	vld [tilespmem:s28+$0x5740]  }
0x216: {  	v54 =	vld [tilespmem:$0x10F20];
	_ =	sdelay $0x4  }
0x217: {  	v0 =	vadd.f32 v54, v0;
	_ =	sdelay $0x1  }
0x218: {  	[tilespmem:s26+$0x1D0] =	vst v0  }
0x219: {  	v0 =	vld [tilespmem:s28+$0x5750]  }
0x21a: {  	v55 =	vld [tilespmem:$0x10F30];
	_ =	sdelay $0x4  }
0x21b: {  	v0 =	vadd.f32 v55, v0;
	_ =	sdelay $0x1  }
0x21c: {  	[tilespmem:s26+$0x1E0] =	vst v0  }
0x21d: {  	v0 =	vld [tilespmem:s28+$0x5B40]  }
0x21e: {  	v56 =	vld [tilespmem:$0x10F40];
	_ =	sdelay $0x4  }
0x21f: {  	v0 =	vadd.f32 v56, v0;
	_ =	sdelay $0x1  }
0x220: {  	[tilespmem:s26+$0x1F0] =	vst v0  }
0x221: {  	v0 =	vld [tilespmem:s28+$0x5B50]  }
0x222: {  	v57 =	vld [tilespmem:$0x10F50];
	_ =	sdelay $0x4  }
0x223: {  	v0 =	vadd.f32 v57, v0;
	_ =	sdelay $0x1  }
0x224: {  	[tilespmem:s26+$0x200] =	vst v0  }
0x225: {  	v0 =	vld [tilespmem:s28+$0x5F40]  }
0x226: {  	v58 =	vld [tilespmem:$0x10F60];
	_ =	sdelay $0x4  }
0x227: {  	v0 =	vadd.f32 v58, v0;
	_ =	sdelay $0x1  }
0x228: {  	[tilespmem:s26+$0x210] =	vst v0  }
0x229: {  	v0 =	vld [tilespmem:s28+$0x5F50]  }
0x22a: {  	v59 =	vld [tilespmem:$0x10F70];
	_ =	sdelay $0x4  }
0x22b: {  	v0 =	vadd.f32 v59, v0;
	_ =	sdelay $0x1  }
0x22c: {  	[tilespmem:s26+$0x220] =	vst v0  }
0x22d: {  	v0 =	vld [tilespmem:s28+$0x6340]  }
0x22e: {  	v60 =	vld [tilespmem:$0x10F80];
	_ =	sdelay $0x4  }
0x22f: {  	v0 =	vadd.f32 v60, v0;
	_ =	sdelay $0x1  }
0x230: {  	[tilespmem:s26+$0x230] =	vst v0  }
0x231: {  	v0 =	vld [tilespmem:s28+$0x6350]  }
0x232: {  	v61 =	vld [tilespmem:$0x10F90];
	_ =	sdelay $0x4  }
0x233: {  	v0 =	vadd.f32 v61, v0;
	_ =	sdelay $0x1  }
0x234: {  	[tilespmem:s26+$0x240] =	vst v0  }
0x235: {  	v0 =	vld [tilespmem:s28+$0x6740]  }
0x236: {  	v62 =	vld [tilespmem:$0x10FA0];
	_ =	sdelay $0x4  }
0x237: {  	v0 =	vadd.f32 v62, v0;
	_ =	sdelay $0x1  }
0x238: {  	[tilespmem:s26+$0x250] =	vst v0  }
0x239: {  	v0 =	vld [tilespmem:s28+$0x6750]  }
0x23a: {  	v63 =	vld [tilespmem:$0x10FB0];
	_ =	sdelay $0x1  }
0x23b: {  	p0 =	sne.s32 s24, $0xF80  }
.Ltmp0:
0x23c: {  	_ = 	snop;
	(pc) =	sbr.rel @p0 .LBB2_3-.Ltmp0, $3  }
0x23d: {  	_ = 	snop  }
0x23e: {  	v0 =	vadd.f32 v63, v0;
	_ =	sdelay $0x1  }
0x23f: {  	s25 =	sadd.s32 $0x10, s25;
	s24 =	sadd.s32 $0x80, s24;
	[tilespmem:s26+$0x260] =	vst v0;
	s26 =	sadd.s32 $0x4E0, s26  }
0x240: {  	s23 =	smul.u32 $0x1380, s23;
	s22 =	sadd.s32 $0x1, s22  }
0x241: {  	s24 =	rddreg [dreg:$0x1];
	p0 =	sne.s32 s22, $0x10  }
.Ltmp1:
0x242: {  	s23 =	sadd.s32 s24, s23;
	(pc) =	sbr.rel @p0 .LBB2_2-.Ltmp1, $4  }
0x243: {  	[hbm4b:s23+s29] =	stream.linear.scatter [tilespmem:s21], [sflag:$0x2], $0x9C00, $0x38;
	[tilespmem:$0x10FC0] =	vst v63  }
0x244: {  	_ =	swait.ge [sflag:s13], $0x9C00  }
0x245: {  	[sflag:s13] =	ssyncset.done $0x0  }
0x246: {  	[sflag:s13] =	ssyncadd.s32 $0xFFFF6400  }
0x247: {  	s23 =	rddreg [dreg:$0x6]  }
0x248: {  	s22 =	rddreg [dreg:$0x5];
	s23 =	sadd.s32 $0x1, s23  }
0x249: {  	p0 =	sne.s32 s23, s22  }
.Ltmp2:
0x24a: {  	_ = 	snop;
	(pc) =	sbr.rel @p0 .LBB2_1-.Ltmp2, $1  }
0x24b: {  	_ =	sdelay $0x3  }
0x24c: {  	_ =	sfence.sel $0x180000  }
0x24d: {  	[bflag:$0x0] =	sbarrier.arrive $0xFFFF  }
0x24e: {  	_ =	strace $0x9000004D  }
0x24f: {  	s0 =	stileid.u32;
	[bflag:$0x2] =	sbarrier.arrive $0xFFFF  }
0x250: {  	p0 =	sne.s32 s0, $0x0;
	s0 =	rddreg [dreg:$0x2]  }
0x251: {  	s0 =	sadd.s32 @!p0 $0x100000, s0  }
0x252: {  	[sflag:s0] =	ssyncadd.tile.s32 @!p0 $0x1;
	_ =	shalt  }
.Lfunc_end2:
_tile_overlayer_lowered:
.L_overlay_start_2:
0x253: {  	(tag) =	ssettag $0x2  }
0x254: {  	s0 =	rddreg [dreg:$0x0];
	s2 =	stileid.u32  }
0x255: {  	s1 =	rddreg [dreg:$0x1];
	p0 =	sne.s32 s2, $0x0  }
0x256: {  	s3 =	rddreg [dreg:$0x2];
	[bflag:$0x3] =	sbarrier.arrive $0xFFFF;
	s2 =	simm.s32 @!p0 $0x1C02  }
0x257: {  	[timem:s3], [sflag:s2] =	dma.local @!p0 [hbm:s0], s1  }
0x258: {  	s0 =	simm.s32 @!p0 $0x2  }
0x259: {  	_ =	swait.ge @!p0 [sflag:s0], s1  }
0x25a: {  	s1 =	ssub.s32 @!p0 $0x0, s1;
	[sflag:s0] =	ssyncset.done @!p0 $0x0  }
0x25b: {  	[sflag:s0] =	ssyncadd.s32 @!p0 s1  }
0x25c: {  	[bflag:$0x3] =	sbarrier.arrive $0xFFFF  }
0x25d: {  	_ =	shalt  }

// kernel: sparse-core-data-format-call.1.cloned.1.call-start
scs
called_computation.1_lowered:
.L_overlay_start_0:
0x0: {  	s1 =	sld [smem:$0x3FD9]  }
0x1: {  	s2 =	sld [smem:$0x3FFE];
	_ =	sdelay $0x1  }
0x2: {  	s3 =	srdreg.scid  }
0x3: {  	s0 =	sand.u32 $0x1, s3  }
0x4: {  	s17 =	sshll.u32 s0, $0xA;
	s1 =	sadd.s32 s2, s1  }
0x5: {  	s1 =	sadd.s32 s1, s17  }
0x6: {  	[smem:$0x3FC3] =	sst s1  }
0x7: {  	_ = 	snop  }
0x8: {  	(tm) =	ssettm $0x1  }
0x9: {  	s18 =	sld [smem:$0x3FFB];
	_ =	sdelay $0x3  }
0xa: {  	_ =	strace s18  }
0xb: {  	s1 =	sld [smem:$0x3FFC];
	_ =	sdelay $0x3  }
0xc: {  	_ =	strace s1  }
0xd: {  	s1 =	sld [smem:$0x3FFD];
	_ =	sdelay $0x3  }
0xe: {  	_ =	strace s1  }
0xf: {  	_ =	strace $0x8FFFFFFF  }
0x10: {  	s19 =	sld [smem:$0x3FDB];
	_ =	sdelay $0x1  }
0x11: {  	s20 =	simm.s32 $_scs_section_size  }
0x12: {  	s4 =	simm.s32 $_size__tile_overlayer_lowered;
	s5 =	simm.s32 $_tile_overlayer_lowered  }
0x13: {  	s23 =	simm.s32 $0x1BFF;
	s22 =	sshll.u32 s5, $0x1;
	s1 =	sadd.s32 s20, s19  }
0x14: {  	s6 =	simm.s32 $0x0;
	s21 =	sshll.u32 s4, $0x1;
	s4 =	sadd.s32 s22, s1  }
0x15: {  	[timem:s6], [sflag:s23] =	dma.local [hbm:s4], s21  }
0x16: {  	_ =	swait.ge [sflag:s23], s21  }
0x17: {  	s2 =	ssub.s32 $0x0, s21;
	[sflag:s23] =	ssyncset.done $0x0  }
0x18: {  	[sflag:s23] =	ssyncadd.s32 s2;
	_ =	sdelay $0x1  }
0x19: {  	s24 =	simm.s32 $0x1B8B  }
0x1a: {  	_ =	swait.ge [sflag:s24], $0x1  }
0x1b: {  	[sflag:s24] =	ssyncset.done $0x0  }
0x1c: {  	s26 =	simm.s32 $0x1B8E;
	s25 =	sld [smem:$0x3FFE];
	[sflag:s24] =	ssyncadd.s32 $0xFFFFFFFF  }
0x1d: {  	s27 =	simm.s32 $execute0_lowered;
	[smem:$0x3FD2] =	sst s26  }
0x1e: {  	s4 =	sshll.u32 s27, $0x1;
	_ =	strace $0x80000046;
	[dreg:$0x1] =	wrdreg $0xFFFFFFFF  }
0x1f: {  	s28 =	simm.s32 $_size_execute0_lowered;
	s1 =	sadd.s32 s1, s4;
	[dreg:$0x0] =	wrdreg $0x0  }
0x20: {  	s4 =	sshll.u32 s28, $0x1;
	[dreg:$0x2] =	wrdreg s1  }
0x21: {  	[dreg:$0x3] =	wrdreg s4  }
0x22: {  	[dreg:$0x4] =	wrdreg $0xC0  }
0x23: {  	_ =	task [dreg:s6], $0x5FFFF  }
0x24: {  	[dreg:$0x1] =	wrdreg $0xFFFFFFFF  }
0x25: {  	[dreg:$0x0] =	wrdreg $0x60  }
0x26: {  	[dreg:$0x2] =	wrdreg s25  }
0x27: {  	[dreg:$0x3] =	wrdreg $0x9  }
0x28: {  	_ =	task.clear_ibuf [dreg:s6], $0x4FFFF;
	_ =	strace $0x90000046  }
0x29: {  	s29 =	simm.s32 $0x9;
	_ =	strace $0x80000048  }
0x2a: {  	_ =	swait.ge [sflag:s29], $0x1  }
0x2b: {  	[sflag:s29] =	ssyncadd.s32 $0xFFFFFFFF  }
0x2c: {  	_ =	strace $0x90000048  }
0x2d: {  	_ =	sfence  }
0x2e: {  	s30 =	sld [smem:$0x0];
	_ =	sdelay $0x2  }
0x2f: {  	s31 =	sshll.u32 s3, $0xD;
	s3 =	sshrl.u32 s3, $0x2  }
0x30: {  	s2 =	sand.u32 $0x4000, s31;
	s1 =	sadd.s32 s3, s30  }
0x31: {  	s0 =	sor.u32 s2, s0;
	s1 =	sshll.u32 s1, $0x11  }
0x32: {  	s0 =	sor.u32 s1, s0  }
0x33: {  	s0 =	sadd.s32 $0x8F2B, s0  }
0x34: {  	[sflag:s0] =	ssyncadd.remote.s32 $0x1  }
0x35: {  	_ =	sfence.sel $0xFFFF  }
0x36: {  	[dreg:$0x0] =	wrdreg $0xFFFFFFFF;
	(pc) =	sbr.abs _section_cstart, $3  }
0x37: {  	[dreg:$0x1] =	wrdreg $0xFFFFFFFF  }
0x38: {  	_ =	task.clear_ibuf [dreg:s6], $0x2FFFF;
	_ =	strace $0x9FFFFFFF  }
0x39: {  	(tm) =	ssettm $0x7FFFFFFF  }
tec
execute0_lowered:
.L_overlay_start_1:
0x0: {  	(tag) =	ssettag $0x1  }
0x1: {  	s0 =	srdreg.scid  }
0x2: {  	s5 =	rddreg [dreg:$0x0];
	s1 =	stileid.u32;
	s4 =	simm.s32 $0x1  }
0x3: {  	s6 =	simm.s32 $0x2;
	s15 =	simm.s32 $0x0;
	p0 =	por $0x0, $0x0  }
0x4: {  	s8 =	simm.s32 $0x80;
	s14 =	simm.s32 $0x0;
	s2 =	sshll.u32 s0, $0x4  }
0x5: {  	s9 =	simm.s32 $0x0;
	s10 =	simm.s32 $0x0;
	s2 =	sand.u32 $0x10, s2  }
.Ltmp0:
0x6: {  	s12 =	simm.s32 $0x0;
	s3 =	sor.u32 s1, s2;
	(pc) =	sbr.rel .LBB1_1-.Ltmp0, $4  }
0x7: {  	s0 =	rddreg [dreg:$0x1];
	_ =	strace $0x80000047;
	s3 =	sshll.u32 s3, $0x7  }
0x8: {  	s13 =	simm.s32 $0x0;
	[sflag:s4] =	ssyncpa.u1 $0x0;
	s7 =	ssub.s32 $0x13D600, s3  }
0x9: {  	s2 =	sadd.s32 $0x1503400, s5;
	[sflag:s6] =	ssyncpa.u1 $0x0;
	s6 =	sshrl.u32 s7, $0xC  }
0xa: {  	s5 =	sadd.s32 $0x19F8E00, s5;
	s11 =	smov.u32 s3;
	s7 =	sor.u32 $0x2, s6  }
.LBB1_5:
0xb: {  	p1 =	slt.u32 s13, $0x2  }
0xc: {  	s17 =	smov.u32 s15;
	p2 =	sgt.s32 @!p1 s15, $0x13D5B0;
	s16 =	sshra.s32 @!p1 s15, $0x1F  }
0xd: {  	p3 =	sgt.s32 @!p1 s14, $0x60;
	s18 =	sshra.s32 @!p1 s14, $0x1F;
	p2 =	por !p2, p1  }
0xe: {  	s15 =	sand.u32 @!p1 s16, s15;
	p3 =	por !p3, p1;
	s16 =	smov.u32 s14  }
0xf: {  	s14 =	sand.u32 @!p1 s18, s14;
	s17 =	simm.s32 @p2 $0x13D5B0;
	s16 =	simm.s32 @p3 $0x60  }
0x10: {  	s15 =	ssub.s32 @!p1 s17, s15;
	s14 =	ssub.s32 @!p1 s16, s14  }
0x11: {  	s18 =	smov.u32 s12;
	s16 =	sadd.s32 @!p1 $0xFFEC2A50, s15;
	s17 =	sadd.s32 @!p1 $0xFFFFFFA0, s14  }
0x12: {  	s15 =	ssub.s32 @!p1 $0x13D630, s15;
	p2 =	sgt.s32 @!p1 s16, $0x7F;
	p3 =	sgt.s32 @!p1 s17, $0x1F  }
0x13: {  	s14 =	ssub.s32 @!p1 $0x80, s14;
	p2 =	por !p2, p1;
	p3 =	por !p3, p1  }
0x14: {  	s16 =	sadd.s32 $0x1000, s11;
	s15 =	simm.s32 @!p2 $0x0;
	s14 =	simm.s32 @!p3 $0x0  }
0x15: {  	p2 =	sgt.s32 s16, $0x13D62C;
	s14 =	smul.u32 @!p1 s14, s15;
	s15 =	sadd.s32 $0x20, s12  }
0x16: {  	s18 =	smov.u32 @p2 s15  }
0x17: {  	s16 =	smov.u32 @p2 s3;
	p2 =	sgt.s32 s18, $0x1F  }
0x18: {  	s18 =	simm.s32 @p2 $0x0;
	p2 =	sne.s32 s13, s7  }
.Ltmp1:
0x19: {  	p0 =	por !p0, !p0;
	s17 =	simm.s32 @!p1 $0x2;
	(pc) =	sbr.rel @!p2 .LBB1_6-.Ltmp1, $4  }
0x1a: {  	s15 =	smov.u32 s9;
	s9 =	smov.u32 s11;
	s14 =	sand.u32 @!p1 $0x3FFFFFFF, s14  }
0x1b: {  	s11 =	smov.u32 s16;
	_ =	swait.ge @!p1 [sflag:s17], s14;
	s19 =	ssub.s32 @!p1 $0x0, s14  }
0x1c: {  	s14 =	smov.u32 s10;
	s13 =	sadd.s32 $0x1, s13;
	[sflag:s17] =	ssyncset.done @!p1 $0x0  }
0x1d: {  	s10 =	smov.u32 s12;
	s12 =	smov.u32 s18;
	[sflag:s17] =	ssyncadd.s32 @!p1 s19  }
.LBB1_1:
0x1e: {  	p1 =	sgt.u32 s13, s6  }
0x1f: {  	s16 =	sshrl.u32 @!p1 s12, $0x3  }
0x20: {  	s17 =	sshll.u32 @!p1 s11, $0x3;
	s16 =	smul.u32 @!p1 $0x9EB400, s16  }
0x21: {  	s18 =	sshll.u32 @!p1 s12, $0x7;
	s17 =	sand.u32 @!p1 $0xFFFFFC00, s17  }
0x22: {  	s16 =	sadd.s32 @!p1 s16, s17;
	s17 =	sand.u32 @!p1 $0x380, s18  }
0x23: {  	s18 =	sand.u32 @!p1 $0x7F, s11;
	s16 =	sor.u32 @!p1 s17, s16  }
0x24: {  	s17 =	sor.u32 @!p1 s18, s16  }
0x25: {  	s18 =	smulhi.u32 @!p1 $0xCE793B8F, s17;
	_ =	sdelay $0x1  }
0x26: {  	s16 =	smulhi.u32 @!p1 $0xCE793B8F, s16;
	s18 =	sshrl.u32 @!p1 s18, $0x14  }
0x27: {  	s18 =	smul.u32 @!p1 $0x13D680, s18  }
0x28: {  	s19 =	sxor.u32 @!p1 $0xFFFFFFFF, s13;
	s16 =	sshrl.u32 @!p1 s16, $0x14  }
0x29: {  	s19 =	sshll.u32 @!p1 s19, $0xC;
	s16 =	sand.u32 @!p1 $0x1F, s16;
	s17 =	ssub.s32 @!p1 s17, s18  }
0x2a: {  	s16 =	smul.u32 @!p1 $0x27AD0, s16;
	s18 =	sshrl.u32 @!p1 s17, $0x3;
	s17 =	sand.u32 @!p1 $0x7, s17  }
0x2b: {  	s19 =	sand.u32 @!p1 $0x1000, s19;
	s18 =	sadd.s32 @!p1 s2, s18;
	s17 =	sshll.u32 @!p1 s17, $0x12  }
0x2c: {  	s16 =	sadd.s32 @!p1 s16, s18;
	s17 =	sor.u32 @!p1 $0x400, s17;
	s18 =	simm.s32 @!p1 $0x9EB400  }
0x2d: {  	[tilespmem:s19], [sflag:$0x1] =	stream.strided.gather @!p1 [hbm4b:s16+s17], $0x1000, s18, s17, $0x38;
	[tilespmem:$0x4100] =	vst v63  }
0x2e: {  	p1 =	seq.s32 s13, $0x0  }
0x2f: {  	p2 =	sge.u32 @!p1 s13, s7  }
0x30: {  	p1 =	por p1, p2  }
.Ltmp2:
0x31: {  	_ = 	snop;
	(pc) =	sbr.rel @p1 .LBB1_5-.Ltmp2, $1  }
0x32: {  	_ =	sdelay $0x3  }
0x33: {  	s16 =	simm.s32 $0x1  }
0x34: {  	_ =	swait.ge [sflag:s4], $0x1000;
	s16 =	simm.s32 @!p0 $0x0  }
0x35: {  	[sflag:s4] =	ssyncset.done $0x0;
	s17 =	sshll.u32 s16, $0xC  }
0x36: {  	[sflag:s4] =	ssyncadd.s32 $0xFFFFF000;
	s18 =	sor.u32 $0x40, s17  }
0x37: {  	s16 =	smul.u32 $0x4200, s16;
	v0 =	vld [tilespmem:s18+$0x30]  }
0x38: {  	v1 =	vld [tilespmem:s18+$0xFFFFFFD0]  }
0x39: {  	s16 =	sshrl.u32 s16, $0x2;
	v5 =	vld [tilespmem:s18+$0xFFFFFFE0]  }
0x3a: {  	v6 =	vld [tilespmem:s18+$0xFFFFFFF0];
	s19 =	sor.u32 $0x2000, s16  }
0x3b: {  	s31 =	sand.u32 $0x1, s13;
	v4 =	vld [tilespmem:s18+$0x0];
	s17 =	sadd.s32 $0x0, s19  }
0x3c: {  	v3 =	vld [tilespmem:s18+$0x10];
	s16 =	smul.u32 $0x4200, s31;
	[tilespmem:s17+$0xE70 ss:$0x21] =	vst.msk $0xffff, v0  }
0x3d: {  	v2 =	vld [tilespmem:s18+$0x20];
	[tilespmem:s17+$0x210 ss:$0x21] =	vst.msk $0xffff, v1  }
0x3e: {  	s16 =	sshrl.u32 s16, $0x2;
	v1 =	vld [tilespmem:s18+$0xFFFFFFC0];
	[tilespmem:s17+$0x420 ss:$0x21] =	vst.msk $0xffff, v5;
	s18 =	sadd.s32 $0x80, s18  }
0x3f: {  	s20 =	simm.s32 $0x4;
	s21 =	simm.s32 $0x8;
	s16 =	sor.u32 $0x2000, s16;
	[tilespmem:s17+$0x630 ss:$0x21] =	vst.msk $0xffff, v6;
	v0 =	vld [tilespmem:s18+$0x30]  }
.LBB1_3:
0x40: {  	p1 =	sne.s32 s21, $0x7C;
	v5 =	vld [tilespmem:s18+$0xFFFFFFD0];
	[tilespmem:s17+$0x840 ss:$0x21] =	vst.msk $0xffff, v4  }
0x41: {  	v6 =	vld [tilespmem:s18+$0xFFFFFFE0];
	[tilespmem:s17+$0xA50 ss:$0x21] =	vst.msk $0xffff, v3  }
0x42: {  	s22 =	sshra.s32 s20, $0x2;
	s20 =	smov.u32 s21;
	v7 =	vld [tilespmem:s18+$0xFFFFFFF0];
	[tilespmem:s17+$0xC60 ss:$0x21] =	vst.msk $0xffff, v2  }
.Ltmp3:
0x43: {  	v4 =	vld [tilespmem:s18+$0x0];
	[tilespmem:s17+$0x0 ss:$0x21] =	vst.msk $0xffff, v1;
	s17 =	sadd.s32 s22, s19;
	(pc) =	sbr.rel @p1 .LBB1_3-.Ltmp3, $4  }
0x44: {  	v3 =	vld [tilespmem:s18+$0x10];
	[tilespmem:s17+$0xE70 ss:$0x21] =	vst.msk $0xffff, v0  }
0x45: {  	[tilespmem:s17+$0x210 ss:$0x21] =	vst.msk $0xffff, v5;
	v2 =	vld [tilespmem:s18+$0x20]  }
0x46: {  	v1 =	vld [tilespmem:s18+$0xFFFFFFC0];
	[tilespmem:s17+$0x420 ss:$0x21] =	vst.msk $0xffff, v6;
	s18 =	sadd.s32 $0x80, s18  }
0x47: {  	s21 =	sadd.s32 $0x4, s21;
	v0 =	vld [tilespmem:s18+$0x30];
	[tilespmem:s17+$0x630 ss:$0x21] =	vst.msk $0xffff, v7  }
0x48: {  	s21 =	sshll.u32 s9, $0x7;
	s22 =	sshll.u32 s10, $0x3;
	s20 =	sshra.s32 s20, $0x2  }
0x49: {  	p1 =	sgt.s32 s9, $0x13D5B0;
	s23 =	sand.u32 $0xFFFFFC00, s21;
	s22 =	sand.u32 $0xFFFFFC00, s22  }
0x4a: {  	v5 =	vld [tilespmem:s18+$0xFFFFFFD0];
	s30 =	sshra.s32 s9, $0x1F;
	s21 =	sand.u32 $0x380, s21;
	s22 =	sadd.s32 s22, s23  }
0x4b: {  	v6 =	vld [tilespmem:s18+$0xFFFFFFE0];
	[tilespmem:s17+$0x840 ss:$0x21] =	vst.msk $0xffff, v4;
	s25 =	sshra.s32 s10, $0x1F;
	s19 =	sadd.s32 s20, s19;
	s29 =	sor.u32 s21, s22  }
0x4c: {  	v60 =	vld [tilespmem:s18+$0xFFFFFFF0];
	[tilespmem:s17+$0xA50 ss:$0x21] =	vst.msk $0xffff, v3;
	s21 =	smov.u32 s9;
	s22 =	sand.u32 s30, s9;
	s30 =	sand.u32 $0x7, s10  }
0x4d: {  	v61 =	vld [tilespmem:s18+$0x0];
	[tilespmem:s17+$0xC60 ss:$0x21] =	vst.msk $0xffff, v2;
	s20 =	sshrl.u32 s29, $0x7;
	s21 =	simm.s32 @!p1 $0x13D5B0;
	p1 =	sgt.s32 s10, $0x60  }
0x4e: {  	v62 =	vld [tilespmem:s18+$0x10];
	[tilespmem:s17+$0x0 ss:$0x21] =	vst.msk $0xffff, v1;
	s29 =	sshrl.u32 s10, $0x3;
	s24 =	ssub.s32 s21, s22;
	s21 =	smov.u32 s10  }
0x4f: {  	v63 =	vld [tilespmem:s18+$0x20];
	[tilespmem:s19+$0xE70 ss:$0x21] =	vst.msk $0xffff, v0;
	s31 =	smulhi.u32 $0x19CF8F9, s20;
	s22 =	sand.u32 s25, s10;
	s21 =	simm.s32 @!p1 $0x60  }
0x50: {  	[tilespmem:s19+$0x210 ss:$0x21] =	vst.msk $0xffff, v5;
	s27 =	sadd.s32 $0xFFEC2A50, s24;
	s17 =	ssub.s32 $0x13D630, s24;
	s21 =	ssub.s32 s21, s22  }
0x51: {  	v7 =	vld [tilespmem:s18+$0xFFFFFFC0];
	[tilespmem:s19+$0x420 ss:$0x21] =	vst.msk $0xffff, v6;
	s26 =	sshrl.u32 s31, $0xD;
	p1 =	sgt.s32 s27, $0x7F;
	s28 =	sadd.s32 $0xFFFFFFA0, s21  }
0x52: {  	[tilespmem:s19+$0x630 ss:$0x21] =	vst.msk $0xffff, v60;
	s18 =	smul.u32 $0x13D630, s26;
	s21 =	ssub.s32 $0x80, s21;
	p2 =	sgt.s32 s28, $0x1F  }
.Ltmp4:
0x53: {  	[tilespmem:s19+$0x840 ss:$0x21] =	vst.msk $0xffff, v61;
	s17 =	simm.s32 @p1 $0x0;
	s21 =	simm.s32 @p2 $0x0;
	(pc) =	sbr.rel .LBB1_5-.Ltmp4, $4  }
0x54: {  	[tilespmem:s19+$0xA50 ss:$0x21] =	vst.msk $0xffff, v62;
	s18 =	ssub.s32 s20, s18;
	s20 =	sand.u32 $0xF, s29;
	s17 =	smul.u32 s21, s17  }
0x55: {  	[tilespmem:s19+$0xC60 ss:$0x21] =	vst.msk $0xffff, v63;
	s18 =	sshll.u32 s18, $0x4;
	s20 =	sadd.s32 s5, s20;
	s21 =	sshll.u32 s30, $0x12  }
0x56: {  	[tilespmem:s19+$0x0 ss:$0x21] =	vst.msk $0xffff, v7;
	s18 =	sadd.s32 s18, s20;
	s31 =	sor.u32 $0x20, s21;
	s17 =	sand.u32 $0x3FFFFFFF, s17  }
0x57: {  	[hbm4b:s18+s31] =	stream.strided.scatter [tilespmem:s16], [sflag:$0x2], s17, s8, s31, $0x10;
	[tilespmem:$0x4100] =	vst v63  }
.LBB1_6:
0x58: {  	_ =	sfence.sel $0x180000  }
0x59: {  	s2 =	simm.s32 $0x1;
	[bflag:$0x0] =	sbarrier.arrive $0xFFFF  }
0x5a: {  	s31 =	simm.s32 $0x2;
	[sflag:s2] =	ssyncpa.u1 $0x1  }
0x5b: {  	[sflag:s31] =	ssyncpa.u1 $0x1  }
0x5c: {  	p0 =	sne.s32 s1, $0x0;
	_ =	strace $0x90000047  }
0x5d: {  	s0 =	sadd.s32 @!p0 $0x100000, s0;
	[bflag:$0x2] =	sbarrier.arrive $0xFFFF  }
0x5e: {  	[sflag:s0] =	ssyncadd.tile.s32 @!p0 $0x1;
	_ =	shalt  }
.Lfunc_end1:
_tile_overlayer_lowered:
.L_overlay_start_2:
0x5f: {  	(tag) =	ssettag $0x2  }
0x60: {  	s0 =	rddreg [dreg:$0x0];
	s2 =	stileid.u32  }
0x61: {  	s1 =	rddreg [dreg:$0x1];
	p0 =	sne.s32 s2, $0x0  }
0x62: {  	s3 =	rddreg [dreg:$0x2];
	[bflag:$0x3] =	sbarrier.arrive $0xFFFF;
	s2 =	simm.s32 @!p0 $0x1C01  }
0x63: {  	[timem:s3], [sflag:s2] =	dma.local @!p0 [hbm:s0], s1  }
0x64: {  	s0 =	simm.s32 @!p0 $0x1  }
0x65: {  	_ =	swait.ge @!p0 [sflag:s0], s1  }
0x66: {  	s1 =	ssub.s32 @!p0 $0x0, s1;
	[sflag:s0] =	ssyncset.done @!p0 $0x0  }
0x67: {  	[sflag:s0] =	ssyncadd.s32 @!p0 s1  }
0x68: {  	[bflag:$0x3] =	sbarrier.arrive $0xFFFF  }
0x69: {  	_ =	shalt  }

// kernel: sparse-core-data-format-call.2.cloned.1.call-start
scs
called_computation.2_lowered:
.L_overlay_start_0:
0x0: {  	s2 =	sld [smem:$0x3FD9]  }
0x1: {  	s3 =	sld [smem:$0x3FFE];
	_ =	sdelay $0x1  }
0x2: {  	s1 =	srdreg.scid  }
0x3: {  	s0 =	sand.u32 $0x1, s1  }
0x4: {  	s18 =	sshll.u32 s0, $0xA;
	s2 =	sadd.s32 s3, s2  }
0x5: {  	s2 =	sadd.s32 s2, s18  }
0x6: {  	[smem:$0x3FC3] =	sst s2  }
0x7: {  	_ = 	snop  }
0x8: {  	(tm) =	ssettm $0x1  }
0x9: {  	s19 =	sld [smem:$0x3FFB];
	_ =	sdelay $0x3  }
0xa: {  	_ =	strace s19  }
0xb: {  	s2 =	sld [smem:$0x3FFC];
	_ =	sdelay $0x3  }
0xc: {  	_ =	strace s2  }
0xd: {  	s2 =	sld [smem:$0x3FFD];
	_ =	sdelay $0x3  }
0xe: {  	_ =	strace s2  }
0xf: {  	_ =	strace $0x8FFFFFFF  }
0x10: {  	s20 =	sld [smem:$0x3FDB];
	_ =	sdelay $0x1  }
0x11: {  	s21 =	simm.s32 $_scs_section_size  }
0x12: {  	s4 =	simm.s32 $_size__tile_overlayer_lowered;
	s5 =	simm.s32 $_tile_overlayer_lowered  }
0x13: {  	s6 =	simm.s32 $0x1BFF;
	s22 =	sshll.u32 s5, $0x1;
	s3 =	sadd.s32 s21, s20  }
0x14: {  	s23 =	simm.s32 $0x0;
	s4 =	sshll.u32 s4, $0x1;
	s5 =	sadd.s32 s22, s3  }
0x15: {  	[timem:s23], [sflag:s6] =	dma.local [hbm:s5], s4  }
0x16: {  	_ =	swait.ge [sflag:s6], s4  }
0x17: {  	s4 =	ssub.s32 $0x0, s4;
	[sflag:s6] =	ssyncset.done $0x0  }
0x18: {  	[sflag:s6] =	ssyncadd.s32 s4;
	_ =	sdelay $0x1  }
0x19: {  	s24 =	simm.s32 $0x1B8B  }
0x1a: {  	_ =	swait.ge [sflag:s24], $0x1  }
0x1b: {  	[sflag:s24] =	ssyncset.done $0x0  }
0x1c: {  	[sflag:s24] =	ssyncadd.s32 $0xFFFFFFFF  }
0x1d: {  	s4 =	sld [smem:$0x0]  }
0x1e: {  	s5 =	sand.u32 $0xFFFFFFFE, s1  }
0x1f: {  	p0 =	sne.s32 s1, s5  }
0x20: {  	s5 =	sshll.u32 @p0 s5, $0xE  }
0x21: {  	s5 =	sadd.s32 @p0 $0x11B8D, s5;
	s6 =	sshll.u32 @p0 s4, $0x11  }
0x22: {  	s5 =	sor.u32 @p0 s6, s5  }
0x23: {  	[sflag:s5] =	ssyncadd.remote.s32 @p0 $0x1;
	_ =	sdelay $0x1  }
0x24: {  	s5 =	simm.s32 @p0 $0x1B8D  }
0x25: {  	_ =	swait.eq @p0 [sflag:s5], $0x1  }
0x26: {  	[sflag:s5] =	ssyncadd.s32 @p0 $0xFFFFFFFF  }
0x27: {  	s6 =	sshll.u32 @!p0 s1, $0xE  }
0x28: {  	s6 =	sor.u32 @!p0 $0x4000, s6;
	s5 =	simm.s32 @!p0 $0x1B8D  }
0x29: {  	s4 =	sshll.u32 @!p0 s4, $0x11;
	s6 =	sadd.s32 @!p0 $0x11B8D, s6;
	_ =	swait.eq @!p0 [sflag:s5], $0x1  }
0x2a: {  	s4 =	sor.u32 @!p0 s4, s6;
	[sflag:s5] =	ssyncadd.s32 @!p0 $0xFFFFFFFF  }
0x2b: {  	s26 =	simm.s32 $0x1B8E;
	s25 =	sld [smem:$0x3FFE];
	[sflag:s4] =	ssyncadd.remote.s32 @!p0 $0x1  }
0x2c: {  	s27 =	simm.s32 $execute0_lowered;
	[smem:$0x3FD2] =	sst s26  }
0x2d: {  	s5 =	sshll.u32 s27, $0x1;
	_ =	strace $0x80000049;
	[dreg:$0x1] =	wrdreg $0xFFFFFFFF  }
0x2e: {  	s28 =	simm.s32 $_size_execute0_lowered;
	s3 =	sadd.s32 s3, s5;
	[dreg:$0x0] =	wrdreg $0x0  }
0x2f: {  	s5 =	sshll.u32 s28, $0x1;
	[dreg:$0x2] =	wrdreg s3  }
0x30: {  	[dreg:$0x3] =	wrdreg s5  }
0x31: {  	[dreg:$0x4] =	wrdreg $0xC0  }
0x32: {  	_ =	task [dreg:s23], $0x5FFFF  }
0x33: {  	[dreg:$0x1] =	wrdreg $0xFFFFFFFF  }
0x34: {  	[dreg:$0x0] =	wrdreg $0x60  }
0x35: {  	[dreg:$0x2] =	wrdreg s25  }
0x36: {  	[dreg:$0x3] =	wrdreg $0xA  }
0x37: {  	_ =	task.clear_ibuf [dreg:s23], $0x4FFFF;
	_ =	strace $0x90000049  }
0x38: {  	s29 =	simm.s32 $0xA;
	_ =	strace $0x8000004B  }
0x39: {  	_ =	swait.ge [sflag:s29], $0x1  }
0x3a: {  	[sflag:s29] =	ssyncadd.s32 $0xFFFFFFFF  }
0x3b: {  	_ =	strace $0x9000004B  }
0x3c: {  	_ =	sfence  }
0x3d: {  	s30 =	sld [smem:$0x0];
	_ =	sdelay $0x2  }
0x3e: {  	s31 =	sshll.u32 s1, $0xD;
	s1 =	sshrl.u32 s1, $0x2  }
0x3f: {  	s4 =	sand.u32 $0x4000, s31;
	s1 =	sadd.s32 s1, s30  }
0x40: {  	s0 =	sor.u32 s4, s0;
	s1 =	sshll.u32 s1, $0x11  }
0x41: {  	s0 =	sor.u32 s1, s0  }
0x42: {  	s0 =	sadd.s32 $0x8F2B, s0  }
0x43: {  	[sflag:s0] =	ssyncadd.remote.s32 $0x1  }
0x44: {  	_ =	sfence.sel $0xFFFF  }
0x45: {  	[dreg:$0x0] =	wrdreg $0xFFFFFFFF;
	(pc) =	sbr.abs _section_cstart, $3  }
0x46: {  	[dreg:$0x1] =	wrdreg $0xFFFFFFFF  }
0x47: {  	_ =	task.clear_ibuf [dreg:s23], $0x2FFFF;
	_ =	strace $0x9FFFFFFF  }
0x48: {  	(tm) =	ssettm $0x7FFFFFFF  }
0x49: {  	_ =	shalt  }
tec
execute0_lowered:
.L_overlay_start_1:
0x0: {  	(tag) =	ssettag $0x1  }
0x1: {  	s0 =	srdreg.scid  }
0x2: {  	s5 =	rddreg [dreg:$0x0];
	s1 =	stileid.u32;
	s4 =	simm.s32 $0x1  }
0x3: {  	s6 =	simm.s32 $0x2;
	s15 =	simm.s32 $0x0;
	p0 =	por $0x0, $0x0  }
0x4: {  	s8 =	simm.s32 $0x80;
	s14 =	simm.s32 $0x0;
	s2 =	sshll.u32 s0, $0x4  }
0x5: {  	s9 =	simm.s32 $0x0;
	s10 =	simm.s32 $0x0;
	s2 =	sand.u32 $0x10, s2  }
.Ltmp0:
0x6: {  	s12 =	simm.s32 $0x0;
	s3 =	sor.u32 s1, s2;
	(pc) =	sbr.rel .LBB1_1-.Ltmp0, $4  }
0x7: {  	s0 =	rddreg [dreg:$0x1];
	_ =	strace $0x8000004A;
	s3 =	sshll.u32 s3, $0x7  }
0x8: {  	s13 =	simm.s32 $0x0;
	[sflag:s4] =	ssyncpa.u1 $0x0;
	s7 =	ssub.s32 $0x13D600, s3  }
0x9: {  	s2 =	sadd.s32 $0x580A00, s5;
	[sflag:s6] =	ssyncpa.u1 $0x0;
	s6 =	sshrl.u32 s7, $0xC  }
0xa: {  	s5 =	sadd.s32 $0x2DCF200, s5;
	s11 =	smov.u32 s3;
	s7 =	sor.u32 $0x2, s6  }
.LBB1_5:
0xb: {  	p1 =	slt.u32 s13, $0x2  }
0xc: {  	s17 =	smov.u32 s15;
	p2 =	sgt.s32 @!p1 s15, $0x13D5B0;
	s16 =	sshra.s32 @!p1 s15, $0x1F  }
0xd: {  	p3 =	sgt.s32 @!p1 s14, $0x60;
	s18 =	sshra.s32 @!p1 s14, $0x1F;
	p2 =	por !p2, p1  }
0xe: {  	s15 =	sand.u32 @!p1 s16, s15;
	p3 =	por !p3, p1;
	s16 =	smov.u32 s14  }
0xf: {  	s14 =	sand.u32 @!p1 s18, s14;
	s17 =	simm.s32 @p2 $0x13D5B0;
	s16 =	simm.s32 @p3 $0x60  }
0x10: {  	s15 =	ssub.s32 @!p1 s17, s15;
	s14 =	ssub.s32 @!p1 s16, s14  }
0x11: {  	s18 =	smov.u32 s12;
	s16 =	sadd.s32 @!p1 $0xFFEC2A50, s15;
	s17 =	sadd.s32 @!p1 $0xFFFFFFA0, s14  }
0x12: {  	s15 =	ssub.s32 @!p1 $0x13D630, s15;
	p2 =	sgt.s32 @!p1 s16, $0x7F;
	p3 =	sgt.s32 @!p1 s17, $0x1F  }
0x13: {  	s14 =	ssub.s32 @!p1 $0x80, s14;
	p2 =	por !p2, p1;
	p3 =	por !p3, p1  }
0x14: {  	s16 =	sadd.s32 $0x1000, s11;
	s15 =	simm.s32 @!p2 $0x0;
	s14 =	simm.s32 @!p3 $0x0  }
0x15: {  	p2 =	sgt.s32 s16, $0x13D62C;
	s14 =	smul.u32 @!p1 s14, s15;
	s15 =	sadd.s32 $0x20, s12  }
0x16: {  	s18 =	smov.u32 @p2 s15  }
0x17: {  	s16 =	smov.u32 @p2 s3;
	p2 =	sgt.s32 s18, $0x1F  }
0x18: {  	s18 =	simm.s32 @p2 $0x0;
	p2 =	sne.s32 s13, s7  }
.Ltmp1:
0x19: {  	p0 =	por !p0, !p0;
	s17 =	simm.s32 @!p1 $0x2;
	(pc) =	sbr.rel @!p2 .LBB1_6-.Ltmp1, $4  }
0x1a: {  	s15 =	smov.u32 s9;
	s9 =	smov.u32 s11;
	s14 =	sand.u32 @!p1 $0x3FFFFFFF, s14  }
0x1b: {  	s11 =	smov.u32 s16;
	_ =	swait.ge @!p1 [sflag:s17], s14;
	s19 =	ssub.s32 @!p1 $0x0, s14  }
0x1c: {  	s14 =	smov.u32 s10;
	s13 =	sadd.s32 $0x1, s13;
	[sflag:s17] =	ssyncset.done @!p1 $0x0  }
0x1d: {  	s10 =	smov.u32 s12;
	s12 =	smov.u32 s18;
	[sflag:s17] =	ssyncadd.s32 @!p1 s19  }
.LBB1_1:
0x1e: {  	p1 =	sgt.u32 s13, s6  }
0x1f: {  	s16 =	sshrl.u32 @!p1 s12, $0x3  }
0x20: {  	s17 =	sshll.u32 @!p1 s11, $0x3;
	s16 =	smul.u32 @!p1 $0x9EB400, s16  }
0x21: {  	s18 =	sshll.u32 @!p1 s12, $0x7;
	s17 =	sand.u32 @!p1 $0xFFFFFC00, s17  }
0x22: {  	s16 =	sadd.s32 @!p1 s16, s17;
	s17 =	sand.u32 @!p1 $0x380, s18  }
0x23: {  	s18 =	sand.u32 @!p1 $0x7F, s11;
	s16 =	sor.u32 @!p1 s17, s16  }
0x24: {  	s17 =	sor.u32 @!p1 s18, s16  }
0x25: {  	s18 =	smulhi.u32 @!p1 $0xCE793B8F, s17;
	_ =	sdelay $0x1  }
0x26: {  	s16 =	smulhi.u32 @!p1 $0xCE793B8F, s16;
	s18 =	sshrl.u32 @!p1 s18, $0x14  }
0x27: {  	s18 =	smul.u32 @!p1 $0x13D680, s18  }
0x28: {  	s19 =	sxor.u32 @!p1 $0xFFFFFFFF, s13;
	s16 =	sshrl.u32 @!p1 s16, $0x14  }
0x29: {  	s19 =	sshll.u32 @!p1 s19, $0xC;
	s16 =	sand.u32 @!p1 $0x1F, s16;
	s17 =	ssub.s32 @!p1 s17, s18  }
0x2a: {  	s16 =	smul.u32 @!p1 $0x27AD0, s16;
	s18 =	sshrl.u32 @!p1 s17, $0x3;
	s17 =	sand.u32 @!p1 $0x7, s17  }
0x2b: {  	s19 =	sand.u32 @!p1 $0x1000, s19;
	s18 =	sadd.s32 @!p1 s2, s18;
	s17 =	sshll.u32 @!p1 s17, $0x12  }
0x2c: {  	s16 =	sadd.s32 @!p1 s16, s18;
	s17 =	sor.u32 @!p1 $0x400, s17;
	s18 =	simm.s32 @!p1 $0x9EB400  }
0x2d: {  	[tilespmem:s19], [sflag:$0x1] =	stream.strided.gather @!p1 [hbm4b:s16+s17], $0x1000, s18, s17, $0x38;
	[tilespmem:$0x4100] =	vst v63  }
0x2e: {  	p1 =	seq.s32 s13, $0x0  }
0x2f: {  	p2 =	sge.u32 @!p1 s13, s7  }
0x30: {  	p1 =	por p1, p2  }
.Ltmp2:
0x31: {  	_ = 	snop;
	(pc) =	sbr.rel @p1 .LBB1_5-.Ltmp2, $1  }
0x32: {  	_ =	sdelay $0x3  }
0x33: {  	s16 =	simm.s32 $0x1  }
0x34: {  	_ =	swait.ge [sflag:s4], $0x1000;
	s16 =	simm.s32 @!p0 $0x0  }
0x35: {  	[sflag:s4] =	ssyncset.done $0x0;
	s17 =	sshll.u32 s16, $0xC  }
0x36: {  	[sflag:s4] =	ssyncadd.s32 $0xFFFFF000;
	s18 =	sor.u32 $0x40, s17  }
0x37: {  	s16 =	smul.u32 $0x4200, s16;
	v0 =	vld [tilespmem:s18+$0x30]  }
0x38: {  	v1 =	vld [tilespmem:s18+$0xFFFFFFD0]  }
0x39: {  	s16 =	sshrl.u32 s16, $0x2;
	v5 =	vld [tilespmem:s18+$0xFFFFFFE0]  }
0x3a: {  	v6 =	vld [tilespmem:s18+$0xFFFFFFF0];
	s19 =	sor.u32 $0x2000, s16  }
0x3b: {  	s31 =	sand.u32 $0x1, s13;
	v4 =	vld [tilespmem:s18+$0x0];
	s17 =	sadd.s32 $0x0, s19  }
0x3c: {  	v3 =	vld [tilespmem:s18+$0x10];
	s16 =	smul.u32 $0x4200, s31;
	[tilespmem:s17+$0xE70 ss:$0x21] =	vst.msk $0xffff, v0  }
0x3d: {  	v2 =	vld [tilespmem:s18+$0x20];
	[tilespmem:s17+$0x210 ss:$0x21] =	vst.msk $0xffff, v1  }
0x3e: {  	s16 =	sshrl.u32 s16, $0x2;
	v1 =	vld [tilespmem:s18+$0xFFFFFFC0];
	[tilespmem:s17+$0x420 ss:$0x21] =	vst.msk $0xffff, v5;
	s18 =	sadd.s32 $0x80, s18  }
0x3f: {  	s20 =	simm.s32 $0x4;
	s21 =	simm.s32 $0x8;
	s16 =	sor.u32 $0x2000, s16;
	[tilespmem:s17+$0x630 ss:$0x21] =	vst.msk $0xffff, v6;
	v0 =	vld [tilespmem:s18+$0x30]  }
.LBB1_3:
0x40: {  	p1 =	sne.s32 s21, $0x7C;
	v5 =	vld [tilespmem:s18+$0xFFFFFFD0];
	[tilespmem:s17+$0x840 ss:$0x21] =	vst.msk $0xffff, v4  }
0x41: {  	v6 =	vld [tilespmem:s18+$0xFFFFFFE0];
	[tilespmem:s17+$0xA50 ss:$0x21] =	vst.msk $0xffff, v3  }
0x42: {  	s22 =	sshra.s32 s20, $0x2;
	s20 =	smov.u32 s21;
	v7 =	vld [tilespmem:s18+$0xFFFFFFF0];
	[tilespmem:s17+$0xC60 ss:$0x21] =	vst.msk $0xffff, v2  }
.Ltmp3:
0x43: {  	v4 =	vld [tilespmem:s18+$0x0];
	[tilespmem:s17+$0x0 ss:$0x21] =	vst.msk $0xffff, v1;
	s17 =	sadd.s32 s22, s19;
	(pc) =	sbr.rel @p1 .LBB1_3-.Ltmp3, $4  }
0x44: {  	v3 =	vld [tilespmem:s18+$0x10];
	[tilespmem:s17+$0xE70 ss:$0x21] =	vst.msk $0xffff, v0  }
0x45: {  	[tilespmem:s17+$0x210 ss:$0x21] =	vst.msk $0xffff, v5;
	v2 =	vld [tilespmem:s18+$0x20]  }
0x46: {  	v1 =	vld [tilespmem:s18+$0xFFFFFFC0];
	[tilespmem:s17+$0x420 ss:$0x21] =	vst.msk $0xffff, v6;
	s18 =	sadd.s32 $0x80, s18  }
0x47: {  	s21 =	sadd.s32 $0x4, s21;
	v0 =	vld [tilespmem:s18+$0x30];
	[tilespmem:s17+$0x630 ss:$0x21] =	vst.msk $0xffff, v7  }
0x48: {  	s21 =	sshll.u32 s9, $0x7;
	s22 =	sshll.u32 s10, $0x3;
	s20 =	sshra.s32 s20, $0x2  }
0x49: {  	p1 =	sgt.s32 s9, $0x13D5B0;
	s23 =	sand.u32 $0xFFFFFC00, s21;
	s22 =	sand.u32 $0xFFFFFC00, s22  }
0x4a: {  	v5 =	vld [tilespmem:s18+$0xFFFFFFD0];
	s30 =	sshra.s32 s9, $0x1F;
	s21 =	sand.u32 $0x380, s21;
	s22 =	sadd.s32 s22, s23  }
0x4b: {  	v6 =	vld [tilespmem:s18+$0xFFFFFFE0];
	[tilespmem:s17+$0x840 ss:$0x21] =	vst.msk $0xffff, v4;
	s25 =	sshra.s32 s10, $0x1F;
	s19 =	sadd.s32 s20, s19;
	s29 =	sor.u32 s21, s22  }
0x4c: {  	v60 =	vld [tilespmem:s18+$0xFFFFFFF0];
	[tilespmem:s17+$0xA50 ss:$0x21] =	vst.msk $0xffff, v3;
	s21 =	smov.u32 s9;
	s22 =	sand.u32 s30, s9;
	s30 =	sand.u32 $0x7, s10  }
0x4d: {  	v61 =	vld [tilespmem:s18+$0x0];
	[tilespmem:s17+$0xC60 ss:$0x21] =	vst.msk $0xffff, v2;
	s20 =	sshrl.u32 s29, $0x7;
	s21 =	simm.s32 @!p1 $0x13D5B0;
	p1 =	sgt.s32 s10, $0x60  }
0x4e: {  	v62 =	vld [tilespmem:s18+$0x10];
	[tilespmem:s17+$0x0 ss:$0x21] =	vst.msk $0xffff, v1;
	s29 =	sshrl.u32 s10, $0x3;
	s24 =	ssub.s32 s21, s22;
	s21 =	smov.u32 s10  }
0x4f: {  	v63 =	vld [tilespmem:s18+$0x20];
	[tilespmem:s19+$0xE70 ss:$0x21] =	vst.msk $0xffff, v0;
	s31 =	smulhi.u32 $0x19CF8F9, s20;
	s22 =	sand.u32 s25, s10;
	s21 =	simm.s32 @!p1 $0x60  }
0x50: {  	[tilespmem:s19+$0x210 ss:$0x21] =	vst.msk $0xffff, v5;
	s27 =	sadd.s32 $0xFFEC2A50, s24;
	s17 =	ssub.s32 $0x13D630, s24;
	s21 =	ssub.s32 s21, s22  }
0x51: {  	v7 =	vld [tilespmem:s18+$0xFFFFFFC0];
	[tilespmem:s19+$0x420 ss:$0x21] =	vst.msk $0xffff, v6;
	s26 =	sshrl.u32 s31, $0xD;
	p1 =	sgt.s32 s27, $0x7F;
	s28 =	sadd.s32 $0xFFFFFFA0, s21  }
0x52: {  	[tilespmem:s19+$0x630 ss:$0x21] =	vst.msk $0xffff, v60;
	s18 =	smul.u32 $0x13D630, s26;
	s21 =	ssub.s32 $0x80, s21;
	p2 =	sgt.s32 s28, $0x1F  }
.Ltmp4:
0x53: {  	[tilespmem:s19+$0x840 ss:$0x21] =	vst.msk $0xffff, v61;
	s17 =	simm.s32 @p1 $0x0;
	s21 =	simm.s32 @p2 $0x0;
	(pc) =	sbr.rel .LBB1_5-.Ltmp4, $4  }
0x54: {  	[tilespmem:s19+$0xA50 ss:$0x21] =	vst.msk $0xffff, v62;
	s18 =	ssub.s32 s20, s18;
	s20 =	sand.u32 $0xF, s29;
	s17 =	smul.u32 s21, s17  }
0x55: {  	[tilespmem:s19+$0xC60 ss:$0x21] =	vst.msk $0xffff, v63;
	s18 =	sshll.u32 s18, $0x4;
	s20 =	sadd.s32 s5, s20;
	s21 =	sshll.u32 s30, $0x12  }
0x56: {  	[tilespmem:s19+$0x0 ss:$0x21] =	vst.msk $0xffff, v7;
	s18 =	sadd.s32 s18, s20;
	s31 =	sor.u32 $0x20, s21;
	s17 =	sand.u32 $0x3FFFFFFF, s17  }
0x57: {  	[hbm4b:s18+s31] =	stream.strided.scatter [tilespmem:s16], [sflag:$0x2], s17, s8, s31, $0x10;
	[tilespmem:$0x4100] =	vst v63  }
.LBB1_6:
0x58: {  	_ =	sfence.sel $0x180000  }
0x59: {  	s2 =	simm.s32 $0x1;
	[bflag:$0x0] =	sbarrier.arrive $0xFFFF  }
0x5a: {  	s31 =	simm.s32 $0x2;
	[sflag:s2] =	ssyncpa.u1 $0x1  }
0x5b: {  	[sflag:s31] =	ssyncpa.u1 $0x1  }
0x5c: {  	p0 =	sne.s32 s1, $0x0;
	_ =	strace $0x9000004A  }
0x5d: {  	s0 =	sadd.s32 @!p0 $0x100000, s0;
	[bflag:$0x2] =	sbarrier.arrive $0xFFFF  }
0x5e: {  	[sflag:s0] =	ssyncadd.tile.s32 @!p0 $0x1;
	_ =	shalt  }
.Lfunc_end1:
_tile_overlayer_lowered:
.L_overlay_start_2:
0x5f: {  	(tag) =	ssettag $0x2  }
0x60: {  	s0 =	rddreg [dreg:$0x0];
	s2 =	stileid.u32  }
0x61: {  	s1 =	rddreg [dreg:$0x1];
	p0 =	sne.s32 s2, $0x0  }
0x62: {  	s3 =	rddreg [dreg:$0x2];
	[bflag:$0x3] =	sbarrier.arrive $0xFFFF;
	s2 =	simm.s32 @!p0 $0x1C01  }
0x63: {  	[timem:s3], [sflag:s2] =	dma.local @!p0 [hbm:s0], s1  }
0x64: {  	s0 =	simm.s32 @!p0 $0x1  }
0x65: {  	_ =	swait.ge @!p0 [sflag:s0], s1  }
0x66: {  	s1 =	ssub.s32 @!p0 $0x0, s1;
	[sflag:s0] =	ssyncset.done @!p0 $0x0  }
0x67: {  	[sflag:s0] =	ssyncadd.s32 @!p0 s1  }
0x68: {  	[bflag:$0x3] =	sbarrier.arrive $0xFFFF  }
0x69: {  	_ =	shalt  }

// kernel: sparse-core-data-format-call.cloned.1.call-start
scs
called_computation_lowered:
.L_overlay_start_0:
0x0: {  	s2 =	sld [smem:$0x3FD9]  }
0x1: {  	s3 =	sld [smem:$0x3FFE];
	_ =	sdelay $0x1  }
0x2: {  	s1 =	srdreg.scid  }
0x3: {  	s0 =	sand.u32 $0x1, s1  }
0x4: {  	s18 =	sshll.u32 s0, $0xA;
	s2 =	sadd.s32 s3, s2  }
0x5: {  	s2 =	sadd.s32 s2, s18  }
0x6: {  	[smem:$0x3FC3] =	sst s2  }
0x7: {  	_ = 	snop  }
0x8: {  	s2 =	sld [smem:$0x3FD0];
	(tm) =	ssettm $0x1  }
0x9: {  	s19 =	sld [smem:$0x3FFB];
	_ =	sdelay $0x3  }
0xa: {  	_ =	strace s19  }
0xb: {  	s3 =	sld [smem:$0x3FFC];
	_ =	sdelay $0x3  }
0xc: {  	_ =	strace s3  }
0xd: {  	s3 =	sld [smem:$0x3FFD];
	_ =	sdelay $0x3  }
0xe: {  	_ =	strace s3  }
0xf: {  	_ =	strace $0x8FFFFFFF  }
0x10: {  	s20 =	sld [smem:$0x3FDB];
	_ =	sdelay $0x1  }
0x11: {  	s4 =	simm.s32 $_scs_section_size  }
0x12: {  	s5 =	simm.s32 $_size__tile_overlayer_lowered;
	s6 =	simm.s32 $_tile_overlayer_lowered  }
0x13: {  	s23 =	simm.s32 $0x1BFF;
	s22 =	sshll.u32 s6, $0x1;
	s3 =	sadd.s32 s4, s20  }
0x14: {  	s7 =	simm.s32 $0x0;
	s21 =	sshll.u32 s5, $0x1;
	s5 =	sadd.s32 s22, s3  }
0x15: {  	[timem:s7], [sflag:s23] =	dma.local [hbm:s5], s21  }
0x16: {  	_ =	swait.ge [sflag:s23], s21  }
0x17: {  	s4 =	ssub.s32 $0x0, s21;
	[sflag:s23] =	ssyncset.done $0x0  }
0x18: {  	[sflag:s23] =	ssyncadd.s32 s4;
	_ =	sdelay $0x1  }
0x19: {  	s24 =	simm.s32 $0x1B8B  }
0x1a: {  	_ =	swait.ge [sflag:s24], $0x1  }
0x1b: {  	[sflag:s24] =	ssyncset.done $0x0  }
0x1c: {  	s26 =	simm.s32 $0x1B8E;
	s25 =	sld [smem:$0x3FFE];
	[sflag:s24] =	ssyncadd.s32 $0xFFFFFFFF  }
0x1d: {  	s27 =	simm.s32 $execute0_lowered;
	[smem:$0x3FD2] =	sst s26  }
0x1e: {  	s5 =	sshll.u32 s27, $0x1;
	_ =	strace $0x8000004F;
	[dreg:$0x1] =	wrdreg $0xFFFFFFFF  }
0x1f: {  	s28 =	simm.s32 $_size_execute0_lowered;
	s3 =	sadd.s32 s3, s5;
	[dreg:$0x0] =	wrdreg $0x0  }
0x20: {  	s5 =	sshll.u32 s28, $0x1;
	[dreg:$0x2] =	wrdreg s3  }
0x21: {  	[dreg:$0x3] =	wrdreg s5  }
0x22: {  	[dreg:$0x4] =	wrdreg $0xC0  }
0x23: {  	_ =	task [dreg:s7], $0x5FFFF  }
0x24: {  	[dreg:$0x1] =	wrdreg $0xFFFFFFFF  }
0x25: {  	[dreg:$0x0] =	wrdreg $0x60  }
0x26: {  	[dreg:$0x2] =	wrdreg s25  }
0x27: {  	[dreg:$0x3] =	wrdreg s2  }
0x28: {  	[dreg:$0x4] =	wrdreg $0x9  }
0x29: {  	_ =	task.clear_ibuf [dreg:s7], $0x5FFFF;
	_ =	strace $0x9000004F  }
0x2a: {  	s29 =	simm.s32 $0x9;
	_ =	strace $0x80000051  }
0x2b: {  	_ =	swait.ge [sflag:s29], $0x1  }
0x2c: {  	[sflag:s29] =	ssyncadd.s32 $0xFFFFFFFF  }
0x2d: {  	_ =	strace $0x90000051  }
0x2e: {  	_ =	sfence  }
0x2f: {  	s30 =	sld [smem:$0x0];
	_ =	sdelay $0x2  }
0x30: {  	s31 =	sshll.u32 s1, $0xD;
	s1 =	sshrl.u32 s1, $0x2  }
0x31: {  	s3 =	sand.u32 $0x4000, s31;
	s1 =	sadd.s32 s1, s30  }
0x32: {  	s0 =	sor.u32 s3, s0;
	s1 =	sshll.u32 s1, $0x11  }
0x33: {  	s0 =	sor.u32 s1, s0  }
0x34: {  	s0 =	sadd.s32 $0x8F2B, s0  }
0x35: {  	[sflag:s0] =	ssyncadd.remote.s32 $0x1  }
0x36: {  	_ =	sfence.sel $0xFFFF  }
0x37: {  	[dreg:$0x0] =	wrdreg $0xFFFFFFFF;
	(pc) =	sbr.abs _section_cstart, $3  }
0x38: {  	[dreg:$0x1] =	wrdreg $0xFFFFFFFF  }
0x39: {  	_ =	task.clear_ibuf [dreg:s7], $0x2FFFF;
	_ =	strace $0x9FFFFFFF  }
0x3a: {  	(tm) =	ssettm $0x7FFFFFFF  }
0x3b: {  	_ =	shalt  }
tec
execute0_lowered:
.L_overlay_start_1:
0x0: {  	(tag) =	ssettag $0x1  }
0x1: {  	s0 =	srdreg.scid  }
0x2: {  	s1 =	sshll.u32 s0, $0x4  }
0x3: {  	s0 =	stileid.u32;
	s1 =	sand.u32 $0x10, s1  }
0x4: {  	s1 =	sor.u32 s0, s1  }
0x5: {  	s6 =	rddreg [dreg:$0x0];
	s4 =	simm.s32 $0x1;
	s2 =	sshll.u32 s1, $0x7  }
0x6: {  	s7 =	simm.s32 $0x2;
	s12 =	simm.s32 $0x0;
	s1 =	ssub.s32 $0x4000, s2  }
0x7: {  	s8 =	simm.s32 $0x20000;
	s13 =	simm.s32 $0x0;
	s3 =	sand.u32 $0xF80, s1  }
0x8: {  	s9 =	simm.s32 $0x0;
	s5 =	sshrl.u32 s1, $0xC;
	p0 =	sne.s32 s3, $0x0  }
.Ltmp0:
0x9: {  	s1 =	rddreg [dreg:$0x2];
	s4 =	simm.s32 @!p0 $0x0;
	(pc) =	sbr.rel .LBB1_1-.Ltmp0, $4  }
0xa: {  	s11 =	simm.s32 $0x0;
	s3 =	rddreg [dreg:$0x1];
	s5 =	sadd.s32 s4, s5  }
0xb: {  	_ =	strace $0x80000050;
	s4 =	simm.s32 $0x1;
	s5 =	smul.u32 $0x27, s5  }
0xc: {  	s6 =	sadd.s32 $0x4200, s6;
	s10 =	smov.u32 s2;
	[sflag:s4] =	ssyncpa.u1 $0x0  }
0xd: {  	p0 =	por $0x0, $0x0;
	[sflag:s7] =	ssyncpa.u1 $0x0;
	s7 =	sadd.s32 $0x1, s5  }
.LBB1_4:
0xe: {  	s16 =	sshll.u32 s13, $0x3;
	s17 =	sand.u32 $0x78, s13  }
0xf: {  	s30 =	sand.u32 $0xF800, s13;
	s12 =	sshll.u32 s12, $0x10;
	s16 =	sand.u32 $0x3C00, s16  }
0x10: {  	s31 =	sand.u32 $0x7, s13;
	s16 =	sor.u32 s17, s16;
	s17 =	sadd.s32 s3, s30  }
0x11: {  	s13 =	sshll.u32 s31, $0x12;
	s16 =	sshrl.u32 s16, $0x3;
	s12 =	sadd.s32 s12, s17  }
0x12: {  	[tilespmem:s15+$0x0 ss:$0x81] =	vst.msk $0xffff, v0;
	s13 =	sor.u32 $0x400, s13;
	s12 =	sadd.s32 s16, s12  }
0x13: {  	[hbm4b:s12+s13] =	stream.strided.scatter [tilespmem:s14], [sflag:$0x2], $0x1000, s8, s13, $0x20;
	[tilespmem:$0x4040] =	vst v63  }
.LBB1_5:
0x14: {  	s14 =	sadd.s32 $0x1, s9  }
0x15: {  	s12 =	sadd.s32 $0x1000, s10;
	s16 =	smov.u32 s10;
	p2 =	sgt.s32 s14, $0x26  }
0x16: {  	s16 =	smov.u32 @p2 s12  }
0x17: {  	s14 =	simm.s32 @p2 $0x0;
	p2 =	sgt.s32 s16, $0x3FFF  }
0x18: {  	s16 =	smov.u32 @p2 s2;
	p2 =	sne.s32 s11, s7  }
.Ltmp1:
0x19: {  	p1 =	slt.u32 s11, $0x2;
	(pc) =	sbr.rel @!p2 .LBB1_6-.Ltmp1, $4  }
0x1a: {  	s15 =	simm.s32 @!p1 $0x2  }
0x1b: {  	s13 =	smov.u32 s10;
	p0 =	por !p0, !p0;
	_ =	swait.ge @!p1 [sflag:s15], $0x1000  }
0x1c: {  	s12 =	smov.u32 s9;
	[sflag:s15] =	ssyncset.done @!p1 $0x0;
	s9 =	smov.u32 s14  }
0x1d: {  	s11 =	sadd.s32 $0x1, s11;
	[sflag:s15] =	ssyncadd.s32 @!p1 $0xFFFFF000;
	s10 =	smov.u32 s16  }
.LBB1_1:
0x1e: {  	p1 =	sge.u32 s11, s5  }
0x1f: {  	s14 =	sand.u32 @!p1 $0x1FFFFFF, s9  }
0x20: {  	s15 =	smulhi.u32 @!p1 $0x6666667, s14;
	_ =	sdelay $0x1  }
0x21: {  	s15 =	smul.u32 @!p1 $0x28, s15  }
0x22: {  	s16 =	sxor.u32 @!p1 $0xFFFFFFFF, s11;
	s17 =	smul.u32 @!p1 $0x280, s10  }
0x23: {  	s31 =	sadd.s32 $0xFFFFFFFF, s11;
	s16 =	sshll.u32 @!p1 s16, $0xC;
	s14 =	ssub.s32 @!p1 s14, s15  }
0x24: {  	s15 =	sand.u32 @!p1 $0x1000, s16;
	s16 =	sadd.s32 @!p1 s6, s17;
	s14 =	sshll.u32 @!p1 s14, $0x4  }
0x25: {  	s17 =	simm.s32 @!p1 $0x1400;
	s14 =	sadd.s32 @!p1 s14, s16;
	s16 =	simm.s32 @!p1 $0x20  }
0x26: {  	[tilespmem:s15], [sflag:$0x1] =	stream.strided.gather @!p1 [hbm4b:s14+s16], $0x1000, s17, s16, $0x38;
	[tilespmem:$0x4040] =	vst v63  }
0x27: {  	p1 =	sge.u32 s31, s5  }
.Ltmp2:
0x28: {  	_ = 	snop;
	(pc) =	sbr.rel @p1 .LBB1_5-.Ltmp2, $1  }
0x29: {  	_ =	sdelay $0x3  }
0x2a: {  	s14 =	simm.s32 $0x1  }
0x2b: {  	_ =	swait.ge [sflag:s4], $0x1000;
	s14 =	simm.s32 @!p0 $0x0  }
0x2c: {  	[sflag:s4] =	ssyncset.done $0x0;
	s15 =	sshll.u32 s14, $0xC  }
0x2d: {  	[sflag:s4] =	ssyncadd.s32 $0xFFFFF000;
	s18 =	sor.u32 $0x10, s15  }
0x2e: {  	s14 =	smul.u32 $0x4080, s14;
	v1 =	vld [tilespmem:s18+$0x0]  }
0x2f: {  	s30 =	sand.u32 $0x1, s11;
	v0 =	vld [tilespmem:s18+$0xFFFFFFF0]  }
0x30: {  	s15 =	smul.u32 $0x4080, s30;
	s14 =	sshrl.u32 s14, $0x2  }
0x31: {  	s16 =	sor.u32 $0x2000, s14  }
0x32: {  	s31 =	sshrl.u32 s15, $0x2;
	s15 =	sadd.s32 $0x0, s16  }
0x33: {  	s17 =	simm.s32 $0x4;
	s18 =	sadd.s32 $0x20, s18;
	s14 =	sor.u32 $0x2000, s31;
	[tilespmem:s15+$0x810 ss:$0x81] =	vst.msk $0xffff, v1  }
.LBB1_3:
0x34: {  	v1 =	vld [tilespmem:s18+$0x0];
	p1 =	sne.s32 s17, $0x1FC;
	[tilespmem:s15+$0x0 ss:$0x81] =	vst.msk $0xffff, v0;
	s15 =	smov.u32 s17;
	s17 =	sadd.s32 $0x4, s17  }
.Ltmp3:
0x35: {  	v0 =	vld [tilespmem:s18+$0xFFFFFFF0];
	(pc) =	sbr.rel @p1 .LBB1_3-.Ltmp3, $4  }
0x36: {  	_ = 	snop  }
0x37: {  	s15 =	sshra.s32 s15, $0x2  }
0x38: {  	s15 =	sadd.s32 s15, s16  }
0x39: {  	s18 =	sadd.s32 $0x20, s18;
	[tilespmem:s15+$0x810 ss:$0x81] =	vst.msk $0xffff, v1  }
.Ltmp4:
0x3a: {  	_ = 	snop;
	(pc) =	sbr.rel .LBB1_4-.Ltmp4, $1  }
0x3b: {  	_ =	sdelay $0x3  }
.LBB1_6:
0x3c: {  	_ =	sfence.sel $0x180000  }
0x3d: {  	s2 =	simm.s32 $0x1;
	[bflag:$0x0] =	sbarrier.arrive $0xFFFF  }
0x3e: {  	s31 =	simm.s32 $0x2;
	[sflag:s2] =	ssyncpa.u1 $0x1  }
0x3f: {  	[sflag:s31] =	ssyncpa.u1 $0x1  }
0x40: {  	p0 =	sne.s32 s0, $0x0;
	_ =	strace $0x90000050  }
0x41: {  	s0 =	sadd.s32 @!p0 $0x100000, s1;
	[bflag:$0x2] =	sbarrier.arrive $0xFFFF  }
0x42: {  	[sflag:s0] =	ssyncadd.tile.s32 @!p0 $0x1;
	_ =	shalt  }
.Lfunc_end1:
_tile_overlayer_lowered:
.L_overlay_start_2:
0x43: {  	(tag) =	ssettag $0x2  }
0x44: {  	s0 =	rddreg [dreg:$0x0];
	s2 =	stileid.u32  }
0x45: {  	s1 =	rddreg [dreg:$0x1];
	p0 =	sne.s32 s2, $0x0  }
0x46: {  	s3 =	rddreg [dreg:$0x2];
	[bflag:$0x3] =	sbarrier.arrive $0xFFFF;
	s2 =	simm.s32 @!p0 $0x1C01  }
0x47: {  	[timem:s3], [sflag:s2] =	dma.local @!p0 [hbm:s0], s1  }
0x48: {  	s0 =	simm.s32 @!p0 $0x1  }
0x49: {  	_ =	swait.ge @!p0 [sflag:s0], s1  }
0x4a: {  	s1 =	ssub.s32 @!p0 $0x0, s1;
	[sflag:s0] =	ssyncset.done @!p0 $0x0  }
0x4b: {  	[sflag:s0] =	ssyncadd.s32 @!p0 s1  }
0x4c: {  	[bflag:$0x3] =	sbarrier.arrive $0xFFFF  }
0x4d: {  	_ =	shalt  }

</sc_bundles>
